<compile_context>
chip_gen: v7x
topology: tpu7x:2x2x1
jax: 0.10.2.dev20260603
libtpu: 0.0.44.dev20260713+nightly
codegen_flags: <defaults>
</compile_context>

<pallas_src>
import jax
import jax.numpy as jnp
from jax import lax
from jax.experimental import pallas as pl
from jax.experimental.pallas import tpu as pltpu
from jax.experimental.pallas import tpu_sc as plsc

N = 10000
IN_DIM = 128
HID = 16
OUT = 2
E = 320000

NC = 2
NS = 16
NW = NC * NS
CHUNK = 640
CH = 16
NBUF = 8
EP = NW * CH * CHUNK
NP = 10240
RPT = NP // NS
BLK = 512


def _mesh():
    return plsc.VectorSubcoreMesh(
        core_axis_name="c", subcore_axis_name="s", num_cores=NC, num_subcores=NS
    )



def _deg_body(dsti, ones_h, zeros_h, out, idx_d, ones_v, deg_sh, sem):
    c = lax.axis_index("c")
    s = lax.axis_index("s")
    base = (c * NS + s) * CH
    pltpu.sync_copy(dsti.at[pl.ds(base, CH)], idx_d)
    pltpu.sync_copy(ones_h, ones_v)
    pltpu.sync_copy(zeros_h.at[pl.ds(s * RPT, RPT)], deg_sh.at[pl.ds(s * RPT, RPT)])
    plsc.subcore_barrier()

    def body(j, carry):
        pltpu.async_copy(ones_v, deg_sh.at[idx_d.at[j]], sem, add=True)
        return carry

    lax.fori_loop(0, CH, body, 0)

    def drain(j, carry):
        pltpu.make_async_copy(ones_v, deg_sh.at[idx_d.at[j]], sem).wait()
        return carry

    lax.fori_loop(0, CH, drain, 0)
    plsc.subcore_barrier()
    pltpu.sync_copy(deg_sh.at[pl.ds(s * RPT, RPT)], out.at[c, pl.ds(s * RPT, RPT)])


def _deg_pass(dsti, ones_h, zeros_h):
    return pl.kernel(
        _deg_body,
        out_type=jax.ShapeDtypeStruct((NC, NP), jnp.float32),
        mesh=_mesh(),
        scratch_types=[
            pltpu.VMEM((CH, CHUNK), jnp.int32),
            pltpu.VMEM((CHUNK,), jnp.float32),
            pltpu.VMEM_SHARED((NP,), jnp.float32),
            pltpu.SemaphoreType.DMA,
        ],
        compiler_params=pltpu.CompilerParams(use_tc_tiling_on_sc=False),
    )(dsti, ones_h, zeros_h)



def _agg_body(g, srci, dsti, zeros_h, out, idx_s, idx_d, rows, a_sh, semg, sems):
    c = lax.axis_index("c")
    s = lax.axis_index("s")
    base = (c * NS + s) * CH
    pltpu.sync_copy(srci.at[pl.ds(base, CH)], idx_s)
    pltpu.sync_copy(dsti.at[pl.ds(base, CH)], idx_d)
    pltpu.sync_copy(zeros_h.at[pl.ds(s * RPT, RPT)], a_sh.at[pl.ds(s * RPT, RPT)])
    plsc.subcore_barrier()

    def rnd(j, carry):
        b0 = j * NBUF
        for t in range(NBUF):
            @pl.when(j > 0)
            def _():
                pltpu.make_async_copy(
                    rows.at[t], a_sh.at[idx_d.at[b0 - NBUF + t]], sems.at[t]
                ).wait()
            pltpu.async_copy(g.at[idx_s.at[b0 + t]], rows.at[t], semg.at[t])
        for t in range(NBUF):
            pltpu.make_async_copy(g.at[idx_s.at[b0 + t]], rows.at[t], semg.at[t]).wait()
            pltpu.async_copy(rows.at[t], a_sh.at[idx_d.at[b0 + t]], sems.at[t], add=True)
        return carry

    lax.fori_loop(0, CH // NBUF, rnd, 0)
    for t in range(NBUF):
        pltpu.make_async_copy(
            rows.at[t], a_sh.at[idx_d.at[CH - NBUF + t]], sems.at[t]
        ).wait()
    plsc.subcore_barrier()
    pltpu.sync_copy(a_sh.at[pl.ds(s * RPT, RPT)], out.at[c, pl.ds(s * RPT, RPT)])


def _agg_pass(g, srci, dsti, zeros_h):
    return pl.kernel(
        _agg_body,
        out_type=jax.ShapeDtypeStruct((NC, NP, HID), jnp.float32),
        mesh=_mesh(),
        scratch_types=[
            pltpu.VMEM((CH, CHUNK), jnp.int32),
            pltpu.VMEM((CH, CHUNK), jnp.int32),
            pltpu.VMEM((NBUF, CHUNK, HID), jnp.float32),
            pltpu.VMEM_SHARED((NP, HID), jnp.float32),
            pltpu.SemaphoreType.DMA((NBUF,)),
            pltpu.SemaphoreType.DMA((NBUF,)),
        ],
        compiler_params=pltpu.CompilerParams(use_tc_tiling_on_sc=False),
    )(g, srci, dsti, zeros_h)



def _dis_of(degp_blk):
    d = degp_blk[0, :] + degp_blk[1, :] + 1.0
    return lax.rsqrt(d).reshape(BLK, 1)


def _tc1_body(x_ref, w1_ref, degp_ref, h1_ref, g1_ref):
    h = jnp.dot(x_ref[...], w1_ref[...], preferred_element_type=jnp.float32)
    dis = _dis_of(degp_ref)
    h1_ref[...] = h
    g1_ref[...] = dis * h


def _tc1(xp, w1, degp):
    grid = NP // BLK
    return pl.pallas_call(
        _tc1_body,
        grid=(grid,),
        in_specs=[
            pl.BlockSpec((BLK, IN_DIM), lambda i: (i, 0)),
            pl.BlockSpec((IN_DIM, HID), lambda i: (0, 0)),
            pl.BlockSpec((NC, BLK), lambda i: (0, i)),
        ],
        out_specs=[
            pl.BlockSpec((BLK, HID), lambda i: (i, 0)),
            pl.BlockSpec((BLK, HID), lambda i: (i, 0)),
        ],
        out_shape=[
            jax.ShapeDtypeStruct((NP, HID), jnp.float32),
            jax.ShapeDtypeStruct((NP, HID), jnp.float32),
        ],
    )(xp, w1, degp)


def _tc2_body(degp_ref, a1p_ref, h1_ref, b1_ref, r1_ref, g2_ref):
    dis = _dis_of(degp_ref)
    a1 = a1p_ref[0] + a1p_ref[1]
    z = dis * a1 + (dis * dis) * h1_ref[...] + b1_ref[...]
    r = jnp.maximum(z, 0.0)
    r1_ref[...] = r
    g2_ref[...] = dis * r


def _tc2(degp, a1p, h1, b1):
    grid = NP // BLK
    return pl.pallas_call(
        _tc2_body,
        grid=(grid,),
        in_specs=[
            pl.BlockSpec((NC, BLK), lambda i: (0, i)),
            pl.BlockSpec((NC, BLK, HID), lambda i: (0, i, 0)),
            pl.BlockSpec((BLK, HID), lambda i: (i, 0)),
            pl.BlockSpec((1, HID), lambda i: (0, 0)),
        ],
        out_specs=[
            pl.BlockSpec((BLK, HID), lambda i: (i, 0)),
            pl.BlockSpec((BLK, HID), lambda i: (i, 0)),
        ],
        out_shape=[
            jax.ShapeDtypeStruct((NP, HID), jnp.float32),
            jax.ShapeDtypeStruct((NP, HID), jnp.float32),
        ],
    )(degp, a1p, h1, b1)


def _tc3_body(degp_ref, a2p_ref, r1_ref, w2_ref, b2_ref, out_ref):
    dis = _dis_of(degp_ref)
    z = dis * (a2p_ref[0] + a2p_ref[1]) + (dis * dis) * r1_ref[...]
    out_ref[...] = (
        jnp.dot(z, w2_ref[...], preferred_element_type=jnp.float32) + b2_ref[...]
    )


def _tc3(degp, a2p, r1, w2, b2):
    grid = NP // BLK
    return pl.pallas_call(
        _tc3_body,
        grid=(grid,),
        in_specs=[
            pl.BlockSpec((NC, BLK), lambda i: (0, i)),
            pl.BlockSpec((NC, BLK, HID), lambda i: (0, i, 0)),
            pl.BlockSpec((BLK, HID), lambda i: (i, 0)),
            pl.BlockSpec((HID, OUT), lambda i: (0, 0)),
            pl.BlockSpec((1, OUT), lambda i: (0, 0)),
        ],
        out_specs=pl.BlockSpec((BLK, OUT), lambda i: (i, 0)),
        out_shape=jax.ShapeDtypeStruct((NP, OUT), jnp.float32),
    )(degp, a2p, r1, w2, b2)



@jax.jit
def _run(x, edge_index, W1, b1, W2, b2):
    src = edge_index[0].astype(jnp.int32)
    dst = edge_index[1].astype(jnp.int32)
    pad = jnp.full((EP - E,), N, dtype=jnp.int32)
    srci = jnp.concatenate([src, pad]).reshape(EP // CHUNK, CHUNK)
    dsti = jnp.concatenate([dst, pad]).reshape(EP // CHUNK, CHUNK)
    xp = jnp.zeros((NP, IN_DIM), jnp.float32).at[:N].set(x)
    ones_h = jnp.ones((CHUNK,), jnp.float32)
    zeros1 = jnp.zeros((NP,), jnp.float32)
    zeros2 = jnp.zeros((NP, HID), jnp.float32)

    degp = _deg_pass(dsti, ones_h, zeros1)
    h1, g1 = _tc1(xp, W1, degp)
    a1p = _agg_pass(g1, srci, dsti, zeros2)
    r1, g2 = _tc2(degp, a1p, h1, b1.reshape(1, HID))
    a2p = _agg_pass(g2, srci, dsti, zeros2)
    out = _tc3(degp, a2p, r1, W2, b2.reshape(1, OUT))
    return out[:N]


def kernel(x, edge_index, W1, b1, W2, b2):
    return _run(x, edge_index, W1, b1, W2, b2)

# --- scband reference (transcript-rebuilt; emitter-appended) ---
"""Pipeline reference for scband-gcnclassifier-72275709657222 (READ-ONLY COPY).

The authoritative reference and input builder live on the scoring server;
editing this copy changes nothing except your own understanding.
"""

import jax, jax.numpy as jnp
import numpy as np

N = 10000
E = 320000
IN_DIM = 128
HID = 16
OUT = 2


def setup_inputs(seed: int = 0) -> dict:
    key = jax.random.key(seed)
    k1, k2, k3, k4 = jax.random.split(key, 4)
    x = jax.random.normal(k1, (N, IN_DIM), dtype=jnp.float32)
    edge_index = jax.random.randint(k2, (2, E), 0, N)
    W1 = jax.random.normal(k3, (IN_DIM, HID), dtype=jnp.float32) * (1.0 / np.sqrt(IN_DIM))
    b1 = jnp.zeros((HID,), dtype=jnp.float32)
    W2 = jax.random.normal(k4, (HID, OUT), dtype=jnp.float32) * (1.0 / np.sqrt(HID))
    b2 = jnp.zeros((OUT,), dtype=jnp.float32)
    return {"x": x, "edge_index": edge_index, "W1": W1, "b1": b1, "W2": W2, "b2": b2}


def _gcn_layer(x, src, dst, W, b, num_nodes):
    # PyG GCNConv: linear transform, symmetric-normalized scatter-add aggregation, then bias
    h = x @ W
    ones = jnp.ones(src.shape[0], dtype=h.dtype)
    deg = jax.ops.segment_sum(ones, dst, num_segments=num_nodes)
    deg_inv_sqrt = jnp.where(deg > 0, 1.0 / jnp.sqrt(deg), 0.0)
    norm = deg_inv_sqrt[src] * deg_inv_sqrt[dst]
    msgs = norm[:, None] * h[src]
    out = jax.ops.segment_sum(msgs, dst, num_segments=num_nodes)
    return out + b


def reference(x, edge_index, W1, b1, W2, b2):
    n = x.shape[0]
    loops = jnp.arange(n, dtype=edge_index.dtype)
    src = jnp.concatenate([edge_index[0], loops])
    dst = jnp.concatenate([edge_index[1], loops])
    h = jax.nn.relu(_gcn_layer(x, src, dst, W1, b1, n))
    out = _gcn_layer(h, src, dst, W2, b2, n)
    return out

if __name__ == "__main__":
    import jax
    _d = setup_inputs()
    print(jax.jit(kernel)(*tuple(_d.values())))

</pallas_src>

<mosaic_0001>
#map = affine_map<(d0, d1) -> (0, 0)>
#map1 = affine_map<(d0, d1) -> (0)>
module attributes {stable_mosaic.version = 14 : i64} {
  func.func @_deg_body(%arg0: i32, %arg1: i32, %arg2: memref<512x640xi32, #tpu.memory_space<hbm>>, %arg3: memref<640xf32, #tpu.memory_space<hbm>>, %arg4: memref<10240xf32, #tpu.memory_space<hbm>>, %arg5: memref<2x10240xf32, #tpu.memory_space<hbm>>, %arg6: memref<16x640xi32, #tpu.memory_space<vmem>>, %arg7: memref<640xf32, #tpu.memory_space<vmem>>, %arg8: memref<10240xf32, #tpu.memory_space<vmem_shared>>, %arg9: memref<!tpu.dma_semaphore, #tpu.memory_space<semaphore_mem>>) attributes {dimension_semantics = [#tpu.dimension_semantics<core_parallel>, #tpu.dimension_semantics<subcore_parallel>], iteration_bounds = array<i64: 2, 16>, scalar_prefetch = 0 : i64, scratch_operands = 4 : i64, tpu.core_type = #tpu.core_type<sc_vector_subcore>, window_params = [{transform_indices = #map}, {transform_indices = #map1}, {transform_indices = #map1}, {transform_indices = #map}]} {
    %mul3A = arith.constant 16 : i32
    %mul3A_0 = arith.muli %arg0, %mul3A : i32
    %add3A = arith.addi %mul3A_0, %arg1 : i32
    %mul3A_1 = arith.constant 16 : i32
    %mul3A_2 = arith.muli %add3A, %mul3A_1 : i32
    "tpu.region"() ({
      %run_scoped3A = tpu.sem_alloc : memref<!tpu.dma_semaphore, #tpu.memory_space<semaphore_mem>>
      %dma_start3A = arith.constant 0 : i32
      %dma_start3A_23 = tpu.memref_slice %arg2[%mul3A_2, %dma_start3A] : memref<512x640xi32, #tpu.memory_space<hbm>> -> memref<16x640xi32, #tpu.memory_space<hbm>>
      %dma_start3A_24 = arith.constant 0 : i32
      %dma_start3A_25 = tpu.memref_slice %arg2[%mul3A_2, %dma_start3A_24] : memref<512x640xi32, #tpu.memory_space<hbm>> -> memref<16x640xi32, #tpu.memory_space<hbm>>
      tpu.enqueue_dma source(%dma_start3A_25 : memref<16x640xi32, #tpu.memory_space<hbm>>) target(%arg6 : memref<16x640xi32, #tpu.memory_space<vmem>>) target_semaphore(%run_scoped3A : memref<!tpu.dma_semaphore, #tpu.memory_space<semaphore_mem>>)
      %dma_wait3A = arith.constant 0 : i32
      %dma_wait3A_26 = tpu.memref_slice %arg2[%mul3A_2, %dma_wait3A] : memref<512x640xi32, #tpu.memory_space<hbm>> -> memref<16x640xi32, #tpu.memory_space<hbm>>
      %dma_wait3A_27 = arith.constant 0 : i32
      %dma_wait3A_28 = tpu.memref_slice %arg2[%mul3A_2, %dma_wait3A_27] : memref<512x640xi32, #tpu.memory_space<hbm>> -> memref<16x640xi32, #tpu.memory_space<hbm>>
      tpu.wait_dma2 semaphore(%run_scoped3A : memref<!tpu.dma_semaphore, #tpu.memory_space<semaphore_mem>>) src(%dma_wait3A_28 : memref<16x640xi32, #tpu.memory_space<hbm>>) dst(%arg6 : memref<16x640xi32, #tpu.memory_space<vmem>>)
      tpu.yield
    }) : () -> ()
    "tpu.region"() ({
      %run_scoped3A = tpu.sem_alloc : memref<!tpu.dma_semaphore, #tpu.memory_space<semaphore_mem>>
      tpu.enqueue_dma source(%arg3 : memref<640xf32, #tpu.memory_space<hbm>>) target(%arg7 : memref<640xf32, #tpu.memory_space<vmem>>) target_semaphore(%run_scoped3A : memref<!tpu.dma_semaphore, #tpu.memory_space<semaphore_mem>>)
      tpu.wait_dma2 semaphore(%run_scoped3A : memref<!tpu.dma_semaphore, #tpu.memory_space<semaphore_mem>>) src(%arg3 : memref<640xf32, #tpu.memory_space<hbm>>) dst(%arg7 : memref<640xf32, #tpu.memory_space<vmem>>)
      tpu.yield
    }) : () -> ()
    %mul3A_3 = arith.constant 640 : i32
    %mul3A_4 = arith.muli %arg1, %mul3A_3 : i32
    %mul3A_5 = arith.constant 640 : i32
    %mul3A_6 = arith.muli %arg1, %mul3A_5 : i32
    "tpu.region"() ({
      %run_scoped3A = tpu.sem_alloc : memref<!tpu.dma_semaphore, #tpu.memory_space<semaphore_mem>>
      %dma_start3A = tpu.memref_slice %arg8[%mul3A_6] : memref<10240xf32, #tpu.memory_space<vmem_shared>> -> memref<640xf32, #tpu.memory_space<vmem_shared>>
      %dma_start3A_23 = tpu.memref_slice %arg4[%mul3A_4] : memref<10240xf32, #tpu.memory_space<hbm>> -> memref<640xf32, #tpu.memory_space<hbm>>
      tpu.enqueue_dma source(%dma_start3A_23 : memref<640xf32, #tpu.memory_space<hbm>>) target(%dma_start3A : memref<640xf32, #tpu.memory_space<vmem_shared>>) target_semaphore(%run_scoped3A : memref<!tpu.dma_semaphore, #tpu.memory_space<semaphore_mem>>)
      %dma_wait3A = tpu.memref_slice %arg8[%mul3A_6] : memref<10240xf32, #tpu.memory_space<vmem_shared>> -> memref<640xf32, #tpu.memory_space<vmem_shared>>
      %dma_wait3A_24 = tpu.memref_slice %arg4[%mul3A_4] : memref<10240xf32, #tpu.memory_space<hbm>> -> memref<640xf32, #tpu.memory_space<hbm>>
      tpu.wait_dma2 semaphore(%run_scoped3A : memref<!tpu.dma_semaphore, #tpu.memory_space<semaphore_mem>>) src(%dma_wait3A_24 : memref<640xf32, #tpu.memory_space<hbm>>) dst(%dma_wait3A : memref<640xf32, #tpu.memory_space<vmem_shared>>)
      tpu.yield
    }) : () -> ()
    %barrier3A = arith.constant 0 : index
    tpu.barrier barrier_id(%barrier3A)
    %scan3A = arith.constant 0 : i32
    %scan3A_7 = arith.constant 0 : i32
    %scan3A_8 = arith.constant 16 : i32
    %scan3A_9 = arith.addi %scan3A_7, %scan3A_8 : i32
    %scan3A_10 = arith.constant 1 : i32
    scf.for %scan3A_23 = %scan3A_7 to %scan3A_9 step %scan3A_10  : i32 {
      %dma_start3A = arith.constant 0 : i32
      %dma_start3A_24 = tpu.memref_slice %arg6[%scan3A_23, %dma_start3A] : memref<16x640xi32, #tpu.memory_space<vmem>> -> memref<1x640xi32, #tpu.memory_space<vmem>>
      %dma_start3A_25 = tpu.memref_squeeze %dma_start3A_24 : memref<1x640xi32, #tpu.memory_space<vmem>> -> memref<640xi32, #tpu.memory_space<vmem>>
      %dma_start3A_26 = arith.constant 0 : i32
      %dma_start3A_27 = tpu.memref_slice %arg8[%dma_start3A_26] : memref<10240xf32, #tpu.memory_space<vmem_shared>> -> memref<10240xf32, #tpu.memory_space<vmem_shared>>
      tpu.enqueue_indirect_dma source(%arg7 : memref<640xf32, #tpu.memory_space<vmem>>) target(%dma_start3A_27 : memref<10240xf32, #tpu.memory_space<vmem_shared>>) offsets(%dma_start3A_25 : memref<640xi32, #tpu.memory_space<vmem>>) semaphore(%arg9 : memref<!tpu.dma_semaphore, #tpu.memory_space<semaphore_mem>>) {add = true}
    }
    %scan3A_11 = arith.constant 16 : i32
    %scan3A_12 = arith.constant 0 : i32
    %scan3A_13 = arith.constant 0 : i32
    %scan3A_14 = arith.constant 16 : i32
    %scan3A_15 = arith.addi %scan3A_13, %scan3A_14 : i32
    %scan3A_16 = arith.constant 1 : i32
    scf.for %scan3A_23 = %scan3A_13 to %scan3A_15 step %scan3A_16  : i32 {
      %dma_wait3A = arith.constant 0 : i32
      %dma_wait3A_24 = tpu.memref_slice %arg6[%scan3A_23, %dma_wait3A] : memref<16x640xi32, #tpu.memory_space<vmem>> -> memref<1x640xi32, #tpu.memory_space<vmem>>
      %dma_wait3A_25 = tpu.memref_squeeze %dma_wait3A_24 : memref<1x640xi32, #tpu.memory_space<vmem>> -> memref<640xi32, #tpu.memory_space<vmem>>
      %dma_wait3A_26 = arith.constant 0 : i32
      %dma_wait3A_27 = tpu.memref_slice %arg8[%dma_wait3A_26] : memref<10240xf32, #tpu.memory_space<vmem_shared>> -> memref<10240xf32, #tpu.memory_space<vmem_shared>>
      tpu.wait_indirect_dma semaphore(%arg9 : memref<!tpu.dma_semaphore, #tpu.memory_space<semaphore_mem>>) src(%arg7 : memref<640xf32, #tpu.memory_space<vmem>>) dst(%dma_wait3A_27 : memref<10240xf32, #tpu.memory_space<vmem_shared>>)
    }
    %scan3A_17 = arith.constant 16 : i32
    %barrier3A_18 = arith.constant 0 : index
    tpu.barrier barrier_id(%barrier3A_18)
    %mul3A_19 = arith.constant 640 : i32
    %mul3A_20 = arith.muli %arg1, %mul3A_19 : i32
    %mul3A_21 = arith.constant 640 : i32
    %mul3A_22 = arith.muli %arg1, %mul3A_21 : i32
    "tpu.region"() ({
      %run_scoped3A = tpu.sem_alloc : memref<!tpu.dma_semaphore, #tpu.memory_space<semaphore_mem>>
      %dma_start3A = tpu.memref_slice %arg5[%arg0, %mul3A_22] : memref<2x10240xf32, #tpu.memory_space<hbm>> -> memref<1x640xf32, #tpu.memory_space<hbm>>
      %dma_start3A_23 = tpu.memref_squeeze %dma_start3A : memref<1x640xf32, #tpu.memory_space<hbm>> -> memref<640xf32, #tpu.memory_space<hbm>>
      %dma_start3A_24 = tpu.memref_slice %arg8[%mul3A_20] : memref<10240xf32, #tpu.memory_space<vmem_shared>> -> memref<640xf32, #tpu.memory_space<vmem_shared>>
      tpu.enqueue_dma source(%dma_start3A_24 : memref<640xf32, #tpu.memory_space<vmem_shared>>) target(%dma_start3A_23 : memref<640xf32, #tpu.memory_space<hbm>>) target_semaphore(%run_scoped3A : memref<!tpu.dma_semaphore, #tpu.memory_space<semaphore_mem>>)
      %dma_wait3A = tpu.memref_slice %arg5[%arg0, %mul3A_22] : memref<2x10240xf32, #tpu.memory_space<hbm>> -> memref<1x640xf32, #tpu.memory_space<hbm>>
      %dma_wait3A_25 = tpu.memref_squeeze %dma_wait3A : memref<1x640xf32, #tpu.memory_space<hbm>> -> memref<640xf32, #tpu.memory_space<hbm>>
      %dma_wait3A_26 = tpu.memref_slice %arg8[%mul3A_20] : memref<10240xf32, #tpu.memory_space<vmem_shared>> -> memref<640xf32, #tpu.memory_space<vmem_shared>>
      tpu.wait_dma2 semaphore(%run_scoped3A : memref<!tpu.dma_semaphore, #tpu.memory_space<semaphore_mem>>) src(%dma_wait3A_26 : memref<640xf32, #tpu.memory_space<vmem_shared>>) dst(%dma_wait3A_25 : memref<640xf32, #tpu.memory_space<hbm>>)
      tpu.yield
    }) : () -> ()
    return
  }
}

#map = affine_map<(d0, d1) -> (0, 0)>
#map1 = affine_map<(d0, d1) -> (0, 0, 0)>
module attributes {stable_mosaic.version = 14 : i64} {
  func.func @_agg_body(%arg0: i32, %arg1: i32, %arg2: memref<10240x16xf32, #tpu.memory_space<hbm>>, %arg3: memref<512x640xi32, #tpu.memory_space<hbm>>, %arg4: memref<512x640xi32, #tpu.memory_space<hbm>>, %arg5: memref<10240x16xf32, #tpu.memory_space<hbm>>, %arg6: memref<2x10240x16xf32, #tpu.memory_space<hbm>>, %arg7: memref<16x640xi32, #tpu.memory_space<vmem>>, %arg8: memref<16x640xi32, #tpu.memory_space<vmem>>, %arg9: memref<8x640x16xf32, #tpu.memory_space<vmem>>, %arg10: memref<10240x16xf32, #tpu.memory_space<vmem_shared>>, %arg11: memref<8x!tpu.dma_semaphore, #tpu.memory_space<semaphore_mem>>, %arg12: memref<8x!tpu.dma_semaphore, #tpu.memory_space<semaphore_mem>>) attributes {dimension_semantics = [#tpu.dimension_semantics<core_parallel>, #tpu.dimension_semantics<subcore_parallel>], iteration_bounds = array<i64: 2, 16>, scalar_prefetch = 0 : i64, scratch_operands = 6 : i64, tpu.core_type = #tpu.core_type<sc_vector_subcore>, window_params = [{transform_indices = #map}, {transform_indices = #map}, {transform_indices = #map}, {transform_indices = #map}, {transform_indices = #map1}]} {
    %mul3A = arith.constant 16 : i32
    %mul3A_0 = arith.muli %arg0, %mul3A : i32
    %add3A = arith.addi %mul3A_0, %arg1 : i32
    %mul3A_1 = arith.constant 16 : i32
    %mul3A_2 = arith.muli %add3A, %mul3A_1 : i32
    "tpu.region"() ({
      %run_scoped3A = tpu.sem_alloc : memref<!tpu.dma_semaphore, #tpu.memory_space<semaphore_mem>>
      %dma_start3A = arith.constant 0 : i32
      %dma_start3A_136 = tpu.memref_slice %arg3[%mul3A_2, %dma_start3A] : memref<512x640xi32, #tpu.memory_space<hbm>> -> memref<16x640xi32, #tpu.memory_space<hbm>>
      %dma_start3A_137 = arith.constant 0 : i32
      %dma_start3A_138 = tpu.memref_slice %arg3[%mul3A_2, %dma_start3A_137] : memref<512x640xi32, #tpu.memory_space<hbm>> -> memref<16x640xi32, #tpu.memory_space<hbm>>
      tpu.enqueue_dma source(%dma_start3A_138 : memref<16x640xi32, #tpu.memory_space<hbm>>) target(%arg7 : memref<16x640xi32, #tpu.memory_space<vmem>>) target_semaphore(%run_scoped3A : memref<!tpu.dma_semaphore, #tpu.memory_space<semaphore_mem>>)
      %dma_wait3A_139 = arith.constant 0 : i32
      %dma_wait3A_140 = tpu.memref_slice %arg3[%mul3A_2, %dma_wait3A_139] : memref<512x640xi32, #tpu.memory_space<hbm>> -> memref<16x640xi32, #tpu.memory_space<hbm>>
      %dma_wait3A_141 = arith.constant 0 : i32
      %dma_wait3A_142 = tpu.memref_slice %arg3[%mul3A_2, %dma_wait3A_141] : memref<512x640xi32, #tpu.memory_space<hbm>> -> memref<16x640xi32, #tpu.memory_space<hbm>>
      tpu.wait_dma2 semaphore(%run_scoped3A : memref<!tpu.dma_semaphore, #tpu.memory_space<semaphore_mem>>) src(%dma_wait3A_142 : memref<16x640xi32, #tpu.memory_space<hbm>>) dst(%arg7 : memref<16x640xi32, #tpu.memory_space<vmem>>)
      tpu.yield
    }) : () -> ()
    "tpu.region"() ({
      %run_scoped3A = tpu.sem_alloc : memref<!tpu.dma_semaphore, #tpu.memory_space<semaphore_mem>>
      %dma_start3A = arith.constant 0 : i32
      %dma_start3A_136 = tpu.memref_slice %arg4[%mul3A_2, %dma_start3A] : memref<512x640xi32, #tpu.memory_space<hbm>> -> memref<16x640xi32, #tpu.memory_space<hbm>>
      %dma_start3A_137 = arith.constant 0 : i32
      %dma_start3A_138 = tpu.memref_slice %arg4[%mul3A_2, %dma_start3A_137] : memref<512x640xi32, #tpu.memory_space<hbm>> -> memref<16x640xi32, #tpu.memory_space<hbm>>
      tpu.enqueue_dma source(%dma_start3A_138 : memref<16x640xi32, #tpu.memory_space<hbm>>) target(%arg8 : memref<16x640xi32, #tpu.memory_space<vmem>>) target_semaphore(%run_scoped3A : memref<!tpu.dma_semaphore, #tpu.memory_space<semaphore_mem>>)
      %dma_wait3A_139 = arith.constant 0 : i32
      %dma_wait3A_140 = tpu.memref_slice %arg4[%mul3A_2, %dma_wait3A_139] : memref<512x640xi32, #tpu.memory_space<hbm>> -> memref<16x640xi32, #tpu.memory_space<hbm>>
      %dma_wait3A_141 = arith.constant 0 : i32
      %dma_wait3A_142 = tpu.memref_slice %arg4[%mul3A_2, %dma_wait3A_141] : memref<512x640xi32, #tpu.memory_space<hbm>> -> memref<16x640xi32, #tpu.memory_space<hbm>>
      tpu.wait_dma2 semaphore(%run_scoped3A : memref<!tpu.dma_semaphore, #tpu.memory_space<semaphore_mem>>) src(%dma_wait3A_142 : memref<16x640xi32, #tpu.memory_space<hbm>>) dst(%arg8 : memref<16x640xi32, #tpu.memory_space<vmem>>)
      tpu.yield
    }) : () -> ()
    %mul3A_3 = arith.constant 640 : i32
    %mul3A_4 = arith.muli %arg1, %mul3A_3 : i32
    %mul3A_5 = arith.constant 640 : i32
    %mul3A_6 = arith.muli %arg1, %mul3A_5 : i32
    "tpu.region"() ({
      %run_scoped3A = tpu.sem_alloc : memref<!tpu.dma_semaphore, #tpu.memory_space<semaphore_mem>>
      %dma_start3A = arith.constant 0 : i32
      %dma_start3A_136 = tpu.memref_slice %arg10[%mul3A_6, %dma_start3A] : memref<10240x16xf32, #tpu.memory_space<vmem_shared>> -> memref<640x16xf32, #tpu.memory_space<vmem_shared>>
      %dma_start3A_137 = arith.constant 0 : i32
      %dma_start3A_138 = tpu.memref_slice %arg5[%mul3A_4, %dma_start3A_137] : memref<10240x16xf32, #tpu.memory_space<hbm>> -> memref<640x16xf32, #tpu.memory_space<hbm>>
      tpu.enqueue_dma source(%dma_start3A_138 : memref<640x16xf32, #tpu.memory_space<hbm>>) target(%dma_start3A_136 : memref<640x16xf32, #tpu.memory_space<vmem_shared>>) target_semaphore(%run_scoped3A : memref<!tpu.dma_semaphore, #tpu.memory_space<semaphore_mem>>)
      %dma_wait3A_139 = arith.constant 0 : i32
      %dma_wait3A_140 = tpu.memref_slice %arg10[%mul3A_6, %dma_wait3A_139] : memref<10240x16xf32, #tpu.memory_space<vmem_shared>> -> memref<640x16xf32, #tpu.memory_space<vmem_shared>>
      %dma_wait3A_141 = arith.constant 0 : i32
      %dma_wait3A_142 = tpu.memref_slice %arg5[%mul3A_4, %dma_wait3A_141] : memref<10240x16xf32, #tpu.memory_space<hbm>> -> memref<640x16xf32, #tpu.memory_space<hbm>>
      tpu.wait_dma2 semaphore(%run_scoped3A : memref<!tpu.dma_semaphore, #tpu.memory_space<semaphore_mem>>) src(%dma_wait3A_142 : memref<640x16xf32, #tpu.memory_space<hbm>>) dst(%dma_wait3A_140 : memref<640x16xf32, #tpu.memory_space<vmem_shared>>)
      tpu.yield
    }) : () -> ()
    %barrier3A = arith.constant 0 : index
    tpu.barrier barrier_id(%barrier3A)
    %scan3A = arith.constant 0 : i32
    %scan3A_7 = arith.constant 0 : i32
    %scan3A_8 = arith.constant 2 : i32
    %scan3A_9 = arith.addi %scan3A_7, %scan3A_8 : i32
    %scan3A_10 = arith.constant 1 : i32
    scf.for %scan3A_136 = %scan3A_7 to %scan3A_9 step %scan3A_10  : i32 {
      %mul3A_137 = arith.constant 8 : i32
      %mul3A_138 = arith.muli %scan3A_136, %mul3A_137 : i32
      %gt3A = arith.constant 0 : i32
      %gt3A_139 = arith.cmpi sgt, %scan3A_136, %gt3A : i32
      %convert_element_type3A = arith.extui %gt3A_139 : i1 to i32
      %cond3A = arith.constant 0 : i32
      %cond3A_140 = arith.cmpi ne, %convert_element_type3A, %cond3A : i32
      scf.if %cond3A_140 {
        %sub3A = arith.constant 8 : i32
        %sub3A_559 = arith.subi %mul3A_138, %sub3A : i32
        %add3A_560 = arith.constant 0 : i32
        %add3A_561 = arith.addi %sub3A_559, %add3A_560 : i32
        %dma_wait3A_562 = arith.constant 0 : i32
        %dma_wait3A_563 = arith.constant 0 : i32
        %dma_wait3A_564 = arith.constant 0 : i32
        %dma_wait3A_565 = arith.constant 0 : i32
        %dma_wait3A_566 = tpu.memref_slice %arg9[%dma_wait3A_562, %dma_wait3A_564, %dma_wait3A_565] : memref<8x640x16xf32, #tpu.memory_space<vmem>> -> memref<1x640x16xf32, #tpu.memory_space<vmem>>
        %dma_wait3A_567 = tpu.memref_squeeze %dma_wait3A_566 : memref<1x640x16xf32, #tpu.memory_space<vmem>> -> memref<640x16xf32, #tpu.memory_space<vmem>>
        %dma_wait3A_568 = arith.constant 0 : i32
        %dma_wait3A_569 = tpu.memref_slice %arg8[%add3A_561, %dma_wait3A_568] : memref<16x640xi32, #tpu.memory_space<vmem>> -> memref<1x640xi32, #tpu.memory_space<vmem>>
        %dma_wait3A_570 = tpu.memref_squeeze %dma_wait3A_569 : memref<1x640xi32, #tpu.memory_space<vmem>> -> memref<640xi32, #tpu.memory_space<vmem>>
        %dma_wait3A_571 = arith.constant 0 : i32
        %dma_wait3A_572 = arith.constant 0 : i32
        %dma_wait3A_573 = tpu.memref_slice %arg10[%dma_wait3A_571, %dma_wait3A_572] : memref<10240x16xf32, #tpu.memory_space<vmem_shared>> -> memref<10240x16xf32, #tpu.memory_space<vmem_shared>>
        %dma_wait3A_574 = tpu.memref_slice %arg12[%dma_wait3A_563] : memref<8x!tpu.dma_semaphore, #tpu.memory_space<semaphore_mem>> -> memref<1x!tpu.dma_semaphore, #tpu.memory_space<semaphore_mem>>
        %dma_wait3A_575 = tpu.memref_squeeze %dma_wait3A_574 : memref<1x!tpu.dma_semaphore, #tpu.memory_space<semaphore_mem>> -> memref<!tpu.dma_semaphore, #tpu.memory_space<semaphore_mem>>
        tpu.wait_indirect_dma semaphore(%dma_wait3A_575 : memref<!tpu.dma_semaphore, #tpu.memory_space<semaphore_mem>>) src(%dma_wait3A_567 : memref<640x16xf32, #tpu.memory_space<vmem>>) dst(%dma_wait3A_573 : memref<10240x16xf32, #tpu.memory_space<vmem_shared>>)
      } else {
      }
      %add3A_141 = arith.constant 0 : i32
      %add3A_142 = arith.addi %mul3A_138, %add3A_141 : i32
      %dma_start3A = arith.constant 0 : i32
      %dma_start3A_143 = arith.constant 0 : i32
      %dma_start3A_144 = arith.constant 0 : i32
      %dma_start3A_145 = arith.constant 0 : i32
      %dma_start3A_146 = tpu.memref_slice %arg9[%dma_start3A, %dma_start3A_144, %dma_start3A_145] : memref<8x640x16xf32, #tpu.memory_space<vmem>> -> memref<1x640x16xf32, #tpu.memory_space<vmem>>
      %dma_start3A_147 = tpu.memref_squeeze %dma_start3A_146 : memref<1x640x16xf32, #tpu.memory_space<vmem>> -> memref<640x16xf32, #tpu.memory_space<vmem>>
      %dma_start3A_148 = arith.constant 0 : i32
      %dma_start3A_149 = tpu.memref_slice %arg7[%add3A_142, %dma_start3A_148] : memref<16x640xi32, #tpu.memory_space<vmem>> -> memref<1x640xi32, #tpu.memory_space<vmem>>
      %dma_start3A_150 = tpu.memref_squeeze %dma_start3A_149 : memref<1x640xi32, #tpu.memory_space<vmem>> -> memref<640xi32, #tpu.memory_space<vmem>>
      %dma_start3A_151 = arith.constant 0 : i32
      %dma_start3A_152 = arith.constant 0 : i32
      %dma_start3A_153 = tpu.memref_slice %arg2[%dma_start3A_151, %dma_start3A_152] : memref<10240x16xf32, #tpu.memory_space<hbm>> -> memref<10240x16xf32, #tpu.memory_space<hbm>>
      %dma_start3A_154 = tpu.memref_slice %arg11[%dma_start3A_143] : memref<8x!tpu.dma_semaphore, #tpu.memory_space<semaphore_mem>> -> memref<1x!tpu.dma_semaphore, #tpu.memory_space<semaphore_mem>>
      %dma_start3A_155 = tpu.memref_squeeze %dma_start3A_154 : memref<1x!tpu.dma_semaphore, #tpu.memory_space<semaphore_mem>> -> memref<!tpu.dma_semaphore, #tpu.memory_space<semaphore_mem>>
      tpu.enqueue_indirect_dma source(%dma_start3A_153 : memref<10240x16xf32, #tpu.memory_space<hbm>>) target(%dma_start3A_147 : memref<640x16xf32, #tpu.memory_space<vmem>>) offsets(%dma_start3A_150 : memref<640xi32, #tpu.memory_space<vmem>>) semaphore(%dma_start3A_155 : memref<!tpu.dma_semaphore, #tpu.memory_space<semaphore_mem>>)
      %gt3A_156 = arith.constant 0 : i32
      %gt3A_157 = arith.cmpi sgt, %scan3A_136, %gt3A_156 : i32
      %convert_element_type3A_158 = arith.extui %gt3A_157 : i1 to i32
      %cond3A_159 = arith.constant 0 : i32
      %cond3A_160 = arith.cmpi ne, %convert_element_type3A_158, %cond3A_159 : i32
      scf.if %cond3A_160 {
        %sub3A = arith.constant 8 : i32
        %sub3A_559 = arith.subi %mul3A_138, %sub3A : i32
        %add3A_560 = arith.constant 1 : i32
        %add3A_561 = arith.addi %sub3A_559, %add3A_560 : i32
        %dma_wait3A_562 = arith.constant 1 : i32
        %dma_wait3A_563 = arith.constant 1 : i32
        %dma_wait3A_564 = arith.constant 0 : i32
        %dma_wait3A_565 = arith.constant 0 : i32
        %dma_wait3A_566 = tpu.memref_slice %arg9[%dma_wait3A_562, %dma_wait3A_564, %dma_wait3A_565] : memref<8x640x16xf32, #tpu.memory_space<vmem>> -> memref<1x640x16xf32, #tpu.memory_space<vmem>>
        %dma_wait3A_567 = tpu.memref_squeeze %dma_wait3A_566 : memref<1x640x16xf32, #tpu.memory_space<vmem>> -> memref<640x16xf32, #tpu.memory_space<vmem>>
        %dma_wait3A_568 = arith.constant 0 : i32
        %dma_wait3A_569 = tpu.memref_slice %arg8[%add3A_561, %dma_wait3A_568] : memref<16x640xi32, #tpu.memory_space<vmem>> -> memref<1x640xi32, #tpu.memory_space<vmem>>
        %dma_wait3A_570 = tpu.memref_squeeze %dma_wait3A_569 : memref<1x640xi32, #tpu.memory_space<vmem>> -> memref<640xi32, #tpu.memory_space<vmem>>
        %dma_wait3A_571 = arith.constant 0 : i32
        %dma_wait3A_572 = arith.constant 0 : i32
        %dma_wait3A_573 = tpu.memref_slice %arg10[%dma_wait3A_571, %dma_wait3A_572] : memref<10240x16xf32, #tpu.memory_space<vmem_shared>> -> memref<10240x16xf32, #tpu.memory_space<vmem_shared>>
        %dma_wait3A_574 = tpu.memref_slice %arg12[%dma_wait3A_563] : memref<8x!tpu.dma_semaphore, #tpu.memory_space<semaphore_mem>> -> memref<1x!tpu.dma_semaphore, #tpu.memory_space<semaphore_mem>>
        %dma_wait3A_575 = tpu.memref_squeeze %dma_wait3A_574 : memref<1x!tpu.dma_semaphore, #tpu.memory_space<semaphore_mem>> -> memref<!tpu.dma_semaphore, #tpu.memory_space<semaphore_mem>>
        tpu.wait_indirect_dma semaphore(%dma_wait3A_575 : memref<!tpu.dma_semaphore, #tpu.memory_space<semaphore_mem>>) src(%dma_wait3A_567 : memref<640x16xf32, #tpu.memory_space<vmem>>) dst(%dma_wait3A_573 : memref<10240x16xf32, #tpu.memory_space<vmem_shared>>)
      } else {
      }
      %add3A_161 = arith.constant 1 : i32
      %add3A_162 = arith.addi %mul3A_138, %add3A_161 : i32
      %dma_start3A_163 = arith.constant 1 : i32
      %dma_start3A_164 = arith.constant 1 : i32
      %dma_start3A_165 = arith.constant 0 : i32
      %dma_start3A_166 = arith.constant 0 : i32
      %dma_start3A_167 = tpu.memref_slice %arg9[%dma_start3A_163, %dma_start3A_165, %dma_start3A_166] : memref<8x640x16xf32, #tpu.memory_space<vmem>> -> memref<1x640x16xf32, #tpu.memory_space<vmem>>
      %dma_start3A_168 = tpu.memref_squeeze %dma_start3A_167 : memref<1x640x16xf32, #tpu.memory_space<vmem>> -> memref<640x16xf32, #tpu.memory_space<vmem>>
      %dma_start3A_169 = arith.constant 0 : i32
      %dma_start3A_170 = tpu.memref_slice %arg7[%add3A_162, %dma_start3A_169] : memref<16x640xi32, #tpu.memory_space<vmem>> -> memref<1x640xi32, #tpu.memory_space<vmem>>
      %dma_start3A_171 = tpu.memref_squeeze %dma_start3A_170 : memref<1x640xi32, #tpu.memory_space<vmem>> -> memref<640xi32, #tpu.memory_space<vmem>>
      %dma_start3A_172 = arith.constant 0 : i32
      %dma_start3A_173 = arith.constant 0 : i32
      %dma_start3A_174 = tpu.memref_slice %arg2[%dma_start3A_172, %dma_start3A_173] : memref<10240x16xf32, #tpu.memory_space<hbm>> -> memref<10240x16xf32, #tpu.memory_space<hbm>>
      %dma_start3A_175 = tpu.memref_slice %arg11[%dma_start3A_164] : memref<8x!tpu.dma_semaphore, #tpu.memory_space<semaphore_mem>> -> memref<1x!tpu.dma_semaphore, #tpu.memory_space<semaphore_mem>>
      %dma_start3A_176 = tpu.memref_squeeze %dma_start3A_175 : memref<1x!tpu.dma_semaphore, #tpu.memory_space<semaphore_mem>> -> memref<!tpu.dma_semaphore, #tpu.memory_space<semaphore_mem>>
      tpu.enqueue_indirect_dma source(%dma_start3A_174 : memref<10240x16xf32, #tpu.memory_space<hbm>>) target(%dma_start3A_168 : memref<640x16xf32, #tpu.memory_space<vmem>>) offsets(%dma_start3A_171 : memref<640xi32, #tpu.memory_space<vmem>>) semaphore(%dma_start3A_176 : memref<!tpu.dma_semaphore, #tpu.memory_space<semaphore_mem>>)
      %gt3A_177 = arith.constant 0 : i32
      %gt3A_178 = arith.cmpi sgt, %scan3A_136, %gt3A_177 : i32
      %convert_element_type3A_179 = arith.extui %gt3A_178 : i1 to i32
      %cond3A_180 = arith.constant 0 : i32
      %cond3A_181 = arith.cmpi ne, %convert_element_type3A_179, %cond3A_180 : i32
      scf.if %cond3A_181 {
        %sub3A = arith.constant 8 : i32
        %sub3A_559 = arith.subi %mul3A_138, %sub3A : i32
        %add3A_560 = arith.constant 2 : i32
        %add3A_561 = arith.addi %sub3A_559, %add3A_560 : i32
        %dma_wait3A_562 = arith.constant 2 : i32
        %dma_wait3A_563 = arith.constant 2 : i32
        %dma_wait3A_564 = arith.constant 0 : i32
        %dma_wait3A_565 = arith.constant 0 : i32
        %dma_wait3A_566 = tpu.memref_slice %arg9[%dma_wait3A_562, %dma_wait3A_564, %dma_wait3A_565] : memref<8x640x16xf32, #tpu.memory_space<vmem>> -> memref<1x640x16xf32, #tpu.memory_space<vmem>>
        %dma_wait3A_567 = tpu.memref_squeeze %dma_wait3A_566 : memref<1x640x16xf32, #tpu.memory_space<vmem>> -> memref<640x16xf32, #tpu.memory_space<vmem>>
        %dma_wait3A_568 = arith.constant 0 : i32
        %dma_wait3A_569 = tpu.memref_slice %arg8[%add3A_561, %dma_wait3A_568] : memref<16x640xi32, #tpu.memory_space<vmem>> -> memref<1x640xi32, #tpu.memory_space<vmem>>
        %dma_wait3A_570 = tpu.memref_squeeze %dma_wait3A_569 : memref<1x640xi32, #tpu.memory_space<vmem>> -> memref<640xi32, #tpu.memory_space<vmem>>
        %dma_wait3A_571 = arith.constant 0 : i32
        %dma_wait3A_572 = arith.constant 0 : i32
        %dma_wait3A_573 = tpu.memref_slice %arg10[%dma_wait3A_571, %dma_wait3A_572] : memref<10240x16xf32, #tpu.memory_space<vmem_shared>> -> memref<10240x16xf32, #tpu.memory_space<vmem_shared>>
        %dma_wait3A_574 = tpu.memref_slice %arg12[%dma_wait3A_563] : memref<8x!tpu.dma_semaphore, #tpu.memory_space<semaphore_mem>> -> memref<1x!tpu.dma_semaphore, #tpu.memory_space<semaphore_mem>>
        %dma_wait3A_575 = tpu.memref_squeeze %dma_wait3A_574 : memref<1x!tpu.dma_semaphore, #tpu.memory_space<semaphore_mem>> -> memref<!tpu.dma_semaphore, #tpu.memory_space<semaphore_mem>>
        tpu.wait_indirect_dma semaphore(%dma_wait3A_575 : memref<!tpu.dma_semaphore, #tpu.memory_space<semaphore_mem>>) src(%dma_wait3A_567 : memref<640x16xf32, #tpu.memory_space<vmem>>) dst(%dma_wait3A_573 : memref<10240x16xf32, #tpu.memory_space<vmem_shared>>)
      } else {
      }
      %add3A_182 = arith.constant 2 : i32
      %add3A_183 = arith.addi %mul3A_138, %add3A_182 : i32
      %dma_start3A_184 = arith.constant 2 : i32
      %dma_start3A_185 = arith.constant 2 : i32
      %dma_start3A_186 = arith.constant 0 : i32
      %dma_start3A_187 = arith.constant 0 : i32
      %dma_start3A_188 = tpu.memref_slice %arg9[%dma_start3A_184, %dma_start3A_186, %dma_start3A_187] : memref<8x640x16xf32, #tpu.memory_space<vmem>> -> memref<1x640x16xf32, #tpu.memory_space<vmem>>
      %dma_start3A_189 = tpu.memref_squeeze %dma_start3A_188 : memref<1x640x16xf32, #tpu.memory_space<vmem>> -> memref<640x16xf32, #tpu.memory_space<vmem>>
      %dma_start3A_190 = arith.constant 0 : i32
      %dma_start3A_191 = tpu.memref_slice %arg7[%add3A_183, %dma_start3A_190] : memref<16x640xi32, #tpu.memory_space<vmem>> -> memref<1x640xi32, #tpu.memory_space<vmem>>
      %dma_start3A_192 = tpu.memref_squeeze %dma_start3A_191 : memref<1x640xi32, #tpu.memory_space<vmem>> -> memref<640xi32, #tpu.memory_space<vmem>>
      %dma_start3A_193 = arith.constant 0 : i32
      %dma_start3A_194 = arith.constant 0 : i32
      %dma_start3A_195 = tpu.memref_slice %arg2[%dma_start3A_193, %dma_start3A_194] : memref<10240x16xf32, #tpu.memory_space<hbm>> -> memref<10240x16xf32, #tpu.memory_space<hbm>>
      %dma_start3A_196 = tpu.memref_slice %arg11[%dma_start3A_185] : memref<8x!tpu.dma_semaphore, #tpu.memory_space<semaphore_mem>> -> memref<1x!tpu.dma_semaphore, #tpu.memory_space<semaphore_mem>>
      %dma_start3A_197 = tpu.memref_squeeze %dma_start3A_196 : memref<1x!tpu.dma_semaphore, #tpu.memory_space<semaphore_mem>> -> memref<!tpu.dma_semaphore, #tpu.memory_space<semaphore_mem>>
      tpu.enqueue_indirect_dma source(%dma_start3A_195 : memref<10240x16xf32, #tpu.memory_space<hbm>>) target(%dma_start3A_189 : memref<640x16xf32, #tpu.memory_space<vmem>>) offsets(%dma_start3A_192 : memref<640xi32, #tpu.memory_space<vmem>>) semaphore(%dma_start3A_197 : memref<!tpu.dma_semaphore, #tpu.memory_space<semaphore_mem>>)
      %gt3A_198 = arith.constant 0 : i32
      %gt3A_199 = arith.cmpi sgt, %scan3A_136, %gt3A_198 : i32
      %convert_element_type3A_200 = arith.extui %gt3A_199 : i1 to i32
      %cond3A_201 = arith.constant 0 : i32
      %cond3A_202 = arith.cmpi ne, %convert_element_type3A_200, %cond3A_201 : i32
      scf.if %cond3A_202 {
        %sub3A = arith.constant 8 : i32
        %sub3A_559 = arith.subi %mul3A_138, %sub3A : i32
        %add3A_560 = arith.constant 3 : i32
        %add3A_561 = arith.addi %sub3A_559, %add3A_560 : i32
        %dma_wait3A_562 = arith.constant 3 : i32
        %dma_wait3A_563 = arith.constant 3 : i32
        %dma_wait3A_564 = arith.constant 0 : i32
        %dma_wait3A_565 = arith.constant 0 : i32
        %dma_wait3A_566 = tpu.memref_slice %arg9[%dma_wait3A_562, %dma_wait3A_564, %dma_wait3A_565] : memref<8x640x16xf32, #tpu.memory_space<vmem>> -> memref<1x640x16xf32, #tpu.memory_space<vmem>>
        %dma_wait3A_567 = tpu.memref_squeeze %dma_wait3A_566 : memref<1x640x16xf32, #tpu.memory_space<vmem>> -> memref<640x16xf32, #tpu.memory_space<vmem>>
        %dma_wait3A_568 = arith.constant 0 : i32
        %dma_wait3A_569 = tpu.memref_slice %arg8[%add3A_561, %dma_wait3A_568] : memref<16x640xi32, #tpu.memory_space<vmem>> -> memref<1x640xi32, #tpu.memory_space<vmem>>
        %dma_wait3A_570 = tpu.memref_squeeze %dma_wait3A_569 : memref<1x640xi32, #tpu.memory_space<vmem>> -> memref<640xi32, #tpu.memory_space<vmem>>
        %dma_wait3A_571 = arith.constant 0 : i32
        %dma_wait3A_572 = arith.constant 0 : i32
        %dma_wait3A_573 = tpu.memref_slice %arg10[%dma_wait3A_571, %dma_wait3A_572] : memref<10240x16xf32, #tpu.memory_space<vmem_shared>> -> memref<10240x16xf32, #tpu.memory_space<vmem_shared>>
        %dma_wait3A_574 = tpu.memref_slice %arg12[%dma_wait3A_563] : memref<8x!tpu.dma_semaphore, #tpu.memory_space<semaphore_mem>> -> memref<1x!tpu.dma_semaphore, #tpu.memory_space<semaphore_mem>>
        %dma_wait3A_575 = tpu.memref_squeeze %dma_wait3A_574 : memref<1x!tpu.dma_semaphore, #tpu.memory_space<semaphore_mem>> -> memref<!tpu.dma_semaphore, #tpu.memory_space<semaphore_mem>>
        tpu.wait_indirect_dma semaphore(%dma_wait3A_575 : memref<!tpu.dma_semaphore, #tpu.memory_space<semaphore_mem>>) src(%dma_wait3A_567 : memref<640x16xf32, #tpu.memory_space<vmem>>) dst(%dma_wait3A_573 : memref<10240x16xf32, #tpu.memory_space<vmem_shared>>)
      } else {
      }
      %add3A_203 = arith.constant 3 : i32
      %add3A_204 = arith.addi %mul3A_138, %add3A_203 : i32
      %dma_start3A_205 = arith.constant 3 : i32
      %dma_start3A_206 = arith.constant 3 : i32
      %dma_start3A_207 = arith.constant 0 : i32
      %dma_start3A_208 = arith.constant 0 : i32
      %dma_start3A_209 = tpu.memref_slice %arg9[%dma_start3A_205, %dma_start3A_207, %dma_start3A_208] : memref<8x640x16xf32, #tpu.memory_space<vmem>> -> memref<1x640x16xf32, #tpu.memory_space<vmem>>
      %dma_start3A_210 = tpu.memref_squeeze %dma_start3A_209 : memref<1x640x16xf32, #tpu.memory_space<vmem>> -> memref<640x16xf32, #tpu.memory_space<vmem>>
      %dma_start3A_211 = arith.constant 0 : i32
      %dma_start3A_212 = tpu.memref_slice %arg7[%add3A_204, %dma_start3A_211] : memref<16x640xi32, #tpu.memory_space<vmem>> -> memref<1x640xi32, #tpu.memory_space<vmem>>
      %dma_start3A_213 = tpu.memref_squeeze %dma_start3A_212 : memref<1x640xi32, #tpu.memory_space<vmem>> -> memref<640xi32, #tpu.memory_space<vmem>>
      %dma_start3A_214 = arith.constant 0 : i32
      %dma_start3A_215 = arith.constant 0 : i32
      %dma_start3A_216 = tpu.memref_slice %arg2[%dma_start3A_214, %dma_start3A_215] : memref<10240x16xf32, #tpu.memory_space<hbm>> -> memref<10240x16xf32, #tpu.memory_space<hbm>>
      %dma_start3A_217 = tpu.memref_slice %arg11[%dma_start3A_206] : memref<8x!tpu.dma_semaphore, #tpu.memory_space<semaphore_mem>> -> memref<1x!tpu.dma_semaphore, #tpu.memory_space<semaphore_mem>>
      %dma_start3A_218 = tpu.memref_squeeze %dma_start3A_217 : memref<1x!tpu.dma_semaphore, #tpu.memory_space<semaphore_mem>> -> memref<!tpu.dma_semaphore, #tpu.memory_space<semaphore_mem>>
      tpu.enqueue_indirect_dma source(%dma_start3A_216 : memref<10240x16xf32, #tpu.memory_space<hbm>>) target(%dma_start3A_210 : memref<640x16xf32, #tpu.memory_space<vmem>>) offsets(%dma_start3A_213 : memref<640xi32, #tpu.memory_space<vmem>>) semaphore(%dma_start3A_218 : memref<!tpu.dma_semaphore, #tpu.memory_space<semaphore_mem>>)
      %gt3A_219 = arith.constant 0 : i32
      %gt3A_220 = arith.cmpi sgt, %scan3A_136, %gt3A_219 : i32
      %convert_element_type3A_221 = arith.extui %gt3A_220 : i1 to i32
      %cond3A_222 = arith.constant 0 : i32
      %cond3A_223 = arith.cmpi ne, %convert_element_type3A_221, %cond3A_222 : i32
      scf.if %cond3A_223 {
        %sub3A = arith.constant 8 : i32
        %sub3A_559 = arith.subi %mul3A_138, %sub3A : i32
        %add3A_560 = arith.constant 4 : i32
        %add3A_561 = arith.addi %sub3A_559, %add3A_560 : i32
        %dma_wait3A_562 = arith.constant 4 : i32
        %dma_wait3A_563 = arith.constant 4 : i32
        %dma_wait3A_564 = arith.constant 0 : i32
        %dma_wait3A_565 = arith.constant 0 : i32
        %dma_wait3A_566 = tpu.memref_slice %arg9[%dma_wait3A_562, %dma_wait3A_564, %dma_wait3A_565] : memref<8x640x16xf32, #tpu.memory_space<vmem>> -> memref<1x640x16xf32, #tpu.memory_space<vmem>>
        %dma_wait3A_567 = tpu.memref_squeeze %dma_wait3A_566 : memref<1x640x16xf32, #tpu.memory_space<vmem>> -> memref<640x16xf32, #tpu.memory_space<vmem>>
        %dma_wait3A_568 = arith.constant 0 : i32
        %dma_wait3A_569 = tpu.memref_slice %arg8[%add3A_561, %dma_wait3A_568] : memref<16x640xi32, #tpu.memory_space<vmem>> -> memref<1x640xi32, #tpu.memory_space<vmem>>
        %dma_wait3A_570 = tpu.memref_squeeze %dma_wait3A_569 : memref<1x640xi32, #tpu.memory_space<vmem>> -> memref<640xi32, #tpu.memory_space<vmem>>
        %dma_wait3A_571 = arith.constant 0 : i32
        %dma_wait3A_572 = arith.constant 0 : i32
        %dma_wait3A_573 = tpu.memref_slice %arg10[%dma_wait3A_571, %dma_wait3A_572] : memref<10240x16xf32, #tpu.memory_space<vmem_shared>> -> memref<10240x16xf32, #tpu.memory_space<vmem_shared>>
        %dma_wait3A_574 = tpu.memref_slice %arg12[%dma_wait3A_563] : memref<8x!tpu.dma_semaphore, #tpu.memory_space<semaphore_mem>> -> memref<1x!tpu.dma_semaphore, #tpu.memory_space<semaphore_mem>>
        %dma_wait3A_575 = tpu.memref_squeeze %dma_wait3A_574 : memref<1x!tpu.dma_semaphore, #tpu.memory_space<semaphore_mem>> -> memref<!tpu.dma_semaphore, #tpu.memory_space<semaphore_mem>>
        tpu.wait_indirect_dma semaphore(%dma_wait3A_575 : memref<!tpu.dma_semaphore, #tpu.memory_space<semaphore_mem>>) src(%dma_wait3A_567 : memref<640x16xf32, #tpu.memory_space<vmem>>) dst(%dma_wait3A_573 : memref<10240x16xf32, #tpu.memory_space<vmem_shared>>)
      } else {
      }
      %add3A_224 = arith.constant 4 : i32
      %add3A_225 = arith.addi %mul3A_138, %add3A_224 : i32
      %dma_start3A_226 = arith.constant 4 : i32
      %dma_start3A_227 = arith.constant 4 : i32
      %dma_start3A_228 = arith.constant 0 : i32
      %dma_start3A_229 = arith.constant 0 : i32
      %dma_start3A_230 = tpu.memref_slice %arg9[%dma_start3A_226, %dma_start3A_228, %dma_start3A_229] : memref<8x640x16xf32, #tpu.memory_space<vmem>> -> memref<1x640x16xf32, #tpu.memory_space<vmem>>
      %dma_start3A_231 = tpu.memref_squeeze %dma_start3A_230 : memref<1x640x16xf32, #tpu.memory_space<vmem>> -> memref<640x16xf32, #tpu.memory_space<vmem>>
      %dma_start3A_232 = arith.constant 0 : i32
      %dma_start3A_233 = tpu.memref_slice %arg7[%add3A_225, %dma_start3A_232] : memref<16x640xi32, #tpu.memory_space<vmem>> -> memref<1x640xi32, #tpu.memory_space<vmem>>
      %dma_start3A_234 = tpu.memref_squeeze %dma_start3A_233 : memref<1x640xi32, #tpu.memory_space<vmem>> -> memref<640xi32, #tpu.memory_space<vmem>>
      %dma_start3A_235 = arith.constant 0 : i32
      %dma_start3A_236 = arith.constant 0 : i32
      %dma_start3A_237 = tpu.memref_slice %arg2[%dma_start3A_235, %dma_start3A_236] : memref<10240x16xf32, #tpu.memory_space<hbm>> -> memref<10240x16xf32, #tpu.memory_space<hbm>>
      %dma_start3A_238 = tpu.memref_slice %arg11[%dma_start3A_227] : memref<8x!tpu.dma_semaphore, #tpu.memory_space<semaphore_mem>> -> memref<1x!tpu.dma_semaphore, #tpu.memory_space<semaphore_mem>>
      %dma_start3A_239 = tpu.memref_squeeze %dma_start3A_238 : memref<1x!tpu.dma_semaphore, #tpu.memory_space<semaphore_mem>> -> memref<!tpu.dma_semaphore, #tpu.memory_space<semaphore_mem>>
      tpu.enqueue_indirect_dma source(%dma_start3A_237 : memref<10240x16xf32, #tpu.memory_space<hbm>>) target(%dma_start3A_231 : memref<640x16xf32, #tpu.memory_space<vmem>>) offsets(%dma_start3A_234 : memref<640xi32, #tpu.memory_space<vmem>>) semaphore(%dma_start3A_239 : memref<!tpu.dma_semaphore, #tpu.memory_space<semaphore_mem>>)
      %gt3A_240 = arith.constant 0 : i32
      %gt3A_241 = arith.cmpi sgt, %scan3A_136, %gt3A_240 : i32
      %convert_element_type3A_242 = arith.extui %gt3A_241 : i1 to i32
      %cond3A_243 = arith.constant 0 : i32
      %cond3A_244 = arith.cmpi ne, %convert_element_type3A_242, %cond3A_243 : i32
      scf.if %cond3A_244 {
        %sub3A = arith.constant 8 : i32
        %sub3A_559 = arith.subi %mul3A_138, %sub3A : i32
        %add3A_560 = arith.constant 5 : i32
        %add3A_561 = arith.addi %sub3A_559, %add3A_560 : i32
        %dma_wait3A_562 = arith.constant 5 : i32
        %dma_wait3A_563 = arith.constant 5 : i32
        %dma_wait3A_564 = arith.constant 0 : i32
        %dma_wait3A_565 = arith.constant 0 : i32
        %dma_wait3A_566 = tpu.memref_slice %arg9[%dma_wait3A_562, %dma_wait3A_564, %dma_wait3A_565] : memref<8x640x16xf32, #tpu.memory_space<vmem>> -> memref<1x640x16xf32, #tpu.memory_space<vmem>>
        %dma_wait3A_567 = tpu.memref_squeeze %dma_wait3A_566 : memref<1x640x16xf32, #tpu.memory_space<vmem>> -> memref<640x16xf32, #tpu.memory_space<vmem>>
        %dma_wait3A_568 = arith.constant 0 : i32
        %dma_wait3A_569 = tpu.memref_slice %arg8[%add3A_561, %dma_wait3A_568] : memref<16x640xi32, #tpu.memory_space<vmem>> -> memref<1x640xi32, #tpu.memory_space<vmem>>
        %dma_wait3A_570 = tpu.memref_squeeze %dma_wait3A_569 : memref<1x640xi32, #tpu.memory_space<vmem>> -> memref<640xi32, #tpu.memory_space<vmem>>
        %dma_wait3A_571 = arith.constant 0 : i32
        %dma_wait3A_572 = arith.constant 0 : i32
        %dma_wait3A_573 = tpu.memref_slice %arg10[%dma_wait3A_571, %dma_wait3A_572] : memref<10240x16xf32, #tpu.memory_space<vmem_shared>> -> memref<10240x16xf32, #tpu.memory_space<vmem_shared>>
        %dma_wait3A_574 = tpu.memref_slice %arg12[%dma_wait3A_563] : memref<8x!tpu.dma_semaphore, #tpu.memory_space<semaphore_mem>> -> memref<1x!tpu.dma_semaphore, #tpu.memory_space<semaphore_mem>>
        %dma_wait3A_575 = tpu.memref_squeeze %dma_wait3A_574 : memref<1x!tpu.dma_semaphore, #tpu.memory_space<semaphore_mem>> -> memref<!tpu.dma_semaphore, #tpu.memory_space<semaphore_mem>>
        tpu.wait_indirect_dma semaphore(%dma_wait3A_575 : memref<!tpu.dma_semaphore, #tpu.memory_space<semaphore_mem>>) src(%dma_wait3A_567 : memref<640x16xf32, #tpu.memory_space<vmem>>) dst(%dma_wait3A_573 : memref<10240x16xf32, #tpu.memory_space<vmem_shared>>)
      } else {
      }
      %add3A_245 = arith.constant 5 : i32
      %add3A_246 = arith.addi %mul3A_138, %add3A_245 : i32
      %dma_start3A_247 = arith.constant 5 : i32
      %dma_start3A_248 = arith.constant 5 : i32
      %dma_start3A_249 = arith.constant 0 : i32
      %dma_start3A_250 = arith.constant 0 : i32
      %dma_start3A_251 = tpu.memref_slice %arg9[%dma_start3A_247, %dma_start3A_249, %dma_start3A_250] : memref<8x640x16xf32, #tpu.memory_space<vmem>> -> memref<1x640x16xf32, #tpu.memory_space<vmem>>
      %dma_start3A_252 = tpu.memref_squeeze %dma_start3A_251 : memref<1x640x16xf32, #tpu.memory_space<vmem>> -> memref<640x16xf32, #tpu.memory_space<vmem>>
      %dma_start3A_253 = arith.constant 0 : i32
      %dma_start3A_254 = tpu.memref_slice %arg7[%add3A_246, %dma_start3A_253] : memref<16x640xi32, #tpu.memory_space<vmem>> -> memref<1x640xi32, #tpu.memory_space<vmem>>
      %dma_start3A_255 = tpu.memref_squeeze %dma_start3A_254 : memref<1x640xi32, #tpu.memory_space<vmem>> -> memref<640xi32, #tpu.memory_space<vmem>>
      %dma_start3A_256 = arith.constant 0 : i32
      %dma_start3A_257 = arith.constant 0 : i32
      %dma_start3A_258 = tpu.memref_slice %arg2[%dma_start3A_256, %dma_start3A_257] : memref<10240x16xf32, #tpu.memory_space<hbm>> -> memref<10240x16xf32, #tpu.memory_space<hbm>>
      %dma_start3A_259 = tpu.memref_slice %arg11[%dma_start3A_248] : memref<8x!tpu.dma_semaphore, #tpu.memory_space<semaphore_mem>> -> memref<1x!tpu.dma_semaphore, #tpu.memory_space<semaphore_mem>>
      %dma_start3A_260 = tpu.memref_squeeze %dma_start3A_259 : memref<1x!tpu.dma_semaphore, #tpu.memory_space<semaphore_mem>> -> memref<!tpu.dma_semaphore, #tpu.memory_space<semaphore_mem>>
      tpu.enqueue_indirect_dma source(%dma_start3A_258 : memref<10240x16xf32, #tpu.memory_space<hbm>>) target(%dma_start3A_252 : memref<640x16xf32, #tpu.memory_space<vmem>>) offsets(%dma_start3A_255 : memref<640xi32, #tpu.memory_space<vmem>>) semaphore(%dma_start3A_260 : memref<!tpu.dma_semaphore, #tpu.memory_space<semaphore_mem>>)
      %gt3A_261 = arith.constant 0 : i32
      %gt3A_262 = arith.cmpi sgt, %scan3A_136, %gt3A_261 : i32
      %convert_element_type3A_263 = arith.extui %gt3A_262 : i1 to i32
      %cond3A_264 = arith.constant 0 : i32
      %cond3A_265 = arith.cmpi ne, %convert_element_type3A_263, %cond3A_264 : i32
      scf.if %cond3A_265 {
        %sub3A = arith.constant 8 : i32
        %sub3A_559 = arith.subi %mul3A_138, %sub3A : i32
        %add3A_560 = arith.constant 6 : i32
        %add3A_561 = arith.addi %sub3A_559, %add3A_560 : i32
        %dma_wait3A_562 = arith.constant 6 : i32
        %dma_wait3A_563 = arith.constant 6 : i32
        %dma_wait3A_564 = arith.constant 0 : i32
        %dma_wait3A_565 = arith.constant 0 : i32
        %dma_wait3A_566 = tpu.memref_slice %arg9[%dma_wait3A_562, %dma_wait3A_564, %dma_wait3A_565] : memref<8x640x16xf32, #tpu.memory_space<vmem>> -> memref<1x640x16xf32, #tpu.memory_space<vmem>>
        %dma_wait3A_567 = tpu.memref_squeeze %dma_wait3A_566 : memref<1x640x16xf32, #tpu.memory_space<vmem>> -> memref<640x16xf32, #tpu.memory_space<vmem>>
        %dma_wait3A_568 = arith.constant 0 : i32
        %dma_wait3A_569 = tpu.memref_slice %arg8[%add3A_561, %dma_wait3A_568] : memref<16x640xi32, #tpu.memory_space<vmem>> -> memref<1x640xi32, #tpu.memory_space<vmem>>
        %dma_wait3A_570 = tpu.memref_squeeze %dma_wait3A_569 : memref<1x640xi32, #tpu.memory_space<vmem>> -> memref<640xi32, #tpu.memory_space<vmem>>
        %dma_wait3A_571 = arith.constant 0 : i32
        %dma_wait3A_572 = arith.constant 0 : i32
        %dma_wait3A_573 = tpu.memref_slice %arg10[%dma_wait3A_571, %dma_wait3A_572] : memref<10240x16xf32, #tpu.memory_space<vmem_shared>> -> memref<10240x16xf32, #tpu.memory_space<vmem_shared>>
        %dma_wait3A_574 = tpu.memref_slice %arg12[%dma_wait3A_563] : memref<8x!tpu.dma_semaphore, #tpu.memory_space<semaphore_mem>> -> memref<1x!tpu.dma_semaphore, #tpu.memory_space<semaphore_mem>>
        %dma_wait3A_575 = tpu.memref_squeeze %dma_wait3A_574 : memref<1x!tpu.dma_semaphore, #tpu.memory_space<semaphore_mem>> -> memref<!tpu.dma_semaphore, #tpu.memory_space<semaphore_mem>>
        tpu.wait_indirect_dma semaphore(%dma_wait3A_575 : memref<!tpu.dma_semaphore, #tpu.memory_space<semaphore_mem>>) src(%dma_wait3A_567 : memref<640x16xf32, #tpu.memory_space<vmem>>) dst(%dma_wait3A_573 : memref<10240x16xf32, #tpu.memory_space<vmem_shared>>)
      } else {
      }
      %add3A_266 = arith.constant 6 : i32
      %add3A_267 = arith.addi %mul3A_138, %add3A_266 : i32
      %dma_start3A_268 = arith.constant 6 : i32
      %dma_start3A_269 = arith.constant 6 : i32
      %dma_start3A_270 = arith.constant 0 : i32
      %dma_start3A_271 = arith.constant 0 : i32
      %dma_start3A_272 = tpu.memref_slice %arg9[%dma_start3A_268, %dma_start3A_270, %dma_start3A_271] : memref<8x640x16xf32, #tpu.memory_space<vmem>> -> memref<1x640x16xf32, #tpu.memory_space<vmem>>
      %dma_start3A_273 = tpu.memref_squeeze %dma_start3A_272 : memref<1x640x16xf32, #tpu.memory_space<vmem>> -> memref<640x16xf32, #tpu.memory_space<vmem>>
      %dma_start3A_274 = arith.constant 0 : i32
      %dma_start3A_275 = tpu.memref_slice %arg7[%add3A_267, %dma_start3A_274] : memref<16x640xi32, #tpu.memory_space<vmem>> -> memref<1x640xi32, #tpu.memory_space<vmem>>
      %dma_start3A_276 = tpu.memref_squeeze %dma_start3A_275 : memref<1x640xi32, #tpu.memory_space<vmem>> -> memref<640xi32, #tpu.memory_space<vmem>>
      %dma_start3A_277 = arith.constant 0 : i32
      %dma_start3A_278 = arith.constant 0 : i32
      %dma_start3A_279 = tpu.memref_slice %arg2[%dma_start3A_277, %dma_start3A_278] : memref<10240x16xf32, #tpu.memory_space<hbm>> -> memref<10240x16xf32, #tpu.memory_space<hbm>>
      %dma_start3A_280 = tpu.memref_slice %arg11[%dma_start3A_269] : memref<8x!tpu.dma_semaphore, #tpu.memory_space<semaphore_mem>> -> memref<1x!tpu.dma_semaphore, #tpu.memory_space<semaphore_mem>>
      %dma_start3A_281 = tpu.memref_squeeze %dma_start3A_280 : memref<1x!tpu.dma_semaphore, #tpu.memory_space<semaphore_mem>> -> memref<!tpu.dma_semaphore, #tpu.memory_space<semaphore_mem>>
      tpu.enqueue_indirect_dma source(%dma_start3A_279 : memref<10240x16xf32, #tpu.memory_space<hbm>>) target(%dma_start3A_273 : memref<640x16xf32, #tpu.memory_space<vmem>>) offsets(%dma_start3A_276 : memref<640xi32, #tpu.memory_space<vmem>>) semaphore(%dma_start3A_281 : memref<!tpu.dma_semaphore, #tpu.memory_space<semaphore_mem>>)
      %gt3A_282 = arith.constant 0 : i32
      %gt3A_283 = arith.cmpi sgt, %scan3A_136, %gt3A_282 : i32
      %convert_element_type3A_284 = arith.extui %gt3A_283 : i1 to i32
      %cond3A_285 = arith.constant 0 : i32
      %cond3A_286 = arith.cmpi ne, %convert_element_type3A_284, %cond3A_285 : i32
      scf.if %cond3A_286 {
        %sub3A = arith.constant 8 : i32
        %sub3A_559 = arith.subi %mul3A_138, %sub3A : i32
        %add3A_560 = arith.constant 7 : i32
        %add3A_561 = arith.addi %sub3A_559, %add3A_560 : i32
        %dma_wait3A_562 = arith.constant 7 : i32
        %dma_wait3A_563 = arith.constant 7 : i32
        %dma_wait3A_564 = arith.constant 0 : i32
        %dma_wait3A_565 = arith.constant 0 : i32
        %dma_wait3A_566 = tpu.memref_slice %arg9[%dma_wait3A_562, %dma_wait3A_564, %dma_wait3A_565] : memref<8x640x16xf32, #tpu.memory_space<vmem>> -> memref<1x640x16xf32, #tpu.memory_space<vmem>>
        %dma_wait3A_567 = tpu.memref_squeeze %dma_wait3A_566 : memref<1x640x16xf32, #tpu.memory_space<vmem>> -> memref<640x16xf32, #tpu.memory_space<vmem>>
        %dma_wait3A_568 = arith.constant 0 : i32
        %dma_wait3A_569 = tpu.memref_slice %arg8[%add3A_561, %dma_wait3A_568] : memref<16x640xi32, #tpu.memory_space<vmem>> -> memref<1x640xi32, #tpu.memory_space<vmem>>
        %dma_wait3A_570 = tpu.memref_squeeze %dma_wait3A_569 : memref<1x640xi32, #tpu.memory_space<vmem>> -> memref<640xi32, #tpu.memory_space<vmem>>
        %dma_wait3A_571 = arith.constant 0 : i32
        %dma_wait3A_572 = arith.constant 0 : i32
        %dma_wait3A_573 = tpu.memref_slice %arg10[%dma_wait3A_571, %dma_wait3A_572] : memref<10240x16xf32, #tpu.memory_space<vmem_shared>> -> memref<10240x16xf32, #tpu.memory_space<vmem_shared>>
        %dma_wait3A_574 = tpu.memref_slice %arg12[%dma_wait3A_563] : memref<8x!tpu.dma_semaphore, #tpu.memory_space<semaphore_mem>> -> memref<1x!tpu.dma_semaphore, #tpu.memory_space<semaphore_mem>>
        %dma_wait3A_575 = tpu.memref_squeeze %dma_wait3A_574 : memref<1x!tpu.dma_semaphore, #tpu.memory_space<semaphore_mem>> -> memref<!tpu.dma_semaphore, #tpu.memory_space<semaphore_mem>>
        tpu.wait_indirect_dma semaphore(%dma_wait3A_575 : memref<!tpu.dma_semaphore, #tpu.memory_space<semaphore_mem>>) src(%dma_wait3A_567 : memref<640x16xf32, #tpu.memory_space<vmem>>) dst(%dma_wait3A_573 : memref<10240x16xf32, #tpu.memory_space<vmem_shared>>)
      } else {
      }
      %add3A_287 = arith.constant 7 : i32
      %add3A_288 = arith.addi %mul3A_138, %add3A_287 : i32
      %dma_start3A_289 = arith.constant 7 : i32
      %dma_start3A_290 = arith.constant 7 : i32
      %dma_start3A_291 = arith.constant 0 : i32
      %dma_start3A_292 = arith.constant 0 : i32
      %dma_start3A_293 = tpu.memref_slice %arg9[%dma_start3A_289, %dma_start3A_291, %dma_start3A_292] : memref<8x640x16xf32, #tpu.memory_space<vmem>> -> memref<1x640x16xf32, #tpu.memory_space<vmem>>
      %dma_start3A_294 = tpu.memref_squeeze %dma_start3A_293 : memref<1x640x16xf32, #tpu.memory_space<vmem>> -> memref<640x16xf32, #tpu.memory_space<vmem>>
      %dma_start3A_295 = arith.constant 0 : i32
      %dma_start3A_296 = tpu.memref_slice %arg7[%add3A_288, %dma_start3A_295] : memref<16x640xi32, #tpu.memory_space<vmem>> -> memref<1x640xi32, #tpu.memory_space<vmem>>
      %dma_start3A_297 = tpu.memref_squeeze %dma_start3A_296 : memref<1x640xi32, #tpu.memory_space<vmem>> -> memref<640xi32, #tpu.memory_space<vmem>>
      %dma_start3A_298 = arith.constant 0 : i32
      %dma_start3A_299 = arith.constant 0 : i32
      %dma_start3A_300 = tpu.memref_slice %arg2[%dma_start3A_298, %dma_start3A_299] : memref<10240x16xf32, #tpu.memory_space<hbm>> -> memref<10240x16xf32, #tpu.memory_space<hbm>>
      %dma_start3A_301 = tpu.memref_slice %arg11[%dma_start3A_290] : memref<8x!tpu.dma_semaphore, #tpu.memory_space<semaphore_mem>> -> memref<1x!tpu.dma_semaphore, #tpu.memory_space<semaphore_mem>>
      %dma_start3A_302 = tpu.memref_squeeze %dma_start3A_301 : memref<1x!tpu.dma_semaphore, #tpu.memory_space<semaphore_mem>> -> memref<!tpu.dma_semaphore, #tpu.memory_space<semaphore_mem>>
      tpu.enqueue_indirect_dma source(%dma_start3A_300 : memref<10240x16xf32, #tpu.memory_space<hbm>>) target(%dma_start3A_294 : memref<640x16xf32, #tpu.memory_space<vmem>>) offsets(%dma_start3A_297 : memref<640xi32, #tpu.memory_space<vmem>>) semaphore(%dma_start3A_302 : memref<!tpu.dma_semaphore, #tpu.memory_space<semaphore_mem>>)
      %add3A_303 = arith.constant 0 : i32
      %add3A_304 = arith.addi %mul3A_138, %add3A_303 : i32
      %dma_wait3A_305 = arith.constant 0 : i32
      %dma_wait3A_306 = arith.constant 0 : i32
      %dma_wait3A_307 = arith.constant 0 : i32
      %dma_wait3A_308 = arith.constant 0 : i32
      %dma_wait3A_309 = tpu.memref_slice %arg9[%dma_wait3A_305, %dma_wait3A_307, %dma_wait3A_308] : memref<8x640x16xf32, #tpu.memory_space<vmem>> -> memref<1x640x16xf32, #tpu.memory_space<vmem>>
      %dma_wait3A_310 = tpu.memref_squeeze %dma_wait3A_309 : memref<1x640x16xf32, #tpu.memory_space<vmem>> -> memref<640x16xf32, #tpu.memory_space<vmem>>
      %dma_wait3A_311 = arith.constant 0 : i32
      %dma_wait3A_312 = tpu.memref_slice %arg7[%add3A_304, %dma_wait3A_311] : memref<16x640xi32, #tpu.memory_space<vmem>> -> memref<1x640xi32, #tpu.memory_space<vmem>>
      %dma_wait3A_313 = tpu.memref_squeeze %dma_wait3A_312 : memref<1x640xi32, #tpu.memory_space<vmem>> -> memref<640xi32, #tpu.memory_space<vmem>>
      %dma_wait3A_314 = arith.constant 0 : i32
      %dma_wait3A_315 = arith.constant 0 : i32
      %dma_wait3A_316 = tpu.memref_slice %arg2[%dma_wait3A_314, %dma_wait3A_315] : memref<10240x16xf32, #tpu.memory_space<hbm>> -> memref<10240x16xf32, #tpu.memory_space<hbm>>
      %dma_wait3A_317 = tpu.memref_slice %arg11[%dma_wait3A_306] : memref<8x!tpu.dma_semaphore, #tpu.memory_space<semaphore_mem>> -> memref<1x!tpu.dma_semaphore, #tpu.memory_space<semaphore_mem>>
      %dma_wait3A_318 = tpu.memref_squeeze %dma_wait3A_317 : memref<1x!tpu.dma_semaphore, #tpu.memory_space<semaphore_mem>> -> memref<!tpu.dma_semaphore, #tpu.memory_space<semaphore_mem>>
      tpu.wait_indirect_dma semaphore(%dma_wait3A_318 : memref<!tpu.dma_semaphore, #tpu.memory_space<semaphore_mem>>) src(%dma_wait3A_316 : memref<10240x16xf32, #tpu.memory_space<hbm>>) dst(%dma_wait3A_310 : memref<640x16xf32, #tpu.memory_space<vmem>>)
      %add3A_319 = arith.constant 0 : i32
      %add3A_320 = arith.addi %mul3A_138, %add3A_319 : i32
      %dma_start3A_321 = arith.constant 0 : i32
      %dma_start3A_322 = arith.constant 0 : i32
      %dma_start3A_323 = arith.constant 0 : i32
      %dma_start3A_324 = arith.constant 0 : i32
      %dma_start3A_325 = tpu.memref_slice %arg9[%dma_start3A_321, %dma_start3A_323, %dma_start3A_324] : memref<8x640x16xf32, #tpu.memory_space<vmem>> -> memref<1x640x16xf32, #tpu.memory_space<vmem>>
      %dma_start3A_326 = tpu.memref_squeeze %dma_start3A_325 : memref<1x640x16xf32, #tpu.memory_space<vmem>> -> memref<640x16xf32, #tpu.memory_space<vmem>>
      %dma_start3A_327 = arith.constant 0 : i32
      %dma_start3A_328 = tpu.memref_slice %arg8[%add3A_320, %dma_start3A_327] : memref<16x640xi32, #tpu.memory_space<vmem>> -> memref<1x640xi32, #tpu.memory_space<vmem>>
      %dma_start3A_329 = tpu.memref_squeeze %dma_start3A_328 : memref<1x640xi32, #tpu.memory_space<vmem>> -> memref<640xi32, #tpu.memory_space<vmem>>
      %dma_start3A_330 = arith.constant 0 : i32
      %dma_start3A_331 = arith.constant 0 : i32
      %dma_start3A_332 = tpu.memref_slice %arg10[%dma_start3A_330, %dma_start3A_331] : memref<10240x16xf32, #tpu.memory_space<vmem_shared>> -> memref<10240x16xf32, #tpu.memory_space<vmem_shared>>
      %dma_start3A_333 = tpu.memref_slice %arg12[%dma_start3A_322] : memref<8x!tpu.dma_semaphore, #tpu.memory_space<semaphore_mem>> -> memref<1x!tpu.dma_semaphore, #tpu.memory_space<semaphore_mem>>
      %dma_start3A_334 = tpu.memref_squeeze %dma_start3A_333 : memref<1x!tpu.dma_semaphore, #tpu.memory_space<semaphore_mem>> -> memref<!tpu.dma_semaphore, #tpu.memory_space<semaphore_mem>>
      tpu.enqueue_indirect_dma source(%dma_start3A_326 : memref<640x16xf32, #tpu.memory_space<vmem>>) target(%dma_start3A_332 : memref<10240x16xf32, #tpu.memory_space<vmem_shared>>) offsets(%dma_start3A_329 : memref<640xi32, #tpu.memory_space<vmem>>) semaphore(%dma_start3A_334 : memref<!tpu.dma_semaphore, #tpu.memory_space<semaphore_mem>>) {add = true}
      %add3A_335 = arith.constant 1 : i32
      %add3A_336 = arith.addi %mul3A_138, %add3A_335 : i32
      %dma_wait3A_337 = arith.constant 1 : i32
      %dma_wait3A_338 = arith.constant 1 : i32
      %dma_wait3A_339 = arith.constant 0 : i32
      %dma_wait3A_340 = arith.constant 0 : i32
      %dma_wait3A_341 = tpu.memref_slice %arg9[%dma_wait3A_337, %dma_wait3A_339, %dma_wait3A_340] : memref<8x640x16xf32, #tpu.memory_space<vmem>> -> memref<1x640x16xf32, #tpu.memory_space<vmem>>
      %dma_wait3A_342 = tpu.memref_squeeze %dma_wait3A_341 : memref<1x640x16xf32, #tpu.memory_space<vmem>> -> memref<640x16xf32, #tpu.memory_space<vmem>>
      %dma_wait3A_343 = arith.constant 0 : i32
      %dma_wait3A_344 = tpu.memref_slice %arg7[%add3A_336, %dma_wait3A_343] : memref<16x640xi32, #tpu.memory_space<vmem>> -> memref<1x640xi32, #tpu.memory_space<vmem>>
      %dma_wait3A_345 = tpu.memref_squeeze %dma_wait3A_344 : memref<1x640xi32, #tpu.memory_space<vmem>> -> memref<640xi32, #tpu.memory_space<vmem>>
      %dma_wait3A_346 = arith.constant 0 : i32
      %dma_wait3A_347 = arith.constant 0 : i32
      %dma_wait3A_348 = tpu.memref_slice %arg2[%dma_wait3A_346, %dma_wait3A_347] : memref<10240x16xf32, #tpu.memory_space<hbm>> -> memref<10240x16xf32, #tpu.memory_space<hbm>>
      %dma_wait3A_349 = tpu.memref_slice %arg11[%dma_wait3A_338] : memref<8x!tpu.dma_semaphore, #tpu.memory_space<semaphore_mem>> -> memref<1x!tpu.dma_semaphore, #tpu.memory_space<semaphore_mem>>
      %dma_wait3A_350 = tpu.memref_squeeze %dma_wait3A_349 : memref<1x!tpu.dma_semaphore, #tpu.memory_space<semaphore_mem>> -> memref<!tpu.dma_semaphore, #tpu.memory_space<semaphore_mem>>
      tpu.wait_indirect_dma semaphore(%dma_wait3A_350 : memref<!tpu.dma_semaphore, #tpu.memory_space<semaphore_mem>>) src(%dma_wait3A_348 : memref<10240x16xf32, #tpu.memory_space<hbm>>) dst(%dma_wait3A_342 : memref<640x16xf32, #tpu.memory_space<vmem>>)
      %add3A_351 = arith.constant 1 : i32
      %add3A_352 = arith.addi %mul3A_138, %add3A_351 : i32
      %dma_start3A_353 = arith.constant 1 : i32
      %dma_start3A_354 = arith.constant 1 : i32
      %dma_start3A_355 = arith.constant 0 : i32
      %dma_start3A_356 = arith.constant 0 : i32
      %dma_start3A_357 = tpu.memref_slice %arg9[%dma_start3A_353, %dma_start3A_355, %dma_start3A_356] : memref<8x640x16xf32, #tpu.memory_space<vmem>> -> memref<1x640x16xf32, #tpu.memory_space<vmem>>
      %dma_start3A_358 = tpu.memref_squeeze %dma_start3A_357 : memref<1x640x16xf32, #tpu.memory_space<vmem>> -> memref<640x16xf32, #tpu.memory_space<vmem>>
      %dma_start3A_359 = arith.constant 0 : i32
      %dma_start3A_360 = tpu.memref_slice %arg8[%add3A_352, %dma_start3A_359] : memref<16x640xi32, #tpu.memory_space<vmem>> -> memref<1x640xi32, #tpu.memory_space<vmem>>
      %dma_start3A_361 = tpu.memref_squeeze %dma_start3A_360 : memref<1x640xi32, #tpu.memory_space<vmem>> -> memref<640xi32, #tpu.memory_space<vmem>>
      %dma_start3A_362 = arith.constant 0 : i32
      %dma_start3A_363 = arith.constant 0 : i32
      %dma_start3A_364 = tpu.memref_slice %arg10[%dma_start3A_362, %dma_start3A_363] : memref<10240x16xf32, #tpu.memory_space<vmem_shared>> -> memref<10240x16xf32, #tpu.memory_space<vmem_shared>>
      %dma_start3A_365 = tpu.memref_slice %arg12[%dma_start3A_354] : memref<8x!tpu.dma_semaphore, #tpu.memory_space<semaphore_mem>> -> memref<1x!tpu.dma_semaphore, #tpu.memory_space<semaphore_mem>>
      %dma_start3A_366 = tpu.memref_squeeze %dma_start3A_365 : memref<1x!tpu.dma_semaphore, #tpu.memory_space<semaphore_mem>> -> memref<!tpu.dma_semaphore, #tpu.memory_space<semaphore_mem>>
      tpu.enqueue_indirect_dma source(%dma_start3A_358 : memref<640x16xf32, #tpu.memory_space<vmem>>) target(%dma_start3A_364 : memref<10240x16xf32, #tpu.memory_space<vmem_shared>>) offsets(%dma_start3A_361 : memref<640xi32, #tpu.memory_space<vmem>>) semaphore(%dma_start3A_366 : memref<!tpu.dma_semaphore, #tpu.memory_space<semaphore_mem>>) {add = true}
      %add3A_367 = arith.constant 2 : i32
      %add3A_368 = arith.addi %mul3A_138, %add3A_367 : i32
      %dma_wait3A_369 = arith.constant 2 : i32
      %dma_wait3A_370 = arith.constant 2 : i32
      %dma_wait3A_371 = arith.constant 0 : i32
      %dma_wait3A_372 = arith.constant 0 : i32
      %dma_wait3A_373 = tpu.memref_slice %arg9[%dma_wait3A_369, %dma_wait3A_371, %dma_wait3A_372] : memref<8x640x16xf32, #tpu.memory_space<vmem>> -> memref<1x640x16xf32, #tpu.memory_space<vmem>>
      %dma_wait3A_374 = tpu.memref_squeeze %dma_wait3A_373 : memref<1x640x16xf32, #tpu.memory_space<vmem>> -> memref<640x16xf32, #tpu.memory_space<vmem>>
      %dma_wait3A_375 = arith.constant 0 : i32
      %dma_wait3A_376 = tpu.memref_slice %arg7[%add3A_368, %dma_wait3A_375] : memref<16x640xi32, #tpu.memory_space<vmem>> -> memref<1x640xi32, #tpu.memory_space<vmem>>
      %dma_wait3A_377 = tpu.memref_squeeze %dma_wait3A_376 : memref<1x640xi32, #tpu.memory_space<vmem>> -> memref<640xi32, #tpu.memory_space<vmem>>
      %dma_wait3A_378 = arith.constant 0 : i32
      %dma_wait3A_379 = arith.constant 0 : i32
      %dma_wait3A_380 = tpu.memref_slice %arg2[%dma_wait3A_378, %dma_wait3A_379] : memref<10240x16xf32, #tpu.memory_space<hbm>> -> memref<10240x16xf32, #tpu.memory_space<hbm>>
      %dma_wait3A_381 = tpu.memref_slice %arg11[%dma_wait3A_370] : memref<8x!tpu.dma_semaphore, #tpu.memory_space<semaphore_mem>> -> memref<1x!tpu.dma_semaphore, #tpu.memory_space<semaphore_mem>>
      %dma_wait3A_382 = tpu.memref_squeeze %dma_wait3A_381 : memref<1x!tpu.dma_semaphore, #tpu.memory_space<semaphore_mem>> -> memref<!tpu.dma_semaphore, #tpu.memory_space<semaphore_mem>>
      tpu.wait_indirect_dma semaphore(%dma_wait3A_382 : memref<!tpu.dma_semaphore, #tpu.memory_space<semaphore_mem>>) src(%dma_wait3A_380 : memref<10240x16xf32, #tpu.memory_space<hbm>>) dst(%dma_wait3A_374 : memref<640x16xf32, #tpu.memory_space<vmem>>)
      %add3A_383 = arith.constant 2 : i32
      %add3A_384 = arith.addi %mul3A_138, %add3A_383 : i32
      %dma_start3A_385 = arith.constant 2 : i32
      %dma_start3A_386 = arith.constant 2 : i32
      %dma_start3A_387 = arith.constant 0 : i32
      %dma_start3A_388 = arith.constant 0 : i32
      %dma_start3A_389 = tpu.memref_slice %arg9[%dma_start3A_385, %dma_start3A_387, %dma_start3A_388] : memref<8x640x16xf32, #tpu.memory_space<vmem>> -> memref<1x640x16xf32, #tpu.memory_space<vmem>>
      %dma_start3A_390 = tpu.memref_squeeze %dma_start3A_389 : memref<1x640x16xf32, #tpu.memory_space<vmem>> -> memref<640x16xf32, #tpu.memory_space<vmem>>
      %dma_start3A_391 = arith.constant 0 : i32
      %dma_start3A_392 = tpu.memref_slice %arg8[%add3A_384, %dma_start3A_391] : memref<16x640xi32, #tpu.memory_space<vmem>> -> memref<1x640xi32, #tpu.memory_space<vmem>>
      %dma_start3A_393 = tpu.memref_squeeze %dma_start3A_392 : memref<1x640xi32, #tpu.memory_space<vmem>> -> memref<640xi32, #tpu.memory_space<vmem>>
      %dma_start3A_394 = arith.constant 0 : i32
      %dma_start3A_395 = arith.constant 0 : i32
      %dma_start3A_396 = tpu.memref_slice %arg10[%dma_start3A_394, %dma_start3A_395] : memref<10240x16xf32, #tpu.memory_space<vmem_shared>> -> memref<10240x16xf32, #tpu.memory_space<vmem_shared>>
      %dma_start3A_397 = tpu.memref_slice %arg12[%dma_start3A_386] : memref<8x!tpu.dma_semaphore, #tpu.memory_space<semaphore_mem>> -> memref<1x!tpu.dma_semaphore, #tpu.memory_space<semaphore_mem>>
      %dma_start3A_398 = tpu.memref_squeeze %dma_start3A_397 : memref<1x!tpu.dma_semaphore, #tpu.memory_space<semaphore_mem>> -> memref<!tpu.dma_semaphore, #tpu.memory_space<semaphore_mem>>
      tpu.enqueue_indirect_dma source(%dma_start3A_390 : memref<640x16xf32, #tpu.memory_space<vmem>>) target(%dma_start3A_396 : memref<10240x16xf32, #tpu.memory_space<vmem_shared>>) offsets(%dma_start3A_393 : memref<640xi32, #tpu.memory_space<vmem>>) semaphore(%dma_start3A_398 : memref<!tpu.dma_semaphore, #tpu.memory_space<semaphore_mem>>) {add = true}
      %add3A_399 = arith.constant 3 : i32
      %add3A_400 = arith.addi %mul3A_138, %add3A_399 : i32
      %dma_wait3A_401 = arith.constant 3 : i32
      %dma_wait3A_402 = arith.constant 3 : i32
      %dma_wait3A_403 = arith.constant 0 : i32
      %dma_wait3A_404 = arith.constant 0 : i32
      %dma_wait3A_405 = tpu.memref_slice %arg9[%dma_wait3A_401, %dma_wait3A_403, %dma_wait3A_404] : memref<8x640x16xf32, #tpu.memory_space<vmem>> -> memref<1x640x16xf32, #tpu.memory_space<vmem>>
      %dma_wait3A_406 = tpu.memref_squeeze %dma_wait3A_405 : memref<1x640x16xf32, #tpu.memory_space<vmem>> -> memref<640x16xf32, #tpu.memory_space<vmem>>
      %dma_wait3A_407 = arith.constant 0 : i32
      %dma_wait3A_408 = tpu.memref_slice %arg7[%add3A_400, %dma_wait3A_407] : memref<16x640xi32, #tpu.memory_space<vmem>> -> memref<1x640xi32, #tpu.memory_space<vmem>>
      %dma_wait3A_409 = tpu.memref_squeeze %dma_wait3A_408 : memref<1x640xi32, #tpu.memory_space<vmem>> -> memref<640xi32, #tpu.memory_space<vmem>>
      %dma_wait3A_410 = arith.constant 0 : i32
      %dma_wait3A_411 = arith.constant 0 : i32
      %dma_wait3A_412 = tpu.memref_slice %arg2[%dma_wait3A_410, %dma_wait3A_411] : memref<10240x16xf32, #tpu.memory_space<hbm>> -> memref<10240x16xf32, #tpu.memory_space<hbm>>
      %dma_wait3A_413 = tpu.memref_slice %arg11[%dma_wait3A_402] : memref<8x!tpu.dma_semaphore, #tpu.memory_space<semaphore_mem>> -> memref<1x!tpu.dma_semaphore, #tpu.memory_space<semaphore_mem>>
      %dma_wait3A_414 = tpu.memref_squeeze %dma_wait3A_413 : memref<1x!tpu.dma_semaphore, #tpu.memory_space<semaphore_mem>> -> memref<!tpu.dma_semaphore, #tpu.memory_space<semaphore_mem>>
      tpu.wait_indirect_dma semaphore(%dma_wait3A_414 : memref<!tpu.dma_semaphore, #tpu.memory_space<semaphore_mem>>) src(%dma_wait3A_412 : memref<10240x16xf32, #tpu.memory_space<hbm>>) dst(%dma_wait3A_406 : memref<640x16xf32, #tpu.memory_space<vmem>>)
      %add3A_415 = arith.constant 3 : i32
      %add3A_416 = arith.addi %mul3A_138, %add3A_415 : i32
      %dma_start3A_417 = arith.constant 3 : i32
      %dma_start3A_418 = arith.constant 3 : i32
      %dma_start3A_419 = arith.constant 0 : i32
      %dma_start3A_420 = arith.constant 0 : i32
      %dma_start3A_421 = tpu.memref_slice %arg9[%dma_start3A_417, %dma_start3A_419, %dma_start3A_420] : memref<8x640x16xf32, #tpu.memory_space<vmem>> -> memref<1x640x16xf32, #tpu.memory_space<vmem>>
      %dma_start3A_422 = tpu.memref_squeeze %dma_start3A_421 : memref<1x640x16xf32, #tpu.memory_space<vmem>> -> memref<640x16xf32, #tpu.memory_space<vmem>>
      %dma_start3A_423 = arith.constant 0 : i32
      %dma_start3A_424 = tpu.memref_slice %arg8[%add3A_416, %dma_start3A_423] : memref<16x640xi32, #tpu.memory_space<vmem>> -> memref<1x640xi32, #tpu.memory_space<vmem>>
      %dma_start3A_425 = tpu.memref_squeeze %dma_start3A_424 : memref<1x640xi32, #tpu.memory_space<vmem>> -> memref<640xi32, #tpu.memory_space<vmem>>
      %dma_start3A_426 = arith.constant 0 : i32
      %dma_start3A_427 = arith.constant 0 : i32
      %dma_start3A_428 = tpu.memref_slice %arg10[%dma_start3A_426, %dma_start3A_427] : memref<10240x16xf32, #tpu.memory_space<vmem_shared>> -> memref<10240x16xf32, #tpu.memory_space<vmem_shared>>
      %dma_start3A_429 = tpu.memref_slice %arg12[%dma_start3A_418] : memref<8x!tpu.dma_semaphore, #tpu.memory_space<semaphore_mem>> -> memref<1x!tpu.dma_semaphore, #tpu.memory_space<semaphore_mem>>
      %dma_start3A_430 = tpu.memref_squeeze %dma_start3A_429 : memref<1x!tpu.dma_semaphore, #tpu.memory_space<semaphore_mem>> -> memref<!tpu.dma_semaphore, #tpu.memory_space<semaphore_mem>>
      tpu.enqueue_indirect_dma source(%dma_start3A_422 : memref<640x16xf32, #tpu.memory_space<vmem>>) target(%dma_start3A_428 : memref<10240x16xf32, #tpu.memory_space<vmem_shared>>) offsets(%dma_start3A_425 : memref<640xi32, #tpu.memory_space<vmem>>) semaphore(%dma_start3A_430 : memref<!tpu.dma_semaphore, #tpu.memory_space<semaphore_mem>>) {add = true}
      %add3A_431 = arith.constant 4 : i32
      %add3A_432 = arith.addi %mul3A_138, %add3A_431 : i32
      %dma_wait3A_433 = arith.constant 4 : i32
      %dma_wait3A_434 = arith.constant 4 : i32
      %dma_wait3A_435 = arith.constant 0 : i32
      %dma_wait3A_436 = arith.constant 0 : i32
      %dma_wait3A_437 = tpu.memref_slice %arg9[%dma_wait3A_433, %dma_wait3A_435, %dma_wait3A_436] : memref<8x640x16xf32, #tpu.memory_space<vmem>> -> memref<1x640x16xf32, #tpu.memory_space<vmem>>
      %dma_wait3A_438 = tpu.memref_squeeze %dma_wait3A_437 : memref<1x640x16xf32, #tpu.memory_space<vmem>> -> memref<640x16xf32, #tpu.memory_space<vmem>>
      %dma_wait3A_439 = arith.constant 0 : i32
      %dma_wait3A_440 = tpu.memref_slice %arg7[%add3A_432, %dma_wait3A_439] : memref<16x640xi32, #tpu.memory_space<vmem>> -> memref<1x640xi32, #tpu.memory_space<vmem>>
      %dma_wait3A_441 = tpu.memref_squeeze %dma_wait3A_440 : memref<1x640xi32, #tpu.memory_space<vmem>> -> memref<640xi32, #tpu.memory_space<vmem>>
      %dma_wait3A_442 = arith.constant 0 : i32
      %dma_wait3A_443 = arith.constant 0 : i32
      %dma_wait3A_444 = tpu.memref_slice %arg2[%dma_wait3A_442, %dma_wait3A_443] : memref<10240x16xf32, #tpu.memory_space<hbm>> -> memref<10240x16xf32, #tpu.memory_space<hbm>>
      %dma_wait3A_445 = tpu.memref_slice %arg11[%dma_wait3A_434] : memref<8x!tpu.dma_semaphore, #tpu.memory_space<semaphore_mem>> -> memref<1x!tpu.dma_semaphore, #tpu.memory_space<semaphore_mem>>
      %dma_wait3A_446 = tpu.memref_squeeze %dma_wait3A_445 : memref<1x!tpu.dma_semaphore, #tpu.memory_space<semaphore_mem>> -> memref<!tpu.dma_semaphore, #tpu.memory_space<semaphore_mem>>
      tpu.wait_indirect_dma semaphore(%dma_wait3A_446 : memref<!tpu.dma_semaphore, #tpu.memory_space<semaphore_mem>>) src(%dma_wait3A_444 : memref<10240x16xf32, #tpu.memory_space<hbm>>) dst(%dma_wait3A_438 : memref<640x16xf32, #tpu.memory_space<vmem>>)
      %add3A_447 = arith.constant 4 : i32
      %add3A_448 = arith.addi %mul3A_138, %add3A_447 : i32
      %dma_start3A_449 = arith.constant 4 : i32
      %dma_start3A_450 = arith.constant 4 : i32
      %dma_start3A_451 = arith.constant 0 : i32
      %dma_start3A_452 = arith.constant 0 : i32
      %dma_start3A_453 = tpu.memref_slice %arg9[%dma_start3A_449, %dma_start3A_451, %dma_start3A_452] : memref<8x640x16xf32, #tpu.memory_space<vmem>> -> memref<1x640x16xf32, #tpu.memory_space<vmem>>
      %dma_start3A_454 = tpu.memref_squeeze %dma_start3A_453 : memref<1x640x16xf32, #tpu.memory_space<vmem>> -> memref<640x16xf32, #tpu.memory_space<vmem>>
      %dma_start3A_455 = arith.constant 0 : i32
      %dma_start3A_456 = tpu.memref_slice %arg8[%add3A_448, %dma_start3A_455] : memref<16x640xi32, #tpu.memory_space<vmem>> -> memref<1x640xi32, #tpu.memory_space<vmem>>
      %dma_start3A_457 = tpu.memref_squeeze %dma_start3A_456 : memref<1x640xi32, #tpu.memory_space<vmem>> -> memref<640xi32, #tpu.memory_space<vmem>>
      %dma_start3A_458 = arith.constant 0 : i32
      %dma_start3A_459 = arith.constant 0 : i32
      %dma_start3A_460 = tpu.memref_slice %arg10[%dma_start3A_458, %dma_start3A_459] : memref<10240x16xf32, #tpu.memory_space<vmem_shared>> -> memref<10240x16xf32, #tpu.memory_space<vmem_shared>>
      %dma_start3A_461 = tpu.memref_slice %arg12[%dma_start3A_450] : memref<8x!tpu.dma_semaphore, #tpu.memory_space<semaphore_mem>> -> memref<1x!tpu.dma_semaphore, #tpu.memory_space<semaphore_mem>>
      %dma_start3A_462 = tpu.memref_squeeze %dma_start3A_461 : memref<1x!tpu.dma_semaphore, #tpu.memory_space<semaphore_mem>> -> memref<!tpu.dma_semaphore, #tpu.memory_space<semaphore_mem>>
      tpu.enqueue_indirect_dma source(%dma_start3A_454 : memref<640x16xf32, #tpu.memory_space<vmem>>) target(%dma_start3A_460 : memref<10240x16xf32, #tpu.memory_space<vmem_shared>>) offsets(%dma_start3A_457 : memref<640xi32, #tpu.memory_space<vmem>>) semaphore(%dma_start3A_462 : memref<!tpu.dma_semaphore, #tpu.memory_space<semaphore_mem>>) {add = true}
      %add3A_463 = arith.constant 5 : i32
      %add3A_464 = arith.addi %mul3A_138, %add3A_463 : i32
      %dma_wait3A_465 = arith.constant 5 : i32
      %dma_wait3A_466 = arith.constant 5 : i32
      %dma_wait3A_467 = arith.constant 0 : i32
      %dma_wait3A_468 = arith.constant 0 : i32
      %dma_wait3A_469 = tpu.memref_slice %arg9[%dma_wait3A_465, %dma_wait3A_467, %dma_wait3A_468] : memref<8x640x16xf32, #tpu.memory_space<vmem>> -> memref<1x640x16xf32, #tpu.memory_space<vmem>>
      %dma_wait3A_470 = tpu.memref_squeeze %dma_wait3A_469 : memref<1x640x16xf32, #tpu.memory_space<vmem>> -> memref<640x16xf32, #tpu.memory_space<vmem>>
      %dma_wait3A_471 = arith.constant 0 : i32
      %dma_wait3A_472 = tpu.memref_slice %arg7[%add3A_464, %dma_wait3A_471] : memref<16x640xi32, #tpu.memory_space<vmem>> -> memref<1x640xi32, #tpu.memory_space<vmem>>
      %dma_wait3A_473 = tpu.memref_squeeze %dma_wait3A_472 : memref<1x640xi32, #tpu.memory_space<vmem>> -> memref<640xi32, #tpu.memory_space<vmem>>
      %dma_wait3A_474 = arith.constant 0 : i32
      %dma_wait3A_475 = arith.constant 0 : i32
      %dma_wait3A_476 = tpu.memref_slice %arg2[%dma_wait3A_474, %dma_wait3A_475] : memref<10240x16xf32, #tpu.memory_space<hbm>> -> memref<10240x16xf32, #tpu.memory_space<hbm>>
      %dma_wait3A_477 = tpu.memref_slice %arg11[%dma_wait3A_466] : memref<8x!tpu.dma_semaphore, #tpu.memory_space<semaphore_mem>> -> memref<1x!tpu.dma_semaphore, #tpu.memory_space<semaphore_mem>>
      %dma_wait3A_478 = tpu.memref_squeeze %dma_wait3A_477 : memref<1x!tpu.dma_semaphore, #tpu.memory_space<semaphore_mem>> -> memref<!tpu.dma_semaphore, #tpu.memory_space<semaphore_mem>>
      tpu.wait_indirect_dma semaphore(%dma_wait3A_478 : memref<!tpu.dma_semaphore, #tpu.memory_space<semaphore_mem>>) src(%dma_wait3A_476 : memref<10240x16xf32, #tpu.memory_space<hbm>>) dst(%dma_wait3A_470 : memref<640x16xf32, #tpu.memory_space<vmem>>)
      %add3A_479 = arith.constant 5 : i32
      %add3A_480 = arith.addi %mul3A_138, %add3A_479 : i32
      %dma_start3A_481 = arith.constant 5 : i32
      %dma_start3A_482 = arith.constant 5 : i32
      %dma_start3A_483 = arith.constant 0 : i32
      %dma_start3A_484 = arith.constant 0 : i32
      %dma_start3A_485 = tpu.memref_slice %arg9[%dma_start3A_481, %dma_start3A_483, %dma_start3A_484] : memref<8x640x16xf32, #tpu.memory_space<vmem>> -> memref<1x640x16xf32, #tpu.memory_space<vmem>>
      %dma_start3A_486 = tpu.memref_squeeze %dma_start3A_485 : memref<1x640x16xf32, #tpu.memory_space<vmem>> -> memref<640x16xf32, #tpu.memory_space<vmem>>
      %dma_start3A_487 = arith.constant 0 : i32
      %dma_start3A_488 = tpu.memref_slice %arg8[%add3A_480, %dma_start3A_487] : memref<16x640xi32, #tpu.memory_space<vmem>> -> memref<1x640xi32, #tpu.memory_space<vmem>>
      %dma_start3A_489 = tpu.memref_squeeze %dma_start3A_488 : memref<1x640xi32, #tpu.memory_space<vmem>> -> memref<640xi32, #tpu.memory_space<vmem>>
      %dma_start3A_490 = arith.constant 0 : i32
      %dma_start3A_491 = arith.constant 0 : i32
      %dma_start3A_492 = tpu.memref_slice %arg10[%dma_start3A_490, %dma_start3A_491] : memref<10240x16xf32, #tpu.memory_space<vmem_shared>> -> memref<10240x16xf32, #tpu.memory_space<vmem_shared>>
      %dma_start3A_493 = tpu.memref_slice %arg12[%dma_start3A_482] : memref<8x!tpu.dma_semaphore, #tpu.memory_space<semaphore_mem>> -> memref<1x!tpu.dma_semaphore, #tpu.memory_space<semaphore_mem>>
      %dma_start3A_494 = tpu.memref_squeeze %dma_start3A_493 : memref<1x!tpu.dma_semaphore, #tpu.memory_space<semaphore_mem>> -> memref<!tpu.dma_semaphore, #tpu.memory_space<semaphore_mem>>
      tpu.enqueue_indirect_dma source(%dma_start3A_486 : memref<640x16xf32, #tpu.memory_space<vmem>>) target(%dma_start3A_492 : memref<10240x16xf32, #tpu.memory_space<vmem_shared>>) offsets(%dma_start3A_489 : memref<640xi32, #tpu.memory_space<vmem>>) semaphore(%dma_start3A_494 : memref<!tpu.dma_semaphore, #tpu.memory_space<semaphore_mem>>) {add = true}
      %add3A_495 = arith.constant 6 : i32
      %add3A_496 = arith.addi %mul3A_138, %add3A_495 : i32
      %dma_wait3A_497 = arith.constant 6 : i32
      %dma_wait3A_498 = arith.constant 6 : i32
      %dma_wait3A_499 = arith.constant 0 : i32
      %dma_wait3A_500 = arith.constant 0 : i32
      %dma_wait3A_501 = tpu.memref_slice %arg9[%dma_wait3A_497, %dma_wait3A_499, %dma_wait3A_500] : memref<8x640x16xf32, #tpu.memory_space<vmem>> -> memref<1x640x16xf32, #tpu.memory_space<vmem>>
      %dma_wait3A_502 = tpu.memref_squeeze %dma_wait3A_501 : memref<1x640x16xf32, #tpu.memory_space<vmem>> -> memref<640x16xf32, #tpu.memory_space<vmem>>
      %dma_wait3A_503 = arith.constant 0 : i32
      %dma_wait3A_504 = tpu.memref_slice %arg7[%add3A_496, %dma_wait3A_503] : memref<16x640xi32, #tpu.memory_space<vmem>> -> memref<1x640xi32, #tpu.memory_space<vmem>>
      %dma_wait3A_505 = tpu.memref_squeeze %dma_wait3A_504 : memref<1x640xi32, #tpu.memory_space<vmem>> -> memref<640xi32, #tpu.memory_space<vmem>>
      %dma_wait3A_506 = arith.constant 0 : i32
      %dma_wait3A_507 = arith.constant 0 : i32
      %dma_wait3A_508 = tpu.memref_slice %arg2[%dma_wait3A_506, %dma_wait3A_507] : memref<10240x16xf32, #tpu.memory_space<hbm>> -> memref<10240x16xf32, #tpu.memory_space<hbm>>
      %dma_wait3A_509 = tpu.memref_slice %arg11[%dma_wait3A_498] : memref<8x!tpu.dma_semaphore, #tpu.memory_space<semaphore_mem>> -> memref<1x!tpu.dma_semaphore, #tpu.memory_space<semaphore_mem>>
      %dma_wait3A_510 = tpu.memref_squeeze %dma_wait3A_509 : memref<1x!tpu.dma_semaphore, #tpu.memory_space<semaphore_mem>> -> memref<!tpu.dma_semaphore, #tpu.memory_space<semaphore_mem>>
      tpu.wait_indirect_dma semaphore(%dma_wait3A_510 : memref<!tpu.dma_semaphore, #tpu.memory_space<semaphore_mem>>) src(%dma_wait3A_508 : memref<10240x16xf32, #tpu.memory_space<hbm>>) dst(%dma_wait3A_502 : memref<640x16xf32, #tpu.memory_space<vmem>>)
      %add3A_511 = arith.constant 6 : i32
      %add3A_512 = arith.addi %mul3A_138, %add3A_511 : i32
      %dma_start3A_513 = arith.constant 6 : i32
      %dma_start3A_514 = arith.constant 6 : i32
      %dma_start3A_515 = arith.constant 0 : i32
      %dma_start3A_516 = arith.constant 0 : i32
      %dma_start3A_517 = tpu.memref_slice %arg9[%dma_start3A_513, %dma_start3A_515, %dma_start3A_516] : memref<8x640x16xf32, #tpu.memory_space<vmem>> -> memref<1x640x16xf32, #tpu.memory_space<vmem>>
      %dma_start3A_518 = tpu.memref_squeeze %dma_start3A_517 : memref<1x640x16xf32, #tpu.memory_space<vmem>> -> memref<640x16xf32, #tpu.memory_space<vmem>>
      %dma_start3A_519 = arith.constant 0 : i32
      %dma_start3A_520 = tpu.memref_slice %arg8[%add3A_512, %dma_start3A_519] : memref<16x640xi32, #tpu.memory_space<vmem>> -> memref<1x640xi32, #tpu.memory_space<vmem>>
      %dma_start3A_521 = tpu.memref_squeeze %dma_start3A_520 : memref<1x640xi32, #tpu.memory_space<vmem>> -> memref<640xi32, #tpu.memory_space<vmem>>
      %dma_start3A_522 = arith.constant 0 : i32
      %dma_start3A_523 = arith.constant 0 : i32
      %dma_start3A_524 = tpu.memref_slice %arg10[%dma_start3A_522, %dma_start3A_523] : memref<10240x16xf32, #tpu.memory_space<vmem_shared>> -> memref<10240x16xf32, #tpu.memory_space<vmem_shared>>
      %dma_start3A_525 = tpu.memref_slice %arg12[%dma_start3A_514] : memref<8x!tpu.dma_semaphore, #tpu.memory_space<semaphore_mem>> -> memref<1x!tpu.dma_semaphore, #tpu.memory_space<semaphore_mem>>
      %dma_start3A_526 = tpu.memref_squeeze %dma_start3A_525 : memref<1x!tpu.dma_semaphore, #tpu.memory_space<semaphore_mem>> -> memref<!tpu.dma_semaphore, #tpu.memory_space<semaphore_mem>>
      tpu.enqueue_indirect_dma source(%dma_start3A_518 : memref<640x16xf32, #tpu.memory_space<vmem>>) target(%dma_start3A_524 : memref<10240x16xf32, #tpu.memory_space<vmem_shared>>) offsets(%dma_start3A_521 : memref<640xi32, #tpu.memory_space<vmem>>) semaphore(%dma_start3A_526 : memref<!tpu.dma_semaphore, #tpu.memory_space<semaphore_mem>>) {add = true}
      %add3A_527 = arith.constant 7 : i32
      %add3A_528 = arith.addi %mul3A_138, %add3A_527 : i32
      %dma_wait3A_529 = arith.constant 7 : i32
      %dma_wait3A_530 = arith.constant 7 : i32
      %dma_wait3A_531 = arith.constant 0 : i32
      %dma_wait3A_532 = arith.constant 0 : i32
      %dma_wait3A_533 = tpu.memref_slice %arg9[%dma_wait3A_529, %dma_wait3A_531, %dma_wait3A_532] : memref<8x640x16xf32, #tpu.memory_space<vmem>> -> memref<1x640x16xf32, #tpu.memory_space<vmem>>
      %dma_wait3A_534 = tpu.memref_squeeze %dma_wait3A_533 : memref<1x640x16xf32, #tpu.memory_space<vmem>> -> memref<640x16xf32, #tpu.memory_space<vmem>>
      %dma_wait3A_535 = arith.constant 0 : i32
      %dma_wait3A_536 = tpu.memref_slice %arg7[%add3A_528, %dma_wait3A_535] : memref<16x640xi32, #tpu.memory_space<vmem>> -> memref<1x640xi32, #tpu.memory_space<vmem>>
      %dma_wait3A_537 = tpu.memref_squeeze %dma_wait3A_536 : memref<1x640xi32, #tpu.memory_space<vmem>> -> memref<640xi32, #tpu.memory_space<vmem>>
      %dma_wait3A_538 = arith.constant 0 : i32
      %dma_wait3A_539 = arith.constant 0 : i32
      %dma_wait3A_540 = tpu.memref_slice %arg2[%dma_wait3A_538, %dma_wait3A_539] : memref<10240x16xf32, #tpu.memory_space<hbm>> -> memref<10240x16xf32, #tpu.memory_space<hbm>>
      %dma_wait3A_541 = tpu.memref_slice %arg11[%dma_wait3A_530] : memref<8x!tpu.dma_semaphore, #tpu.memory_space<semaphore_mem>> -> memref<1x!tpu.dma_semaphore, #tpu.memory_space<semaphore_mem>>
      %dma_wait3A_542 = tpu.memref_squeeze %dma_wait3A_541 : memref<1x!tpu.dma_semaphore, #tpu.memory_space<semaphore_mem>> -> memref<!tpu.dma_semaphore, #tpu.memory_space<semaphore_mem>>
      tpu.wait_indirect_dma semaphore(%dma_wait3A_542 : memref<!tpu.dma_semaphore, #tpu.memory_space<semaphore_mem>>) src(%dma_wait3A_540 : memref<10240x16xf32, #tpu.memory_space<hbm>>) dst(%dma_wait3A_534 : memref<640x16xf32, #tpu.memory_space<vmem>>)
      %add3A_543 = arith.constant 7 : i32
      %add3A_544 = arith.addi %mul3A_138, %add3A_543 : i32
      %dma_start3A_545 = arith.constant 7 : i32
      %dma_start3A_546 = arith.constant 7 : i32
      %dma_start3A_547 = arith.constant 0 : i32
      %dma_start3A_548 = arith.constant 0 : i32
      %dma_start3A_549 = tpu.memref_slice %arg9[%dma_start3A_545, %dma_start3A_547, %dma_start3A_548] : memref<8x640x16xf32, #tpu.memory_space<vmem>> -> memref<1x640x16xf32, #tpu.memory_space<vmem>>
      %dma_start3A_550 = tpu.memref_squeeze %dma_start3A_549 : memref<1x640x16xf32, #tpu.memory_space<vmem>> -> memref<640x16xf32, #tpu.memory_space<vmem>>
      %dma_start3A_551 = arith.constant 0 : i32
      %dma_start3A_552 = tpu.memref_slice %arg8[%add3A_544, %dma_start3A_551] : memref<16x640xi32, #tpu.memory_space<vmem>> -> memref<1x640xi32, #tpu.memory_space<vmem>>
      %dma_start3A_553 = tpu.memref_squeeze %dma_start3A_552 : memref<1x640xi32, #tpu.memory_space<vmem>> -> memref<640xi32, #tpu.memory_space<vmem>>
      %dma_start3A_554 = arith.constant 0 : i32
      %dma_start3A_555 = arith.constant 0 : i32
      %dma_start3A_556 = tpu.memref_slice %arg10[%dma_start3A_554, %dma_start3A_555] : memref<10240x16xf32, #tpu.memory_space<vmem_shared>> -> memref<10240x16xf32, #tpu.memory_space<vmem_shared>>
      %dma_start3A_557 = tpu.memref_slice %arg12[%dma_start3A_546] : memref<8x!tpu.dma_semaphore, #tpu.memory_space<semaphore_mem>> -> memref<1x!tpu.dma_semaphore, #tpu.memory_space<semaphore_mem>>
      %dma_start3A_558 = tpu.memref_squeeze %dma_start3A_557 : memref<1x!tpu.dma_semaphore, #tpu.memory_space<semaphore_mem>> -> memref<!tpu.dma_semaphore, #tpu.memory_space<semaphore_mem>>
      tpu.enqueue_indirect_dma source(%dma_start3A_550 : memref<640x16xf32, #tpu.memory_space<vmem>>) target(%dma_start3A_556 : memref<10240x16xf32, #tpu.memory_space<vmem_shared>>) offsets(%dma_start3A_553 : memref<640xi32, #tpu.memory_space<vmem>>) semaphore(%dma_start3A_558 : memref<!tpu.dma_semaphore, #tpu.memory_space<semaphore_mem>>) {add = true}
    }
    %scan3A_11 = arith.constant 2 : i32
    %dma_wait3A = arith.constant 0 : i32
    %dma_wait3A_12 = arith.constant 8 : i32
    %dma_wait3A_13 = arith.constant 0 : i32
    %dma_wait3A_14 = arith.constant 0 : i32
    %dma_wait3A_15 = arith.constant 0 : i32
    %dma_wait3A_16 = tpu.memref_slice %arg9[%dma_wait3A, %dma_wait3A_14, %dma_wait3A_15] : memref<8x640x16xf32, #tpu.memory_space<vmem>> -> memref<1x640x16xf32, #tpu.memory_space<vmem>>
    %dma_wait3A_17 = tpu.memref_squeeze %dma_wait3A_16 : memref<1x640x16xf32, #tpu.memory_space<vmem>> -> memref<640x16xf32, #tpu.memory_space<vmem>>
    %dma_wait3A_18 = arith.constant 0 : i32
    %dma_wait3A_19 = tpu.memref_slice %arg8[%dma_wait3A_12, %dma_wait3A_18] : memref<16x640xi32, #tpu.memory_space<vmem>> -> memref<1x640xi32, #tpu.memory_space<vmem>>
    %dma_wait3A_20 = tpu.memref_squeeze %dma_wait3A_19 : memref<1x640xi32, #tpu.memory_space<vmem>> -> memref<640xi32, #tpu.memory_space<vmem>>
    %dma_wait3A_21 = arith.constant 0 : i32
    %dma_wait3A_22 = arith.constant 0 : i32
    %dma_wait3A_23 = tpu.memref_slice %arg10[%dma_wait3A_21, %dma_wait3A_22] : memref<10240x16xf32, #tpu.memory_space<vmem_shared>> -> memref<10240x16xf32, #tpu.memory_space<vmem_shared>>
    %dma_wait3A_24 = tpu.memref_slice %arg12[%dma_wait3A_13] : memref<8x!tpu.dma_semaphore, #tpu.memory_space<semaphore_mem>> -> memref<1x!tpu.dma_semaphore, #tpu.memory_space<semaphore_mem>>
    %dma_wait3A_25 = tpu.memref_squeeze %dma_wait3A_24 : memref<1x!tpu.dma_semaphore, #tpu.memory_space<semaphore_mem>> -> memref<!tpu.dma_semaphore, #tpu.memory_space<semaphore_mem>>
    tpu.wait_indirect_dma semaphore(%dma_wait3A_25 : memref<!tpu.dma_semaphore, #tpu.memory_space<semaphore_mem>>) src(%dma_wait3A_17 : memref<640x16xf32, #tpu.memory_space<vmem>>) dst(%dma_wait3A_23 : memref<10240x16xf32, #tpu.memory_space<vmem_shared>>)
    %dma_wait3A_26 = arith.constant 1 : i32
    %dma_wait3A_27 = arith.constant 9 : i32
    %dma_wait3A_28 = arith.constant 1 : i32
    %dma_wait3A_29 = arith.constant 0 : i32
    %dma_wait3A_30 = arith.constant 0 : i32
    %dma_wait3A_31 = tpu.memref_slice %arg9[%dma_wait3A_26, %dma_wait3A_29, %dma_wait3A_30] : memref<8x640x16xf32, #tpu.memory_space<vmem>> -> memref<1x640x16xf32, #tpu.memory_space<vmem>>
    %dma_wait3A_32 = tpu.memref_squeeze %dma_wait3A_31 : memref<1x640x16xf32, #tpu.memory_space<vmem>> -> memref<640x16xf32, #tpu.memory_space<vmem>>
    %dma_wait3A_33 = arith.constant 0 : i32
    %dma_wait3A_34 = tpu.memref_slice %arg8[%dma_wait3A_27, %dma_wait3A_33] : memref<16x640xi32, #tpu.memory_space<vmem>> -> memref<1x640xi32, #tpu.memory_space<vmem>>
    %dma_wait3A_35 = tpu.memref_squeeze %dma_wait3A_34 : memref<1x640xi32, #tpu.memory_space<vmem>> -> memref<640xi32, #tpu.memory_space<vmem>>
    %dma_wait3A_36 = arith.constant 0 : i32
    %dma_wait3A_37 = arith.constant 0 : i32
    %dma_wait3A_38 = tpu.memref_slice %arg10[%dma_wait3A_36, %dma_wait3A_37] : memref<10240x16xf32, #tpu.memory_space<vmem_shared>> -> memref<10240x16xf32, #tpu.memory_space<vmem_shared>>
    %dma_wait3A_39 = tpu.memref_slice %arg12[%dma_wait3A_28] : memref<8x!tpu.dma_semaphore, #tpu.memory_space<semaphore_mem>> -> memref<1x!tpu.dma_semaphore, #tpu.memory_space<semaphore_mem>>
    %dma_wait3A_40 = tpu.memref_squeeze %dma_wait3A_39 : memref<1x!tpu.dma_semaphore, #tpu.memory_space<semaphore_mem>> -> memref<!tpu.dma_semaphore, #tpu.memory_space<semaphore_mem>>
    tpu.wait_indirect_dma semaphore(%dma_wait3A_40 : memref<!tpu.dma_semaphore, #tpu.memory_space<semaphore_mem>>) src(%dma_wait3A_32 : memref<640x16xf32, #tpu.memory_space<vmem>>) dst(%dma_wait3A_38 : memref<10240x16xf32, #tpu.memory_space<vmem_shared>>)
    %dma_wait3A_41 = arith.constant 2 : i32
    %dma_wait3A_42 = arith.constant 10 : i32
    %dma_wait3A_43 = arith.constant 2 : i32
    %dma_wait3A_44 = arith.constant 0 : i32
    %dma_wait3A_45 = arith.constant 0 : i32
    %dma_wait3A_46 = tpu.memref_slice %arg9[%dma_wait3A_41, %dma_wait3A_44, %dma_wait3A_45] : memref<8x640x16xf32, #tpu.memory_space<vmem>> -> memref<1x640x16xf32, #tpu.memory_space<vmem>>
    %dma_wait3A_47 = tpu.memref_squeeze %dma_wait3A_46 : memref<1x640x16xf32, #tpu.memory_space<vmem>> -> memref<640x16xf32, #tpu.memory_space<vmem>>
    %dma_wait3A_48 = arith.constant 0 : i32
    %dma_wait3A_49 = tpu.memref_slice %arg8[%dma_wait3A_42, %dma_wait3A_48] : memref<16x640xi32, #tpu.memory_space<vmem>> -> memref<1x640xi32, #tpu.memory_space<vmem>>
    %dma_wait3A_50 = tpu.memref_squeeze %dma_wait3A_49 : memref<1x640xi32, #tpu.memory_space<vmem>> -> memref<640xi32, #tpu.memory_space<vmem>>
    %dma_wait3A_51 = arith.constant 0 : i32
    %dma_wait3A_52 = arith.constant 0 : i32
    %dma_wait3A_53 = tpu.memref_slice %arg10[%dma_wait3A_51, %dma_wait3A_52] : memref<10240x16xf32, #tpu.memory_space<vmem_shared>> -> memref<10240x16xf32, #tpu.memory_space<vmem_shared>>
    %dma_wait3A_54 = tpu.memref_slice %arg12[%dma_wait3A_43] : memref<8x!tpu.dma_semaphore, #tpu.memory_space<semaphore_mem>> -> memref<1x!tpu.dma_semaphore, #tpu.memory_space<semaphore_mem>>
    %dma_wait3A_55 = tpu.memref_squeeze %dma_wait3A_54 : memref<1x!tpu.dma_semaphore, #tpu.memory_space<semaphore_mem>> -> memref<!tpu.dma_semaphore, #tpu.memory_space<semaphore_mem>>
    tpu.wait_indirect_dma semaphore(%dma_wait3A_55 : memref<!tpu.dma_semaphore, #tpu.memory_space<semaphore_mem>>) src(%dma_wait3A_47 : memref<640x16xf32, #tpu.memory_space<vmem>>) dst(%dma_wait3A_53 : memref<10240x16xf32, #tpu.memory_space<vmem_shared>>)
    %dma_wait3A_56 = arith.constant 3 : i32
    %dma_wait3A_57 = arith.constant 11 : i32
    %dma_wait3A_58 = arith.constant 3 : i32
    %dma_wait3A_59 = arith.constant 0 : i32
    %dma_wait3A_60 = arith.constant 0 : i32
    %dma_wait3A_61 = tpu.memref_slice %arg9[%dma_wait3A_56, %dma_wait3A_59, %dma_wait3A_60] : memref<8x640x16xf32, #tpu.memory_space<vmem>> -> memref<1x640x16xf32, #tpu.memory_space<vmem>>
    %dma_wait3A_62 = tpu.memref_squeeze %dma_wait3A_61 : memref<1x640x16xf32, #tpu.memory_space<vmem>> -> memref<640x16xf32, #tpu.memory_space<vmem>>
    %dma_wait3A_63 = arith.constant 0 : i32
    %dma_wait3A_64 = tpu.memref_slice %arg8[%dma_wait3A_57, %dma_wait3A_63] : memref<16x640xi32, #tpu.memory_space<vmem>> -> memref<1x640xi32, #tpu.memory_space<vmem>>
    %dma_wait3A_65 = tpu.memref_squeeze %dma_wait3A_64 : memref<1x640xi32, #tpu.memory_space<vmem>> -> memref<640xi32, #tpu.memory_space<vmem>>
    %dma_wait3A_66 = arith.constant 0 : i32
    %dma_wait3A_67 = arith.constant 0 : i32
    %dma_wait3A_68 = tpu.memref_slice %arg10[%dma_wait3A_66, %dma_wait3A_67] : memref<10240x16xf32, #tpu.memory_space<vmem_shared>> -> memref<10240x16xf32, #tpu.memory_space<vmem_shared>>
    %dma_wait3A_69 = tpu.memref_slice %arg12[%dma_wait3A_58] : memref<8x!tpu.dma_semaphore, #tpu.memory_space<semaphore_mem>> -> memref<1x!tpu.dma_semaphore, #tpu.memory_space<semaphore_mem>>
    %dma_wait3A_70 = tpu.memref_squeeze %dma_wait3A_69 : memref<1x!tpu.dma_semaphore, #tpu.memory_space<semaphore_mem>> -> memref<!tpu.dma_semaphore, #tpu.memory_space<semaphore_mem>>
    tpu.wait_indirect_dma semaphore(%dma_wait3A_70 : memref<!tpu.dma_semaphore, #tpu.memory_space<semaphore_mem>>) src(%dma_wait3A_62 : memref<640x16xf32, #tpu.memory_space<vmem>>) dst(%dma_wait3A_68 : memref<10240x16xf32, #tpu.memory_space<vmem_shared>>)
    %dma_wait3A_71 = arith.constant 4 : i32
    %dma_wait3A_72 = arith.constant 12 : i32
    %dma_wait3A_73 = arith.constant 4 : i32
    %dma_wait3A_74 = arith.constant 0 : i32
    %dma_wait3A_75 = arith.constant 0 : i32
    %dma_wait3A_76 = tpu.memref_slice %arg9[%dma_wait3A_71, %dma_wait3A_74, %dma_wait3A_75] : memref<8x640x16xf32, #tpu.memory_space<vmem>> -> memref<1x640x16xf32, #tpu.memory_space<vmem>>
    %dma_wait3A_77 = tpu.memref_squeeze %dma_wait3A_76 : memref<1x640x16xf32, #tpu.memory_space<vmem>> -> memref<640x16xf32, #tpu.memory_space<vmem>>
    %dma_wait3A_78 = arith.constant 0 : i32
    %dma_wait3A_79 = tpu.memref_slice %arg8[%dma_wait3A_72, %dma_wait3A_78] : memref<16x640xi32, #tpu.memory_space<vmem>> -> memref<1x640xi32, #tpu.memory_space<vmem>>
    %dma_wait3A_80 = tpu.memref_squeeze %dma_wait3A_79 : memref<1x640xi32, #tpu.memory_space<vmem>> -> memref<640xi32, #tpu.memory_space<vmem>>
    %dma_wait3A_81 = arith.constant 0 : i32
    %dma_wait3A_82 = arith.constant 0 : i32
    %dma_wait3A_83 = tpu.memref_slice %arg10[%dma_wait3A_81, %dma_wait3A_82] : memref<10240x16xf32, #tpu.memory_space<vmem_shared>> -> memref<10240x16xf32, #tpu.memory_space<vmem_shared>>
    %dma_wait3A_84 = tpu.memref_slice %arg12[%dma_wait3A_73] : memref<8x!tpu.dma_semaphore, #tpu.memory_space<semaphore_mem>> -> memref<1x!tpu.dma_semaphore, #tpu.memory_space<semaphore_mem>>
    %dma_wait3A_85 = tpu.memref_squeeze %dma_wait3A_84 : memref<1x!tpu.dma_semaphore, #tpu.memory_space<semaphore_mem>> -> memref<!tpu.dma_semaphore, #tpu.memory_space<semaphore_mem>>
    tpu.wait_indirect_dma semaphore(%dma_wait3A_85 : memref<!tpu.dma_semaphore, #tpu.memory_space<semaphore_mem>>) src(%dma_wait3A_77 : memref<640x16xf32, #tpu.memory_space<vmem>>) dst(%dma_wait3A_83 : memref<10240x16xf32, #tpu.memory_space<vmem_shared>>)
    %dma_wait3A_86 = arith.constant 5 : i32
    %dma_wait3A_87 = arith.constant 13 : i32
    %dma_wait3A_88 = arith.constant 5 : i32
    %dma_wait3A_89 = arith.constant 0 : i32
    %dma_wait3A_90 = arith.constant 0 : i32
    %dma_wait3A_91 = tpu.memref_slice %arg9[%dma_wait3A_86, %dma_wait3A_89, %dma_wait3A_90] : memref<8x640x16xf32, #tpu.memory_space<vmem>> -> memref<1x640x16xf32, #tpu.memory_space<vmem>>
    %dma_wait3A_92 = tpu.memref_squeeze %dma_wait3A_91 : memref<1x640x16xf32, #tpu.memory_space<vmem>> -> memref<640x16xf32, #tpu.memory_space<vmem>>
    %dma_wait3A_93 = arith.constant 0 : i32
    %dma_wait3A_94 = tpu.memref_slice %arg8[%dma_wait3A_87, %dma_wait3A_93] : memref<16x640xi32, #tpu.memory_space<vmem>> -> memref<1x640xi32, #tpu.memory_space<vmem>>
    %dma_wait3A_95 = tpu.memref_squeeze %dma_wait3A_94 : memref<1x640xi32, #tpu.memory_space<vmem>> -> memref<640xi32, #tpu.memory_space<vmem>>
    %dma_wait3A_96 = arith.constant 0 : i32
    %dma_wait3A_97 = arith.constant 0 : i32
    %dma_wait3A_98 = tpu.memref_slice %arg10[%dma_wait3A_96, %dma_wait3A_97] : memref<10240x16xf32, #tpu.memory_space<vmem_shared>> -> memref<10240x16xf32, #tpu.memory_space<vmem_shared>>
    %dma_wait3A_99 = tpu.memref_slice %arg12[%dma_wait3A_88] : memref<8x!tpu.dma_semaphore, #tpu.memory_space<semaphore_mem>> -> memref<1x!tpu.dma_semaphore, #tpu.memory_space<semaphore_mem>>
    %dma_wait3A_100 = tpu.memref_squeeze %dma_wait3A_99 : memref<1x!tpu.dma_semaphore, #tpu.memory_space<semaphore_mem>> -> memref<!tpu.dma_semaphore, #tpu.memory_space<semaphore_mem>>
    tpu.wait_indirect_dma semaphore(%dma_wait3A_100 : memref<!tpu.dma_semaphore, #tpu.memory_space<semaphore_mem>>) src(%dma_wait3A_92 : memref<640x16xf32, #tpu.memory_space<vmem>>) dst(%dma_wait3A_98 : memref<10240x16xf32, #tpu.memory_space<vmem_shared>>)
    %dma_wait3A_101 = arith.constant 6 : i32
    %dma_wait3A_102 = arith.constant 14 : i32
    %dma_wait3A_103 = arith.constant 6 : i32
    %dma_wait3A_104 = arith.constant 0 : i32
    %dma_wait3A_105 = arith.constant 0 : i32
    %dma_wait3A_106 = tpu.memref_slice %arg9[%dma_wait3A_101, %dma_wait3A_104, %dma_wait3A_105] : memref<8x640x16xf32, #tpu.memory_space<vmem>> -> memref<1x640x16xf32, #tpu.memory_space<vmem>>
    %dma_wait3A_107 = tpu.memref_squeeze %dma_wait3A_106 : memref<1x640x16xf32, #tpu.memory_space<vmem>> -> memref<640x16xf32, #tpu.memory_space<vmem>>
    %dma_wait3A_108 = arith.constant 0 : i32
    %dma_wait3A_109 = tpu.memref_slice %arg8[%dma_wait3A_102, %dma_wait3A_108] : memref<16x640xi32, #tpu.memory_space<vmem>> -> memref<1x640xi32, #tpu.memory_space<vmem>>
    %dma_wait3A_110 = tpu.memref_squeeze %dma_wait3A_109 : memref<1x640xi32, #tpu.memory_space<vmem>> -> memref<640xi32, #tpu.memory_space<vmem>>
    %dma_wait3A_111 = arith.constant 0 : i32
    %dma_wait3A_112 = arith.constant 0 : i32
    %dma_wait3A_113 = tpu.memref_slice %arg10[%dma_wait3A_111, %dma_wait3A_112] : memref<10240x16xf32, #tpu.memory_space<vmem_shared>> -> memref<10240x16xf32, #tpu.memory_space<vmem_shared>>
    %dma_wait3A_114 = tpu.memref_slice %arg12[%dma_wait3A_103] : memref<8x!tpu.dma_semaphore, #tpu.memory_space<semaphore_mem>> -> memref<1x!tpu.dma_semaphore, #tpu.memory_space<semaphore_mem>>
    %dma_wait3A_115 = tpu.memref_squeeze %dma_wait3A_114 : memref<1x!tpu.dma_semaphore, #tpu.memory_space<semaphore_mem>> -> memref<!tpu.dma_semaphore, #tpu.memory_space<semaphore_mem>>
    tpu.wait_indirect_dma semaphore(%dma_wait3A_115 : memref<!tpu.dma_semaphore, #tpu.memory_space<semaphore_mem>>) src(%dma_wait3A_107 : memref<640x16xf32, #tpu.memory_space<vmem>>) dst(%dma_wait3A_113 : memref<10240x16xf32, #tpu.memory_space<vmem_shared>>)
    %dma_wait3A_116 = arith.constant 7 : i32
    %dma_wait3A_117 = arith.constant 15 : i32
    %dma_wait3A_118 = arith.constant 7 : i32
    %dma_wait3A_119 = arith.constant 0 : i32
    %dma_wait3A_120 = arith.constant 0 : i32
    %dma_wait3A_121 = tpu.memref_slice %arg9[%dma_wait3A_116, %dma_wait3A_119, %dma_wait3A_120] : memref<8x640x16xf32, #tpu.memory_space<vmem>> -> memref<1x640x16xf32, #tpu.memory_space<vmem>>
    %dma_wait3A_122 = tpu.memref_squeeze %dma_wait3A_121 : memref<1x640x16xf32, #tpu.memory_space<vmem>> -> memref<640x16xf32, #tpu.memory_space<vmem>>
    %dma_wait3A_123 = arith.constant 0 : i32
    %dma_wait3A_124 = tpu.memref_slice %arg8[%dma_wait3A_117, %dma_wait3A_123] : memref<16x640xi32, #tpu.memory_space<vmem>> -> memref<1x640xi32, #tpu.memory_space<vmem>>
    %dma_wait3A_125 = tpu.memref_squeeze %dma_wait3A_124 : memref<1x640xi32, #tpu.memory_space<vmem>> -> memref<640xi32, #tpu.memory_space<vmem>>
    %dma_wait3A_126 = arith.constant 0 : i32
    %dma_wait3A_127 = arith.constant 0 : i32
    %dma_wait3A_128 = tpu.memref_slice %arg10[%dma_wait3A_126, %dma_wait3A_127] : memref<10240x16xf32, #tpu.memory_space<vmem_shared>> -> memref<10240x16xf32, #tpu.memory_space<vmem_shared>>
    %dma_wait3A_129 = tpu.memref_slice %arg12[%dma_wait3A_118] : memref<8x!tpu.dma_semaphore, #tpu.memory_space<semaphore_mem>> -> memref<1x!tpu.dma_semaphore, #tpu.memory_space<semaphore_mem>>
    %dma_wait3A_130 = tpu.memref_squeeze %dma_wait3A_129 : memref<1x!tpu.dma_semaphore, #tpu.memory_space<semaphore_mem>> -> memref<!tpu.dma_semaphore, #tpu.memory_space<semaphore_mem>>
    tpu.wait_indirect_dma semaphore(%dma_wait3A_130 : memref<!tpu.dma_semaphore, #tpu.memory_space<semaphore_mem>>) src(%dma_wait3A_122 : memref<640x16xf32, #tpu.memory_space<vmem>>) dst(%dma_wait3A_128 : memref<10240x16xf32, #tpu.memory_space<vmem_shared>>)
    %barrier3A_131 = arith.constant 0 : index
    tpu.barrier barrier_id(%barrier3A_131)
    %mul3A_132 = arith.constant 640 : i32
    %mul3A_133 = arith.muli %arg1, %mul3A_132 : i32
    %mul3A_134 = arith.constant 640 : i32
    %mul3A_135 = arith.muli %arg1, %mul3A_134 : i32
    "tpu.region"() ({
      %run_scoped3A = tpu.sem_alloc : memref<!tpu.dma_semaphore, #tpu.memory_space<semaphore_mem>>
      %dma_start3A = arith.constant 0 : i32
      %dma_start3A_136 = tpu.memref_slice %arg6[%arg0, %mul3A_135, %dma_start3A] : memref<2x10240x16xf32, #tpu.memory_space<hbm>> -> memref<1x640x16xf32, #tpu.memory_space<hbm>>
      %dma_start3A_137 = tpu.memref_squeeze %dma_start3A_136 : memref<1x640x16xf32, #tpu.memory_space<hbm>> -> memref<640x16xf32, #tpu.memory_space<hbm>>
      %dma_start3A_138 = arith.constant 0 : i32
      %dma_start3A_139 = tpu.memref_slice %arg10[%mul3A_133, %dma_start3A_138] : memref<10240x16xf32, #tpu.memory_space<vmem_shared>> -> memref<640x16xf32, #tpu.memory_space<vmem_shared>>
      tpu.enqueue_dma source(%dma_start3A_139 : memref<640x16xf32, #tpu.memory_space<vmem_shared>>) target(%dma_start3A_137 : memref<640x16xf32, #tpu.memory_space<hbm>>) target_semaphore(%run_scoped3A : memref<!tpu.dma_semaphore, #tpu.memory_space<semaphore_mem>>)
      %dma_wait3A_140 = arith.constant 0 : i32
      %dma_wait3A_141 = tpu.memref_slice %arg6[%arg0, %mul3A_135, %dma_wait3A_140] : memref<2x10240x16xf32, #tpu.memory_space<hbm>> -> memref<1x640x16xf32, #tpu.memory_space<hbm>>
      %dma_wait3A_142 = tpu.memref_squeeze %dma_wait3A_141 : memref<1x640x16xf32, #tpu.memory_space<hbm>> -> memref<640x16xf32, #tpu.memory_space<hbm>>
      %dma_wait3A_143 = arith.constant 0 : i32
      %dma_wait3A_144 = tpu.memref_slice %arg10[%mul3A_133, %dma_wait3A_143] : memref<10240x16xf32, #tpu.memory_space<vmem_shared>> -> memref<640x16xf32, #tpu.memory_space<vmem_shared>>
      tpu.wait_dma2 semaphore(%run_scoped3A : memref<!tpu.dma_semaphore, #tpu.memory_space<semaphore_mem>>) src(%dma_wait3A_144 : memref<640x16xf32, #tpu.memory_space<vmem_shared>>) dst(%dma_wait3A_142 : memref<640x16xf32, #tpu.memory_space<hbm>>)
      tpu.yield
    }) : () -> ()
    return
  }
}

#map = affine_map<(d0, d1) -> (0, 0)>
#map1 = affine_map<(d0, d1) -> (0, 0, 0)>
module attributes {stable_mosaic.version = 14 : i64} {
  func.func @_agg_body(%arg0: i32, %arg1: i32, %arg2: memref<10240x16xf32, #tpu.memory_space<hbm>>, %arg3: memref<512x640xi32, #tpu.memory_space<hbm>>, %arg4: memref<512x640xi32, #tpu.memory_space<hbm>>, %arg5: memref<10240x16xf32, #tpu.memory_space<hbm>>, %arg6: memref<2x10240x16xf32, #tpu.memory_space<hbm>>, %arg7: memref<16x640xi32, #tpu.memory_space<vmem>>, %arg8: memref<16x640xi32, #tpu.memory_space<vmem>>, %arg9: memref<8x640x16xf32, #tpu.memory_space<vmem>>, %arg10: memref<10240x16xf32, #tpu.memory_space<vmem_shared>>, %arg11: memref<8x!tpu.dma_semaphore, #tpu.memory_space<semaphore_mem>>, %arg12: memref<8x!tpu.dma_semaphore, #tpu.memory_space<semaphore_mem>>) attributes {dimension_semantics = [#tpu.dimension_semantics<core_parallel>, #tpu.dimension_semantics<subcore_parallel>], iteration_bounds = array<i64: 2, 16>, scalar_prefetch = 0 : i64, scratch_operands = 6 : i64, tpu.core_type = #tpu.core_type<sc_vector_subcore>, window_params = [{transform_indices = #map}, {transform_indices = #map}, {transform_indices = #map}, {transform_indices = #map}, {transform_indices = #map1}]} {
    %mul3A = arith.constant 16 : i32
    %mul3A_0 = arith.muli %arg0, %mul3A : i32
    %add3A = arith.addi %mul3A_0, %arg1 : i32
    %mul3A_1 = arith.constant 16 : i32
    %mul3A_2 = arith.muli %add3A, %mul3A_1 : i32
    "tpu.region"() ({
      %run_scoped3A = tpu.sem_alloc : memref<!tpu.dma_semaphore, #tpu.memory_space<semaphore_mem>>
      %dma_start3A = arith.constant 0 : i32
      %dma_start3A_136 = tpu.memref_slice %arg3[%mul3A_2, %dma_start3A] : memref<512x640xi32, #tpu.memory_space<hbm>> -> memref<16x640xi32, #tpu.memory_space<hbm>>
      %dma_start3A_137 = arith.constant 0 : i32
      %dma_start3A_138 = tpu.memref_slice %arg3[%mul3A_2, %dma_start3A_137] : memref<512x640xi32, #tpu.memory_space<hbm>> -> memref<16x640xi32, #tpu.memory_space<hbm>>
      tpu.enqueue_dma source(%dma_start3A_138 : memref<16x640xi32, #tpu.memory_space<hbm>>) target(%arg7 : memref<16x640xi32, #tpu.memory_space<vmem>>) target_semaphore(%run_scoped3A : memref<!tpu.dma_semaphore, #tpu.memory_space<semaphore_mem>>)
      %dma_wait3A_139 = arith.constant 0 : i32
      %dma_wait3A_140 = tpu.memref_slice %arg3[%mul3A_2, %dma_wait3A_139] : memref<512x640xi32, #tpu.memory_space<hbm>> -> memref<16x640xi32, #tpu.memory_space<hbm>>
      %dma_wait3A_141 = arith.constant 0 : i32
      %dma_wait3A_142 = tpu.memref_slice %arg3[%mul3A_2, %dma_wait3A_141] : memref<512x640xi32, #tpu.memory_space<hbm>> -> memref<16x640xi32, #tpu.memory_space<hbm>>
      tpu.wait_dma2 semaphore(%run_scoped3A : memref<!tpu.dma_semaphore, #tpu.memory_space<semaphore_mem>>) src(%dma_wait3A_142 : memref<16x640xi32, #tpu.memory_space<hbm>>) dst(%arg7 : memref<16x640xi32, #tpu.memory_space<vmem>>)
      tpu.yield
    }) : () -> ()
    "tpu.region"() ({
      %run_scoped3A = tpu.sem_alloc : memref<!tpu.dma_semaphore, #tpu.memory_space<semaphore_mem>>
      %dma_start3A = arith.constant 0 : i32
      %dma_start3A_136 = tpu.memref_slice %arg4[%mul3A_2, %dma_start3A] : memref<512x640xi32, #tpu.memory_space<hbm>> -> memref<16x640xi32, #tpu.memory_space<hbm>>
      %dma_start3A_137 = arith.constant 0 : i32
      %dma_start3A_138 = tpu.memref_slice %arg4[%mul3A_2, %dma_start3A_137] : memref<512x640xi32, #tpu.memory_space<hbm>> -> memref<16x640xi32, #tpu.memory_space<hbm>>
      tpu.enqueue_dma source(%dma_start3A_138 : memref<16x640xi32, #tpu.memory_space<hbm>>) target(%arg8 : memref<16x640xi32, #tpu.memory_space<vmem>>) target_semaphore(%run_scoped3A : memref<!tpu.dma_semaphore, #tpu.memory_space<semaphore_mem>>)
      %dma_wait3A_139 = arith.constant 0 : i32
      %dma_wait3A_140 = tpu.memref_slice %arg4[%mul3A_2, %dma_wait3A_139] : memref<512x640xi32, #tpu.memory_space<hbm>> -> memref<16x640xi32, #tpu.memory_space<hbm>>
      %dma_wait3A_141 = arith.constant 0 : i32
      %dma_wait3A_142 = tpu.memref_slice %arg4[%mul3A_2, %dma_wait3A_141] : memref<512x640xi32, #tpu.memory_space<hbm>> -> memref<16x640xi32, #tpu.memory_space<hbm>>
      tpu.wait_dma2 semaphore(%run_scoped3A : memref<!tpu.dma_semaphore, #tpu.memory_space<semaphore_mem>>) src(%dma_wait3A_142 : memref<16x640xi32, #tpu.memory_space<hbm>>) dst(%arg8 : memref<16x640xi32, #tpu.memory_space<vmem>>)
      tpu.yield
    }) : () -> ()
    %mul3A_3 = arith.constant 640 : i32
    %mul3A_4 = arith.muli %arg1, %mul3A_3 : i32
    %mul3A_5 = arith.constant 640 : i32
    %mul3A_6 = arith.muli %arg1, %mul3A_5 : i32
    "tpu.region"() ({
      %run_scoped3A = tpu.sem_alloc : memref<!tpu.dma_semaphore, #tpu.memory_space<semaphore_mem>>
      %dma_start3A = arith.constant 0 : i32
      %dma_start3A_136 = tpu.memref_slice %arg10[%mul3A_6, %dma_start3A] : memref<10240x16xf32, #tpu.memory_space<vmem_shared>> -> memref<640x16xf32, #tpu.memory_space<vmem_shared>>
      %dma_start3A_137 = arith.constant 0 : i32
      %dma_start3A_138 = tpu.memref_slice %arg5[%mul3A_4, %dma_start3A_137] : memref<10240x16xf32, #tpu.memory_space<hbm>> -> memref<640x16xf32, #tpu.memory_space<hbm>>
      tpu.enqueue_dma source(%dma_start3A_138 : memref<640x16xf32, #tpu.memory_space<hbm>>) target(%dma_start3A_136 : memref<640x16xf32, #tpu.memory_space<vmem_shared>>) target_semaphore(%run_scoped3A : memref<!tpu.dma_semaphore, #tpu.memory_space<semaphore_mem>>)
      %dma_wait3A_139 = arith.constant 0 : i32
      %dma_wait3A_140 = tpu.memref_slice %arg10[%mul3A_6, %dma_wait3A_139] : memref<10240x16xf32, #tpu.memory_space<vmem_shared>> -> memref<640x16xf32, #tpu.memory_space<vmem_shared>>
      %dma_wait3A_141 = arith.constant 0 : i32
      %dma_wait3A_142 = tpu.memref_slice %arg5[%mul3A_4, %dma_wait3A_141] : memref<10240x16xf32, #tpu.memory_space<hbm>> -> memref<640x16xf32, #tpu.memory_space<hbm>>
      tpu.wait_dma2 semaphore(%run_scoped3A : memref<!tpu.dma_semaphore, #tpu.memory_space<semaphore_mem>>) src(%dma_wait3A_142 : memref<640x16xf32, #tpu.memory_space<hbm>>) dst(%dma_wait3A_140 : memref<640x16xf32, #tpu.memory_space<vmem_shared>>)
      tpu.yield
    }) : () -> ()
    %barrier3A = arith.constant 0 : index
    tpu.barrier barrier_id(%barrier3A)
    %scan3A = arith.constant 0 : i32
    %scan3A_7 = arith.constant 0 : i32
    %scan3A_8 = arith.constant 2 : i32
    %scan3A_9 = arith.addi %scan3A_7, %scan3A_8 : i32
    %scan3A_10 = arith.constant 1 : i32
    scf.for %scan3A_136 = %scan3A_7 to %scan3A_9 step %scan3A_10  : i32 {
      %mul3A_137 = arith.constant 8 : i32
      %mul3A_138 = arith.muli %scan3A_136, %mul3A_137 : i32
      %gt3A = arith.constant 0 : i32
      %gt3A_139 = arith.cmpi sgt, %scan3A_136, %gt3A : i32
      %convert_element_type3A = arith.extui %gt3A_139 : i1 to i32
      %cond3A = arith.constant 0 : i32
      %cond3A_140 = arith.cmpi ne, %convert_element_type3A, %cond3A : i32
      scf.if %cond3A_140 {
        %sub3A = arith.constant 8 : i32
        %sub3A_559 = arith.subi %mul3A_138, %sub3A : i32
        %add3A_560 = arith.constant 0 : i32
        %add3A_561 = arith.addi %sub3A_559, %add3A_560 : i32
        %dma_wait3A_562 = arith.constant 0 : i32
        %dma_wait3A_563 = arith.constant 0 : i32
        %dma_wait3A_564 = arith.constant 0 : i32
        %dma_wait3A_565 = arith.constant 0 : i32
        %dma_wait3A_566 = tpu.memref_slice %arg9[%dma_wait3A_562, %dma_wait3A_564, %dma_wait3A_565] : memref<8x640x16xf32, #tpu.memory_space<vmem>> -> memref<1x640x16xf32, #tpu.memory_space<vmem>>
        %dma_wait3A_567 = tpu.memref_squeeze %dma_wait3A_566 : memref<1x640x16xf32, #tpu.memory_space<vmem>> -> memref<640x16xf32, #tpu.memory_space<vmem>>
        %dma_wait3A_568 = arith.constant 0 : i32
        %dma_wait3A_569 = tpu.memref_slice %arg8[%add3A_561, %dma_wait3A_568] : memref<16x640xi32, #tpu.memory_space<vmem>> -> memref<1x640xi32, #tpu.memory_space<vmem>>
        %dma_wait3A_570 = tpu.memref_squeeze %dma_wait3A_569 : memref<1x640xi32, #tpu.memory_space<vmem>> -> memref<640xi32, #tpu.memory_space<vmem>>
        %dma_wait3A_571 = arith.constant 0 : i32
        %dma_wait3A_572 = arith.constant 0 : i32
        %dma_wait3A_573 = tpu.memref_slice %arg10[%dma_wait3A_571, %dma_wait3A_572] : memref<10240x16xf32, #tpu.memory_space<vmem_shared>> -> memref<10240x16xf32, #tpu.memory_space<vmem_shared>>
        %dma_wait3A_574 = tpu.memref_slice %arg12[%dma_wait3A_563] : memref<8x!tpu.dma_semaphore, #tpu.memory_space<semaphore_mem>> -> memref<1x!tpu.dma_semaphore, #tpu.memory_space<semaphore_mem>>
        %dma_wait3A_575 = tpu.memref_squeeze %dma_wait3A_574 : memref<1x!tpu.dma_semaphore, #tpu.memory_space<semaphore_mem>> -> memref<!tpu.dma_semaphore, #tpu.memory_space<semaphore_mem>>
        tpu.wait_indirect_dma semaphore(%dma_wait3A_575 : memref<!tpu.dma_semaphore, #tpu.memory_space<semaphore_mem>>) src(%dma_wait3A_567 : memref<640x16xf32, #tpu.memory_space<vmem>>) dst(%dma_wait3A_573 : memref<10240x16xf32, #tpu.memory_space<vmem_shared>>)
      } else {
      }
      %add3A_141 = arith.constant 0 : i32
      %add3A_142 = arith.addi %mul3A_138, %add3A_141 : i32
      %dma_start3A = arith.constant 0 : i32
      %dma_start3A_143 = arith.constant 0 : i32
      %dma_start3A_144 = arith.constant 0 : i32
      %dma_start3A_145 = arith.constant 0 : i32
      %dma_start3A_146 = tpu.memref_slice %arg9[%dma_start3A, %dma_start3A_144, %dma_start3A_145] : memref<8x640x16xf32, #tpu.memory_space<vmem>> -> memref<1x640x16xf32, #tpu.memory_space<vmem>>
      %dma_start3A_147 = tpu.memref_squeeze %dma_start3A_146 : memref<1x640x16xf32, #tpu.memory_space<vmem>> -> memref<640x16xf32, #tpu.memory_space<vmem>>
      %dma_start3A_148 = arith.constant 0 : i32
      %dma_start3A_149 = tpu.memref_slice %arg7[%add3A_142, %dma_start3A_148] : memref<16x640xi32, #tpu.memory_space<vmem>> -> memref<1x640xi32, #tpu.memory_space<vmem>>
      %dma_start3A_150 = tpu.memref_squeeze %dma_start3A_149 : memref<1x640xi32, #tpu.memory_space<vmem>> -> memref<640xi32, #tpu.memory_space<vmem>>
      %dma_start3A_151 = arith.constant 0 : i32
      %dma_start3A_152 = arith.constant 0 : i32
      %dma_start3A_153 = tpu.memref_slice %arg2[%dma_start3A_151, %dma_start3A_152] : memref<10240x16xf32, #tpu.memory_space<hbm>> -> memref<10240x16xf32, #tpu.memory_space<hbm>>
      %dma_start3A_154 = tpu.memref_slice %arg11[%dma_start3A_143] : memref<8x!tpu.dma_semaphore, #tpu.memory_space<semaphore_mem>> -> memref<1x!tpu.dma_semaphore, #tpu.memory_space<semaphore_mem>>
      %dma_start3A_155 = tpu.memref_squeeze %dma_start3A_154 : memref<1x!tpu.dma_semaphore, #tpu.memory_space<semaphore_mem>> -> memref<!tpu.dma_semaphore, #tpu.memory_space<semaphore_mem>>
      tpu.enqueue_indirect_dma source(%dma_start3A_153 : memref<10240x16xf32, #tpu.memory_space<hbm>>) target(%dma_start3A_147 : memref<640x16xf32, #tpu.memory_space<vmem>>) offsets(%dma_start3A_150 : memref<640xi32, #tpu.memory_space<vmem>>) semaphore(%dma_start3A_155 : memref<!tpu.dma_semaphore, #tpu.memory_space<semaphore_mem>>)
      %gt3A_156 = arith.constant 0 : i32
      %gt3A_157 = arith.cmpi sgt, %scan3A_136, %gt3A_156 : i32
      %convert_element_type3A_158 = arith.extui %gt3A_157 : i1 to i32
      %cond3A_159 = arith.constant 0 : i32
      %cond3A_160 = arith.cmpi ne, %convert_element_type3A_158, %cond3A_159 : i32
      scf.if %cond3A_160 {
        %sub3A = arith.constant 8 : i32
        %sub3A_559 = arith.subi %mul3A_138, %sub3A : i32
        %add3A_560 = arith.constant 1 : i32
        %add3A_561 = arith.addi %sub3A_559, %add3A_560 : i32
        %dma_wait3A_562 = arith.constant 1 : i32
        %dma_wait3A_563 = arith.constant 1 : i32
        %dma_wait3A_564 = arith.constant 0 : i32
        %dma_wait3A_565 = arith.constant 0 : i32
        %dma_wait3A_566 = tpu.memref_slice %arg9[%dma_wait3A_562, %dma_wait3A_564, %dma_wait3A_565] : memref<8x640x16xf32, #tpu.memory_space<vmem>> -> memref<1x640x16xf32, #tpu.memory_space<vmem>>
        %dma_wait3A_567 = tpu.memref_squeeze %dma_wait3A_566 : memref<1x640x16xf32, #tpu.memory_space<vmem>> -> memref<640x16xf32, #tpu.memory_space<vmem>>
        %dma_wait3A_568 = arith.constant 0 : i32
        %dma_wait3A_569 = tpu.memref_slice %arg8[%add3A_561, %dma_wait3A_568] : memref<16x640xi32, #tpu.memory_space<vmem>> -> memref<1x640xi32, #tpu.memory_space<vmem>>
        %dma_wait3A_570 = tpu.memref_squeeze %dma_wait3A_569 : memref<1x640xi32, #tpu.memory_space<vmem>> -> memref<640xi32, #tpu.memory_space<vmem>>
        %dma_wait3A_571 = arith.constant 0 : i32
        %dma_wait3A_572 = arith.constant 0 : i32
        %dma_wait3A_573 = tpu.memref_slice %arg10[%dma_wait3A_571, %dma_wait3A_572] : memref<10240x16xf32, #tpu.memory_space<vmem_shared>> -> memref<10240x16xf32, #tpu.memory_space<vmem_shared>>
        %dma_wait3A_574 = tpu.memref_slice %arg12[%dma_wait3A_563] : memref<8x!tpu.dma_semaphore, #tpu.memory_space<semaphore_mem>> -> memref<1x!tpu.dma_semaphore, #tpu.memory_space<semaphore_mem>>
        %dma_wait3A_575 = tpu.memref_squeeze %dma_wait3A_574 : memref<1x!tpu.dma_semaphore, #tpu.memory_space<semaphore_mem>> -> memref<!tpu.dma_semaphore, #tpu.memory_space<semaphore_mem>>
        tpu.wait_indirect_dma semaphore(%dma_wait3A_575 : memref<!tpu.dma_semaphore, #tpu.memory_space<semaphore_mem>>) src(%dma_wait3A_567 : memref<640x16xf32, #tpu.memory_space<vmem>>) dst(%dma_wait3A_573 : memref<10240x16xf32, #tpu.memory_space<vmem_shared>>)
      } else {
      }
      %add3A_161 = arith.constant 1 : i32
      %add3A_162 = arith.addi %mul3A_138, %add3A_161 : i32
      %dma_start3A_163 = arith.constant 1 : i32
      %dma_start3A_164 = arith.constant 1 : i32
      %dma_start3A_165 = arith.constant 0 : i32
      %dma_start3A_166 = arith.constant 0 : i32
      %dma_start3A_167 = tpu.memref_slice %arg9[%dma_start3A_163, %dma_start3A_165, %dma_start3A_166] : memref<8x640x16xf32, #tpu.memory_space<vmem>> -> memref<1x640x16xf32, #tpu.memory_space<vmem>>
      %dma_start3A_168 = tpu.memref_squeeze %dma_start3A_167 : memref<1x640x16xf32, #tpu.memory_space<vmem>> -> memref<640x16xf32, #tpu.memory_space<vmem>>
      %dma_start3A_169 = arith.constant 0 : i32
      %dma_start3A_170 = tpu.memref_slice %arg7[%add3A_162, %dma_start3A_169] : memref<16x640xi32, #tpu.memory_space<vmem>> -> memref<1x640xi32, #tpu.memory_space<vmem>>
      %dma_start3A_171 = tpu.memref_squeeze %dma_start3A_170 : memref<1x640xi32, #tpu.memory_space<vmem>> -> memref<640xi32, #tpu.memory_space<vmem>>
      %dma_start3A_172 = arith.constant 0 : i32
      %dma_start3A_173 = arith.constant 0 : i32
      %dma_start3A_174 = tpu.memref_slice %arg2[%dma_start3A_172, %dma_start3A_173] : memref<10240x16xf32, #tpu.memory_space<hbm>> -> memref<10240x16xf32, #tpu.memory_space<hbm>>
      %dma_start3A_175 = tpu.memref_slice %arg11[%dma_start3A_164] : memref<8x!tpu.dma_semaphore, #tpu.memory_space<semaphore_mem>> -> memref<1x!tpu.dma_semaphore, #tpu.memory_space<semaphore_mem>>
      %dma_start3A_176 = tpu.memref_squeeze %dma_start3A_175 : memref<1x!tpu.dma_semaphore, #tpu.memory_space<semaphore_mem>> -> memref<!tpu.dma_semaphore, #tpu.memory_space<semaphore_mem>>
      tpu.enqueue_indirect_dma source(%dma_start3A_174 : memref<10240x16xf32, #tpu.memory_space<hbm>>) target(%dma_start3A_168 : memref<640x16xf32, #tpu.memory_space<vmem>>) offsets(%dma_start3A_171 : memref<640xi32, #tpu.memory_space<vmem>>) semaphore(%dma_start3A_176 : memref<!tpu.dma_semaphore, #tpu.memory_space<semaphore_mem>>)
      %gt3A_177 = arith.constant 0 : i32
      %gt3A_178 = arith.cmpi sgt, %scan3A_136, %gt3A_177 : i32
      %convert_element_type3A_179 = arith.extui %gt3A_178 : i1 to i32
      %cond3A_180 = arith.constant 0 : i32
      %cond3A_181 = arith.cmpi ne, %convert_element_type3A_179, %cond3A_180 : i32
      scf.if %cond3A_181 {
        %sub3A = arith.constant 8 : i32
        %sub3A_559 = arith.subi %mul3A_138, %sub3A : i32
        %add3A_560 = arith.constant 2 : i32
        %add3A_561 = arith.addi %sub3A_559, %add3A_560 : i32
        %dma_wait3A_562 = arith.constant 2 : i32
        %dma_wait3A_563 = arith.constant 2 : i32
        %dma_wait3A_564 = arith.constant 0 : i32
        %dma_wait3A_565 = arith.constant 0 : i32
        %dma_wait3A_566 = tpu.memref_slice %arg9[%dma_wait3A_562, %dma_wait3A_564, %dma_wait3A_565] : memref<8x640x16xf32, #tpu.memory_space<vmem>> -> memref<1x640x16xf32, #tpu.memory_space<vmem>>
        %dma_wait3A_567 = tpu.memref_squeeze %dma_wait3A_566 : memref<1x640x16xf32, #tpu.memory_space<vmem>> -> memref<640x16xf32, #tpu.memory_space<vmem>>
        %dma_wait3A_568 = arith.constant 0 : i32
        %dma_wait3A_569 = tpu.memref_slice %arg8[%add3A_561, %dma_wait3A_568] : memref<16x640xi32, #tpu.memory_space<vmem>> -> memref<1x640xi32, #tpu.memory_space<vmem>>
        %dma_wait3A_570 = tpu.memref_squeeze %dma_wait3A_569 : memref<1x640xi32, #tpu.memory_space<vmem>> -> memref<640xi32, #tpu.memory_space<vmem>>
        %dma_wait3A_571 = arith.constant 0 : i32
        %dma_wait3A_572 = arith.constant 0 : i32
        %dma_wait3A_573 = tpu.memref_slice %arg10[%dma_wait3A_571, %dma_wait3A_572] : memref<10240x16xf32, #tpu.memory_space<vmem_shared>> -> memref<10240x16xf32, #tpu.memory_space<vmem_shared>>
        %dma_wait3A_574 = tpu.memref_slice %arg12[%dma_wait3A_563] : memref<8x!tpu.dma_semaphore, #tpu.memory_space<semaphore_mem>> -> memref<1x!tpu.dma_semaphore, #tpu.memory_space<semaphore_mem>>
        %dma_wait3A_575 = tpu.memref_squeeze %dma_wait3A_574 : memref<1x!tpu.dma_semaphore, #tpu.memory_space<semaphore_mem>> -> memref<!tpu.dma_semaphore, #tpu.memory_space<semaphore_mem>>
        tpu.wait_indirect_dma semaphore(%dma_wait3A_575 : memref<!tpu.dma_semaphore, #tpu.memory_space<semaphore_mem>>) src(%dma_wait3A_567 : memref<640x16xf32, #tpu.memory_space<vmem>>) dst(%dma_wait3A_573 : memref<10240x16xf32, #tpu.memory_space<vmem_shared>>)
      } else {
      }
      %add3A_182 = arith.constant 2 : i32
      %add3A_183 = arith.addi %mul3A_138, %add3A_182 : i32
      %dma_start3A_184 = arith.constant 2 : i32
      %dma_start3A_185 = arith.constant 2 : i32
      %dma_start3A_186 = arith.constant 0 : i32
      %dma_start3A_187 = arith.constant 0 : i32
      %dma_start3A_188 = tpu.memref_slice %arg9[%dma_start3A_184, %dma_start3A_186, %dma_start3A_187] : memref<8x640x16xf32, #tpu.memory_space<vmem>> -> memref<1x640x16xf32, #tpu.memory_space<vmem>>
      %dma_start3A_189 = tpu.memref_squeeze %dma_start3A_188 : memref<1x640x16xf32, #tpu.memory_space<vmem>> -> memref<640x16xf32, #tpu.memory_space<vmem>>
      %dma_start3A_190 = arith.constant 0 : i32
      %dma_start3A_191 = tpu.memref_slice %arg7[%add3A_183, %dma_start3A_190] : memref<16x640xi32, #tpu.memory_space<vmem>> -> memref<1x640xi32, #tpu.memory_space<vmem>>
      %dma_start3A_192 = tpu.memref_squeeze %dma_start3A_191 : memref<1x640xi32, #tpu.memory_space<vmem>> -> memref<640xi32, #tpu.memory_space<vmem>>
      %dma_start3A_193 = arith.constant 0 : i32
      %dma_start3A_194 = arith.constant 0 : i32
      %dma_start3A_195 = tpu.memref_slice %arg2[%dma_start3A_193, %dma_start3A_194] : memref<10240x16xf32, #tpu.memory_space<hbm>> -> memref<10240x16xf32, #tpu.memory_space<hbm>>
      %dma_start3A_196 = tpu.memref_slice %arg11[%dma_start3A_185] : memref<8x!tpu.dma_semaphore, #tpu.memory_space<semaphore_mem>> -> memref<1x!tpu.dma_semaphore, #tpu.memory_space<semaphore_mem>>
      %dma_start3A_197 = tpu.memref_squeeze %dma_start3A_196 : memref<1x!tpu.dma_semaphore, #tpu.memory_space<semaphore_mem>> -> memref<!tpu.dma_semaphore, #tpu.memory_space<semaphore_mem>>
      tpu.enqueue_indirect_dma source(%dma_start3A_195 : memref<10240x16xf32, #tpu.memory_space<hbm>>) target(%dma_start3A_189 : memref<640x16xf32, #tpu.memory_space<vmem>>) offsets(%dma_start3A_192 : memref<640xi32, #tpu.memory_space<vmem>>) semaphore(%dma_start3A_197 : memref<!tpu.dma_semaphore, #tpu.memory_space<semaphore_mem>>)
      %gt3A_198 = arith.constant 0 : i32
      %gt3A_199 = arith.cmpi sgt, %scan3A_136, %gt3A_198 : i32
      %convert_element_type3A_200 = arith.extui %gt3A_199 : i1 to i32
      %cond3A_201 = arith.constant 0 : i32
      %cond3A_202 = arith.cmpi ne, %convert_element_type3A_200, %cond3A_201 : i32
      scf.if %cond3A_202 {
        %sub3A = arith.constant 8 : i32
        %sub3A_559 = arith.subi %mul3A_138, %sub3A : i32
        %add3A_560 = arith.constant 3 : i32
        %add3A_561 = arith.addi %sub3A_559, %add3A_560 : i32
        %dma_wait3A_562 = arith.constant 3 : i32
        %dma_wait3A_563 = arith.constant 3 : i32
        %dma_wait3A_564 = arith.constant 0 : i32
        %dma_wait3A_565 = arith.constant 0 : i32
        %dma_wait3A_566 = tpu.memref_slice %arg9[%dma_wait3A_562, %dma_wait3A_564, %dma_wait3A_565] : memref<8x640x16xf32, #tpu.memory_space<vmem>> -> memref<1x640x16xf32, #tpu.memory_space<vmem>>
        %dma_wait3A_567 = tpu.memref_squeeze %dma_wait3A_566 : memref<1x640x16xf32, #tpu.memory_space<vmem>> -> memref<640x16xf32, #tpu.memory_space<vmem>>
        %dma_wait3A_568 = arith.constant 0 : i32
        %dma_wait3A_569 = tpu.memref_slice %arg8[%add3A_561, %dma_wait3A_568] : memref<16x640xi32, #tpu.memory_space<vmem>> -> memref<1x640xi32, #tpu.memory_space<vmem>>
        %dma_wait3A_570 = tpu.memref_squeeze %dma_wait3A_569 : memref<1x640xi32, #tpu.memory_space<vmem>> -> memref<640xi32, #tpu.memory_space<vmem>>
        %dma_wait3A_571 = arith.constant 0 : i32
        %dma_wait3A_572 = arith.constant 0 : i32
        %dma_wait3A_573 = tpu.memref_slice %arg10[%dma_wait3A_571, %dma_wait3A_572] : memref<10240x16xf32, #tpu.memory_space<vmem_shared>> -> memref<10240x16xf32, #tpu.memory_space<vmem_shared>>
        %dma_wait3A_574 = tpu.memref_slice %arg12[%dma_wait3A_563] : memref<8x!tpu.dma_semaphore, #tpu.memory_space<semaphore_mem>> -> memref<1x!tpu.dma_semaphore, #tpu.memory_space<semaphore_mem>>
        %dma_wait3A_575 = tpu.memref_squeeze %dma_wait3A_574 : memref<1x!tpu.dma_semaphore, #tpu.memory_space<semaphore_mem>> -> memref<!tpu.dma_semaphore, #tpu.memory_space<semaphore_mem>>
        tpu.wait_indirect_dma semaphore(%dma_wait3A_575 : memref<!tpu.dma_semaphore, #tpu.memory_space<semaphore_mem>>) src(%dma_wait3A_567 : memref<640x16xf32, #tpu.memory_space<vmem>>) dst(%dma_wait3A_573 : memref<10240x16xf32, #tpu.memory_space<vmem_shared>>)
      } else {
      }
      %add3A_203 = arith.constant 3 : i32
      %add3A_204 = arith.addi %mul3A_138, %add3A_203 : i32
      %dma_start3A_205 = arith.constant 3 : i32
      %dma_start3A_206 = arith.constant 3 : i32
      %dma_start3A_207 = arith.constant 0 : i32
      %dma_start3A_208 = arith.constant 0 : i32
      %dma_start3A_209 = tpu.memref_slice %arg9[%dma_start3A_205, %dma_start3A_207, %dma_start3A_208] : memref<8x640x16xf32, #tpu.memory_space<vmem>> -> memref<1x640x16xf32, #tpu.memory_space<vmem>>
      %dma_start3A_210 = tpu.memref_squeeze %dma_start3A_209 : memref<1x640x16xf32, #tpu.memory_space<vmem>> -> memref<640x16xf32, #tpu.memory_space<vmem>>
      %dma_start3A_211 = arith.constant 0 : i32
      %dma_start3A_212 = tpu.memref_slice %arg7[%add3A_204, %dma_start3A_211] : memref<16x640xi32, #tpu.memory_space<vmem>> -> memref<1x640xi32, #tpu.memory_space<vmem>>
      %dma_start3A_213 = tpu.memref_squeeze %dma_start3A_212 : memref<1x640xi32, #tpu.memory_space<vmem>> -> memref<640xi32, #tpu.memory_space<vmem>>
      %dma_start3A_214 = arith.constant 0 : i32
      %dma_start3A_215 = arith.constant 0 : i32
      %dma_start3A_216 = tpu.memref_slice %arg2[%dma_start3A_214, %dma_start3A_215] : memref<10240x16xf32, #tpu.memory_space<hbm>> -> memref<10240x16xf32, #tpu.memory_space<hbm>>
      %dma_start3A_217 = tpu.memref_slice %arg11[%dma_start3A_206] : memref<8x!tpu.dma_semaphore, #tpu.memory_space<semaphore_mem>> -> memref<1x!tpu.dma_semaphore, #tpu.memory_space<semaphore_mem>>
      %dma_start3A_218 = tpu.memref_squeeze %dma_start3A_217 : memref<1x!tpu.dma_semaphore, #tpu.memory_space<semaphore_mem>> -> memref<!tpu.dma_semaphore, #tpu.memory_space<semaphore_mem>>
      tpu.enqueue_indirect_dma source(%dma_start3A_216 : memref<10240x16xf32, #tpu.memory_space<hbm>>) target(%dma_start3A_210 : memref<640x16xf32, #tpu.memory_space<vmem>>) offsets(%dma_start3A_213 : memref<640xi32, #tpu.memory_space<vmem>>) semaphore(%dma_start3A_218 : memref<!tpu.dma_semaphore, #tpu.memory_space<semaphore_mem>>)
      %gt3A_219 = arith.constant 0 : i32
      %gt3A_220 = arith.cmpi sgt, %scan3A_136, %gt3A_219 : i32
      %convert_element_type3A_221 = arith.extui %gt3A_220 : i1 to i32
      %cond3A_222 = arith.constant 0 : i32
      %cond3A_223 = arith.cmpi ne, %convert_element_type3A_221, %cond3A_222 : i32
      scf.if %cond3A_223 {
        %sub3A = arith.constant 8 : i32
        %sub3A_559 = arith.subi %mul3A_138, %sub3A : i32
        %add3A_560 = arith.constant 4 : i32
        %add3A_561 = arith.addi %sub3A_559, %add3A_560 : i32
        %dma_wait3A_562 = arith.constant 4 : i32
        %dma_wait3A_563 = arith.constant 4 : i32
        %dma_wait3A_564 = arith.constant 0 : i32
        %dma_wait3A_565 = arith.constant 0 : i32
        %dma_wait3A_566 = tpu.memref_slice %arg9[%dma_wait3A_562, %dma_wait3A_564, %dma_wait3A_565] : memref<8x640x16xf32, #tpu.memory_space<vmem>> -> memref<1x640x16xf32, #tpu.memory_space<vmem>>
        %dma_wait3A_567 = tpu.memref_squeeze %dma_wait3A_566 : memref<1x640x16xf32, #tpu.memory_space<vmem>> -> memref<640x16xf32, #tpu.memory_space<vmem>>
        %dma_wait3A_568 = arith.constant 0 : i32
        %dma_wait3A_569 = tpu.memref_slice %arg8[%add3A_561, %dma_wait3A_568] : memref<16x640xi32, #tpu.memory_space<vmem>> -> memref<1x640xi32, #tpu.memory_space<vmem>>
        %dma_wait3A_570 = tpu.memref_squeeze %dma_wait3A_569 : memref<1x640xi32, #tpu.memory_space<vmem>> -> memref<640xi32, #tpu.memory_space<vmem>>
        %dma_wait3A_571 = arith.constant 0 : i32
        %dma_wait3A_572 = arith.constant 0 : i32
        %dma_wait3A_573 = tpu.memref_slice %arg10[%dma_wait3A_571, %dma_wait3A_572] : memref<10240x16xf32, #tpu.memory_space<vmem_shared>> -> memref<10240x16xf32, #tpu.memory_space<vmem_shared>>
        %dma_wait3A_574 = tpu.memref_slice %arg12[%dma_wait3A_563] : memref<8x!tpu.dma_semaphore, #tpu.memory_space<semaphore_mem>> -> memref<1x!tpu.dma_semaphore, #tpu.memory_space<semaphore_mem>>
        %dma_wait3A_575 = tpu.memref_squeeze %dma_wait3A_574 : memref<1x!tpu.dma_semaphore, #tpu.memory_space<semaphore_mem>> -> memref<!tpu.dma_semaphore, #tpu.memory_space<semaphore_mem>>
        tpu.wait_indirect_dma semaphore(%dma_wait3A_575 : memref<!tpu.dma_semaphore, #tpu.memory_space<semaphore_mem>>) src(%dma_wait3A_567 : memref<640x16xf32, #tpu.memory_space<vmem>>) dst(%dma_wait3A_573 : memref<10240x16xf32, #tpu.memory_space<vmem_shared>>)
      } else {
      }
      %add3A_224 = arith.constant 4 : i32
      %add3A_225 = arith.addi %mul3A_138, %add3A_224 : i32
      %dma_start3A_226 = arith.constant 4 : i32
      %dma_start3A_227 = arith.constant 4 : i32
      %dma_start3A_228 = arith.constant 0 : i32
      %dma_start3A_229 = arith.constant 0 : i32
      %dma_start3A_230 = tpu.memref_slice %arg9[%dma_start3A_226, %dma_start3A_228, %dma_start3A_229] : memref<8x640x16xf32, #tpu.memory_space<vmem>> -> memref<1x640x16xf32, #tpu.memory_space<vmem>>
      %dma_start3A_231 = tpu.memref_squeeze %dma_start3A_230 : memref<1x640x16xf32, #tpu.memory_space<vmem>> -> memref<640x16xf32, #tpu.memory_space<vmem>>
      %dma_start3A_232 = arith.constant 0 : i32
      %dma_start3A_233 = tpu.memref_slice %arg7[%add3A_225, %dma_start3A_232] : memref<16x640xi32, #tpu.memory_space<vmem>> -> memref<1x640xi32, #tpu.memory_space<vmem>>
      %dma_start3A_234 = tpu.memref_squeeze %dma_start3A_233 : memref<1x640xi32, #tpu.memory_space<vmem>> -> memref<640xi32, #tpu.memory_space<vmem>>
      %dma_start3A_235 = arith.constant 0 : i32
      %dma_start3A_236 = arith.constant 0 : i32
      %dma_start3A_237 = tpu.memref_slice %arg2[%dma_start3A_235, %dma_start3A_236] : memref<10240x16xf32, #tpu.memory_space<hbm>> -> memref<10240x16xf32, #tpu.memory_space<hbm>>
      %dma_start3A_238 = tpu.memref_slice %arg11[%dma_start3A_227] : memref<8x!tpu.dma_semaphore, #tpu.memory_space<semaphore_mem>> -> memref<1x!tpu.dma_semaphore, #tpu.memory_space<semaphore_mem>>
      %dma_start3A_239 = tpu.memref_squeeze %dma_start3A_238 : memref<1x!tpu.dma_semaphore, #tpu.memory_space<semaphore_mem>> -> memref<!tpu.dma_semaphore, #tpu.memory_space<semaphore_mem>>
      tpu.enqueue_indirect_dma source(%dma_start3A_237 : memref<10240x16xf32, #tpu.memory_space<hbm>>) target(%dma_start3A_231 : memref<640x16xf32, #tpu.memory_space<vmem>>) offsets(%dma_start3A_234 : memref<640xi32, #tpu.memory_space<vmem>>) semaphore(%dma_start3A_239 : memref<!tpu.dma_semaphore, #tpu.memory_space<semaphore_mem>>)
      %gt3A_240 = arith.constant 0 : i32
      %gt3A_241 = arith.cmpi sgt, %scan3A_136, %gt3A_240 : i32
      %convert_element_type3A_242 = arith.extui %gt3A_241 : i1 to i32
      %cond3A_243 = arith.constant 0 : i32
      %cond3A_244 = arith.cmpi ne, %convert_element_type3A_242, %cond3A_243 : i32
      scf.if %cond3A_244 {
        %sub3A = arith.constant 8 : i32
        %sub3A_559 = arith.subi %mul3A_138, %sub3A : i32
        %add3A_560 = arith.constant 5 : i32
        %add3A_561 = arith.addi %sub3A_559, %add3A_560 : i32
        %dma_wait3A_562 = arith.constant 5 : i32
        %dma_wait3A_563 = arith.constant 5 : i32
        %dma_wait3A_564 = arith.constant 0 : i32
        %dma_wait3A_565 = arith.constant 0 : i32
        %dma_wait3A_566 = tpu.memref_slice %arg9[%dma_wait3A_562, %dma_wait3A_564, %dma_wait3A_565] : memref<8x640x16xf32, #tpu.memory_space<vmem>> -> memref<1x640x16xf32, #tpu.memory_space<vmem>>
        %dma_wait3A_567 = tpu.memref_squeeze %dma_wait3A_566 : memref<1x640x16xf32, #tpu.memory_space<vmem>> -> memref<640x16xf32, #tpu.memory_space<vmem>>
        %dma_wait3A_568 = arith.constant 0 : i32
        %dma_wait3A_569 = tpu.memref_slice %arg8[%add3A_561, %dma_wait3A_568] : memref<16x640xi32, #tpu.memory_space<vmem>> -> memref<1x640xi32, #tpu.memory_space<vmem>>
        %dma_wait3A_570 = tpu.memref_squeeze %dma_wait3A_569 : memref<1x640xi32, #tpu.memory_space<vmem>> -> memref<640xi32, #tpu.memory_space<vmem>>
        %dma_wait3A_571 = arith.constant 0 : i32
        %dma_wait3A_572 = arith.constant 0 : i32
        %dma_wait3A_573 = tpu.memref_slice %arg10[%dma_wait3A_571, %dma_wait3A_572] : memref<10240x16xf32, #tpu.memory_space<vmem_shared>> -> memref<10240x16xf32, #tpu.memory_space<vmem_shared>>
        %dma_wait3A_574 = tpu.memref_slice %arg12[%dma_wait3A_563] : memref<8x!tpu.dma_semaphore, #tpu.memory_space<semaphore_mem>> -> memref<1x!tpu.dma_semaphore, #tpu.memory_space<semaphore_mem>>
        %dma_wait3A_575 = tpu.memref_squeeze %dma_wait3A_574 : memref<1x!tpu.dma_semaphore, #tpu.memory_space<semaphore_mem>> -> memref<!tpu.dma_semaphore, #tpu.memory_space<semaphore_mem>>
        tpu.wait_indirect_dma semaphore(%dma_wait3A_575 : memref<!tpu.dma_semaphore, #tpu.memory_space<semaphore_mem>>) src(%dma_wait3A_567 : memref<640x16xf32, #tpu.memory_space<vmem>>) dst(%dma_wait3A_573 : memref<10240x16xf32, #tpu.memory_space<vmem_shared>>)
      } else {
      }
      %add3A_245 = arith.constant 5 : i32
      %add3A_246 = arith.addi %mul3A_138, %add3A_245 : i32
      %dma_start3A_247 = arith.constant 5 : i32
      %dma_start3A_248 = arith.constant 5 : i32
      %dma_start3A_249 = arith.constant 0 : i32
      %dma_start3A_250 = arith.constant 0 : i32
      %dma_start3A_251 = tpu.memref_slice %arg9[%dma_start3A_247, %dma_start3A_249, %dma_start3A_250] : memref<8x640x16xf32, #tpu.memory_space<vmem>> -> memref<1x640x16xf32, #tpu.memory_space<vmem>>
      %dma_start3A_252 = tpu.memref_squeeze %dma_start3A_251 : memref<1x640x16xf32, #tpu.memory_space<vmem>> -> memref<640x16xf32, #tpu.memory_space<vmem>>
      %dma_start3A_253 = arith.constant 0 : i32
      %dma_start3A_254 = tpu.memref_slice %arg7[%add3A_246, %dma_start3A_253] : memref<16x640xi32, #tpu.memory_space<vmem>> -> memref<1x640xi32, #tpu.memory_space<vmem>>
      %dma_start3A_255 = tpu.memref_squeeze %dma_start3A_254 : memref<1x640xi32, #tpu.memory_space<vmem>> -> memref<640xi32, #tpu.memory_space<vmem>>
      %dma_start3A_256 = arith.constant 0 : i32
      %dma_start3A_257 = arith.constant 0 : i32
      %dma_start3A_258 = tpu.memref_slice %arg2[%dma_start3A_256, %dma_start3A_257] : memref<10240x16xf32, #tpu.memory_space<hbm>> -> memref<10240x16xf32, #tpu.memory_space<hbm>>
      %dma_start3A_259 = tpu.memref_slice %arg11[%dma_start3A_248] : memref<8x!tpu.dma_semaphore, #tpu.memory_space<semaphore_mem>> -> memref<1x!tpu.dma_semaphore, #tpu.memory_space<semaphore_mem>>
      %dma_start3A_260 = tpu.memref_squeeze %dma_start3A_259 : memref<1x!tpu.dma_semaphore, #tpu.memory_space<semaphore_mem>> -> memref<!tpu.dma_semaphore, #tpu.memory_space<semaphore_mem>>
      tpu.enqueue_indirect_dma source(%dma_start3A_258 : memref<10240x16xf32, #tpu.memory_space<hbm>>) target(%dma_start3A_252 : memref<640x16xf32, #tpu.memory_space<vmem>>) offsets(%dma_start3A_255 : memref<640xi32, #tpu.memory_space<vmem>>) semaphore(%dma_start3A_260 : memref<!tpu.dma_semaphore, #tpu.memory_space<semaphore_mem>>)
      %gt3A_261 = arith.constant 0 : i32
      %gt3A_262 = arith.cmpi sgt, %scan3A_136, %gt3A_261 : i32
      %convert_element_type3A_263 = arith.extui %gt3A_262 : i1 to i32
      %cond3A_264 = arith.constant 0 : i32
      %cond3A_265 = arith.cmpi ne, %convert_element_type3A_263, %cond3A_264 : i32
      scf.if %cond3A_265 {
        %sub3A = arith.constant 8 : i32
        %sub3A_559 = arith.subi %mul3A_138, %sub3A : i32
        %add3A_560 = arith.constant 6 : i32
        %add3A_561 = arith.addi %sub3A_559, %add3A_560 : i32
        %dma_wait3A_562 = arith.constant 6 : i32
        %dma_wait3A_563 = arith.constant 6 : i32
        %dma_wait3A_564 = arith.constant 0 : i32
        %dma_wait3A_565 = arith.constant 0 : i32
        %dma_wait3A_566 = tpu.memref_slice %arg9[%dma_wait3A_562, %dma_wait3A_564, %dma_wait3A_565] : memref<8x640x16xf32, #tpu.memory_space<vmem>> -> memref<1x640x16xf32, #tpu.memory_space<vmem>>
        %dma_wait3A_567 = tpu.memref_squeeze %dma_wait3A_566 : memref<1x640x16xf32, #tpu.memory_space<vmem>> -> memref<640x16xf32, #tpu.memory_space<vmem>>
        %dma_wait3A_568 = arith.constant 0 : i32
        %dma_wait3A_569 = tpu.memref_slice %arg8[%add3A_561, %dma_wait3A_568] : memref<16x640xi32, #tpu.memory_space<vmem>> -> memref<1x640xi32, #tpu.memory_space<vmem>>
        %dma_wait3A_570 = tpu.memref_squeeze %dma_wait3A_569 : memref<1x640xi32, #tpu.memory_space<vmem>> -> memref<640xi32, #tpu.memory_space<vmem>>
        %dma_wait3A_571 = arith.constant 0 : i32
        %dma_wait3A_572 = arith.constant 0 : i32
        %dma_wait3A_573 = tpu.memref_slice %arg10[%dma_wait3A_571, %dma_wait3A_572] : memref<10240x16xf32, #tpu.memory_space<vmem_shared>> -> memref<10240x16xf32, #tpu.memory_space<vmem_shared>>
        %dma_wait3A_574 = tpu.memref_slice %arg12[%dma_wait3A_563] : memref<8x!tpu.dma_semaphore, #tpu.memory_space<semaphore_mem>> -> memref<1x!tpu.dma_semaphore, #tpu.memory_space<semaphore_mem>>
        %dma_wait3A_575 = tpu.memref_squeeze %dma_wait3A_574 : memref<1x!tpu.dma_semaphore, #tpu.memory_space<semaphore_mem>> -> memref<!tpu.dma_semaphore, #tpu.memory_space<semaphore_mem>>
        tpu.wait_indirect_dma semaphore(%dma_wait3A_575 : memref<!tpu.dma_semaphore, #tpu.memory_space<semaphore_mem>>) src(%dma_wait3A_567 : memref<640x16xf32, #tpu.memory_space<vmem>>) dst(%dma_wait3A_573 : memref<10240x16xf32, #tpu.memory_space<vmem_shared>>)
      } else {
      }
      %add3A_266 = arith.constant 6 : i32
      %add3A_267 = arith.addi %mul3A_138, %add3A_266 : i32
      %dma_start3A_268 = arith.constant 6 : i32
      %dma_start3A_269 = arith.constant 6 : i32
      %dma_start3A_270 = arith.constant 0 : i32
      %dma_start3A_271 = arith.constant 0 : i32
      %dma_start3A_272 = tpu.memref_slice %arg9[%dma_start3A_268, %dma_start3A_270, %dma_start3A_271] : memref<8x640x16xf32, #tpu.memory_space<vmem>> -> memref<1x640x16xf32, #tpu.memory_space<vmem>>
      %dma_start3A_273 = tpu.memref_squeeze %dma_start3A_272 : memref<1x640x16xf32, #tpu.memory_space<vmem>> -> memref<640x16xf32, #tpu.memory_space<vmem>>
      %dma_start3A_274 = arith.constant 0 : i32
      %dma_start3A_275 = tpu.memref_slice %arg7[%add3A_267, %dma_start3A_274] : memref<16x640xi32, #tpu.memory_space<vmem>> -> memref<1x640xi32, #tpu.memory_space<vmem>>
      %dma_start3A_276 = tpu.memref_squeeze %dma_start3A_275 : memref<1x640xi32, #tpu.memory_space<vmem>> -> memref<640xi32, #tpu.memory_space<vmem>>
      %dma_start3A_277 = arith.constant 0 : i32
      %dma_start3A_278 = arith.constant 0 : i32
      %dma_start3A_279 = tpu.memref_slice %arg2[%dma_start3A_277, %dma_start3A_278] : memref<10240x16xf32, #tpu.memory_space<hbm>> -> memref<10240x16xf32, #tpu.memory_space<hbm>>
      %dma_start3A_280 = tpu.memref_slice %arg11[%dma_start3A_269] : memref<8x!tpu.dma_semaphore, #tpu.memory_space<semaphore_mem>> -> memref<1x!tpu.dma_semaphore, #tpu.memory_space<semaphore_mem>>
      %dma_start3A_281 = tpu.memref_squeeze %dma_start3A_280 : memref<1x!tpu.dma_semaphore, #tpu.memory_space<semaphore_mem>> -> memref<!tpu.dma_semaphore, #tpu.memory_space<semaphore_mem>>
      tpu.enqueue_indirect_dma source(%dma_start3A_279 : memref<10240x16xf32, #tpu.memory_space<hbm>>) target(%dma_start3A_273 : memref<640x16xf32, #tpu.memory_space<vmem>>) offsets(%dma_start3A_276 : memref<640xi32, #tpu.memory_space<vmem>>) semaphore(%dma_start3A_281 : memref<!tpu.dma_semaphore, #tpu.memory_space<semaphore_mem>>)
      %gt3A_282 = arith.constant 0 : i32
      %gt3A_283 = arith.cmpi sgt, %scan3A_136, %gt3A_282 : i32
      %convert_element_type3A_284 = arith.extui %gt3A_283 : i1 to i32
      %cond3A_285 = arith.constant 0 : i32
      %cond3A_286 = arith.cmpi ne, %convert_element_type3A_284, %cond3A_285 : i32
      scf.if %cond3A_286 {
        %sub3A = arith.constant 8 : i32
        %sub3A_559 = arith.subi %mul3A_138, %sub3A : i32
        %add3A_560 = arith.constant 7 : i32
        %add3A_561 = arith.addi %sub3A_559, %add3A_560 : i32
        %dma_wait3A_562 = arith.constant 7 : i32
        %dma_wait3A_563 = arith.constant 7 : i32
        %dma_wait3A_564 = arith.constant 0 : i32
        %dma_wait3A_565 = arith.constant 0 : i32
        %dma_wait3A_566 = tpu.memref_slice %arg9[%dma_wait3A_562, %dma_wait3A_564, %dma_wait3A_565] : memref<8x640x16xf32, #tpu.memory_space<vmem>> -> memref<1x640x16xf32, #tpu.memory_space<vmem>>
        %dma_wait3A_567 = tpu.memref_squeeze %dma_wait3A_566 : memref<1x640x16xf32, #tpu.memory_space<vmem>> -> memref<640x16xf32, #tpu.memory_space<vmem>>
        %dma_wait3A_568 = arith.constant 0 : i32
        %dma_wait3A_569 = tpu.memref_slice %arg8[%add3A_561, %dma_wait3A_568] : memref<16x640xi32, #tpu.memory_space<vmem>> -> memref<1x640xi32, #tpu.memory_space<vmem>>
        %dma_wait3A_570 = tpu.memref_squeeze %dma_wait3A_569 : memref<1x640xi32, #tpu.memory_space<vmem>> -> memref<640xi32, #tpu.memory_space<vmem>>
        %dma_wait3A_571 = arith.constant 0 : i32
        %dma_wait3A_572 = arith.constant 0 : i32
        %dma_wait3A_573 = tpu.memref_slice %arg10[%dma_wait3A_571, %dma_wait3A_572] : memref<10240x16xf32, #tpu.memory_space<vmem_shared>> -> memref<10240x16xf32, #tpu.memory_space<vmem_shared>>
        %dma_wait3A_574 = tpu.memref_slice %arg12[%dma_wait3A_563] : memref<8x!tpu.dma_semaphore, #tpu.memory_space<semaphore_mem>> -> memref<1x!tpu.dma_semaphore, #tpu.memory_space<semaphore_mem>>
        %dma_wait3A_575 = tpu.memref_squeeze %dma_wait3A_574 : memref<1x!tpu.dma_semaphore, #tpu.memory_space<semaphore_mem>> -> memref<!tpu.dma_semaphore, #tpu.memory_space<semaphore_mem>>
        tpu.wait_indirect_dma semaphore(%dma_wait3A_575 : memref<!tpu.dma_semaphore, #tpu.memory_space<semaphore_mem>>) src(%dma_wait3A_567 : memref<640x16xf32, #tpu.memory_space<vmem>>) dst(%dma_wait3A_573 : memref<10240x16xf32, #tpu.memory_space<vmem_shared>>)
      } else {
      }
      %add3A_287 = arith.constant 7 : i32
      %add3A_288 = arith.addi %mul3A_138, %add3A_287 : i32
      %dma_start3A_289 = arith.constant 7 : i32
      %dma_start3A_290 = arith.constant 7 : i32
      %dma_start3A_291 = arith.constant 0 : i32
      %dma_start3A_292 = arith.constant 0 : i32
      %dma_start3A_293 = tpu.memref_slice %arg9[%dma_start3A_289, %dma_start3A_291, %dma_start3A_292] : memref<8x640x16xf32, #tpu.memory_space<vmem>> -> memref<1x640x16xf32, #tpu.memory_space<vmem>>
      %dma_start3A_294 = tpu.memref_squeeze %dma_start3A_293 : memref<1x640x16xf32, #tpu.memory_space<vmem>> -> memref<640x16xf32, #tpu.memory_space<vmem>>
      %dma_start3A_295 = arith.constant 0 : i32
      %dma_start3A_296 = tpu.memref_slice %arg7[%add3A_288, %dma_start3A_295] : memref<16x640xi32, #tpu.memory_space<vmem>> -> memref<1x640xi32, #tpu.memory_space<vmem>>
      %dma_start3A_297 = tpu.memref_squeeze %dma_start3A_296 : memref<1x640xi32, #tpu.memory_space<vmem>> -> memref<640xi32, #tpu.memory_space<vmem>>
      %dma_start3A_298 = arith.constant 0 : i32
      %dma_start3A_299 = arith.constant 0 : i32
      %dma_start3A_300 = tpu.memref_slice %arg2[%dma_start3A_298, %dma_start3A_299] : memref<10240x16xf32, #tpu.memory_space<hbm>> -> memref<10240x16xf32, #tpu.memory_space<hbm>>
      %dma_start3A_301 = tpu.memref_slice %arg11[%dma_start3A_290] : memref<8x!tpu.dma_semaphore, #tpu.memory_space<semaphore_mem>> -> memref<1x!tpu.dma_semaphore, #tpu.memory_space<semaphore_mem>>
      %dma_start3A_302 = tpu.memref_squeeze %dma_start3A_301 : memref<1x!tpu.dma_semaphore, #tpu.memory_space<semaphore_mem>> -> memref<!tpu.dma_semaphore, #tpu.memory_space<semaphore_mem>>
      tpu.enqueue_indirect_dma source(%dma_start3A_300 : memref<10240x16xf32, #tpu.memory_space<hbm>>) target(%dma_start3A_294 : memref<640x16xf32, #tpu.memory_space<vmem>>) offsets(%dma_start3A_297 : memref<640xi32, #tpu.memory_space<vmem>>) semaphore(%dma_start3A_302 : memref<!tpu.dma_semaphore, #tpu.memory_space<semaphore_mem>>)
      %add3A_303 = arith.constant 0 : i32
      %add3A_304 = arith.addi %mul3A_138, %add3A_303 : i32
      %dma_wait3A_305 = arith.constant 0 : i32
      %dma_wait3A_306 = arith.constant 0 : i32
      %dma_wait3A_307 = arith.constant 0 : i32
      %dma_wait3A_308 = arith.constant 0 : i32
      %dma_wait3A_309 = tpu.memref_slice %arg9[%dma_wait3A_305, %dma_wait3A_307, %dma_wait3A_308] : memref<8x640x16xf32, #tpu.memory_space<vmem>> -> memref<1x640x16xf32, #tpu.memory_space<vmem>>
      %dma_wait3A_310 = tpu.memref_squeeze %dma_wait3A_309 : memref<1x640x16xf32, #tpu.memory_space<vmem>> -> memref<640x16xf32, #tpu.memory_space<vmem>>
      %dma_wait3A_311 = arith.constant 0 : i32
      %dma_wait3A_312 = tpu.memref_slice %arg7[%add3A_304, %dma_wait3A_311] : memref<16x640xi32, #tpu.memory_space<vmem>> -> memref<1x640xi32, #tpu.memory_space<vmem>>
      %dma_wait3A_313 = tpu.memref_squeeze %dma_wait3A_312 : memref<1x640xi32, #tpu.memory_space<vmem>> -> memref<640xi32, #tpu.memory_space<vmem>>
      %dma_wait3A_314 = arith.constant 0 : i32
      %dma_wait3A_315 = arith.constant 0 : i32
      %dma_wait3A_316 = tpu.memref_slice %arg2[%dma_wait3A_314, %dma_wait3A_315] : memref<10240x16xf32, #tpu.memory_space<hbm>> -> memref<10240x16xf32, #tpu.memory_space<hbm>>
      %dma_wait3A_317 = tpu.memref_slice %arg11[%dma_wait3A_306] : memref<8x!tpu.dma_semaphore, #tpu.memory_space<semaphore_mem>> -> memref<1x!tpu.dma_semaphore, #tpu.memory_space<semaphore_mem>>
      %dma_wait3A_318 = tpu.memref_squeeze %dma_wait3A_317 : memref<1x!tpu.dma_semaphore, #tpu.memory_space<semaphore_mem>> -> memref<!tpu.dma_semaphore, #tpu.memory_space<semaphore_mem>>
      tpu.wait_indirect_dma semaphore(%dma_wait3A_318 : memref<!tpu.dma_semaphore, #tpu.memory_space<semaphore_mem>>) src(%dma_wait3A_316 : memref<10240x16xf32, #tpu.memory_space<hbm>>) dst(%dma_wait3A_310 : memref<640x16xf32, #tpu.memory_space<vmem>>)
      %add3A_319 = arith.constant 0 : i32
      %add3A_320 = arith.addi %mul3A_138, %add3A_319 : i32
      %dma_start3A_321 = arith.constant 0 : i32
      %dma_start3A_322 = arith.constant 0 : i32
      %dma_start3A_323 = arith.constant 0 : i32
      %dma_start3A_324 = arith.constant 0 : i32
      %dma_start3A_325 = tpu.memref_slice %arg9[%dma_start3A_321, %dma_start3A_323, %dma_start3A_324] : memref<8x640x16xf32, #tpu.memory_space<vmem>> -> memref<1x640x16xf32, #tpu.memory_space<vmem>>
      %dma_start3A_326 = tpu.memref_squeeze %dma_start3A_325 : memref<1x640x16xf32, #tpu.memory_space<vmem>> -> memref<640x16xf32, #tpu.memory_space<vmem>>
      %dma_start3A_327 = arith.constant 0 : i32
      %dma_start3A_328 = tpu.memref_slice %arg8[%add3A_320, %dma_start3A_327] : memref<16x640xi32, #tpu.memory_space<vmem>> -> memref<1x640xi32, #tpu.memory_space<vmem>>
      %dma_start3A_329 = tpu.memref_squeeze %dma_start3A_328 : memref<1x640xi32, #tpu.memory_space<vmem>> -> memref<640xi32, #tpu.memory_space<vmem>>
      %dma_start3A_330 = arith.constant 0 : i32
      %dma_start3A_331 = arith.constant 0 : i32
      %dma_start3A_332 = tpu.memref_slice %arg10[%dma_start3A_330, %dma_start3A_331] : memref<10240x16xf32, #tpu.memory_space<vmem_shared>> -> memref<10240x16xf32, #tpu.memory_space<vmem_shared>>
      %dma_start3A_333 = tpu.memref_slice %arg12[%dma_start3A_322] : memref<8x!tpu.dma_semaphore, #tpu.memory_space<semaphore_mem>> -> memref<1x!tpu.dma_semaphore, #tpu.memory_space<semaphore_mem>>
      %dma_start3A_334 = tpu.memref_squeeze %dma_start3A_333 : memref<1x!tpu.dma_semaphore, #tpu.memory_space<semaphore_mem>> -> memref<!tpu.dma_semaphore, #tpu.memory_space<semaphore_mem>>
      tpu.enqueue_indirect_dma source(%dma_start3A_326 : memref<640x16xf32, #tpu.memory_space<vmem>>) target(%dma_start3A_332 : memref<10240x16xf32, #tpu.memory_space<vmem_shared>>) offsets(%dma_start3A_329 : memref<640xi32, #tpu.memory_space<vmem>>) semaphore(%dma_start3A_334 : memref<!tpu.dma_semaphore, #tpu.memory_space<semaphore_mem>>) {add = true}
      %add3A_335 = arith.constant 1 : i32
      %add3A_336 = arith.addi %mul3A_138, %add3A_335 : i32
      %dma_wait3A_337 = arith.constant 1 : i32
      %dma_wait3A_338 = arith.constant 1 : i32
      %dma_wait3A_339 = arith.constant 0 : i32
      %dma_wait3A_340 = arith.constant 0 : i32
      %dma_wait3A_341 = tpu.memref_slice %arg9[%dma_wait3A_337, %dma_wait3A_339, %dma_wait3A_340] : memref<8x640x16xf32, #tpu.memory_space<vmem>> -> memref<1x640x16xf32, #tpu.memory_space<vmem>>
      %dma_wait3A_342 = tpu.memref_squeeze %dma_wait3A_341 : memref<1x640x16xf32, #tpu.memory_space<vmem>> -> memref<640x16xf32, #tpu.memory_space<vmem>>
      %dma_wait3A_343 = arith.constant 0 : i32
      %dma_wait3A_344 = tpu.memref_slice %arg7[%add3A_336, %dma_wait3A_343] : memref<16x640xi32, #tpu.memory_space<vmem>> -> memref<1x640xi32, #tpu.memory_space<vmem>>
      %dma_wait3A_345 = tpu.memref_squeeze %dma_wait3A_344 : memref<1x640xi32, #tpu.memory_space<vmem>> -> memref<640xi32, #tpu.memory_space<vmem>>
      %dma_wait3A_346 = arith.constant 0 : i32
      %dma_wait3A_347 = arith.constant 0 : i32
      %dma_wait3A_348 = tpu.memref_slice %arg2[%dma_wait3A_346, %dma_wait3A_347] : memref<10240x16xf32, #tpu.memory_space<hbm>> -> memref<10240x16xf32, #tpu.memory_space<hbm>>
      %dma_wait3A_349 = tpu.memref_slice %arg11[%dma_wait3A_338] : memref<8x!tpu.dma_semaphore, #tpu.memory_space<semaphore_mem>> -> memref<1x!tpu.dma_semaphore, #tpu.memory_space<semaphore_mem>>
      %dma_wait3A_350 = tpu.memref_squeeze %dma_wait3A_349 : memref<1x!tpu.dma_semaphore, #tpu.memory_space<semaphore_mem>> -> memref<!tpu.dma_semaphore, #tpu.memory_space<semaphore_mem>>
      tpu.wait_indirect_dma semaphore(%dma_wait3A_350 : memref<!tpu.dma_semaphore, #tpu.memory_space<semaphore_mem>>) src(%dma_wait3A_348 : memref<10240x16xf32, #tpu.memory_space<hbm>>) dst(%dma_wait3A_342 : memref<640x16xf32, #tpu.memory_space<vmem>>)
      %add3A_351 = arith.constant 1 : i32
      %add3A_352 = arith.addi %mul3A_138, %add3A_351 : i32
      %dma_start3A_353 = arith.constant 1 : i32
      %dma_start3A_354 = arith.constant 1 : i32
      %dma_start3A_355 = arith.constant 0 : i32
      %dma_start3A_356 = arith.constant 0 : i32
      %dma_start3A_357 = tpu.memref_slice %arg9[%dma_start3A_353, %dma_start3A_355, %dma_start3A_356] : memref<8x640x16xf32, #tpu.memory_space<vmem>> -> memref<1x640x16xf32, #tpu.memory_space<vmem>>
      %dma_start3A_358 = tpu.memref_squeeze %dma_start3A_357 : memref<1x640x16xf32, #tpu.memory_space<vmem>> -> memref<640x16xf32, #tpu.memory_space<vmem>>
      %dma_start3A_359 = arith.constant 0 : i32
      %dma_start3A_360 = tpu.memref_slice %arg8[%add3A_352, %dma_start3A_359] : memref<16x640xi32, #tpu.memory_space<vmem>> -> memref<1x640xi32, #tpu.memory_space<vmem>>
      %dma_start3A_361 = tpu.memref_squeeze %dma_start3A_360 : memref<1x640xi32, #tpu.memory_space<vmem>> -> memref<640xi32, #tpu.memory_space<vmem>>
      %dma_start3A_362 = arith.constant 0 : i32
      %dma_start3A_363 = arith.constant 0 : i32
      %dma_start3A_364 = tpu.memref_slice %arg10[%dma_start3A_362, %dma_start3A_363] : memref<10240x16xf32, #tpu.memory_space<vmem_shared>> -> memref<10240x16xf32, #tpu.memory_space<vmem_shared>>
      %dma_start3A_365 = tpu.memref_slice %arg12[%dma_start3A_354] : memref<8x!tpu.dma_semaphore, #tpu.memory_space<semaphore_mem>> -> memref<1x!tpu.dma_semaphore, #tpu.memory_space<semaphore_mem>>
      %dma_start3A_366 = tpu.memref_squeeze %dma_start3A_365 : memref<1x!tpu.dma_semaphore, #tpu.memory_space<semaphore_mem>> -> memref<!tpu.dma_semaphore, #tpu.memory_space<semaphore_mem>>
      tpu.enqueue_indirect_dma source(%dma_start3A_358 : memref<640x16xf32, #tpu.memory_space<vmem>>) target(%dma_start3A_364 : memref<10240x16xf32, #tpu.memory_space<vmem_shared>>) offsets(%dma_start3A_361 : memref<640xi32, #tpu.memory_space<vmem>>) semaphore(%dma_start3A_366 : memref<!tpu.dma_semaphore, #tpu.memory_space<semaphore_mem>>) {add = true}
      %add3A_367 = arith.constant 2 : i32
      %add3A_368 = arith.addi %mul3A_138, %add3A_367 : i32
      %dma_wait3A_369 = arith.constant 2 : i32
      %dma_wait3A_370 = arith.constant 2 : i32
      %dma_wait3A_371 = arith.constant 0 : i32
      %dma_wait3A_372 = arith.constant 0 : i32
      %dma_wait3A_373 = tpu.memref_slice %arg9[%dma_wait3A_369, %dma_wait3A_371, %dma_wait3A_372] : memref<8x640x16xf32, #tpu.memory_space<vmem>> -> memref<1x640x16xf32, #tpu.memory_space<vmem>>
      %dma_wait3A_374 = tpu.memref_squeeze %dma_wait3A_373 : memref<1x640x16xf32, #tpu.memory_space<vmem>> -> memref<640x16xf32, #tpu.memory_space<vmem>>
      %dma_wait3A_375 = arith.constant 0 : i32
      %dma_wait3A_376 = tpu.memref_slice %arg7[%add3A_368, %dma_wait3A_375] : memref<16x640xi32, #tpu.memory_space<vmem>> -> memref<1x640xi32, #tpu.memory_space<vmem>>
      %dma_wait3A_377 = tpu.memref_squeeze %dma_wait3A_376 : memref<1x640xi32, #tpu.memory_space<vmem>> -> memref<640xi32, #tpu.memory_space<vmem>>
      %dma_wait3A_378 = arith.constant 0 : i32
      %dma_wait3A_379 = arith.constant 0 : i32
      %dma_wait3A_380 = tpu.memref_slice %arg2[%dma_wait3A_378, %dma_wait3A_379] : memref<10240x16xf32, #tpu.memory_space<hbm>> -> memref<10240x16xf32, #tpu.memory_space<hbm>>
      %dma_wait3A_381 = tpu.memref_slice %arg11[%dma_wait3A_370] : memref<8x!tpu.dma_semaphore, #tpu.memory_space<semaphore_mem>> -> memref<1x!tpu.dma_semaphore, #tpu.memory_space<semaphore_mem>>
      %dma_wait3A_382 = tpu.memref_squeeze %dma_wait3A_381 : memref<1x!tpu.dma_semaphore, #tpu.memory_space<semaphore_mem>> -> memref<!tpu.dma_semaphore, #tpu.memory_space<semaphore_mem>>
      tpu.wait_indirect_dma semaphore(%dma_wait3A_382 : memref<!tpu.dma_semaphore, #tpu.memory_space<semaphore_mem>>) src(%dma_wait3A_380 : memref<10240x16xf32, #tpu.memory_space<hbm>>) dst(%dma_wait3A_374 : memref<640x16xf32, #tpu.memory_space<vmem>>)
      %add3A_383 = arith.constant 2 : i32
      %add3A_384 = arith.addi %mul3A_138, %add3A_383 : i32
      %dma_start3A_385 = arith.constant 2 : i32
      %dma_start3A_386 = arith.constant 2 : i32
      %dma_start3A_387 = arith.constant 0 : i32
      %dma_start3A_388 = arith.constant 0 : i32
      %dma_start3A_389 = tpu.memref_slice %arg9[%dma_start3A_385, %dma_start3A_387, %dma_start3A_388] : memref<8x640x16xf32, #tpu.memory_space<vmem>> -> memref<1x640x16xf32, #tpu.memory_space<vmem>>
      %dma_start3A_390 = tpu.memref_squeeze %dma_start3A_389 : memref<1x640x16xf32, #tpu.memory_space<vmem>> -> memref<640x16xf32, #tpu.memory_space<vmem>>
      %dma_start3A_391 = arith.constant 0 : i32
      %dma_start3A_392 = tpu.memref_slice %arg8[%add3A_384, %dma_start3A_391] : memref<16x640xi32, #tpu.memory_space<vmem>> -> memref<1x640xi32, #tpu.memory_space<vmem>>
      %dma_start3A_393 = tpu.memref_squeeze %dma_start3A_392 : memref<1x640xi32, #tpu.memory_space<vmem>> -> memref<640xi32, #tpu.memory_space<vmem>>
      %dma_start3A_394 = arith.constant 0 : i32
      %dma_start3A_395 = arith.constant 0 : i32
      %dma_start3A_396 = tpu.memref_slice %arg10[%dma_start3A_394, %dma_start3A_395] : memref<10240x16xf32, #tpu.memory_space<vmem_shared>> -> memref<10240x16xf32, #tpu.memory_space<vmem_shared>>
      %dma_start3A_397 = tpu.memref_slice %arg12[%dma_start3A_386] : memref<8x!tpu.dma_semaphore, #tpu.memory_space<semaphore_mem>> -> memref<1x!tpu.dma_semaphore, #tpu.memory_space<semaphore_mem>>
      %dma_start3A_398 = tpu.memref_squeeze %dma_start3A_397 : memref<1x!tpu.dma_semaphore, #tpu.memory_space<semaphore_mem>> -> memref<!tpu.dma_semaphore, #tpu.memory_space<semaphore_mem>>
      tpu.enqueue_indirect_dma source(%dma_start3A_390 : memref<640x16xf32, #tpu.memory_space<vmem>>) target(%dma_start3A_396 : memref<10240x16xf32, #tpu.memory_space<vmem_shared>>) offsets(%dma_start3A_393 : memref<640xi32, #tpu.memory_space<vmem>>) semaphore(%dma_start3A_398 : memref<!tpu.dma_semaphore, #tpu.memory_space<semaphore_mem>>) {add = true}
      %add3A_399 = arith.constant 3 : i32
      %add3A_400 = arith.addi %mul3A_138, %add3A_399 : i32
      %dma_wait3A_401 = arith.constant 3 : i32
      %dma_wait3A_402 = arith.constant 3 : i32
      %dma_wait3A_403 = arith.constant 0 : i32
      %dma_wait3A_404 = arith.constant 0 : i32
      %dma_wait3A_405 = tpu.memref_slice %arg9[%dma_wait3A_401, %dma_wait3A_403, %dma_wait3A_404] : memref<8x640x16xf32, #tpu.memory_space<vmem>> -> memref<1x640x16xf32, #tpu.memory_space<vmem>>
      %dma_wait3A_406 = tpu.memref_squeeze %dma_wait3A_405 : memref<1x640x16xf32, #tpu.memory_space<vmem>> -> memref<640x16xf32, #tpu.memory_space<vmem>>
      %dma_wait3A_407 = arith.constant 0 : i32
      %dma_wait3A_408 = tpu.memref_slice %arg7[%add3A_400, %dma_wait3A_407] : memref<16x640xi32, #tpu.memory_space<vmem>> -> memref<1x640xi32, #tpu.memory_space<vmem>>
      %dma_wait3A_409 = tpu.memref_squeeze %dma_wait3A_408 : memref<1x640xi32, #tpu.memory_space<vmem>> -> memref<640xi32, #tpu.memory_space<vmem>>
      %dma_wait3A_410 = arith.constant 0 : i32
      %dma_wait3A_411 = arith.constant 0 : i32
      %dma_wait3A_412 = tpu.memref_slice %arg2[%dma_wait3A_410, %dma_wait3A_411] : memref<10240x16xf32, #tpu.memory_space<hbm>> -> memref<10240x16xf32, #tpu.memory_space<hbm>>
      %dma_wait3A_413 = tpu.memref_slice %arg11[%dma_wait3A_402] : memref<8x!tpu.dma_semaphore, #tpu.memory_space<semaphore_mem>> -> memref<1x!tpu.dma_semaphore, #tpu.memory_space<semaphore_mem>>
      %dma_wait3A_414 = tpu.memref_squeeze %dma_wait3A_413 : memref<1x!tpu.dma_semaphore, #tpu.memory_space<semaphore_mem>> -> memref<!tpu.dma_semaphore, #tpu.memory_space<semaphore_mem>>
      tpu.wait_indirect_dma semaphore(%dma_wait3A_414 : memref<!tpu.dma_semaphore, #tpu.memory_space<semaphore_mem>>) src(%dma_wait3A_412 : memref<10240x16xf32, #tpu.memory_space<hbm>>) dst(%dma_wait3A_406 : memref<640x16xf32, #tpu.memory_space<vmem>>)
      %add3A_415 = arith.constant 3 : i32
      %add3A_416 = arith.addi %mul3A_138, %add3A_415 : i32
      %dma_start3A_417 = arith.constant 3 : i32
      %dma_start3A_418 = arith.constant 3 : i32
      %dma_start3A_419 = arith.constant 0 : i32
      %dma_start3A_420 = arith.constant 0 : i32
      %dma_start3A_421 = tpu.memref_slice %arg9[%dma_start3A_417, %dma_start3A_419, %dma_start3A_420] : memref<8x640x16xf32, #tpu.memory_space<vmem>> -> memref<1x640x16xf32, #tpu.memory_space<vmem>>
      %dma_start3A_422 = tpu.memref_squeeze %dma_start3A_421 : memref<1x640x16xf32, #tpu.memory_space<vmem>> -> memref<640x16xf32, #tpu.memory_space<vmem>>
      %dma_start3A_423 = arith.constant 0 : i32
      %dma_start3A_424 = tpu.memref_slice %arg8[%add3A_416, %dma_start3A_423] : memref<16x640xi32, #tpu.memory_space<vmem>> -> memref<1x640xi32, #tpu.memory_space<vmem>>
      %dma_start3A_425 = tpu.memref_squeeze %dma_start3A_424 : memref<1x640xi32, #tpu.memory_space<vmem>> -> memref<640xi32, #tpu.memory_space<vmem>>
      %dma_start3A_426 = arith.constant 0 : i32
      %dma_start3A_427 = arith.constant 0 : i32
      %dma_start3A_428 = tpu.memref_slice %arg10[%dma_start3A_426, %dma_start3A_427] : memref<10240x16xf32, #tpu.memory_space<vmem_shared>> -> memref<10240x16xf32, #tpu.memory_space<vmem_shared>>
      %dma_start3A_429 = tpu.memref_slice %arg12[%dma_start3A_418] : memref<8x!tpu.dma_semaphore, #tpu.memory_space<semaphore_mem>> -> memref<1x!tpu.dma_semaphore, #tpu.memory_space<semaphore_mem>>
      %dma_start3A_430 = tpu.memref_squeeze %dma_start3A_429 : memref<1x!tpu.dma_semaphore, #tpu.memory_space<semaphore_mem>> -> memref<!tpu.dma_semaphore, #tpu.memory_space<semaphore_mem>>
      tpu.enqueue_indirect_dma source(%dma_start3A_422 : memref<640x16xf32, #tpu.memory_space<vmem>>) target(%dma_start3A_428 : memref<10240x16xf32, #tpu.memory_space<vmem_shared>>) offsets(%dma_start3A_425 : memref<640xi32, #tpu.memory_space<vmem>>) semaphore(%dma_start3A_430 : memref<!tpu.dma_semaphore, #tpu.memory_space<semaphore_mem>>) {add = true}
      %add3A_431 = arith.constant 4 : i32
      %add3A_432 = arith.addi %mul3A_138, %add3A_431 : i32
      %dma_wait3A_433 = arith.constant 4 : i32
      %dma_wait3A_434 = arith.constant 4 : i32
      %dma_wait3A_435 = arith.constant 0 : i32
      %dma_wait3A_436 = arith.constant 0 : i32
      %dma_wait3A_437 = tpu.memref_slice %arg9[%dma_wait3A_433, %dma_wait3A_435, %dma_wait3A_436] : memref<8x640x16xf32, #tpu.memory_space<vmem>> -> memref<1x640x16xf32, #tpu.memory_space<vmem>>
      %dma_wait3A_438 = tpu.memref_squeeze %dma_wait3A_437 : memref<1x640x16xf32, #tpu.memory_space<vmem>> -> memref<640x16xf32, #tpu.memory_space<vmem>>
      %dma_wait3A_439 = arith.constant 0 : i32
      %dma_wait3A_440 = tpu.memref_slice %arg7[%add3A_432, %dma_wait3A_439] : memref<16x640xi32, #tpu.memory_space<vmem>> -> memref<1x640xi32, #tpu.memory_space<vmem>>
      %dma_wait3A_441 = tpu.memref_squeeze %dma_wait3A_440 : memref<1x640xi32, #tpu.memory_space<vmem>> -> memref<640xi32, #tpu.memory_space<vmem>>
      %dma_wait3A_442 = arith.constant 0 : i32
      %dma_wait3A_443 = arith.constant 0 : i32
      %dma_wait3A_444 = tpu.memref_slice %arg2[%dma_wait3A_442, %dma_wait3A_443] : memref<10240x16xf32, #tpu.memory_space<hbm>> -> memref<10240x16xf32, #tpu.memory_space<hbm>>
      %dma_wait3A_445 = tpu.memref_slice %arg11[%dma_wait3A_434] : memref<8x!tpu.dma_semaphore, #tpu.memory_space<semaphore_mem>> -> memref<1x!tpu.dma_semaphore, #tpu.memory_space<semaphore_mem>>
      %dma_wait3A_446 = tpu.memref_squeeze %dma_wait3A_445 : memref<1x!tpu.dma_semaphore, #tpu.memory_space<semaphore_mem>> -> memref<!tpu.dma_semaphore, #tpu.memory_space<semaphore_mem>>
      tpu.wait_indirect_dma semaphore(%dma_wait3A_446 : memref<!tpu.dma_semaphore, #tpu.memory_space<semaphore_mem>>) src(%dma_wait3A_444 : memref<10240x16xf32, #tpu.memory_space<hbm>>) dst(%dma_wait3A_438 : memref<640x16xf32, #tpu.memory_space<vmem>>)
      %add3A_447 = arith.constant 4 : i32
      %add3A_448 = arith.addi %mul3A_138, %add3A_447 : i32
      %dma_start3A_449 = arith.constant 4 : i32
      %dma_start3A_450 = arith.constant 4 : i32
      %dma_start3A_451 = arith.constant 0 : i32
      %dma_start3A_452 = arith.constant 0 : i32
      %dma_start3A_453 = tpu.memref_slice %arg9[%dma_start3A_449, %dma_start3A_451, %dma_start3A_452] : memref<8x640x16xf32, #tpu.memory_space<vmem>> -> memref<1x640x16xf32, #tpu.memory_space<vmem>>
      %dma_start3A_454 = tpu.memref_squeeze %dma_start3A_453 : memref<1x640x16xf32, #tpu.memory_space<vmem>> -> memref<640x16xf32, #tpu.memory_space<vmem>>
      %dma_start3A_455 = arith.constant 0 : i32
      %dma_start3A_456 = tpu.memref_slice %arg8[%add3A_448, %dma_start3A_455] : memref<16x640xi32, #tpu.memory_space<vmem>> -> memref<1x640xi32, #tpu.memory_space<vmem>>
      %dma_start3A_457 = tpu.memref_squeeze %dma_start3A_456 : memref<1x640xi32, #tpu.memory_space<vmem>> -> memref<640xi32, #tpu.memory_space<vmem>>
      %dma_start3A_458 = arith.constant 0 : i32
      %dma_start3A_459 = arith.constant 0 : i32
      %dma_start3A_460 = tpu.memref_slice %arg10[%dma_start3A_458, %dma_start3A_459] : memref<10240x16xf32, #tpu.memory_space<vmem_shared>> -> memref<10240x16xf32, #tpu.memory_space<vmem_shared>>
      %dma_start3A_461 = tpu.memref_slice %arg12[%dma_start3A_450] : memref<8x!tpu.dma_semaphore, #tpu.memory_space<semaphore_mem>> -> memref<1x!tpu.dma_semaphore, #tpu.memory_space<semaphore_mem>>
      %dma_start3A_462 = tpu.memref_squeeze %dma_start3A_461 : memref<1x!tpu.dma_semaphore, #tpu.memory_space<semaphore_mem>> -> memref<!tpu.dma_semaphore, #tpu.memory_space<semaphore_mem>>
      tpu.enqueue_indirect_dma source(%dma_start3A_454 : memref<640x16xf32, #tpu.memory_space<vmem>>) target(%dma_start3A_460 : memref<10240x16xf32, #tpu.memory_space<vmem_shared>>) offsets(%dma_start3A_457 : memref<640xi32, #tpu.memory_space<vmem>>) semaphore(%dma_start3A_462 : memref<!tpu.dma_semaphore, #tpu.memory_space<semaphore_mem>>) {add = true}
      %add3A_463 = arith.constant 5 : i32
      %add3A_464 = arith.addi %mul3A_138, %add3A_463 : i32
      %dma_wait3A_465 = arith.constant 5 : i32
      %dma_wait3A_466 = arith.constant 5 : i32
      %dma_wait3A_467 = arith.constant 0 : i32
      %dma_wait3A_468 = arith.constant 0 : i32
      %dma_wait3A_469 = tpu.memref_slice %arg9[%dma_wait3A_465, %dma_wait3A_467, %dma_wait3A_468] : memref<8x640x16xf32, #tpu.memory_space<vmem>> -> memref<1x640x16xf32, #tpu.memory_space<vmem>>
      %dma_wait3A_470 = tpu.memref_squeeze %dma_wait3A_469 : memref<1x640x16xf32, #tpu.memory_space<vmem>> -> memref<640x16xf32, #tpu.memory_space<vmem>>
      %dma_wait3A_471 = arith.constant 0 : i32
      %dma_wait3A_472 = tpu.memref_slice %arg7[%add3A_464, %dma_wait3A_471] : memref<16x640xi32, #tpu.memory_space<vmem>> -> memref<1x640xi32, #tpu.memory_space<vmem>>
      %dma_wait3A_473 = tpu.memref_squeeze %dma_wait3A_472 : memref<1x640xi32, #tpu.memory_space<vmem>> -> memref<640xi32, #tpu.memory_space<vmem>>
      %dma_wait3A_474 = arith.constant 0 : i32
      %dma_wait3A_475 = arith.constant 0 : i32
      %dma_wait3A_476 = tpu.memref_slice %arg2[%dma_wait3A_474, %dma_wait3A_475] : memref<10240x16xf32, #tpu.memory_space<hbm>> -> memref<10240x16xf32, #tpu.memory_space<hbm>>
      %dma_wait3A_477 = tpu.memref_slice %arg11[%dma_wait3A_466] : memref<8x!tpu.dma_semaphore, #tpu.memory_space<semaphore_mem>> -> memref<1x!tpu.dma_semaphore, #tpu.memory_space<semaphore_mem>>
      %dma_wait3A_478 = tpu.memref_squeeze %dma_wait3A_477 : memref<1x!tpu.dma_semaphore, #tpu.memory_space<semaphore_mem>> -> memref<!tpu.dma_semaphore, #tpu.memory_space<semaphore_mem>>
      tpu.wait_indirect_dma semaphore(%dma_wait3A_478 : memref<!tpu.dma_semaphore, #tpu.memory_space<semaphore_mem>>) src(%dma_wait3A_476 : memref<10240x16xf32, #tpu.memory_space<hbm>>) dst(%dma_wait3A_470 : memref<640x16xf32, #tpu.memory_space<vmem>>)
      %add3A_479 = arith.constant 5 : i32
      %add3A_480 = arith.addi %mul3A_138, %add3A_479 : i32
      %dma_start3A_481 = arith.constant 5 : i32
      %dma_start3A_482 = arith.constant 5 : i32
      %dma_start3A_483 = arith.constant 0 : i32
      %dma_start3A_484 = arith.constant 0 : i32
      %dma_start3A_485 = tpu.memref_slice %arg9[%dma_start3A_481, %dma_start3A_483, %dma_start3A_484] : memref<8x640x16xf32, #tpu.memory_space<vmem>> -> memref<1x640x16xf32, #tpu.memory_space<vmem>>
      %dma_start3A_486 = tpu.memref_squeeze %dma_start3A_485 : memref<1x640x16xf32, #tpu.memory_space<vmem>> -> memref<640x16xf32, #tpu.memory_space<vmem>>
      %dma_start3A_487 = arith.constant 0 : i32
      %dma_start3A_488 = tpu.memref_slice %arg8[%add3A_480, %dma_start3A_487] : memref<16x640xi32, #tpu.memory_space<vmem>> -> memref<1x640xi32, #tpu.memory_space<vmem>>
      %dma_start3A_489 = tpu.memref_squeeze %dma_start3A_488 : memref<1x640xi32, #tpu.memory_space<vmem>> -> memref<640xi32, #tpu.memory_space<vmem>>
      %dma_start3A_490 = arith.constant 0 : i32
      %dma_start3A_491 = arith.constant 0 : i32
      %dma_start3A_492 = tpu.memref_slice %arg10[%dma_start3A_490, %dma_start3A_491] : memref<10240x16xf32, #tpu.memory_space<vmem_shared>> -> memref<10240x16xf32, #tpu.memory_space<vmem_shared>>
      %dma_start3A_493 = tpu.memref_slice %arg12[%dma_start3A_482] : memref<8x!tpu.dma_semaphore, #tpu.memory_space<semaphore_mem>> -> memref<1x!tpu.dma_semaphore, #tpu.memory_space<semaphore_mem>>
      %dma_start3A_494 = tpu.memref_squeeze %dma_start3A_493 : memref<1x!tpu.dma_semaphore, #tpu.memory_space<semaphore_mem>> -> memref<!tpu.dma_semaphore, #tpu.memory_space<semaphore_mem>>
      tpu.enqueue_indirect_dma source(%dma_start3A_486 : memref<640x16xf32, #tpu.memory_space<vmem>>) target(%dma_start3A_492 : memref<10240x16xf32, #tpu.memory_space<vmem_shared>>) offsets(%dma_start3A_489 : memref<640xi32, #tpu.memory_space<vmem>>) semaphore(%dma_start3A_494 : memref<!tpu.dma_semaphore, #tpu.memory_space<semaphore_mem>>) {add = true}
      %add3A_495 = arith.constant 6 : i32
      %add3A_496 = arith.addi %mul3A_138, %add3A_495 : i32
      %dma_wait3A_497 = arith.constant 6 : i32
      %dma_wait3A_498 = arith.constant 6 : i32
      %dma_wait3A_499 = arith.constant 0 : i32
      %dma_wait3A_500 = arith.constant 0 : i32
      %dma_wait3A_501 = tpu.memref_slice %arg9[%dma_wait3A_497, %dma_wait3A_499, %dma_wait3A_500] : memref<8x640x16xf32, #tpu.memory_space<vmem>> -> memref<1x640x16xf32, #tpu.memory_space<vmem>>
      %dma_wait3A_502 = tpu.memref_squeeze %dma_wait3A_501 : memref<1x640x16xf32, #tpu.memory_space<vmem>> -> memref<640x16xf32, #tpu.memory_space<vmem>>
      %dma_wait3A_503 = arith.constant 0 : i32
      %dma_wait3A_504 = tpu.memref_slice %arg7[%add3A_496, %dma_wait3A_503] : memref<16x640xi32, #tpu.memory_space<vmem>> -> memref<1x640xi32, #tpu.memory_space<vmem>>
      %dma_wait3A_505 = tpu.memref_squeeze %dma_wait3A_504 : memref<1x640xi32, #tpu.memory_space<vmem>> -> memref<640xi32, #tpu.memory_space<vmem>>
      %dma_wait3A_506 = arith.constant 0 : i32
      %dma_wait3A_507 = arith.constant 0 : i32
      %dma_wait3A_508 = tpu.memref_slice %arg2[%dma_wait3A_506, %dma_wait3A_507] : memref<10240x16xf32, #tpu.memory_space<hbm>> -> memref<10240x16xf32, #tpu.memory_space<hbm>>
      %dma_wait3A_509 = tpu.memref_slice %arg11[%dma_wait3A_498] : memref<8x!tpu.dma_semaphore, #tpu.memory_space<semaphore_mem>> -> memref<1x!tpu.dma_semaphore, #tpu.memory_space<semaphore_mem>>
      %dma_wait3A_510 = tpu.memref_squeeze %dma_wait3A_509 : memref<1x!tpu.dma_semaphore, #tpu.memory_space<semaphore_mem>> -> memref<!tpu.dma_semaphore, #tpu.memory_space<semaphore_mem>>
      tpu.wait_indirect_dma semaphore(%dma_wait3A_510 : memref<!tpu.dma_semaphore, #tpu.memory_space<semaphore_mem>>) src(%dma_wait3A_508 : memref<10240x16xf32, #tpu.memory_space<hbm>>) dst(%dma_wait3A_502 : memref<640x16xf32, #tpu.memory_space<vmem>>)
      %add3A_511 = arith.constant 6 : i32
      %add3A_512 = arith.addi %mul3A_138, %add3A_511 : i32
      %dma_start3A_513 = arith.constant 6 : i32
      %dma_start3A_514 = arith.constant 6 : i32
      %dma_start3A_515 = arith.constant 0 : i32
      %dma_start3A_516 = arith.constant 0 : i32
      %dma_start3A_517 = tpu.memref_slice %arg9[%dma_start3A_513, %dma_start3A_515, %dma_start3A_516] : memref<8x640x16xf32, #tpu.memory_space<vmem>> -> memref<1x640x16xf32, #tpu.memory_space<vmem>>
      %dma_start3A_518 = tpu.memref_squeeze %dma_start3A_517 : memref<1x640x16xf32, #tpu.memory_space<vmem>> -> memref<640x16xf32, #tpu.memory_space<vmem>>
      %dma_start3A_519 = arith.constant 0 : i32
      %dma_start3A_520 = tpu.memref_slice %arg8[%add3A_512, %dma_start3A_519] : memref<16x640xi32, #tpu.memory_space<vmem>> -> memref<1x640xi32, #tpu.memory_space<vmem>>
      %dma_start3A_521 = tpu.memref_squeeze %dma_start3A_520 : memref<1x640xi32, #tpu.memory_space<vmem>> -> memref<640xi32, #tpu.memory_space<vmem>>
      %dma_start3A_522 = arith.constant 0 : i32
      %dma_start3A_523 = arith.constant 0 : i32
      %dma_start3A_524 = tpu.memref_slice %arg10[%dma_start3A_522, %dma_start3A_523] : memref<10240x16xf32, #tpu.memory_space<vmem_shared>> -> memref<10240x16xf32, #tpu.memory_space<vmem_shared>>
      %dma_start3A_525 = tpu.memref_slice %arg12[%dma_start3A_514] : memref<8x!tpu.dma_semaphore, #tpu.memory_space<semaphore_mem>> -> memref<1x!tpu.dma_semaphore, #tpu.memory_space<semaphore_mem>>
      %dma_start3A_526 = tpu.memref_squeeze %dma_start3A_525 : memref<1x!tpu.dma_semaphore, #tpu.memory_space<semaphore_mem>> -> memref<!tpu.dma_semaphore, #tpu.memory_space<semaphore_mem>>
      tpu.enqueue_indirect_dma source(%dma_start3A_518 : memref<640x16xf32, #tpu.memory_space<vmem>>) target(%dma_start3A_524 : memref<10240x16xf32, #tpu.memory_space<vmem_shared>>) offsets(%dma_start3A_521 : memref<640xi32, #tpu.memory_space<vmem>>) semaphore(%dma_start3A_526 : memref<!tpu.dma_semaphore, #tpu.memory_space<semaphore_mem>>) {add = true}
      %add3A_527 = arith.constant 7 : i32
      %add3A_528 = arith.addi %mul3A_138, %add3A_527 : i32
      %dma_wait3A_529 = arith.constant 7 : i32
      %dma_wait3A_530 = arith.constant 7 : i32
      %dma_wait3A_531 = arith.constant 0 : i32
      %dma_wait3A_532 = arith.constant 0 : i32
      %dma_wait3A_533 = tpu.memref_slice %arg9[%dma_wait3A_529, %dma_wait3A_531, %dma_wait3A_532] : memref<8x640x16xf32, #tpu.memory_space<vmem>> -> memref<1x640x16xf32, #tpu.memory_space<vmem>>
      %dma_wait3A_534 = tpu.memref_squeeze %dma_wait3A_533 : memref<1x640x16xf32, #tpu.memory_space<vmem>> -> memref<640x16xf32, #tpu.memory_space<vmem>>
      %dma_wait3A_535 = arith.constant 0 : i32
      %dma_wait3A_536 = tpu.memref_slice %arg7[%add3A_528, %dma_wait3A_535] : memref<16x640xi32, #tpu.memory_space<vmem>> -> memref<1x640xi32, #tpu.memory_space<vmem>>
      %dma_wait3A_537 = tpu.memref_squeeze %dma_wait3A_536 : memref<1x640xi32, #tpu.memory_space<vmem>> -> memref<640xi32, #tpu.memory_space<vmem>>
      %dma_wait3A_538 = arith.constant 0 : i32
      %dma_wait3A_539 = arith.constant 0 : i32
      %dma_wait3A_540 = tpu.memref_slice %arg2[%dma_wait3A_538, %dma_wait3A_539] : memref<10240x16xf32, #tpu.memory_space<hbm>> -> memref<10240x16xf32, #tpu.memory_space<hbm>>
      %dma_wait3A_541 = tpu.memref_slice %arg11[%dma_wait3A_530] : memref<8x!tpu.dma_semaphore, #tpu.memory_space<semaphore_mem>> -> memref<1x!tpu.dma_semaphore, #tpu.memory_space<semaphore_mem>>
      %dma_wait3A_542 = tpu.memref_squeeze %dma_wait3A_541 : memref<1x!tpu.dma_semaphore, #tpu.memory_space<semaphore_mem>> -> memref<!tpu.dma_semaphore, #tpu.memory_space<semaphore_mem>>
      tpu.wait_indirect_dma semaphore(%dma_wait3A_542 : memref<!tpu.dma_semaphore, #tpu.memory_space<semaphore_mem>>) src(%dma_wait3A_540 : memref<10240x16xf32, #tpu.memory_space<hbm>>) dst(%dma_wait3A_534 : memref<640x16xf32, #tpu.memory_space<vmem>>)
      %add3A_543 = arith.constant 7 : i32
      %add3A_544 = arith.addi %mul3A_138, %add3A_543 : i32
      %dma_start3A_545 = arith.constant 7 : i32
      %dma_start3A_546 = arith.constant 7 : i32
      %dma_start3A_547 = arith.constant 0 : i32
      %dma_start3A_548 = arith.constant 0 : i32
      %dma_start3A_549 = tpu.memref_slice %arg9[%dma_start3A_545, %dma_start3A_547, %dma_start3A_548] : memref<8x640x16xf32, #tpu.memory_space<vmem>> -> memref<1x640x16xf32, #tpu.memory_space<vmem>>
      %dma_start3A_550 = tpu.memref_squeeze %dma_start3A_549 : memref<1x640x16xf32, #tpu.memory_space<vmem>> -> memref<640x16xf32, #tpu.memory_space<vmem>>
      %dma_start3A_551 = arith.constant 0 : i32
      %dma_start3A_552 = tpu.memref_slice %arg8[%add3A_544, %dma_start3A_551] : memref<16x640xi32, #tpu.memory_space<vmem>> -> memref<1x640xi32, #tpu.memory_space<vmem>>
      %dma_start3A_553 = tpu.memref_squeeze %dma_start3A_552 : memref<1x640xi32, #tpu.memory_space<vmem>> -> memref<640xi32, #tpu.memory_space<vmem>>
      %dma_start3A_554 = arith.constant 0 : i32
      %dma_start3A_555 = arith.constant 0 : i32
      %dma_start3A_556 = tpu.memref_slice %arg10[%dma_start3A_554, %dma_start3A_555] : memref<10240x16xf32, #tpu.memory_space<vmem_shared>> -> memref<10240x16xf32, #tpu.memory_space<vmem_shared>>
      %dma_start3A_557 = tpu.memref_slice %arg12[%dma_start3A_546] : memref<8x!tpu.dma_semaphore, #tpu.memory_space<semaphore_mem>> -> memref<1x!tpu.dma_semaphore, #tpu.memory_space<semaphore_mem>>
      %dma_start3A_558 = tpu.memref_squeeze %dma_start3A_557 : memref<1x!tpu.dma_semaphore, #tpu.memory_space<semaphore_mem>> -> memref<!tpu.dma_semaphore, #tpu.memory_space<semaphore_mem>>
      tpu.enqueue_indirect_dma source(%dma_start3A_550 : memref<640x16xf32, #tpu.memory_space<vmem>>) target(%dma_start3A_556 : memref<10240x16xf32, #tpu.memory_space<vmem_shared>>) offsets(%dma_start3A_553 : memref<640xi32, #tpu.memory_space<vmem>>) semaphore(%dma_start3A_558 : memref<!tpu.dma_semaphore, #tpu.memory_space<semaphore_mem>>) {add = true}
    }
    %scan3A_11 = arith.constant 2 : i32
    %dma_wait3A = arith.constant 0 : i32
    %dma_wait3A_12 = arith.constant 8 : i32
    %dma_wait3A_13 = arith.constant 0 : i32
    %dma_wait3A_14 = arith.constant 0 : i32
    %dma_wait3A_15 = arith.constant 0 : i32
    %dma_wait3A_16 = tpu.memref_slice %arg9[%dma_wait3A, %dma_wait3A_14, %dma_wait3A_15] : memref<8x640x16xf32, #tpu.memory_space<vmem>> -> memref<1x640x16xf32, #tpu.memory_space<vmem>>
    %dma_wait3A_17 = tpu.memref_squeeze %dma_wait3A_16 : memref<1x640x16xf32, #tpu.memory_space<vmem>> -> memref<640x16xf32, #tpu.memory_space<vmem>>
    %dma_wait3A_18 = arith.constant 0 : i32
    %dma_wait3A_19 = tpu.memref_slice %arg8[%dma_wait3A_12, %dma_wait3A_18] : memref<16x640xi32, #tpu.memory_space<vmem>> -> memref<1x640xi32, #tpu.memory_space<vmem>>
    %dma_wait3A_20 = tpu.memref_squeeze %dma_wait3A_19 : memref<1x640xi32, #tpu.memory_space<vmem>> -> memref<640xi32, #tpu.memory_space<vmem>>
    %dma_wait3A_21 = arith.constant 0 : i32
    %dma_wait3A_22 = arith.constant 0 : i32
    %dma_wait3A_23 = tpu.memref_slice %arg10[%dma_wait3A_21, %dma_wait3A_22] : memref<10240x16xf32, #tpu.memory_space<vmem_shared>> -> memref<10240x16xf32, #tpu.memory_space<vmem_shared>>
    %dma_wait3A_24 = tpu.memref_slice %arg12[%dma_wait3A_13] : memref<8x!tpu.dma_semaphore, #tpu.memory_space<semaphore_mem>> -> memref<1x!tpu.dma_semaphore, #tpu.memory_space<semaphore_mem>>
    %dma_wait3A_25 = tpu.memref_squeeze %dma_wait3A_24 : memref<1x!tpu.dma_semaphore, #tpu.memory_space<semaphore_mem>> -> memref<!tpu.dma_semaphore, #tpu.memory_space<semaphore_mem>>
    tpu.wait_indirect_dma semaphore(%dma_wait3A_25 : memref<!tpu.dma_semaphore, #tpu.memory_space<semaphore_mem>>) src(%dma_wait3A_17 : memref<640x16xf32, #tpu.memory_space<vmem>>) dst(%dma_wait3A_23 : memref<10240x16xf32, #tpu.memory_space<vmem_shared>>)
    %dma_wait3A_26 = arith.constant 1 : i32
    %dma_wait3A_27 = arith.constant 9 : i32
    %dma_wait3A_28 = arith.constant 1 : i32
    %dma_wait3A_29 = arith.constant 0 : i32
    %dma_wait3A_30 = arith.constant 0 : i32
    %dma_wait3A_31 = tpu.memref_slice %arg9[%dma_wait3A_26, %dma_wait3A_29, %dma_wait3A_30] : memref<8x640x16xf32, #tpu.memory_space<vmem>> -> memref<1x640x16xf32, #tpu.memory_space<vmem>>
    %dma_wait3A_32 = tpu.memref_squeeze %dma_wait3A_31 : memref<1x640x16xf32, #tpu.memory_space<vmem>> -> memref<640x16xf32, #tpu.memory_space<vmem>>
    %dma_wait3A_33 = arith.constant 0 : i32
    %dma_wait3A_34 = tpu.memref_slice %arg8[%dma_wait3A_27, %dma_wait3A_33] : memref<16x640xi32, #tpu.memory_space<vmem>> -> memref<1x640xi32, #tpu.memory_space<vmem>>
    %dma_wait3A_35 = tpu.memref_squeeze %dma_wait3A_34 : memref<1x640xi32, #tpu.memory_space<vmem>> -> memref<640xi32, #tpu.memory_space<vmem>>
    %dma_wait3A_36 = arith.constant 0 : i32
    %dma_wait3A_37 = arith.constant 0 : i32
    %dma_wait3A_38 = tpu.memref_slice %arg10[%dma_wait3A_36, %dma_wait3A_37] : memref<10240x16xf32, #tpu.memory_space<vmem_shared>> -> memref<10240x16xf32, #tpu.memory_space<vmem_shared>>
    %dma_wait3A_39 = tpu.memref_slice %arg12[%dma_wait3A_28] : memref<8x!tpu.dma_semaphore, #tpu.memory_space<semaphore_mem>> -> memref<1x!tpu.dma_semaphore, #tpu.memory_space<semaphore_mem>>
    %dma_wait3A_40 = tpu.memref_squeeze %dma_wait3A_39 : memref<1x!tpu.dma_semaphore, #tpu.memory_space<semaphore_mem>> -> memref<!tpu.dma_semaphore, #tpu.memory_space<semaphore_mem>>
    tpu.wait_indirect_dma semaphore(%dma_wait3A_40 : memref<!tpu.dma_semaphore, #tpu.memory_space<semaphore_mem>>) src(%dma_wait3A_32 : memref<640x16xf32, #tpu.memory_space<vmem>>) dst(%dma_wait3A_38 : memref<10240x16xf32, #tpu.memory_space<vmem_shared>>)
    %dma_wait3A_41 = arith.constant 2 : i32
    %dma_wait3A_42 = arith.constant 10 : i32
    %dma_wait3A_43 = arith.constant 2 : i32
    %dma_wait3A_44 = arith.constant 0 : i32
    %dma_wait3A_45 = arith.constant 0 : i32
    %dma_wait3A_46 = tpu.memref_slice %arg9[%dma_wait3A_41, %dma_wait3A_44, %dma_wait3A_45] : memref<8x640x16xf32, #tpu.memory_space<vmem>> -> memref<1x640x16xf32, #tpu.memory_space<vmem>>
    %dma_wait3A_47 = tpu.memref_squeeze %dma_wait3A_46 : memref<1x640x16xf32, #tpu.memory_space<vmem>> -> memref<640x16xf32, #tpu.memory_space<vmem>>
    %dma_wait3A_48 = arith.constant 0 : i32
    %dma_wait3A_49 = tpu.memref_slice %arg8[%dma_wait3A_42, %dma_wait3A_48] : memref<16x640xi32, #tpu.memory_space<vmem>> -> memref<1x640xi32, #tpu.memory_space<vmem>>
    %dma_wait3A_50 = tpu.memref_squeeze %dma_wait3A_49 : memref<1x640xi32, #tpu.memory_space<vmem>> -> memref<640xi32, #tpu.memory_space<vmem>>
    %dma_wait3A_51 = arith.constant 0 : i32
    %dma_wait3A_52 = arith.constant 0 : i32
    %dma_wait3A_53 = tpu.memref_slice %arg10[%dma_wait3A_51, %dma_wait3A_52] : memref<10240x16xf32, #tpu.memory_space<vmem_shared>> -> memref<10240x16xf32, #tpu.memory_space<vmem_shared>>
    %dma_wait3A_54 = tpu.memref_slice %arg12[%dma_wait3A_43] : memref<8x!tpu.dma_semaphore, #tpu.memory_space<semaphore_mem>> -> memref<1x!tpu.dma_semaphore, #tpu.memory_space<semaphore_mem>>
    %dma_wait3A_55 = tpu.memref_squeeze %dma_wait3A_54 : memref<1x!tpu.dma_semaphore, #tpu.memory_space<semaphore_mem>> -> memref<!tpu.dma_semaphore, #tpu.memory_space<semaphore_mem>>
    tpu.wait_indirect_dma semaphore(%dma_wait3A_55 : memref<!tpu.dma_semaphore, #tpu.memory_space<semaphore_mem>>) src(%dma_wait3A_47 : memref<640x16xf32, #tpu.memory_space<vmem>>) dst(%dma_wait3A_53 : memref<10240x16xf32, #tpu.memory_space<vmem_shared>>)
    %dma_wait3A_56 = arith.constant 3 : i32
    %dma_wait3A_57 = arith.constant 11 : i32
    %dma_wait3A_58 = arith.constant 3 : i32
    %dma_wait3A_59 = arith.constant 0 : i32
    %dma_wait3A_60 = arith.constant 0 : i32
    %dma_wait3A_61 = tpu.memref_slice %arg9[%dma_wait3A_56, %dma_wait3A_59, %dma_wait3A_60] : memref<8x640x16xf32, #tpu.memory_space<vmem>> -> memref<1x640x16xf32, #tpu.memory_space<vmem>>
    %dma_wait3A_62 = tpu.memref_squeeze %dma_wait3A_61 : memref<1x640x16xf32, #tpu.memory_space<vmem>> -> memref<640x16xf32, #tpu.memory_space<vmem>>
    %dma_wait3A_63 = arith.constant 0 : i32
    %dma_wait3A_64 = tpu.memref_slice %arg8[%dma_wait3A_57, %dma_wait3A_63] : memref<16x640xi32, #tpu.memory_space<vmem>> -> memref<1x640xi32, #tpu.memory_space<vmem>>
    %dma_wait3A_65 = tpu.memref_squeeze %dma_wait3A_64 : memref<1x640xi32, #tpu.memory_space<vmem>> -> memref<640xi32, #tpu.memory_space<vmem>>
    %dma_wait3A_66 = arith.constant 0 : i32
    %dma_wait3A_67 = arith.constant 0 : i32
    %dma_wait3A_68 = tpu.memref_slice %arg10[%dma_wait3A_66, %dma_wait3A_67] : memref<10240x16xf32, #tpu.memory_space<vmem_shared>> -> memref<10240x16xf32, #tpu.memory_space<vmem_shared>>
    %dma_wait3A_69 = tpu.memref_slice %arg12[%dma_wait3A_58] : memref<8x!tpu.dma_semaphore, #tpu.memory_space<semaphore_mem>> -> memref<1x!tpu.dma_semaphore, #tpu.memory_space<semaphore_mem>>
    %dma_wait3A_70 = tpu.memref_squeeze %dma_wait3A_69 : memref<1x!tpu.dma_semaphore, #tpu.memory_space<semaphore_mem>> -> memref<!tpu.dma_semaphore, #tpu.memory_space<semaphore_mem>>
    tpu.wait_indirect_dma semaphore(%dma_wait3A_70 : memref<!tpu.dma_semaphore, #tpu.memory_space<semaphore_mem>>) src(%dma_wait3A_62 : memref<640x16xf32, #tpu.memory_space<vmem>>) dst(%dma_wait3A_68 : memref<10240x16xf32, #tpu.memory_space<vmem_shared>>)
    %dma_wait3A_71 = arith.constant 4 : i32
    %dma_wait3A_72 = arith.constant 12 : i32
    %dma_wait3A_73 = arith.constant 4 : i32
    %dma_wait3A_74 = arith.constant 0 : i32
    %dma_wait3A_75 = arith.constant 0 : i32
    %dma_wait3A_76 = tpu.memref_slice %arg9[%dma_wait3A_71, %dma_wait3A_74, %dma_wait3A_75] : memref<8x640x16xf32, #tpu.memory_space<vmem>> -> memref<1x640x16xf32, #tpu.memory_space<vmem>>
    %dma_wait3A_77 = tpu.memref_squeeze %dma_wait3A_76 : memref<1x640x16xf32, #tpu.memory_space<vmem>> -> memref<640x16xf32, #tpu.memory_space<vmem>>
    %dma_wait3A_78 = arith.constant 0 : i32
    %dma_wait3A_79 = tpu.memref_slice %arg8[%dma_wait3A_72, %dma_wait3A_78] : memref<16x640xi32, #tpu.memory_space<vmem>> -> memref<1x640xi32, #tpu.memory_space<vmem>>
    %dma_wait3A_80 = tpu.memref_squeeze %dma_wait3A_79 : memref<1x640xi32, #tpu.memory_space<vmem>> -> memref<640xi32, #tpu.memory_space<vmem>>
    %dma_wait3A_81 = arith.constant 0 : i32
    %dma_wait3A_82 = arith.constant 0 : i32
    %dma_wait3A_83 = tpu.memref_slice %arg10[%dma_wait3A_81, %dma_wait3A_82] : memref<10240x16xf32, #tpu.memory_space<vmem_shared>> -> memref<10240x16xf32, #tpu.memory_space<vmem_shared>>
    %dma_wait3A_84 = tpu.memref_slice %arg12[%dma_wait3A_73] : memref<8x!tpu.dma_semaphore, #tpu.memory_space<semaphore_mem>> -> memref<1x!tpu.dma_semaphore, #tpu.memory_space<semaphore_mem>>
    %dma_wait3A_85 = tpu.memref_squeeze %dma_wait3A_84 : memref<1x!tpu.dma_semaphore, #tpu.memory_space<semaphore_mem>> -> memref<!tpu.dma_semaphore, #tpu.memory_space<semaphore_mem>>
    tpu.wait_indirect_dma semaphore(%dma_wait3A_85 : memref<!tpu.dma_semaphore, #tpu.memory_space<semaphore_mem>>) src(%dma_wait3A_77 : memref<640x16xf32, #tpu.memory_space<vmem>>) dst(%dma_wait3A_83 : memref<10240x16xf32, #tpu.memory_space<vmem_shared>>)
    %dma_wait3A_86 = arith.constant 5 : i32
    %dma_wait3A_87 = arith.constant 13 : i32
    %dma_wait3A_88 = arith.constant 5 : i32
    %dma_wait3A_89 = arith.constant 0 : i32
    %dma_wait3A_90 = arith.constant 0 : i32
    %dma_wait3A_91 = tpu.memref_slice %arg9[%dma_wait3A_86, %dma_wait3A_89, %dma_wait3A_90] : memref<8x640x16xf32, #tpu.memory_space<vmem>> -> memref<1x640x16xf32, #tpu.memory_space<vmem>>
    %dma_wait3A_92 = tpu.memref_squeeze %dma_wait3A_91 : memref<1x640x16xf32, #tpu.memory_space<vmem>> -> memref<640x16xf32, #tpu.memory_space<vmem>>
    %dma_wait3A_93 = arith.constant 0 : i32
    %dma_wait3A_94 = tpu.memref_slice %arg8[%dma_wait3A_87, %dma_wait3A_93] : memref<16x640xi32, #tpu.memory_space<vmem>> -> memref<1x640xi32, #tpu.memory_space<vmem>>
    %dma_wait3A_95 = tpu.memref_squeeze %dma_wait3A_94 : memref<1x640xi32, #tpu.memory_space<vmem>> -> memref<640xi32, #tpu.memory_space<vmem>>
    %dma_wait3A_96 = arith.constant 0 : i32
    %dma_wait3A_97 = arith.constant 0 : i32
    %dma_wait3A_98 = tpu.memref_slice %arg10[%dma_wait3A_96, %dma_wait3A_97] : memref<10240x16xf32, #tpu.memory_space<vmem_shared>> -> memref<10240x16xf32, #tpu.memory_space<vmem_shared>>
    %dma_wait3A_99 = tpu.memref_slice %arg12[%dma_wait3A_88] : memref<8x!tpu.dma_semaphore, #tpu.memory_space<semaphore_mem>> -> memref<1x!tpu.dma_semaphore, #tpu.memory_space<semaphore_mem>>
    %dma_wait3A_100 = tpu.memref_squeeze %dma_wait3A_99 : memref<1x!tpu.dma_semaphore, #tpu.memory_space<semaphore_mem>> -> memref<!tpu.dma_semaphore, #tpu.memory_space<semaphore_mem>>
    tpu.wait_indirect_dma semaphore(%dma_wait3A_100 : memref<!tpu.dma_semaphore, #tpu.memory_space<semaphore_mem>>) src(%dma_wait3A_92 : memref<640x16xf32, #tpu.memory_space<vmem>>) dst(%dma_wait3A_98 : memref<10240x16xf32, #tpu.memory_space<vmem_shared>>)
    %dma_wait3A_101 = arith.constant 6 : i32
    %dma_wait3A_102 = arith.constant 14 : i32
    %dma_wait3A_103 = arith.constant 6 : i32
    %dma_wait3A_104 = arith.constant 0 : i32
    %dma_wait3A_105 = arith.constant 0 : i32
    %dma_wait3A_106 = tpu.memref_slice %arg9[%dma_wait3A_101, %dma_wait3A_104, %dma_wait3A_105] : memref<8x640x16xf32, #tpu.memory_space<vmem>> -> memref<1x640x16xf32, #tpu.memory_space<vmem>>
    %dma_wait3A_107 = tpu.memref_squeeze %dma_wait3A_106 : memref<1x640x16xf32, #tpu.memory_space<vmem>> -> memref<640x16xf32, #tpu.memory_space<vmem>>
    %dma_wait3A_108 = arith.constant 0 : i32
    %dma_wait3A_109 = tpu.memref_slice %arg8[%dma_wait3A_102, %dma_wait3A_108] : memref<16x640xi32, #tpu.memory_space<vmem>> -> memref<1x640xi32, #tpu.memory_space<vmem>>
    %dma_wait3A_110 = tpu.memref_squeeze %dma_wait3A_109 : memref<1x640xi32, #tpu.memory_space<vmem>> -> memref<640xi32, #tpu.memory_space<vmem>>
    %dma_wait3A_111 = arith.constant 0 : i32
    %dma_wait3A_112 = arith.constant 0 : i32
    %dma_wait3A_113 = tpu.memref_slice %arg10[%dma_wait3A_111, %dma_wait3A_112] : memref<10240x16xf32, #tpu.memory_space<vmem_shared>> -> memref<10240x16xf32, #tpu.memory_space<vmem_shared>>
    %dma_wait3A_114 = tpu.memref_slice %arg12[%dma_wait3A_103] : memref<8x!tpu.dma_semaphore, #tpu.memory_space<semaphore_mem>> -> memref<1x!tpu.dma_semaphore, #tpu.memory_space<semaphore_mem>>
    %dma_wait3A_115 = tpu.memref_squeeze %dma_wait3A_114 : memref<1x!tpu.dma_semaphore, #tpu.memory_space<semaphore_mem>> -> memref<!tpu.dma_semaphore, #tpu.memory_space<semaphore_mem>>
    tpu.wait_indirect_dma semaphore(%dma_wait3A_115 : memref<!tpu.dma_semaphore, #tpu.memory_space<semaphore_mem>>) src(%dma_wait3A_107 : memref<640x16xf32, #tpu.memory_space<vmem>>) dst(%dma_wait3A_113 : memref<10240x16xf32, #tpu.memory_space<vmem_shared>>)
    %dma_wait3A_116 = arith.constant 7 : i32
    %dma_wait3A_117 = arith.constant 15 : i32
    %dma_wait3A_118 = arith.constant 7 : i32
    %dma_wait3A_119 = arith.constant 0 : i32
    %dma_wait3A_120 = arith.constant 0 : i32
    %dma_wait3A_121 = tpu.memref_slice %arg9[%dma_wait3A_116, %dma_wait3A_119, %dma_wait3A_120] : memref<8x640x16xf32, #tpu.memory_space<vmem>> -> memref<1x640x16xf32, #tpu.memory_space<vmem>>
    %dma_wait3A_122 = tpu.memref_squeeze %dma_wait3A_121 : memref<1x640x16xf32, #tpu.memory_space<vmem>> -> memref<640x16xf32, #tpu.memory_space<vmem>>
    %dma_wait3A_123 = arith.constant 0 : i32
    %dma_wait3A_124 = tpu.memref_slice %arg8[%dma_wait3A_117, %dma_wait3A_123] : memref<16x640xi32, #tpu.memory_space<vmem>> -> memref<1x640xi32, #tpu.memory_space<vmem>>
    %dma_wait3A_125 = tpu.memref_squeeze %dma_wait3A_124 : memref<1x640xi32, #tpu.memory_space<vmem>> -> memref<640xi32, #tpu.memory_space<vmem>>
    %dma_wait3A_126 = arith.constant 0 : i32
    %dma_wait3A_127 = arith.constant 0 : i32
    %dma_wait3A_128 = tpu.memref_slice %arg10[%dma_wait3A_126, %dma_wait3A_127] : memref<10240x16xf32, #tpu.memory_space<vmem_shared>> -> memref<10240x16xf32, #tpu.memory_space<vmem_shared>>
    %dma_wait3A_129 = tpu.memref_slice %arg12[%dma_wait3A_118] : memref<8x!tpu.dma_semaphore, #tpu.memory_space<semaphore_mem>> -> memref<1x!tpu.dma_semaphore, #tpu.memory_space<semaphore_mem>>
    %dma_wait3A_130 = tpu.memref_squeeze %dma_wait3A_129 : memref<1x!tpu.dma_semaphore, #tpu.memory_space<semaphore_mem>> -> memref<!tpu.dma_semaphore, #tpu.memory_space<semaphore_mem>>
    tpu.wait_indirect_dma semaphore(%dma_wait3A_130 : memref<!tpu.dma_semaphore, #tpu.memory_space<semaphore_mem>>) src(%dma_wait3A_122 : memref<640x16xf32, #tpu.memory_space<vmem>>) dst(%dma_wait3A_128 : memref<10240x16xf32, #tpu.memory_space<vmem_shared>>)
    %barrier3A_131 = arith.constant 0 : index
    tpu.barrier barrier_id(%barrier3A_131)
    %mul3A_132 = arith.constant 640 : i32
    %mul3A_133 = arith.muli %arg1, %mul3A_132 : i32
    %mul3A_134 = arith.constant 640 : i32
    %mul3A_135 = arith.muli %arg1, %mul3A_134 : i32
    "tpu.region"() ({
      %run_scoped3A = tpu.sem_alloc : memref<!tpu.dma_semaphore, #tpu.memory_space<semaphore_mem>>
      %dma_start3A = arith.constant 0 : i32
      %dma_start3A_136 = tpu.memref_slice %arg6[%arg0, %mul3A_135, %dma_start3A] : memref<2x10240x16xf32, #tpu.memory_space<hbm>> -> memref<1x640x16xf32, #tpu.memory_space<hbm>>
      %dma_start3A_137 = tpu.memref_squeeze %dma_start3A_136 : memref<1x640x16xf32, #tpu.memory_space<hbm>> -> memref<640x16xf32, #tpu.memory_space<hbm>>
      %dma_start3A_138 = arith.constant 0 : i32
      %dma_start3A_139 = tpu.memref_slice %arg10[%mul3A_133, %dma_start3A_138] : memref<10240x16xf32, #tpu.memory_space<vmem_shared>> -> memref<640x16xf32, #tpu.memory_space<vmem_shared>>
      tpu.enqueue_dma source(%dma_start3A_139 : memref<640x16xf32, #tpu.memory_space<vmem_shared>>) target(%dma_start3A_137 : memref<640x16xf32, #tpu.memory_space<hbm>>) target_semaphore(%run_scoped3A : memref<!tpu.dma_semaphore, #tpu.memory_space<semaphore_mem>>)
      %dma_wait3A_140 = arith.constant 0 : i32
      %dma_wait3A_141 = tpu.memref_slice %arg6[%arg0, %mul3A_135, %dma_wait3A_140] : memref<2x10240x16xf32, #tpu.memory_space<hbm>> -> memref<1x640x16xf32, #tpu.memory_space<hbm>>
      %dma_wait3A_142 = tpu.memref_squeeze %dma_wait3A_141 : memref<1x640x16xf32, #tpu.memory_space<hbm>> -> memref<640x16xf32, #tpu.memory_space<hbm>>
      %dma_wait3A_143 = arith.constant 0 : i32
      %dma_wait3A_144 = tpu.memref_slice %arg10[%mul3A_133, %dma_wait3A_143] : memref<10240x16xf32, #tpu.memory_space<vmem_shared>> -> memref<640x16xf32, #tpu.memory_space<vmem_shared>>
      tpu.wait_dma2 semaphore(%run_scoped3A : memref<!tpu.dma_semaphore, #tpu.memory_space<semaphore_mem>>) src(%dma_wait3A_144 : memref<640x16xf32, #tpu.memory_space<vmem_shared>>) dst(%dma_wait3A_142 : memref<640x16xf32, #tpu.memory_space<hbm>>)
      tpu.yield
    }) : () -> ()
    return
  }
}

module attributes {stable_mosaic.version = 14 : i64} {
  func.func @_tc1_body(%arg0: i32, %arg1: memref<512x128xf32, #tpu.memory_space<vmem>>, %arg2: memref<128x16xf32, #tpu.memory_space<vmem>>, %arg3: memref<2x512xf32, #tpu.memory_space<vmem>>, %arg4: memref<512x16xf32, #tpu.memory_space<vmem>>, %arg5: memref<512x16xf32, #tpu.memory_space<vmem>>) attributes {dimension_semantics = [#tpu.dimension_semantics<arbitrary>], iteration_bounds = array<i64: 20>, scalar_prefetch = 0 : i64, scratch_operands = 0 : i64, tpu.core_type = #tpu.core_type<tc>, window_params = [{transform_indices = @transform_0, window_bounds = array<i64: 512, 128>}, {pipeline_mode = #tpu.pipeline_mode<synchronous>, transform_indices = @transform_1, window_bounds = array<i64: 128, 16>}, {transform_indices = @transform_2, window_bounds = array<i64: 2, 512>}, {transform_indices = @transform_3, window_bounds = array<i64: 512, 16>}, {transform_indices = @transform_4, window_bounds = array<i64: 512, 16>}]} {
    %get3A = arith.constant 0 : index
    %get3A_0 = arith.constant 0 : index
    %get3A_1 = vector.load %arg1[%get3A, %get3A_0] : memref<512x128xf32, #tpu.memory_space<vmem>>, vector<512x128xf32>
    %get3A_2 = arith.constant 0 : index
    %get3A_3 = arith.constant 0 : index
    %get3A_4 = vector.load %arg2[%get3A_2, %get3A_3] : memref<128x16xf32, #tpu.memory_space<vmem>>, vector<128x16xf32>
    %dot_general3A = arith.constant dense<0.000000e+00> : vector<512x16xf32>
    %dot_general3A_5 = tpu.matmul %get3A_1, %get3A_4, %dot_general3A {dimension_numbers = #tpu.dot_dimension_numbers<[1], [0], [0], [1], [0, 0, 1, 1], [], []>, transpose_lhs_hint = false} : vector<512x128xf32>, vector<128x16xf32>, vector<512x16xf32> -> vector<512x16xf32>
    %get3A_6 = arith.constant 0 : index
    %get3A_7 = arith.constant 0 : index
    %get3A_8 = vector.load %arg3[%get3A_6, %get3A_7] : memref<2x512xf32, #tpu.memory_space<vmem>>, vector<1x512xf32>
    %get3A_9 = vector.shape_cast %get3A_8 : vector<1x512xf32> to vector<512xf32>
    %get3A_10 = arith.constant 1 : index
    %get3A_11 = arith.constant 0 : index
    %get3A_12 = vector.load %arg3[%get3A_10, %get3A_11] : memref<2x512xf32, #tpu.memory_space<vmem>>, vector<1x512xf32>
    %get3A_13 = vector.shape_cast %get3A_12 : vector<1x512xf32> to vector<512xf32>
    %add3A = arith.addf %get3A_9, %get3A_13 : vector<512xf32>
    %add3A_14 = arith.constant 1.000000e+00 : f32
    %add3A_15 = vector.broadcast %add3A_14 : f32 to vector<512xf32>
    %add3A_16 = arith.addf %add3A, %add3A_15 : vector<512xf32>
    %rsqrt3A = math.rsqrt %add3A_16 : vector<512xf32>
    %reshape3A = vector.shape_cast %rsqrt3A : vector<512xf32> to vector<512x1xf32>
    %swap3A = arith.constant 0 : index
    %swap3A_17 = arith.constant 0 : index
    %swap3A_18 = vector.load %arg4[%swap3A, %swap3A_17] : memref<512x16xf32, #tpu.memory_space<vmem>>, vector<512x16xf32>
    tpu.vector_store %arg4[%swap3A, %swap3A_17], %dot_general3A_5 {strides = array<i32>} : memref<512x16xf32, #tpu.memory_space<vmem>>, vector<512x16xf32>,
    %mul3A = vector.broadcast %reshape3A : vector<512x1xf32> to vector<512x16xf32>
    %mul3A_19 = arith.mulf %mul3A, %dot_general3A_5 : vector<512x16xf32>
    %swap3A_20 = arith.constant 0 : index
    %swap3A_21 = arith.constant 0 : index
    %swap3A_22 = vector.load %arg5[%swap3A_20, %swap3A_21] : memref<512x16xf32, #tpu.memory_space<vmem>>, vector<512x16xf32>
    tpu.vector_store %arg5[%swap3A_20, %swap3A_21], %mul3A_19 {strides = array<i32>} : memref<512x16xf32, #tpu.memory_space<vmem>>, vector<512x16xf32>,
    return
  }
  func.func @transform_0(%arg0: i32) -> (i32, i32) {
    %c0_i32 = arith.constant 0 : i32
    %c0_i32_0 = arith.constant 0 : i32
    return %arg0, %c0_i32 : i32, i32
  }
  func.func @transform_1(%arg0: i32) -> (i32, i32) {
    %c0_i32 = arith.constant 0 : i32
    %c0_i32_0 = arith.constant 0 : i32
    %c0_i32_1 = arith.constant 0 : i32
    return %c0_i32, %c0_i32_0 : i32, i32
  }
  func.func @transform_2(%arg0: i32) -> (i32, i32) {
    %c0_i32 = arith.constant 0 : i32
    %c0_i32_0 = arith.constant 0 : i32
    return %c0_i32, %arg0 : i32, i32
  }
  func.func @transform_3(%arg0: i32) -> (i32, i32) {
    %c0_i32 = arith.constant 0 : i32
    %c0_i32_0 = arith.constant 0 : i32
    return %arg0, %c0_i32 : i32, i32
  }
  func.func @transform_4(%arg0: i32) -> (i32, i32) {
    %c0_i32 = arith.constant 0 : i32
    %c0_i32_0 = arith.constant 0 : i32
    return %arg0, %c0_i32 : i32, i32
  }
}

module attributes {stable_mosaic.version = 14 : i64} {
  func.func @_tc2_body(%arg0: i32, %arg1: memref<2x512xf32, #tpu.memory_space<vmem>>, %arg2: memref<2x512x16xf32, #tpu.memory_space<vmem>>, %arg3: memref<512x16xf32, #tpu.memory_space<vmem>>, %arg4: memref<1x16xf32, #tpu.memory_space<vmem>>, %arg5: memref<512x16xf32, #tpu.memory_space<vmem>>, %arg6: memref<512x16xf32, #tpu.memory_space<vmem>>) attributes {dimension_semantics = [#tpu.dimension_semantics<arbitrary>], iteration_bounds = array<i64: 20>, scalar_prefetch = 0 : i64, scratch_operands = 0 : i64, tpu.core_type = #tpu.core_type<tc>, window_params = [{transform_indices = @transform_0, window_bounds = array<i64: 2, 512>}, {transform_indices = @transform_1, window_bounds = array<i64: 2, 512, 16>}, {transform_indices = @transform_2, window_bounds = array<i64: 512, 16>}, {pipeline_mode = #tpu.pipeline_mode<synchronous>, transform_indices = @transform_3, window_bounds = array<i64: 1, 16>}, {transform_indices = @transform_4, window_bounds = array<i64: 512, 16>}, {transform_indices = @transform_5, window_bounds = array<i64: 512, 16>}]} {
    %get3A = arith.constant 0 : index
    %get3A_0 = arith.constant 0 : index
    %get3A_1 = vector.load %arg1[%get3A, %get3A_0] : memref<2x512xf32, #tpu.memory_space<vmem>>, vector<1x512xf32>
    %get3A_2 = vector.shape_cast %get3A_1 : vector<1x512xf32> to vector<512xf32>
    %get3A_3 = arith.constant 1 : index
    %get3A_4 = arith.constant 0 : index
    %get3A_5 = vector.load %arg1[%get3A_3, %get3A_4] : memref<2x512xf32, #tpu.memory_space<vmem>>, vector<1x512xf32>
    %get3A_6 = vector.shape_cast %get3A_5 : vector<1x512xf32> to vector<512xf32>
    %add3A = arith.addf %get3A_2, %get3A_6 : vector<512xf32>
    %add3A_7 = arith.constant 1.000000e+00 : f32
    %add3A_8 = vector.broadcast %add3A_7 : f32 to vector<512xf32>
    %add3A_9 = arith.addf %add3A, %add3A_8 : vector<512xf32>
    %rsqrt3A = math.rsqrt %add3A_9 : vector<512xf32>
    %reshape3A = vector.shape_cast %rsqrt3A : vector<512xf32> to vector<512x1xf32>
    %get3A_10 = arith.constant 0 : index
    %get3A_11 = arith.constant 0 : index
    %get3A_12 = arith.constant 0 : index
    %get3A_13 = vector.load %arg2[%get3A_10, %get3A_11, %get3A_12] : memref<2x512x16xf32, #tpu.memory_space<vmem>>, vector<1x512x16xf32>
    %get3A_14 = vector.shape_cast %get3A_13 : vector<1x512x16xf32> to vector<512x16xf32>
    %get3A_15 = arith.constant 1 : index
    %get3A_16 = arith.constant 0 : index
    %get3A_17 = arith.constant 0 : index
    %get3A_18 = vector.load %arg2[%get3A_15, %get3A_16, %get3A_17] : memref<2x512x16xf32, #tpu.memory_space<vmem>>, vector<1x512x16xf32>
    %get3A_19 = vector.shape_cast %get3A_18 : vector<1x512x16xf32> to vector<512x16xf32>
    %add3A_20 = arith.addf %get3A_14, %get3A_19 : vector<512x16xf32>
    %mul3A = vector.broadcast %reshape3A : vector<512x1xf32> to vector<512x16xf32>
    %mul3A_21 = arith.mulf %mul3A, %add3A_20 : vector<512x16xf32>
    %mul3A_22 = arith.mulf %reshape3A, %reshape3A : vector<512x1xf32>
    %get3A_23 = arith.constant 0 : index
    %get3A_24 = arith.constant 0 : index
    %get3A_25 = vector.load %arg3[%get3A_23, %get3A_24] : memref<512x16xf32, #tpu.memory_space<vmem>>, vector<512x16xf32>
    %mul3A_26 = vector.broadcast %mul3A_22 : vector<512x1xf32> to vector<512x16xf32>
    %mul3A_27 = arith.mulf %mul3A_26, %get3A_25 : vector<512x16xf32>
    %add3A_28 = arith.addf %mul3A_21, %mul3A_27 : vector<512x16xf32>
    %get3A_29 = arith.constant 0 : index
    %get3A_30 = arith.constant 0 : index
    %get3A_31 = vector.load %arg4[%get3A_29, %get3A_30] : memref<1x16xf32, #tpu.memory_space<vmem>>, vector<1x16xf32>
    %add3A_32 = vector.broadcast %get3A_31 : vector<1x16xf32> to vector<512x16xf32>
    %add3A_33 = arith.addf %add3A_28, %add3A_32 : vector<512x16xf32>
    %max3A = arith.constant 0.000000e+00 : f32
    %max3A_34 = vector.broadcast %max3A : f32 to vector<512x16xf32>
    %max3A_35 = arith.maximumf %add3A_33, %max3A_34 : vector<512x16xf32>
    %swap3A = arith.constant 0 : index
    %swap3A_36 = arith.constant 0 : index
    %swap3A_37 = vector.load %arg5[%swap3A, %swap3A_36] : memref<512x16xf32, #tpu.memory_space<vmem>>, vector<512x16xf32>
    tpu.vector_store %arg5[%swap3A, %swap3A_36], %max3A_35 {strides = array<i32>} : memref<512x16xf32, #tpu.memory_space<vmem>>, vector<512x16xf32>,
    %mul3A_38 = vector.broadcast %reshape3A : vector<512x1xf32> to vector<512x16xf32>
    %mul3A_39 = arith.mulf %mul3A_38, %max3A_35 : vector<512x16xf32>
    %swap3A_40 = arith.constant 0 : index
    %swap3A_41 = arith.constant 0 : index
    %swap3A_42 = vector.load %arg6[%swap3A_40, %swap3A_41] : memref<512x16xf32, #tpu.memory_space<vmem>>, vector<512x16xf32>
    tpu.vector_store %arg6[%swap3A_40, %swap3A_41], %mul3A_39 {strides = array<i32>} : memref<512x16xf32, #tpu.memory_space<vmem>>, vector<512x16xf32>,
    return
  }
  func.func @transform_0(%arg0: i32) -> (i32, i32) {
    %c0_i32 = arith.constant 0 : i32
    %c0_i32_0 = arith.constant 0 : i32
    return %c0_i32, %arg0 : i32, i32
  }
  func.func @transform_1(%arg0: i32) -> (i32, i32, i32) {
    %c0_i32 = arith.constant 0 : i32
    %c0_i32_0 = arith.constant 0 : i32
    %c0_i32_1 = arith.constant 0 : i32
    return %c0_i32, %arg0, %c0_i32_0 : i32, i32, i32
  }
  func.func @transform_2(%arg0: i32) -> (i32, i32) {
    %c0_i32 = arith.constant 0 : i32
    %c0_i32_0 = arith.constant 0 : i32
    return %arg0, %c0_i32 : i32, i32
  }
  func.func @transform_3(%arg0: i32) -> (i32, i32) {
    %c0_i32 = arith.constant 0 : i32
    %c0_i32_0 = arith.constant 0 : i32
    %c0_i32_1 = arith.constant 0 : i32
    return %c0_i32, %c0_i32_0 : i32, i32
  }
  func.func @transform_4(%arg0: i32) -> (i32, i32) {
    %c0_i32 = arith.constant 0 : i32
    %c0_i32_0 = arith.constant 0 : i32
    return %arg0, %c0_i32 : i32, i32
  }
  func.func @transform_5(%arg0: i32) -> (i32, i32) {
    %c0_i32 = arith.constant 0 : i32
    %c0_i32_0 = arith.constant 0 : i32
    return %arg0, %c0_i32 : i32, i32
  }
}

module attributes {stable_mosaic.version = 14 : i64} {
  func.func @_tc3_body(%arg0: i32, %arg1: memref<2x512xf32, #tpu.memory_space<vmem>>, %arg2: memref<2x512x16xf32, #tpu.memory_space<vmem>>, %arg3: memref<512x16xf32, #tpu.memory_space<vmem>>, %arg4: memref<16x2xf32, #tpu.memory_space<vmem>>, %arg5: memref<1x2xf32, #tpu.memory_space<vmem>>, %arg6: memref<512x2xf32, #tpu.memory_space<vmem>>) attributes {dimension_semantics = [#tpu.dimension_semantics<arbitrary>], iteration_bounds = array<i64: 20>, scalar_prefetch = 0 : i64, scratch_operands = 0 : i64, tpu.core_type = #tpu.core_type<tc>, window_params = [{transform_indices = @transform_0, window_bounds = array<i64: 2, 512>}, {transform_indices = @transform_1, window_bounds = array<i64: 2, 512, 16>}, {transform_indices = @transform_2, window_bounds = array<i64: 512, 16>}, {pipeline_mode = #tpu.pipeline_mode<synchronous>, transform_indices = @transform_3, window_bounds = array<i64: 16, 2>}, {pipeline_mode = #tpu.pipeline_mode<synchronous>, transform_indices = @transform_4, window_bounds = array<i64: 1, 2>}, {transform_indices = @transform_5, window_bounds = array<i64: 512, 2>}]} {
    %get3A = arith.constant 0 : index
    %get3A_0 = arith.constant 0 : index
    %get3A_1 = vector.load %arg1[%get3A, %get3A_0] : memref<2x512xf32, #tpu.memory_space<vmem>>, vector<1x512xf32>
    %get3A_2 = vector.shape_cast %get3A_1 : vector<1x512xf32> to vector<512xf32>
    %get3A_3 = arith.constant 1 : index
    %get3A_4 = arith.constant 0 : index
    %get3A_5 = vector.load %arg1[%get3A_3, %get3A_4] : memref<2x512xf32, #tpu.memory_space<vmem>>, vector<1x512xf32>
    %get3A_6 = vector.shape_cast %get3A_5 : vector<1x512xf32> to vector<512xf32>
    %add3A = arith.addf %get3A_2, %get3A_6 : vector<512xf32>
    %add3A_7 = arith.constant 1.000000e+00 : f32
    %add3A_8 = vector.broadcast %add3A_7 : f32 to vector<512xf32>
    %add3A_9 = arith.addf %add3A, %add3A_8 : vector<512xf32>
    %rsqrt3A = math.rsqrt %add3A_9 : vector<512xf32>
    %reshape3A = vector.shape_cast %rsqrt3A : vector<512xf32> to vector<512x1xf32>
    %get3A_10 = arith.constant 0 : index
    %get3A_11 = arith.constant 0 : index
    %get3A_12 = arith.constant 0 : index
    %get3A_13 = vector.load %arg2[%get3A_10, %get3A_11, %get3A_12] : memref<2x512x16xf32, #tpu.memory_space<vmem>>, vector<1x512x16xf32>
    %get3A_14 = vector.shape_cast %get3A_13 : vector<1x512x16xf32> to vector<512x16xf32>
    %get3A_15 = arith.constant 1 : index
    %get3A_16 = arith.constant 0 : index
    %get3A_17 = arith.constant 0 : index
    %get3A_18 = vector.load %arg2[%get3A_15, %get3A_16, %get3A_17] : memref<2x512x16xf32, #tpu.memory_space<vmem>>, vector<1x512x16xf32>
    %get3A_19 = vector.shape_cast %get3A_18 : vector<1x512x16xf32> to vector<512x16xf32>
    %add3A_20 = arith.addf %get3A_14, %get3A_19 : vector<512x16xf32>
    %mul3A = vector.broadcast %reshape3A : vector<512x1xf32> to vector<512x16xf32>
    %mul3A_21 = arith.mulf %mul3A, %add3A_20 : vector<512x16xf32>
    %mul3A_22 = arith.mulf %reshape3A, %reshape3A : vector<512x1xf32>
    %get3A_23 = arith.constant 0 : index
    %get3A_24 = arith.constant 0 : index
    %get3A_25 = vector.load %arg3[%get3A_23, %get3A_24] : memref<512x16xf32, #tpu.memory_space<vmem>>, vector<512x16xf32>
    %mul3A_26 = vector.broadcast %mul3A_22 : vector<512x1xf32> to vector<512x16xf32>
    %mul3A_27 = arith.mulf %mul3A_26, %get3A_25 : vector<512x16xf32>
    %add3A_28 = arith.addf %mul3A_21, %mul3A_27 : vector<512x16xf32>
    %get3A_29 = arith.constant 0 : index
    %get3A_30 = arith.constant 0 : index
    %get3A_31 = vector.load %arg4[%get3A_29, %get3A_30] : memref<16x2xf32, #tpu.memory_space<vmem>>, vector<16x2xf32>
    %dot_general3A = arith.constant dense<0.000000e+00> : vector<512x2xf32>
    %dot_general3A_32 = tpu.matmul %add3A_28, %get3A_31, %dot_general3A {dimension_numbers = #tpu.dot_dimension_numbers<[1], [0], [0], [1], [0, 0, 1, 1], [], []>, transpose_lhs_hint = false} : vector<512x16xf32>, vector<16x2xf32>, vector<512x2xf32> -> vector<512x2xf32>
    %get3A_33 = arith.constant 0 : index
    %get3A_34 = arith.constant 0 : index
    %get3A_35 = vector.load %arg5[%get3A_33, %get3A_34] : memref<1x2xf32, #tpu.memory_space<vmem>>, vector<1x2xf32>
    %add3A_36 = vector.broadcast %get3A_35 : vector<1x2xf32> to vector<512x2xf32>
    %add3A_37 = arith.addf %dot_general3A_32, %add3A_36 : vector<512x2xf32>
    %swap3A = arith.constant 0 : index
    %swap3A_38 = arith.constant 0 : index
    %swap3A_39 = vector.load %arg6[%swap3A, %swap3A_38] : memref<512x2xf32, #tpu.memory_space<vmem>>, vector<512x2xf32>
    tpu.vector_store %arg6[%swap3A, %swap3A_38], %add3A_37 {strides = array<i32>} : memref<512x2xf32, #tpu.memory_space<vmem>>, vector<512x2xf32>,
    return
  }
  func.func @transform_0(%arg0: i32) -> (i32, i32) {
    %c0_i32 = arith.constant 0 : i32
    %c0_i32_0 = arith.constant 0 : i32
    return %c0_i32, %arg0 : i32, i32
  }
  func.func @transform_1(%arg0: i32) -> (i32, i32, i32) {
    %c0_i32 = arith.constant 0 : i32
    %c0_i32_0 = arith.constant 0 : i32
    %c0_i32_1 = arith.constant 0 : i32
    return %c0_i32, %arg0, %c0_i32_0 : i32, i32, i32
  }
  func.func @transform_2(%arg0: i32) -> (i32, i32) {
    %c0_i32 = arith.constant 0 : i32
    %c0_i32_0 = arith.constant 0 : i32
    return %arg0, %c0_i32 : i32, i32
  }
  func.func @transform_3(%arg0: i32) -> (i32, i32) {
    %c0_i32 = arith.constant 0 : i32
    %c0_i32_0 = arith.constant 0 : i32
    %c0_i32_1 = arith.constant 0 : i32
    return %c0_i32, %c0_i32_0 : i32, i32
  }
  func.func @transform_4(%arg0: i32) -> (i32, i32) {
    %c0_i32 = arith.constant 0 : i32
    %c0_i32_0 = arith.constant 0 : i32
    %c0_i32_1 = arith.constant 0 : i32
    return %c0_i32, %c0_i32_0 : i32, i32
  }
  func.func @transform_5(%arg0: i32) -> (i32, i32) {
    %c0_i32 = arith.constant 0 : i32
    %c0_i32_0 = arith.constant 0 : i32
    return %arg0, %c0_i32 : i32, i32
  }
}

</mosaic_0001>

<sc_bundles>
// kernel: _run.11.cloned.1.call-start
scs
__scs_entry_jumppad:
0x0: {  	(pc) =	sbr.rel $0x88, $3  }
0x1: {  	(tag) =	ssettag $0x0;
	lr =	simm.s32 $0x1  }
0x2: {  	[smem:$0x3F9B] =	sst lr;
	_ =	strace $0xD0000000  }
0x3: {  	_ = 	snop  }
0x4: {  	_ = 	snop  }
0x5: {  	_ = 	snop  }
0x6: {  	_ = 	snop  }
0x7: {  	_ = 	snop  }
__scs_overlays_trampoline_lowered:
0x8: {  	[smem:$0x3FAA] =	sst s0  }
0x9: {  	[smem:$0x3FAB] =	sst s1  }
0xa: {  	[smem:$0x3FAC] =	sst s2  }
0xb: {  	[smem:$0x3FAD] =	sst s3  }
0xc: {  	[smem:$0x3FAE] =	sst s4  }
0xd: {  	[smem:$0x3FAF] =	sst s5  }
0xe: {  	[smem:$0x3FB0] =	sst s6  }
0xf: {  	[smem:$0x3FB1] =	sst s7  }
0x10: {  	[smem:$0x3FB2] =	sst s8  }
0x11: {  	[smem:$0x3FB3] =	sst s9;
	s0 =	simm.s32 @!p0 $0x0  }
0x12: {  	s1 =	sld [smem:$0x3F99];
	s0 =	simm.s32 @p0 $0x1  }
0x13: {  	[smem:$0x3FB4] =	sst s0;
	s0 =	simm.s32 @!p1 $0x0  }
0x14: {  	s2 =	sld [smem:$0x3F98];
	s0 =	simm.s32 @p1 $0x1  }
0x15: {  	[smem:$0x3FB5] =	sst s0;
	s0 =	simm.s32 @!p2 $0x0  }
0x16: {  	s3 =	sld [smem:$0x3FDB];
	s0 =	simm.s32 @p2 $0x1  }
0x17: {  	s4 =	simm.s32 $0x1BF5;
	[smem:$0x3FB7] =	sst s0  }
0x18: {  	s0 =	sld [smem:$0x3F9A];
	_ =	swait.ge [sflag:s4], $0x0  }
0x19: {  	s7 =	sld [smem:$0x3F9B]  }
0x1a: {  	s8 =	sadd.s32 $0xFFFFE003, lr  }
0x1b: {  	s9 =	sadd.s32 $0xFFFFFEF7, lr;
	s5 =	simm.s32 $0xFFFFFFFF;
	p2 =	slt.u32 s8, $0xFFFFF086  }
0x1c: {  	p1 =	slt.u32 s9, $0xF7A;
	s5 =	simm.s32 @!p2 $0x0  }
0x1d: {  	s5 =	simm.s32 @p1 $0x1;
	p0 =	seq.s32 s7, s2  }
0x1e: {  	s7 =	smul.u32 @!p0 $0xF7A, s2;
	p2 =	seq.s32 @!p0 s5, $0x0  }
0x1f: {  	s9 =	smul.u32 $0xF7A, s1;
	s8 =	simm.s32 @!p0 $0x1BF5;
	p2 =	por !p2, p0  }
0x20: {  	[sflag:s8] =	ssyncset.s32 @!p0 $0xFFFFF086;
	s6 =	sadd.s32 @!p0 s3, s7;
	s7 =	simm.s32 @!p0 $0x108  }
0x21: {  	s3 =	sadd.s32 s3, s9;
	s6 =	sadd.s32 @!p0 $0x88, s6;
	s7 =	simm.s32 @p2 $0x1082  }
0x22: {  	[simem:s7], [sflag:s8] =	dma.local @!p0 [hbm:s6], $0xF7A  }
0x23: {  	s9 =	sor.u32 $0xD0000000, s2;
	s6 =	simm.s32 $0x108;
	_ =	swait.ge @!p0 [sflag:s8], $0x0  }
0x24: {  	s3 =	sadd.s32 $0x88, s3;
	s6 =	simm.s32 @!p1 $0x1082;
	[sflag:s4] =	ssyncset.s32 $0xFFFFF086  }
0x25: {  	[simem:s6], [sflag:s4] =	dma.local [hbm:s3], $0xF7A  }
0x26: {  	[smem:$0x3F9B] =	sst s1;
	(tag) =	ssettag s2;
	_ =	strace s9  }
0x27: {  	s1 =	sld [smem:$0x3FAB]  }
0x28: {  	s2 =	sld [smem:$0x3FAC]  }
0x29: {  	s4 =	sld [smem:$0x3FAE]  }
0x2a: {  	p0 =	seq.s32 s5, $0x0;
	s5 =	sld [smem:$0x3FAF]  }
0x2b: {  	s6 =	sld [smem:$0x3FB0]  }
0x2c: {  	s7 =	sld [smem:$0x3FB1]  }
0x2d: {  	s3 =	simm.s32 $0x108;
	s8 =	sld [smem:$0x3FB2]  }
0x2e: {  	s3 =	simm.s32 @!p0 $0x1082;
	s9 =	sld [smem:$0x3FB3]  }
0x2f: {  	lr =	sadd.s32 s0, s3;
	s0 =	sld [smem:$0x3FAA]  }
0x30: {  	s3 =	sld [smem:$0x3FAD]  }
0x31: {  	[smem:$0x3FB6] =	sst s10  }
0x32: {  	s10 =	sld [smem:$0x3FB4];
	_ =	sdelay $0x3  }
0x33: {  	p0 =	seq.s32 s10, $0x1;
	s10 =	sld [smem:$0x3FB6];
	_ =	sdelay $0x3  }
0x34: {  	[smem:$0x3FB6] =	sst s10  }
0x35: {  	s10 =	sld [smem:$0x3FB5];
	_ =	sdelay $0x3  }
0x36: {  	p1 =	seq.s32 s10, $0x1;
	s10 =	sld [smem:$0x3FB6];
	_ =	sdelay $0x3  }
0x37: {  	[smem:$0x3FB6] =	sst s10  }
0x38: {  	s10 =	sld [smem:$0x3FB7]  }
0x39: {  	_ = 	snop;
	(pc) =	sbr.ind lr, $3  }
0x3a: {  	_ = 	snop  }
0x3b: {  	_ = 	snop  }
0x3c: {  	p2 =	seq.s32 s10, $0x1;
	s10 =	sld [smem:$0x3FB6]  }
0x3d: {  	_ =	shalt  }
0x3e: {  	_ =	shalt  }
0x3f: {  	_ =	shalt  }
0x40: {  	_ =	shalt  }
0x41: {  	_ =	shalt  }
0x42: {  	_ =	shalt  }
0x43: {  	_ =	shalt  }
0x44: {  	_ =	shalt  }
0x45: {  	_ =	shalt  }
0x46: {  	_ =	shalt  }
0x47: {  	_ =	shalt  }
0x48: {  	_ =	shalt  }
0x49: {  	_ =	shalt  }
0x4a: {  	_ =	shalt  }
0x4b: {  	_ =	shalt  }
0x4c: {  	_ =	shalt  }
0x4d: {  	_ =	shalt  }
0x4e: {  	_ =	shalt  }
0x4f: {  	_ =	shalt  }
0x50: {  	_ =	shalt  }
0x51: {  	_ =	shalt  }
0x52: {  	_ =	shalt  }
0x53: {  	_ =	shalt  }
0x54: {  	_ =	shalt  }
0x55: {  	_ =	shalt  }
0x56: {  	_ =	shalt  }
0x57: {  	_ =	shalt  }
0x58: {  	_ =	shalt  }
0x59: {  	_ =	shalt  }
0x5a: {  	_ =	shalt  }
0x5b: {  	_ =	shalt  }
0x5c: {  	_ =	shalt  }
0x5d: {  	_ =	shalt  }
0x5e: {  	_ =	shalt  }
0x5f: {  	_ =	shalt  }
0x60: {  	_ =	shalt  }
0x61: {  	_ =	shalt  }
0x62: {  	_ =	shalt  }
0x63: {  	_ =	shalt  }
0x64: {  	_ =	shalt  }
0x65: {  	_ =	shalt  }
0x66: {  	_ =	shalt  }
0x67: {  	_ =	shalt  }
0x68: {  	_ =	shalt  }
0x69: {  	_ =	shalt  }
0x6a: {  	_ =	shalt  }
0x6b: {  	_ =	shalt  }
0x6c: {  	_ =	shalt  }
0x6d: {  	_ =	shalt  }
0x6e: {  	_ =	shalt  }
0x6f: {  	_ =	shalt  }
0x70: {  	_ =	shalt  }
0x71: {  	_ =	shalt  }
0x72: {  	_ =	shalt  }
0x73: {  	_ =	shalt  }
0x74: {  	_ =	shalt  }
0x75: {  	_ =	shalt  }
0x76: {  	_ =	shalt  }
0x77: {  	_ =	shalt  }
0x78: {  	_ =	shalt  }
0x79: {  	_ =	shalt  }
0x7a: {  	_ =	shalt  }
0x7b: {  	_ =	shalt  }
0x7c: {  	_ =	shalt  }
0x7d: {  	_ =	shalt  }
0x7e: {  	_ =	shalt  }
0x7f: {  	_ =	shalt  }
0x80: {  	_ =	shalt  }
0x81: {  	_ =	shalt  }
0x82: {  	_ =	shalt  }
0x83: {  	_ =	shalt  }
0x84: {  	_ =	shalt  }
0x85: {  	_ =	shalt  }
0x86: {  	_ =	shalt  }
0x87: {  	_ =	shalt  }
.Lfunc_end0:
.L_simem_size_0:
called_computation.1_lowered:
.L_overlay_start_0:
0x88: {  	s2 =	sld [smem:$0x3FD9]  }
0x89: {  	s3 =	sld [smem:$0x3FFE];
	_ =	sdelay $0x1  }
0x8a: {  	s1 =	srdreg.scid  }
0x8b: {  	s0 =	sand.u32 $0x1, s1  }
0x8c: {  	s16 =	sshll.u32 s0, $0xA;
	s2 =	sadd.s32 s3, s2  }
0x8d: {  	s2 =	sadd.s32 s2, s16  }
0x8e: {  	[smem:$0x3FC2] =	sst s2  }
0x8f: {  	_ = 	snop  }
0x90: {  	(tm) =	ssettm $0x1  }
0x91: {  	s17 =	sld [smem:$0x3FFB];
	_ =	sdelay $0x3  }
0x92: {  	_ =	strace s17  }
0x93: {  	s2 =	sld [smem:$0x3FFC];
	_ =	sdelay $0x3  }
0x94: {  	_ =	strace s2  }
0x95: {  	s2 =	sld [smem:$0x3FFD];
	_ =	sdelay $0x3  }
0x96: {  	_ =	strace s2  }
0x97: {  	_ =	strace $0x8FFFFFFF  }
0x98: {  	s18 =	sld [smem:$0x3FDB];
	_ =	sdelay $0x1  }
0x99: {  	s19 =	simm.s32 $_scs_section_size  }
0x9a: {  	s4 =	simm.s32 $_size__tile_overlayer_lowered;
	s5 =	simm.s32 $_tile_overlayer_lowered  }
0x9b: {  	s22 =	simm.s32 $0x1BFF;
	s21 =	sshll.u32 s5, $0x1;
	s2 =	sadd.s32 s19, s18  }
0x9c: {  	s6 =	simm.s32 $0x0;
	s20 =	sshll.u32 s4, $0x1;
	s4 =	sadd.s32 s21, s2  }
0x9d: {  	[timem:s6], [sflag:s22] =	dma.local [hbm:s4], s20  }
0x9e: {  	_ =	swait.ge [sflag:s22], s20  }
0x9f: {  	s3 =	ssub.s32 $0x0, s20;
	[sflag:s22] =	ssyncset.done $0x0  }
0xa0: {  	[sflag:s22] =	ssyncadd.s32 s3;
	_ =	sdelay $0x1  }
0xa1: {  	s23 =	simm.s32 $0x1B8B  }
0xa2: {  	_ =	swait.ge [sflag:s23], $0x1  }
0xa3: {  	[sflag:s23] =	ssyncset.done $0x0  }
0xa4: {  	s25 =	simm.s32 $0x1B8E;
	s24 =	sld [smem:$0x3FFE];
	[sflag:s23] =	ssyncadd.s32 $0xFFFFFFFF  }
0xa5: {  	s26 =	simm.s32 $execute0_lowered;
	[smem:$0x3FD2] =	sst s25  }
0xa6: {  	s4 =	sshll.u32 s26, $0x1;
	_ =	strace $0x80000049;
	[dreg:$0x1] =	wrdreg $0xFFFFFFFF  }
0xa7: {  	s28 =	simm.s32 $_size_execute0_lowered;
	s2 =	sadd.s32 s2, s4;
	[dreg:$0x0] =	wrdreg $0x0  }
0xa8: {  	s4 =	sshll.u32 s28, $0x1;
	[dreg:$0x2] =	wrdreg s2  }
0xa9: {  	[dreg:$0x3] =	wrdreg s4  }
0xaa: {  	[dreg:$0x4] =	wrdreg $0xC0  }
0xab: {  	_ =	task [dreg:s6], $0x5FFFF  }
0xac: {  	[dreg:$0x1] =	wrdreg $0xFFFFFFFF  }
0xad: {  	[dreg:$0x0] =	wrdreg $0x60  }
0xae: {  	[dreg:$0x2] =	wrdreg s24  }
0xaf: {  	[dreg:$0x3] =	wrdreg $0x190000  }
0xb0: {  	[dreg:$0x4] =	wrdreg $0x9  }
0xb1: {  	_ =	task.clear_ibuf [dreg:s6], $0x5FFFF;
	_ =	strace $0x90000049  }
0xb2: {  	s29 =	simm.s32 $0x9;
	_ =	strace $0x8000004B  }
0xb3: {  	_ =	swait.ge [sflag:s29], $0x1  }
0xb4: {  	[sflag:s29] =	ssyncadd.s32 $0xFFFFFFFF  }
0xb5: {  	_ =	strace $0x9000004B  }
0xb6: {  	_ =	sfence  }
0xb7: {  	s30 =	sld [smem:$0x0];
	_ =	sdelay $0x2  }
0xb8: {  	s31 =	sshll.u32 s1, $0xD;
	s1 =	sshrl.u32 s1, $0x2  }
0xb9: {  	s3 =	sand.u32 $0x4000, s31;
	s1 =	sadd.s32 s1, s30  }
0xba: {  	s0 =	sor.u32 s3, s0;
	s1 =	sshll.u32 s1, $0x11  }
0xbb: {  	s0 =	sor.u32 s1, s0  }
0xbc: {  	s0 =	sadd.s32 $0x8F2B, s0  }
0xbd: {  	[sflag:s0] =	ssyncadd.remote.s32 $0x1  }
0xbe: {  	_ =	sfence.sel $0xFFFF  }
0xbf: {  	[dreg:$0x0] =	wrdreg $0xFFFFFFFF;
	(pc) =	sbr.abs _section_cstart, $3  }
0xc0: {  	[dreg:$0x1] =	wrdreg $0xFFFFFFFF  }
0xc1: {  	_ =	task.clear_ibuf [dreg:s6], $0x2FFFF;
	_ =	strace $0x9FFFFFFF  }
0xc2: {  	(tm) =	ssettm $0x7FFFFFFF  }
0xc3: {  	_ =	shalt  }
tec
execute0_lowered:
.L_overlay_start_1:
0x0: {  	(tag) =	ssettag $0x1  }
0x1: {  	s0 =	srdreg.scid;
	s8 =	stileid.u32  }
0x2: {  	s3 =	rddreg [dreg:$0x0];
	s5 =	simm.s32 $0x0;
	s0 =	sand.u32 $0x1, s0  }
0x3: {  	s2 =	sshll.u32 s8, $0x4;
	[smem:$0x7FF] =	sst s5;
	s1 =	sshll.u32 s0, $0x8  }
0x4: {  	s12 =	simm.s32 $0x500;
	s1 =	sor.u32 s2, s1;
	s2 =	rddreg [dreg:$0x1]  }
0x5: {  	s13 =	simm.s32 $0x780;
	_ =	strace $0x8000004A;
	[dreg:$0x7] =	wrdreg s12  }
0x6: {  	s14 =	simm.s32 $0xA00;
	[dreg:$0x8] =	wrdreg s13  }
0x7: {  	s15 =	simm.s32 $0xC80;
	[dreg:$0x9] =	wrdreg s14  }
0x8: {  	s16 =	simm.s32 $0xF00;
	[dreg:$0xa] =	wrdreg s15  }
0x9: {  	s18 =	simm.s32 $0x1180;
	s19 =	simm.s32 $0x2A80;
	[dreg:$0xb] =	wrdreg s16  }
0xa: {  	s20 =	simm.s32 $0x2D00;
	s21 =	simm.s32 $0x2F80;
	[dreg:$0xc] =	wrdreg s18  }
0xb: {  	s22 =	simm.s32 $0x3200;
	s23 =	simm.s32 $0x3480;
	[dreg:$0xd] =	wrdreg s19  }
0xc: {  	s25 =	simm.s32 $0x3700;
	s26 =	simm.s32 $0x3980;
	[dreg:$0xe] =	wrdreg s20  }
0xd: {  	s31 =	simm.s32 $0x2;
	s30 =	simm.s32 $0x3;
	[dreg:$0xf] =	wrdreg s21  }
0xe: {  	s29 =	simm.s32 $0x4;
	s28 =	simm.s32 $0x5;
	[dreg:$0x10] =	wrdreg s22  }
0xf: {  	p0 =	por $0x0, $0x0;
	s4 =	smul.u32 $0x2800, s8;
	[dreg:$0x11] =	wrdreg s23  }
0x10: {  	s24 =	sshll.u32 s8, $0x6;
	s9 =	smul.u32 $0x28000, s0;
	[dreg:$0x12] =	wrdreg s25  }
0x11: {  	s0 =	ssub.s32 $0x2, s0;
	[dreg:$0x13] =	wrdreg s26;
	s12 =	simm.s32 $0x1E00  }
0x12: {  	s6 =	sshrl.u32 s4, $0x3;
	s14 =	simm.s32 $0x2080;
	[dreg:$0x18] =	wrdreg s12  }
0x13: {  	s17 =	sshrl.u32 s0, $0x1;
	s15 =	simm.s32 $0x2300;
	[dreg:$0x19] =	wrdreg s14  }
0x14: {  	s13 =	sor.u32 $0x1C11, s24;
	s16 =	simm.s32 $0x2580;
	[dreg:$0x1a] =	wrdreg s15  }
0x15: {  	s18 =	simm.s32 $0x3C00;
	s19 =	simm.s32 $0x3E80;
	[dreg:$0x1b] =	wrdreg s16  }
0x16: {  	s20 =	simm.s32 $0x4100;
	s21 =	simm.s32 $0x4380;
	[dreg:$0x1c] =	wrdreg s18  }
0x17: {  	s22 =	simm.s32 $0x4600;
	s23 =	simm.s32 $0x4880;
	[dreg:$0x1d] =	wrdreg s19  }
0x18: {  	s24 =	simm.s32 $0x4B00;
	s26 =	simm.s32 $0x6;
	[dreg:$0x1e] =	wrdreg s20  }
0x19: {  	s25 =	simm.s32 $0x4D80;
	s1 =	smul.u32 $0x50, s1;
	[dreg:$0x1f] =	wrdreg s21  }
0x1a: {  	s6 =	sadd.s32 s6, s3;
	s5 =	sadd.s32 s4, s9;
	[smem:$0x7FA] =	sst s22  }
0x1b: {  	s0 =	ssub.s32 s0, s17;
	s4 =	sadd.s32 s4, s2;
	[smem:$0x7FB] =	sst s23  }
0x1c: {  	s9 =	simm.s32 $0x1680;
	s17 =	simm.s32 $0x7800;
	[smem:$0x7FC] =	sst s24  }
0x1d: {  	s12 =	simm.s32 $0x16800;
	[smem:$0x7FD] =	sst s25;
	s25 =	simm.s32 $0x7  }
0x1e: {  	s24 =	simm.s32 $0x8;
	s23 =	simm.s32 $0x9;
	s22 =	simm.s32 $0xA  }
0x1f: {  	s21 =	simm.s32 $0xB;
	s20 =	simm.s32 $0xC;
	s19 =	simm.s32 $0xD  }
0x20: {  	s18 =	simm.s32 $0xE;
	s16 =	simm.s32 $0xF;
	s14 =	simm.s32 $0x10  }
0x21: {  	s5 =	sshrl.u32 s5, $0x3;
	s10 =	sadd.s32 $0x1AE00, s6;
	s0 =	smax.u32 s0, $0x1  }
0x22: {  	s8 =	sshrl.u32 s4, $0x3;
	s6 =	simm.s32 $0x280;
	[dreg:$0x15] =	wrdreg s9  }
0x23: {  	s1 =	sadd.s32 s1, s3;
	[dreg:$0x5] =	wrdreg s10;
	s10 =	simm.s32 $0x1900  }
0x24: {  	s5 =	sadd.s32 s5, s3;
	s7 =	sadd.s32 $0xBE00, s1;
	[dreg:$0x16] =	wrdreg s10  }
0x25: {  	p1 =	sne.s32 s0, $0x1;
	s1 =	sadd.s32 $0x1200, s1;
	[dreg:$0x3] =	wrdreg s7  }
.Ltmp0:
0x26: {  	s11 =	sadd.s32 $0x1FE00, s5;
	[dreg:$0x4] =	wrdreg s1;
	(pc) =	sbr.rel @!p1 .LBB2_3-.Ltmp0, $4  }
0x27: {  	s0 =	sadd.s32 $0xFFFFFFFF, s0;
	s5 =	simm.s32 $0x1400;
	[dreg:$0x6] =	wrdreg s11  }
0x28: {  	s10 =	simm.s32 $0x14000;
	[dreg:$0x14] =	wrdreg s5;
	s11 =	simm.s32 $0x1B80  }
0x29: {  	s7 =	sadd.s32 $0x15E00, s3;
	s3 =	simm.s32 $0x11;
	[dreg:$0x17] =	wrdreg s11  }
0x2a: {  	s1 =	simm.s32 $0x1;
	s11 =	simm.s32 $0x11800;
	s4 =	rddreg [dreg:$0x3]  }
0x2b: {  	[smem:$0x7F9] =	sst s0;
	s15 =	simm.s32 $0x0  }
0x2c: {  	[tilespmem:s15], [sflag:$0x11] =	stream.linear.gather [hbm4b:s4+s15], $0x2800, $0x38;
	[tilespmem:$0x1B800] =	vst v63  }
0x2d: {  	_ =	swait.ge [sflag:s3], $0x2800  }
0x2e: {  	[sflag:s3] =	ssyncset.done $0x0  }
0x2f: {  	s1 =	simm.s32 $0x2800;
	s26 =	rddreg [dreg:$0x4];
	[sflag:s3] =	ssyncadd.s32 $0xFFFFD800  }
0x30: {  	[tilespmem:s1], [sflag:$0x11] =	stream.linear.gather [hbm4b:s26+s15], $0x2800, $0x38;
	[tilespmem:$0x1B800] =	vst v63  }
0x31: {  	_ =	swait.ge [sflag:s3], $0x2800  }
0x32: {  	s5 =	rddreg [dreg:$0x5]  }
0x33: {  	[sflag:s3] =	ssyncset.done $0x0;
	[smem:$0x7F8] =	sst s13  }
0x34: {  	[smem:$0x7F7] =	sst s8;
	[sflag:s3] =	ssyncadd.s32 $0xFFFFD800  }
0x35: {  	[spmem:s8], [sflag:s13] =	dma.local [hbm:s5], $0x500  }
0x36: {  	_ =	swait.ge [sflag:s3], $0x500  }
0x37: {  	[sflag:s3] =	ssyncset.done $0x0  }
0x38: {  	[sflag:s3] =	ssyncadd.s32 $0xFFFFFB00  }
0x39: {  	s16 =	simm.s32 $0x5000;
	[bflag:$0x0] =	sbarrier.arrive $0xFFFF  }
0x3a: {  	[tilespmem:s16], [sflag:$0x1] =	stream.indirect.gather [hbm4b:s7+s6], $0x10, s15, s6, $0xb8;
	[tilespmem:$0x1B800] =	vst v63  }
0x3b: {  	_ = 	snop  }
0x3c: {  	[tilespmem:s17], [sflag:$0x2] =	stream.indirect.gather [hbm4b:s7+s6], $0x10, s6, s6, $0xb8;
	[tilespmem:$0x1B800] =	vst v63  }
0x3d: {  	s5 =	simm.s32 $0xA000;
	s9 =	rddreg [dreg:$0x7]  }
0x3e: {  	[tilespmem:s5], [sflag:$0x3] =	stream.indirect.gather [hbm4b:s7+s6], $0x10, s9, s6, $0xb8;
	[tilespmem:$0x1B800] =	vst v63  }
0x3f: {  	s15 =	rddreg [dreg:$0x8];
	s9 =	simm.s32 $0xC800  }
0x40: {  	[tilespmem:s9], [sflag:$0x4] =	stream.indirect.gather [hbm4b:s7+s6], $0x10, s15, s6, $0xb8;
	[tilespmem:$0x1B800] =	vst v63  }
0x41: {  	s4 =	rddreg [dreg:$0x9];
	s15 =	simm.s32 $0xF000  }
0x42: {  	[tilespmem:s15], [sflag:$0x5] =	stream.indirect.gather [hbm4b:s7+s6], $0x10, s4, s6, $0xb8;
	[tilespmem:$0x1B800] =	vst v63  }
0x43: {  	s0 =	rddreg [dreg:$0xa]  }
0x44: {  	[tilespmem:s11], [sflag:$0x6] =	stream.indirect.gather [hbm4b:s7+s6], $0x10, s0, s6, $0xb8;
	[tilespmem:$0x1B800] =	vst v63  }
0x45: {  	s4 =	rddreg [dreg:$0xb]  }
0x46: {  	[tilespmem:s10], [sflag:$0x7] =	stream.indirect.gather [hbm4b:s7+s6], $0x10, s4, s6, $0xb8;
	[tilespmem:$0x1B800] =	vst v63  }
0x47: {  	s3 =	simm.s32 $0x1;
	s0 =	rddreg [dreg:$0xc]  }
0x48: {  	[tilespmem:s12], [sflag:$0x8] =	stream.indirect.gather [hbm4b:s7+s6], $0x10, s0, s6, $0xb8;
	[tilespmem:$0x1B800] =	vst v63  }
0x49: {  	_ =	swait.ge [sflag:s3], $0x2800  }
0x4a: {  	[sflag:s3] =	ssyncset.done $0x0  }
0x4b: {  	s18 =	simm.s32 $0x2800;
	s1 =	simm.s32 $0x2;
	[sflag:s3] =	ssyncadd.s32 $0xFFFFD800  }
0x4c: {  	[spmem:s2] =	stream.indirect.scatter.add.f32 [tilespmem:s16], [sflag:$0x9], $0x10, s18, s6, $0xb8;
	[tilespmem:$0x1B800] =	vst v63  }
0x4d: {  	_ =	swait.ge [sflag:s1], $0x2800  }
0x4e: {  	[sflag:s1] =	ssyncset.done $0x0  }
0x4f: {  	s31 =	simm.s32 $0x3;
	s18 =	rddreg [dreg:$0xd];
	[sflag:s1] =	ssyncadd.s32 $0xFFFFD800  }
0x50: {  	[spmem:s2] =	stream.indirect.scatter.add.f32 [tilespmem:s17], [sflag:$0xA], $0x10, s18, s6, $0xb8;
	[tilespmem:$0x1B800] =	vst v63  }
0x51: {  	_ =	swait.ge [sflag:s31], $0x2800  }
0x52: {  	[sflag:s31] =	ssyncset.done $0x0  }
0x53: {  	s30 =	simm.s32 $0x4;
	s4 =	rddreg [dreg:$0xe];
	[sflag:s31] =	ssyncadd.s32 $0xFFFFD800  }
0x54: {  	[spmem:s2] =	stream.indirect.scatter.add.f32 [tilespmem:s5], [sflag:$0xB], $0x10, s4, s6, $0xb8;
	[tilespmem:$0x1B800] =	vst v63  }
0x55: {  	_ =	swait.ge [sflag:s30], $0x2800  }
0x56: {  	[sflag:s30] =	ssyncset.done $0x0  }
0x57: {  	s29 =	simm.s32 $0x5;
	s18 =	rddreg [dreg:$0xf];
	[sflag:s30] =	ssyncadd.s32 $0xFFFFD800  }
0x58: {  	[spmem:s2] =	stream.indirect.scatter.add.f32 [tilespmem:s9], [sflag:$0xC], $0x10, s18, s6, $0xb8;
	[tilespmem:$0x1B800] =	vst v63  }
0x59: {  	_ =	swait.ge [sflag:s29], $0x2800  }
0x5a: {  	[sflag:s29] =	ssyncset.done $0x0  }
0x5b: {  	s28 =	simm.s32 $0x6;
	s4 =	rddreg [dreg:$0x10];
	[sflag:s29] =	ssyncadd.s32 $0xFFFFD800  }
0x5c: {  	[spmem:s2] =	stream.indirect.scatter.add.f32 [tilespmem:s15], [sflag:$0xD], $0x10, s4, s6, $0xb8;
	[tilespmem:$0x1B800] =	vst v63  }
0x5d: {  	_ =	swait.ge [sflag:s28], $0x2800  }
0x5e: {  	[sflag:s28] =	ssyncset.done $0x0  }
0x5f: {  	s26 =	simm.s32 $0x7;
	s18 =	rddreg [dreg:$0x11];
	[sflag:s28] =	ssyncadd.s32 $0xFFFFD800  }
0x60: {  	[spmem:s2] =	stream.indirect.scatter.add.f32 [tilespmem:s11], [sflag:$0xE], $0x10, s18, s6, $0xb8;
	[tilespmem:$0x1B800] =	vst v63  }
0x61: {  	_ =	swait.ge [sflag:s26], $0x2800  }
0x62: {  	[sflag:s26] =	ssyncset.done $0x0  }
0x63: {  	s25 =	simm.s32 $0x8;
	s4 =	rddreg [dreg:$0x12];
	[sflag:s26] =	ssyncadd.s32 $0xFFFFD800  }
0x64: {  	[spmem:s2] =	stream.indirect.scatter.add.f32 [tilespmem:s10], [sflag:$0xF], $0x10, s4, s6, $0xb8;
	[tilespmem:$0x1B800] =	vst v63  }
0x65: {  	_ =	swait.ge [sflag:s25], $0x2800  }
0x66: {  	[sflag:s25] =	ssyncset.done $0x0  }
0x67: {  	s24 =	simm.s32 $0x9;
	s18 =	rddreg [dreg:$0x13];
	[sflag:s25] =	ssyncadd.s32 $0xFFFFD800  }
0x68: {  	[spmem:s2] =	stream.indirect.scatter.add.f32 [tilespmem:s12], [sflag:$0x10], $0x10, s18, s6, $0xb8;
	[tilespmem:$0x1B800] =	vst v63  }
0x69: {  	_ =	swait.ge [sflag:s24], $0x2800  }
0x6a: {  	[sflag:s24] =	ssyncset.done $0x0  }
0x6b: {  	s23 =	simm.s32 $0xA;
	s4 =	rddreg [dreg:$0x14];
	[sflag:s24] =	ssyncadd.s32 $0xFFFFD800  }
0x6c: {  	[tilespmem:s16], [sflag:$0x1] =	stream.indirect.gather [hbm4b:s7+s6], $0x10, s4, s6, $0xb8;
	[tilespmem:$0x1B800] =	vst v63  }
0x6d: {  	_ =	swait.ge [sflag:s23], $0x2800  }
0x6e: {  	[sflag:s23] =	ssyncset.done $0x0  }
0x6f: {  	s22 =	simm.s32 $0xB;
	s18 =	rddreg [dreg:$0x15];
	[sflag:s23] =	ssyncadd.s32 $0xFFFFD800  }
0x70: {  	[tilespmem:s17], [sflag:$0x2] =	stream.indirect.gather [hbm4b:s7+s6], $0x10, s18, s6, $0xb8;
	[tilespmem:$0x1B800] =	vst v63  }
0x71: {  	_ =	swait.ge [sflag:s22], $0x2800  }
0x72: {  	[sflag:s22] =	ssyncset.done $0x0  }
0x73: {  	s21 =	simm.s32 $0xC;
	s4 =	rddreg [dreg:$0x16];
	[sflag:s22] =	ssyncadd.s32 $0xFFFFD800  }
0x74: {  	[tilespmem:s5], [sflag:$0x3] =	stream.indirect.gather [hbm4b:s7+s6], $0x10, s4, s6, $0xb8;
	[tilespmem:$0x1B800] =	vst v63  }
0x75: {  	_ =	swait.ge [sflag:s21], $0x2800  }
0x76: {  	[sflag:s21] =	ssyncset.done $0x0  }
0x77: {  	s20 =	simm.s32 $0xD;
	s18 =	rddreg [dreg:$0x17];
	[sflag:s21] =	ssyncadd.s32 $0xFFFFD800  }
0x78: {  	[tilespmem:s9], [sflag:$0x4] =	stream.indirect.gather [hbm4b:s7+s6], $0x10, s18, s6, $0xb8;
	[tilespmem:$0x1B800] =	vst v63  }
0x79: {  	_ =	swait.ge [sflag:s20], $0x2800  }
0x7a: {  	[sflag:s20] =	ssyncset.done $0x0  }
0x7b: {  	s19 =	simm.s32 $0xE;
	s4 =	rddreg [dreg:$0x18];
	[sflag:s20] =	ssyncadd.s32 $0xFFFFD800  }
0x7c: {  	[tilespmem:s15], [sflag:$0x5] =	stream.indirect.gather [hbm4b:s7+s6], $0x10, s4, s6, $0xb8;
	[tilespmem:$0x1B800] =	vst v63  }
0x7d: {  	_ =	swait.ge [sflag:s19], $0x2800  }
0x7e: {  	[sflag:s19] =	ssyncset.done $0x0  }
0x7f: {  	s4 =	simm.s32 $0xF;
	s18 =	rddreg [dreg:$0x19];
	[sflag:s19] =	ssyncadd.s32 $0xFFFFD800  }
0x80: {  	[tilespmem:s11], [sflag:$0x6] =	stream.indirect.gather [hbm4b:s7+s6], $0x10, s18, s6, $0xb8;
	[tilespmem:$0x1B800] =	vst v63  }
0x81: {  	s18 =	simm.s32 $0xF;
	_ =	swait.ge [sflag:s4], $0x2800  }
0x82: {  	[sflag:s18] =	ssyncset.done $0x0;
	s18 =	simm.s32 $0xF  }
0x83: {  	s0 =	rddreg [dreg:$0x1a];
	[sflag:s18] =	ssyncadd.s32 $0xFFFFD800  }
0x84: {  	[tilespmem:s10], [sflag:$0x7] =	stream.indirect.gather [hbm4b:s7+s6], $0x10, s0, s6, $0xb8;
	[tilespmem:$0x1B800] =	vst v63  }
0x85: {  	_ =	swait.ge [sflag:s14], $0x2800  }
0x86: {  	[sflag:s14] =	ssyncset.done $0x0  }
0x87: {  	s1 =	simm.s32 $0x1;
	s4 =	rddreg [dreg:$0x1b];
	[sflag:s14] =	ssyncadd.s32 $0xFFFFD800  }
0x88: {  	[tilespmem:s12], [sflag:$0x8] =	stream.indirect.gather [hbm4b:s7+s6], $0x10, s4, s6, $0xb8;
	[tilespmem:$0x1B800] =	vst v63  }
0x89: {  	_ =	swait.ge [sflag:s1], $0x2800  }
0x8a: {  	[sflag:s1] =	ssyncset.done $0x0  }
0x8b: {  	s31 =	simm.s32 $0x2;
	s4 =	rddreg [dreg:$0x1c];
	[sflag:s1] =	ssyncadd.s32 $0xFFFFD800  }
0x8c: {  	[spmem:s2] =	stream.indirect.scatter.add.f32 [tilespmem:s16], [sflag:$0x9], $0x10, s4, s6, $0xb8;
	[tilespmem:$0x1B800] =	vst v63  }
0x8d: {  	_ =	swait.ge [sflag:s31], $0x2800  }
0x8e: {  	[sflag:s31] =	ssyncset.done $0x0  }
0x8f: {  	s30 =	simm.s32 $0x3;
	s4 =	rddreg [dreg:$0x1d];
	[sflag:s31] =	ssyncadd.s32 $0xFFFFD800  }
0x90: {  	[spmem:s2] =	stream.indirect.scatter.add.f32 [tilespmem:s17], [sflag:$0xA], $0x10, s4, s6, $0xb8;
	[tilespmem:$0x1B800] =	vst v63  }
0x91: {  	_ =	swait.ge [sflag:s30], $0x2800  }
0x92: {  	[sflag:s30] =	ssyncset.done $0x0  }
0x93: {  	s29 =	simm.s32 $0x4;
	s4 =	rddreg [dreg:$0x1e];
	[sflag:s30] =	ssyncadd.s32 $0xFFFFD800  }
0x94: {  	[spmem:s2] =	stream.indirect.scatter.add.f32 [tilespmem:s5], [sflag:$0xB], $0x10, s4, s6, $0xb8;
	[tilespmem:$0x1B800] =	vst v63  }
0x95: {  	_ =	swait.ge [sflag:s29], $0x2800  }
0x96: {  	[sflag:s29] =	ssyncset.done $0x0  }
0x97: {  	s28 =	simm.s32 $0x5;
	s4 =	rddreg [dreg:$0x1f];
	[sflag:s29] =	ssyncadd.s32 $0xFFFFD800  }
0x98: {  	[spmem:s2] =	stream.indirect.scatter.add.f32 [tilespmem:s9], [sflag:$0xC], $0x10, s4, s6, $0xb8;
	[tilespmem:$0x1B800] =	vst v63  }
0x99: {  	_ =	swait.ge [sflag:s28], $0x2800  }
0x9a: {  	s5 =	sld [smem:$0x7FA]  }
0x9b: {  	[sflag:s28] =	ssyncset.done $0x0  }
0x9c: {  	s26 =	simm.s32 $0x6;
	[sflag:s28] =	ssyncadd.s32 $0xFFFFD800  }
0x9d: {  	[spmem:s2] =	stream.indirect.scatter.add.f32 [tilespmem:s15], [sflag:$0xD], $0x10, s5, s6, $0xb8;
	[tilespmem:$0x1B800] =	vst v63  }
0x9e: {  	_ =	swait.ge [sflag:s26], $0x2800  }
0x9f: {  	s9 =	sld [smem:$0x7FB]  }
0xa0: {  	[sflag:s26] =	ssyncset.done $0x0  }
0xa1: {  	s25 =	simm.s32 $0x7;
	[sflag:s26] =	ssyncadd.s32 $0xFFFFD800  }
0xa2: {  	[spmem:s2] =	stream.indirect.scatter.add.f32 [tilespmem:s11], [sflag:$0xE], $0x10, s9, s6, $0xb8;
	[tilespmem:$0x1B800] =	vst v63  }
0xa3: {  	_ =	swait.ge [sflag:s25], $0x2800  }
0xa4: {  	s15 =	sld [smem:$0x7FC]  }
0xa5: {  	[sflag:s25] =	ssyncset.done $0x0  }
0xa6: {  	s24 =	simm.s32 $0x8;
	[sflag:s25] =	ssyncadd.s32 $0xFFFFD800  }
0xa7: {  	[spmem:s2] =	stream.indirect.scatter.add.f32 [tilespmem:s10], [sflag:$0xF], $0x10, s15, s6, $0xb8;
	[tilespmem:$0x1B800] =	vst v63  }
0xa8: {  	_ =	swait.ge [sflag:s24], $0x2800  }
0xa9: {  	s4 =	sld [smem:$0x7FD]  }
0xaa: {  	[sflag:s24] =	ssyncset.done $0x0  }
0xab: {  	s23 =	simm.s32 $0x9;
	[sflag:s24] =	ssyncadd.s32 $0xFFFFD800  }
0xac: {  	[spmem:s2] =	stream.indirect.scatter.add.f32 [tilespmem:s12], [sflag:$0x10], $0x10, s4, s6, $0xb8;
	[tilespmem:$0x1B800] =	vst v63  }
0xad: {  	_ =	swait.ge [sflag:s23], $0x2800  }
0xae: {  	[sflag:s23] =	ssyncset.done $0x0  }
0xaf: {  	s22 =	simm.s32 $0xA;
	[sflag:s23] =	ssyncadd.s32 $0xFFFFD800  }
0xb0: {  	_ =	swait.ge [sflag:s22], $0x2800  }
0xb1: {  	[sflag:s22] =	ssyncset.done $0x0  }
0xb2: {  	s21 =	simm.s32 $0xB;
	[sflag:s22] =	ssyncadd.s32 $0xFFFFD800  }
0xb3: {  	_ =	swait.ge [sflag:s21], $0x2800  }
0xb4: {  	[sflag:s21] =	ssyncset.done $0x0  }
0xb5: {  	s20 =	simm.s32 $0xC;
	[sflag:s21] =	ssyncadd.s32 $0xFFFFD800  }
0xb6: {  	_ =	swait.ge [sflag:s20], $0x2800  }
0xb7: {  	[sflag:s20] =	ssyncset.done $0x0  }
0xb8: {  	s19 =	simm.s32 $0xD;
	[sflag:s20] =	ssyncadd.s32 $0xFFFFD800  }
0xb9: {  	_ =	swait.ge [sflag:s19], $0x2800  }
0xba: {  	[sflag:s19] =	ssyncset.done $0x0  }
0xbb: {  	s18 =	simm.s32 $0xE;
	[sflag:s19] =	ssyncadd.s32 $0xFFFFD800  }
0xbc: {  	_ =	swait.ge [sflag:s18], $0x2800  }
0xbd: {  	[sflag:s18] =	ssyncset.done $0x0  }
0xbe: {  	s16 =	simm.s32 $0xF;
	[sflag:s18] =	ssyncadd.s32 $0xFFFFD800  }
0xbf: {  	_ =	swait.ge [sflag:s16], $0x2800  }
0xc0: {  	[sflag:s16] =	ssyncset.done $0x0  }
0xc1: {  	[sflag:s16] =	ssyncadd.s32 $0xFFFFD800  }
0xc2: {  	_ =	swait.ge [sflag:s14], $0x2800  }
0xc3: {  	[sflag:s14] =	ssyncset.done $0x0  }
0xc4: {  	[sflag:s14] =	ssyncadd.s32 $0xFFFFD800  }
0xc5: {  	[bflag:$0x0] =	sbarrier.arrive $0xFFFF  }
0xc6: {  	s9 =	sld [smem:$0x7F7]  }
0xc7: {  	s15 =	sld [smem:$0x7F8];
	_ =	sdelay $0x1  }
0xc8: {  	s5 =	rddreg [dreg:$0x6]  }
0xc9: {  	[hbm:s5], [sflag:s15] =	dma.local [spmem:s9], $0x500  }
0xca: {  	s0 =	sld [smem:$0x7F9];
	_ =	sdelay $0x2  }
0xcb: {  	p1 =	sne.s32 s0, $0x1  }
.Ltmp1:
0xcc: {  	_ = 	snop;
	(pc) =	sbr.rel @!p1 .LBB2_3-.Ltmp1, $4  }
0xcd: {  	_ = 	snop  }
0xce: {  	s3 =	simm.s32 $0x11  }
0xcf: {  	p0 =	por $0x1, $0x1;
	_ =	swait.ge [sflag:s3], $0x500  }
0xd0: {  	s4 =	rddreg [dreg:$0x3];
	[sflag:s3] =	ssyncset.done $0x0;
	s0 =	sadd.s32 $0xFFFFFFFF, s0  }
.LBB2_2:
0xd1: {  	[sflag:s3] =	ssyncadd.s32 $0xFFFFFB00;
	s9 =	simm.s32 $0x0  }
0xd2: {  	[tilespmem:s9], [sflag:$0x11] =	stream.linear.gather [hbm4b:s4+s9], $0x2800, $0x38;
	[tilespmem:$0x1B800] =	vst v63  }
0xd3: {  	_ =	swait.ge [sflag:s3], $0x2800  }
0xd4: {  	[sflag:s3] =	ssyncset.done $0x0  }
0xd5: {  	s14 =	simm.s32 $0x2800;
	s10 =	rddreg [dreg:$0x4];
	[sflag:s3] =	ssyncadd.s32 $0xFFFFD800  }
0xd6: {  	[tilespmem:s14], [sflag:$0x11] =	stream.linear.gather [hbm4b:s10+s9], $0x2800, $0x38;
	[tilespmem:$0x1B800] =	vst v63  }
0xd7: {  	_ =	swait.ge [sflag:s3], $0x2800  }
0xd8: {  	[sflag:s3] =	ssyncset.done $0x0  }
0xd9: {  	s11 =	rddreg [dreg:$0x5];
	[sflag:s3] =	ssyncadd.s32 $0xFFFFD800  }
0xda: {  	[spmem:s8], [sflag:s13] =	dma.local [hbm:s11], $0x500  }
0xdb: {  	_ =	swait.ge [sflag:s3], $0x500  }
0xdc: {  	[sflag:s3] =	ssyncset.done $0x0  }
0xdd: {  	[sflag:s3] =	ssyncadd.s32 $0xFFFFFB00  }
0xde: {  	s16 =	simm.s32 $0x5000;
	[bflag:$0x0] =	sbarrier.arrive $0xFFFF  }
0xdf: {  	[tilespmem:s16], [sflag:$0x1] =	stream.indirect.gather [hbm4b:s7+s6], $0x10, s9, s6, $0xb8;
	[tilespmem:$0x1B800] =	vst v63  }
0xe0: {  	s5 =	smov.u32 s13  }
0xe1: {  	[tilespmem:s17], [sflag:$0x2] =	stream.indirect.gather [hbm4b:s7+s6], $0x10, s6, s6, $0xb8;
	[tilespmem:$0x1B800] =	vst v63  }
0xe2: {  	s15 =	simm.s32 $0xC800;
	s4 =	rddreg [dreg:$0x7];
	s17 =	simm.s32 $0xA000  }
0xe3: {  	[tilespmem:s17], [sflag:$0x3] =	stream.indirect.gather [hbm4b:s7+s6], $0x10, s4, s6, $0xb8;
	[tilespmem:$0x1B800] =	vst v63  }
0xe4: {  	s9 =	smov.u32 s8;
	s8 =	smov.u32 s5;
	s5 =	rddreg [dreg:$0x8]  }
0xe5: {  	[tilespmem:s15], [sflag:$0x4] =	stream.indirect.gather [hbm4b:s7+s6], $0x10, s5, s6, $0xb8;
	[tilespmem:$0x1B800] =	vst v63  }
0xe6: {  	s13 =	simm.s32 $0xF000;
	s4 =	rddreg [dreg:$0x9]  }
0xe7: {  	[tilespmem:s13], [sflag:$0x5] =	stream.indirect.gather [hbm4b:s7+s6], $0x10, s4, s6, $0xb8;
	[tilespmem:$0x1B800] =	vst v63  }
0xe8: {  	s12 =	simm.s32 $0x11800;
	s5 =	rddreg [dreg:$0xa]  }
0xe9: {  	[tilespmem:s12], [sflag:$0x6] =	stream.indirect.gather [hbm4b:s7+s6], $0x10, s5, s6, $0xb8;
	[tilespmem:$0x1B800] =	vst v63  }
0xea: {  	s11 =	simm.s32 $0x14000;
	s4 =	rddreg [dreg:$0xb]  }
0xeb: {  	[tilespmem:s11], [sflag:$0x7] =	stream.indirect.gather [hbm4b:s7+s6], $0x10, s4, s6, $0xb8;
	[tilespmem:$0x1B800] =	vst v63  }
0xec: {  	s10 =	simm.s32 $0x16800;
	s3 =	simm.s32 $0x1;
	s12 =	rddreg [dreg:$0xc]  }
0xed: {  	[tilespmem:s10], [sflag:$0x8] =	stream.indirect.gather [hbm4b:s7+s6], $0x10, s12, s6, $0xb8;
	[tilespmem:$0x1B800] =	vst v63  }
0xee: {  	_ =	swait.ge [sflag:s3], $0x2800  }
0xef: {  	[sflag:s3] =	ssyncset.done $0x0  }
0xf0: {  	s1 =	simm.s32 $0x2;
	[sflag:s3] =	ssyncadd.s32 $0xFFFFD800  }
0xf1: {  	[spmem:s2] =	stream.indirect.scatter.add.f32 [tilespmem:s16], [sflag:$0x9], $0x10, s14, s6, $0xb8;
	[tilespmem:$0x1B800] =	vst v63  }
0xf2: {  	_ =	swait.ge [sflag:s1], $0x2800  }
0xf3: {  	s31 =	simm.s32 $0x3;
	s17 =	simm.s32 $0x7800;
	[sflag:s1] =	ssyncset.done $0x0  }
0xf4: {  	s5 =	smov.u32 s8;
	s8 =	rddreg [dreg:$0xd];
	[sflag:s1] =	ssyncadd.s32 $0xFFFFD800  }
0xf5: {  	[spmem:s2] =	stream.indirect.scatter.add.f32 [tilespmem:s17], [sflag:$0xA], $0x10, s8, s6, $0xb8;
	[tilespmem:$0x1B800] =	vst v63  }
0xf6: {  	_ =	swait.ge [sflag:s31], $0x2800  }
0xf7: {  	s30 =	simm.s32 $0x4;
	[sflag:s31] =	ssyncset.done $0x0  }
0xf8: {  	s15 =	simm.s32 $0xA000;
	s8 =	rddreg [dreg:$0xe];
	[sflag:s31] =	ssyncadd.s32 $0xFFFFD800  }
0xf9: {  	[spmem:s2] =	stream.indirect.scatter.add.f32 [tilespmem:s15], [sflag:$0xB], $0x10, s8, s6, $0xb8;
	[tilespmem:$0x1B800] =	vst v63  }
0xfa: {  	_ =	swait.ge [sflag:s30], $0x2800  }
0xfb: {  	s29 =	simm.s32 $0x5;
	[sflag:s30] =	ssyncset.done $0x0  }
0xfc: {  	s13 =	simm.s32 $0xC800;
	s8 =	rddreg [dreg:$0xf];
	[sflag:s30] =	ssyncadd.s32 $0xFFFFD800  }
0xfd: {  	[spmem:s2] =	stream.indirect.scatter.add.f32 [tilespmem:s13], [sflag:$0xC], $0x10, s8, s6, $0xb8;
	[tilespmem:$0x1B800] =	vst v63  }
0xfe: {  	_ =	swait.ge [sflag:s29], $0x2800  }
0xff: {  	s28 =	simm.s32 $0x6;
	[sflag:s29] =	ssyncset.done $0x0  }
0x100: {  	s8 =	simm.s32 $0xF000;
	s4 =	rddreg [dreg:$0x10];
	[sflag:s29] =	ssyncadd.s32 $0xFFFFD800  }
0x101: {  	[spmem:s2] =	stream.indirect.scatter.add.f32 [tilespmem:s8], [sflag:$0xD], $0x10, s4, s6, $0xb8;
	[tilespmem:$0x1B800] =	vst v63  }
0x102: {  	_ =	swait.ge [sflag:s28], $0x2800  }
0x103: {  	s26 =	simm.s32 $0x7;
	[sflag:s28] =	ssyncset.done $0x0  }
0x104: {  	s11 =	simm.s32 $0x11800;
	s4 =	rddreg [dreg:$0x11];
	[sflag:s28] =	ssyncadd.s32 $0xFFFFD800  }
0x105: {  	[spmem:s2] =	stream.indirect.scatter.add.f32 [tilespmem:s11], [sflag:$0xE], $0x10, s4, s6, $0xb8;
	[tilespmem:$0x1B800] =	vst v63  }
0x106: {  	_ =	swait.ge [sflag:s26], $0x2800  }
0x107: {  	s25 =	simm.s32 $0x8;
	[sflag:s26] =	ssyncset.done $0x0  }
0x108: {  	s10 =	simm.s32 $0x14000;
	s4 =	rddreg [dreg:$0x12];
	[sflag:s26] =	ssyncadd.s32 $0xFFFFD800  }
0x109: {  	[spmem:s2] =	stream.indirect.scatter.add.f32 [tilespmem:s10], [sflag:$0xF], $0x10, s4, s6, $0xb8;
	[tilespmem:$0x1B800] =	vst v63  }
0x10a: {  	_ =	swait.ge [sflag:s25], $0x2800  }
0x10b: {  	s24 =	simm.s32 $0x9;
	[sflag:s25] =	ssyncset.done $0x0  }
0x10c: {  	s12 =	simm.s32 $0x16800;
	s4 =	rddreg [dreg:$0x13];
	[sflag:s25] =	ssyncadd.s32 $0xFFFFD800  }
0x10d: {  	[spmem:s2] =	stream.indirect.scatter.add.f32 [tilespmem:s12], [sflag:$0x10], $0x10, s4, s6, $0xb8;
	[tilespmem:$0x1B800] =	vst v63  }
0x10e: {  	_ =	swait.ge [sflag:s24], $0x2800  }
0x10f: {  	[sflag:s24] =	ssyncset.done $0x0  }
0x110: {  	s23 =	simm.s32 $0xA;
	s4 =	rddreg [dreg:$0x14];
	[sflag:s24] =	ssyncadd.s32 $0xFFFFD800  }
0x111: {  	[tilespmem:s16], [sflag:$0x1] =	stream.indirect.gather [hbm4b:s7+s6], $0x10, s4, s6, $0xb8;
	[tilespmem:$0x1B800] =	vst v63  }
0x112: {  	_ =	swait.ge [sflag:s23], $0x2800  }
0x113: {  	[sflag:s23] =	ssyncset.done $0x0  }
0x114: {  	s22 =	simm.s32 $0xB;
	s4 =	rddreg [dreg:$0x15];
	[sflag:s23] =	ssyncadd.s32 $0xFFFFD800  }
0x115: {  	[tilespmem:s17], [sflag:$0x2] =	stream.indirect.gather [hbm4b:s7+s6], $0x10, s4, s6, $0xb8;
	[tilespmem:$0x1B800] =	vst v63  }
0x116: {  	_ =	swait.ge [sflag:s22], $0x2800  }
0x117: {  	[sflag:s22] =	ssyncset.done $0x0  }
0x118: {  	s21 =	simm.s32 $0xC;
	s4 =	rddreg [dreg:$0x16];
	[sflag:s22] =	ssyncadd.s32 $0xFFFFD800  }
0x119: {  	[tilespmem:s15], [sflag:$0x3] =	stream.indirect.gather [hbm4b:s7+s6], $0x10, s4, s6, $0xb8;
	[tilespmem:$0x1B800] =	vst v63  }
0x11a: {  	_ =	swait.ge [sflag:s21], $0x2800  }
0x11b: {  	[sflag:s21] =	ssyncset.done $0x0  }
0x11c: {  	s20 =	simm.s32 $0xD;
	s4 =	rddreg [dreg:$0x17];
	[sflag:s21] =	ssyncadd.s32 $0xFFFFD800  }
0x11d: {  	[tilespmem:s13], [sflag:$0x4] =	stream.indirect.gather [hbm4b:s7+s6], $0x10, s4, s6, $0xb8;
	[tilespmem:$0x1B800] =	vst v63  }
0x11e: {  	_ =	swait.ge [sflag:s20], $0x2800  }
0x11f: {  	[sflag:s20] =	ssyncset.done $0x0  }
0x120: {  	s19 =	simm.s32 $0xE;
	s4 =	rddreg [dreg:$0x18];
	[sflag:s20] =	ssyncadd.s32 $0xFFFFD800  }
0x121: {  	[tilespmem:s8], [sflag:$0x5] =	stream.indirect.gather [hbm4b:s7+s6], $0x10, s4, s6, $0xb8;
	[tilespmem:$0x1B800] =	vst v63  }
0x122: {  	_ =	swait.ge [sflag:s19], $0x2800  }
0x123: {  	[sflag:s19] =	ssyncset.done $0x0  }
0x124: {  	s18 =	simm.s32 $0xF;
	s4 =	rddreg [dreg:$0x19];
	[sflag:s19] =	ssyncadd.s32 $0xFFFFD800  }
0x125: {  	[tilespmem:s11], [sflag:$0x6] =	stream.indirect.gather [hbm4b:s7+s6], $0x10, s4, s6, $0xb8;
	[tilespmem:$0x1B800] =	vst v63  }
0x126: {  	_ =	swait.ge [sflag:s18], $0x2800  }
0x127: {  	[sflag:s18] =	ssyncset.done $0x0  }
0x128: {  	s14 =	simm.s32 $0x10;
	s4 =	rddreg [dreg:$0x1a];
	[sflag:s18] =	ssyncadd.s32 $0xFFFFD800  }
0x129: {  	[tilespmem:s10], [sflag:$0x7] =	stream.indirect.gather [hbm4b:s7+s6], $0x10, s4, s6, $0xb8;
	[tilespmem:$0x1B800] =	vst v63  }
0x12a: {  	_ =	swait.ge [sflag:s14], $0x2800  }
0x12b: {  	[sflag:s14] =	ssyncset.done $0x0  }
0x12c: {  	s1 =	simm.s32 $0x1;
	s4 =	rddreg [dreg:$0x1b];
	[sflag:s14] =	ssyncadd.s32 $0xFFFFD800  }
0x12d: {  	[tilespmem:s12], [sflag:$0x8] =	stream.indirect.gather [hbm4b:s7+s6], $0x10, s4, s6, $0xb8;
	[tilespmem:$0x1B800] =	vst v63  }
0x12e: {  	_ =	swait.ge [sflag:s1], $0x2800  }
0x12f: {  	[sflag:s1] =	ssyncset.done $0x0  }
0x130: {  	s31 =	simm.s32 $0x2;
	s4 =	rddreg [dreg:$0x1c];
	[sflag:s1] =	ssyncadd.s32 $0xFFFFD800  }
0x131: {  	[spmem:s2] =	stream.indirect.scatter.add.f32 [tilespmem:s16], [sflag:$0x9], $0x10, s4, s6, $0xb8;
	[tilespmem:$0x1B800] =	vst v63  }
0x132: {  	_ =	swait.ge [sflag:s31], $0x2800  }
0x133: {  	[sflag:s31] =	ssyncset.done $0x0  }
0x134: {  	s30 =	simm.s32 $0x3;
	s4 =	rddreg [dreg:$0x1d];
	[sflag:s31] =	ssyncadd.s32 $0xFFFFD800  }
0x135: {  	[spmem:s2] =	stream.indirect.scatter.add.f32 [tilespmem:s17], [sflag:$0xA], $0x10, s4, s6, $0xb8;
	[tilespmem:$0x1B800] =	vst v63  }
0x136: {  	_ =	swait.ge [sflag:s30], $0x2800  }
0x137: {  	[sflag:s30] =	ssyncset.done $0x0  }
0x138: {  	s29 =	simm.s32 $0x4;
	s4 =	rddreg [dreg:$0x1e];
	[sflag:s30] =	ssyncadd.s32 $0xFFFFD800  }
0x139: {  	[spmem:s2] =	stream.indirect.scatter.add.f32 [tilespmem:s15], [sflag:$0xB], $0x10, s4, s6, $0xb8;
	[tilespmem:$0x1B800] =	vst v63  }
0x13a: {  	_ =	swait.ge [sflag:s29], $0x2800  }
0x13b: {  	[sflag:s29] =	ssyncset.done $0x0  }
0x13c: {  	s28 =	simm.s32 $0x5;
	s15 =	rddreg [dreg:$0x1f];
	[sflag:s29] =	ssyncadd.s32 $0xFFFFD800  }
0x13d: {  	[spmem:s2] =	stream.indirect.scatter.add.f32 [tilespmem:s13], [sflag:$0xC], $0x10, s15, s6, $0xb8;
	[tilespmem:$0x1B800] =	vst v63  }
0x13e: {  	_ =	swait.ge [sflag:s28], $0x2800  }
0x13f: {  	s13 =	sld [smem:$0x7FA]  }
0x140: {  	[sflag:s28] =	ssyncset.done $0x0  }
0x141: {  	s26 =	simm.s32 $0x6;
	s8 =	simm.s32 $0xF000;
	[sflag:s28] =	ssyncadd.s32 $0xFFFFD800  }
0x142: {  	[spmem:s2] =	stream.indirect.scatter.add.f32 [tilespmem:s8], [sflag:$0xD], $0x10, s13, s6, $0xb8;
	[tilespmem:$0x1B800] =	vst v63  }
0x143: {  	_ =	swait.ge [sflag:s26], $0x2800  }
0x144: {  	s15 =	sld [smem:$0x7FB]  }
0x145: {  	[sflag:s26] =	ssyncset.done $0x0  }
0x146: {  	s25 =	simm.s32 $0x7;
	[sflag:s26] =	ssyncadd.s32 $0xFFFFD800  }
0x147: {  	[spmem:s2] =	stream.indirect.scatter.add.f32 [tilespmem:s11], [sflag:$0xE], $0x10, s15, s6, $0xb8;
	[tilespmem:$0x1B800] =	vst v63  }
0x148: {  	_ =	swait.ge [sflag:s25], $0x2800  }
0x149: {  	s8 =	sld [smem:$0x7FC]  }
0x14a: {  	[sflag:s25] =	ssyncset.done $0x0  }
0x14b: {  	s24 =	simm.s32 $0x8;
	[sflag:s25] =	ssyncadd.s32 $0xFFFFD800  }
0x14c: {  	[spmem:s2] =	stream.indirect.scatter.add.f32 [tilespmem:s10], [sflag:$0xF], $0x10, s8, s6, $0xb8;
	[tilespmem:$0x1B800] =	vst v63  }
0x14d: {  	_ =	swait.ge [sflag:s24], $0x2800  }
0x14e: {  	s13 =	sld [smem:$0x7FD]  }
0x14f: {  	[sflag:s24] =	ssyncset.done $0x0  }
0x150: {  	s23 =	simm.s32 $0x9;
	[sflag:s24] =	ssyncadd.s32 $0xFFFFD800  }
0x151: {  	[spmem:s2] =	stream.indirect.scatter.add.f32 [tilespmem:s12], [sflag:$0x10], $0x10, s13, s6, $0xb8;
	[tilespmem:$0x1B800] =	vst v63  }
0x152: {  	_ =	swait.ge [sflag:s23], $0x2800  }
0x153: {  	[sflag:s23] =	ssyncset.done $0x0  }
0x154: {  	s22 =	simm.s32 $0xA;
	[sflag:s23] =	ssyncadd.s32 $0xFFFFD800  }
0x155: {  	_ =	swait.ge [sflag:s22], $0x2800  }
0x156: {  	[sflag:s22] =	ssyncset.done $0x0  }
0x157: {  	s21 =	simm.s32 $0xB;
	[sflag:s22] =	ssyncadd.s32 $0xFFFFD800  }
0x158: {  	_ =	swait.ge [sflag:s21], $0x2800  }
0x159: {  	[sflag:s21] =	ssyncset.done $0x0  }
0x15a: {  	s20 =	simm.s32 $0xC;
	[sflag:s21] =	ssyncadd.s32 $0xFFFFD800  }
0x15b: {  	_ =	swait.ge [sflag:s20], $0x2800  }
0x15c: {  	[sflag:s20] =	ssyncset.done $0x0  }
0x15d: {  	s19 =	simm.s32 $0xD;
	[sflag:s20] =	ssyncadd.s32 $0xFFFFD800  }
0x15e: {  	_ =	swait.ge [sflag:s19], $0x2800  }
0x15f: {  	[sflag:s19] =	ssyncset.done $0x0  }
0x160: {  	s18 =	simm.s32 $0xE;
	[sflag:s19] =	ssyncadd.s32 $0xFFFFD800  }
0x161: {  	_ =	swait.ge [sflag:s18], $0x2800  }
0x162: {  	[sflag:s18] =	ssyncset.done $0x0  }
0x163: {  	s16 =	simm.s32 $0xF;
	[sflag:s18] =	ssyncadd.s32 $0xFFFFD800  }
0x164: {  	_ =	swait.ge [sflag:s16], $0x2800  }
0x165: {  	[sflag:s16] =	ssyncset.done $0x0  }
0x166: {  	[sflag:s16] =	ssyncadd.s32 $0xFFFFD800  }
0x167: {  	_ =	swait.ge [sflag:s14], $0x2800  }
0x168: {  	[sflag:s14] =	ssyncset.done $0x0  }
0x169: {  	p1 =	sne.s32 s0, $0x1;
	[sflag:s14] =	ssyncadd.s32 $0xFFFFD800  }
.Ltmp2:
0x16a: {  	[bflag:$0x0] =	sbarrier.arrive $0xFFFF;
	(pc) =	sbr.rel @p1 .LBB2_2-.Ltmp2, $4  }
0x16b: {  	s3 =	simm.s32 $0x11;
	s15 =	rddreg [dreg:$0x6]  }
0x16c: {  	[hbm:s15], [sflag:s5] =	dma.local [spmem:s9], $0x500  }
0x16d: {  	s0 =	sadd.s32 $0xFFFFFFFF, s0;
	s8 =	smov.u32 s9;
	_ =	swait.ge [sflag:s3], $0x500  }
0x16e: {  	s13 =	smov.u32 s5;
	s4 =	rddreg [dreg:$0x3];
	[sflag:s3] =	ssyncset.done $0x0  }
.LBB2_3:
0x16f: {  	[sflag:s3] =	ssyncadd.s32 @p0 $0xFFFFFB00;
	s0 =	simm.s32 $0x0  }
0x170: {  	[tilespmem:s0], [sflag:$0x11] =	stream.linear.gather [hbm4b:s4+s0], $0x2800, $0x38;
	[tilespmem:$0x1B800] =	vst v63  }
0x171: {  	_ =	swait.ge [sflag:s3], $0x2800  }
0x172: {  	s5 =	rddreg [dreg:$0x4]  }
0x173: {  	[smem:$0x7F6] =	sst s5  }
0x174: {  	s5 =	sld [smem:$0x7F6]  }
0x175: {  	[sflag:s3] =	ssyncset.done $0x0  }
0x176: {  	s9 =	simm.s32 $0x2800;
	s15 =	simm.s32 $0x0;
	[sflag:s3] =	ssyncadd.s32 $0xFFFFD800  }
0x177: {  	[tilespmem:s9], [sflag:$0x11] =	stream.linear.gather [hbm4b:s5+s15], $0x2800, $0x38;
	[tilespmem:$0x1B800] =	vst v63  }
0x178: {  	_ =	swait.ge [sflag:s3], $0x2800  }
0x179: {  	[sflag:s3] =	ssyncset.done $0x0  }
0x17a: {  	s9 =	rddreg [dreg:$0x5];
	[sflag:s3] =	ssyncadd.s32 $0xFFFFD800  }
0x17b: {  	[spmem:s8], [sflag:s13] =	dma.local [hbm:s9], $0x500  }
0x17c: {  	_ =	swait.ge [sflag:s3], $0x500  }
0x17d: {  	[sflag:s3] =	ssyncset.done $0x0  }
0x17e: {  	[sflag:s3] =	ssyncadd.s32 $0xFFFFFB00  }
0x17f: {  	s5 =	simm.s32 $0x0;
	s15 =	simm.s32 $0x5000;
	[bflag:$0x0] =	sbarrier.arrive $0xFFFF  }
0x180: {  	[tilespmem:s15], [sflag:$0x1] =	stream.indirect.gather [hbm4b:s7+s6], $0x10, s5, s6, $0xb8;
	[tilespmem:$0x1B800] =	vst v63  }
0x181: {  	_ = 	snop  }
0x182: {  	[tilespmem:s17], [sflag:$0x2] =	stream.indirect.gather [hbm4b:s7+s6], $0x10, s6, s6, $0xb8;
	[tilespmem:$0x1B800] =	vst v63  }
0x183: {  	s4 =	rddreg [dreg:$0x7];
	s15 =	simm.s32 $0xA000  }
0x184: {  	[tilespmem:s15], [sflag:$0x3] =	stream.indirect.gather [hbm4b:s7+s6], $0x10, s4, s6, $0xb8;
	[tilespmem:$0x1B800] =	vst v63  }
0x185: {  	s9 =	simm.s32 $0xC800;
	s5 =	rddreg [dreg:$0x8]  }
0x186: {  	[tilespmem:s9], [sflag:$0x4] =	stream.indirect.gather [hbm4b:s7+s6], $0x10, s5, s6, $0xb8;
	[tilespmem:$0x1B800] =	vst v63  }
0x187: {  	s0 =	rddreg [dreg:$0x9];
	s5 =	simm.s32 $0xF000  }
0x188: {  	[tilespmem:s5], [sflag:$0x5] =	stream.indirect.gather [hbm4b:s7+s6], $0x10, s0, s6, $0xb8;
	[tilespmem:$0x1B800] =	vst v63  }
0x189: {  	s4 =	rddreg [dreg:$0xa]  }
0x18a: {  	[tilespmem:s11], [sflag:$0x6] =	stream.indirect.gather [hbm4b:s7+s6], $0x10, s4, s6, $0xb8;
	[tilespmem:$0x1B800] =	vst v63  }
0x18b: {  	s0 =	rddreg [dreg:$0xb]  }
0x18c: {  	[tilespmem:s10], [sflag:$0x7] =	stream.indirect.gather [hbm4b:s7+s6], $0x10, s0, s6, $0xb8;
	[tilespmem:$0x1B800] =	vst v63  }
0x18d: {  	s4 =	rddreg [dreg:$0xc]  }
0x18e: {  	[tilespmem:s12], [sflag:$0x8] =	stream.indirect.gather [hbm4b:s7+s6], $0x10, s4, s6, $0xb8;
	[tilespmem:$0x1B800] =	vst v63  }
0x18f: {  	_ =	swait.ge [sflag:s1], $0x2800  }
0x190: {  	[sflag:s1] =	ssyncset.done $0x0  }
0x191: {  	s0 =	simm.s32 $0x2800;
	s4 =	simm.s32 $0x5000;
	[sflag:s1] =	ssyncadd.s32 $0xFFFFD800  }
0x192: {  	[spmem:s2] =	stream.indirect.scatter.add.f32 [tilespmem:s4], [sflag:$0x9], $0x10, s0, s6, $0xb8;
	[tilespmem:$0x1B800] =	vst v63  }
0x193: {  	_ =	swait.ge [sflag:s31], $0x2800  }
0x194: {  	[sflag:s31] =	ssyncset.done $0x0  }
0x195: {  	s0 =	rddreg [dreg:$0xd];
	[sflag:s31] =	ssyncadd.s32 $0xFFFFD800  }
0x196: {  	[spmem:s2] =	stream.indirect.scatter.add.f32 [tilespmem:s17], [sflag:$0xA], $0x10, s0, s6, $0xb8;
	[tilespmem:$0x1B800] =	vst v63  }
0x197: {  	_ =	swait.ge [sflag:s30], $0x2800  }
0x198: {  	[sflag:s30] =	ssyncset.done $0x0  }
0x199: {  	s0 =	rddreg [dreg:$0xe];
	[sflag:s30] =	ssyncadd.s32 $0xFFFFD800  }
0x19a: {  	[spmem:s2] =	stream.indirect.scatter.add.f32 [tilespmem:s15], [sflag:$0xB], $0x10, s0, s6, $0xb8;
	[tilespmem:$0x1B800] =	vst v63  }
0x19b: {  	_ =	swait.ge [sflag:s29], $0x2800  }
0x19c: {  	[sflag:s29] =	ssyncset.done $0x0  }
0x19d: {  	s0 =	rddreg [dreg:$0xf];
	[sflag:s29] =	ssyncadd.s32 $0xFFFFD800  }
0x19e: {  	[spmem:s2] =	stream.indirect.scatter.add.f32 [tilespmem:s9], [sflag:$0xC], $0x10, s0, s6, $0xb8;
	[tilespmem:$0x1B800] =	vst v63  }
0x19f: {  	_ =	swait.ge [sflag:s28], $0x2800  }
0x1a0: {  	[sflag:s28] =	ssyncset.done $0x0  }
0x1a1: {  	s0 =	rddreg [dreg:$0x10];
	[sflag:s28] =	ssyncadd.s32 $0xFFFFD800  }
0x1a2: {  	[spmem:s2] =	stream.indirect.scatter.add.f32 [tilespmem:s5], [sflag:$0xD], $0x10, s0, s6, $0xb8;
	[tilespmem:$0x1B800] =	vst v63  }
0x1a3: {  	_ =	swait.ge [sflag:s26], $0x2800  }
0x1a4: {  	[sflag:s26] =	ssyncset.done $0x0  }
0x1a5: {  	s0 =	rddreg [dreg:$0x11];
	[sflag:s26] =	ssyncadd.s32 $0xFFFFD800  }
0x1a6: {  	[spmem:s2] =	stream.indirect.scatter.add.f32 [tilespmem:s11], [sflag:$0xE], $0x10, s0, s6, $0xb8;
	[tilespmem:$0x1B800] =	vst v63  }
0x1a7: {  	_ =	swait.ge [sflag:s25], $0x2800  }
0x1a8: {  	[sflag:s25] =	ssyncset.done $0x0  }
0x1a9: {  	s0 =	rddreg [dreg:$0x12];
	[sflag:s25] =	ssyncadd.s32 $0xFFFFD800  }
0x1aa: {  	[spmem:s2] =	stream.indirect.scatter.add.f32 [tilespmem:s10], [sflag:$0xF], $0x10, s0, s6, $0xb8;
	[tilespmem:$0x1B800] =	vst v63  }
0x1ab: {  	_ =	swait.ge [sflag:s24], $0x2800  }
0x1ac: {  	[sflag:s24] =	ssyncset.done $0x0  }
0x1ad: {  	s0 =	rddreg [dreg:$0x13];
	[sflag:s24] =	ssyncadd.s32 $0xFFFFD800  }
0x1ae: {  	[spmem:s2] =	stream.indirect.scatter.add.f32 [tilespmem:s12], [sflag:$0x10], $0x10, s0, s6, $0xb8;
	[tilespmem:$0x1B800] =	vst v63  }
0x1af: {  	_ =	swait.ge [sflag:s23], $0x2800  }
0x1b0: {  	[sflag:s23] =	ssyncset.done $0x0  }
0x1b1: {  	s0 =	rddreg [dreg:$0x14];
	[sflag:s23] =	ssyncadd.s32 $0xFFFFD800  }
0x1b2: {  	[tilespmem:s4], [sflag:$0x1] =	stream.indirect.gather [hbm4b:s7+s6], $0x10, s0, s6, $0xb8;
	[tilespmem:$0x1B800] =	vst v63  }
0x1b3: {  	_ =	swait.ge [sflag:s22], $0x2800  }
0x1b4: {  	[sflag:s22] =	ssyncset.done $0x0  }
0x1b5: {  	s0 =	rddreg [dreg:$0x15];
	[sflag:s22] =	ssyncadd.s32 $0xFFFFD800  }
0x1b6: {  	[tilespmem:s17], [sflag:$0x2] =	stream.indirect.gather [hbm4b:s7+s6], $0x10, s0, s6, $0xb8;
	[tilespmem:$0x1B800] =	vst v63  }
0x1b7: {  	_ =	swait.ge [sflag:s21], $0x2800  }
0x1b8: {  	[sflag:s21] =	ssyncset.done $0x0  }
0x1b9: {  	s0 =	rddreg [dreg:$0x16];
	[sflag:s21] =	ssyncadd.s32 $0xFFFFD800  }
0x1ba: {  	[tilespmem:s15], [sflag:$0x3] =	stream.indirect.gather [hbm4b:s7+s6], $0x10, s0, s6, $0xb8;
	[tilespmem:$0x1B800] =	vst v63  }
0x1bb: {  	_ =	swait.ge [sflag:s20], $0x2800  }
0x1bc: {  	[sflag:s20] =	ssyncset.done $0x0  }
0x1bd: {  	s0 =	rddreg [dreg:$0x17];
	[sflag:s20] =	ssyncadd.s32 $0xFFFFD800  }
0x1be: {  	[tilespmem:s9], [sflag:$0x4] =	stream.indirect.gather [hbm4b:s7+s6], $0x10, s0, s6, $0xb8;
	[tilespmem:$0x1B800] =	vst v63  }
0x1bf: {  	_ =	swait.ge [sflag:s19], $0x2800  }
0x1c0: {  	[sflag:s19] =	ssyncset.done $0x0  }
0x1c1: {  	s0 =	rddreg [dreg:$0x18];
	[sflag:s19] =	ssyncadd.s32 $0xFFFFD800  }
0x1c2: {  	[tilespmem:s5], [sflag:$0x5] =	stream.indirect.gather [hbm4b:s7+s6], $0x10, s0, s6, $0xb8;
	[tilespmem:$0x1B800] =	vst v63  }
0x1c3: {  	_ =	swait.ge [sflag:s18], $0x2800  }
0x1c4: {  	[sflag:s18] =	ssyncset.done $0x0  }
0x1c5: {  	s0 =	rddreg [dreg:$0x19];
	[sflag:s18] =	ssyncadd.s32 $0xFFFFD800  }
0x1c6: {  	[tilespmem:s11], [sflag:$0x6] =	stream.indirect.gather [hbm4b:s7+s6], $0x10, s0, s6, $0xb8;
	[tilespmem:$0x1B800] =	vst v63  }
0x1c7: {  	_ =	swait.ge [sflag:s16], $0x2800  }
0x1c8: {  	[sflag:s16] =	ssyncset.done $0x0  }
0x1c9: {  	s0 =	rddreg [dreg:$0x1a];
	[sflag:s16] =	ssyncadd.s32 $0xFFFFD800  }
0x1ca: {  	[tilespmem:s10], [sflag:$0x7] =	stream.indirect.gather [hbm4b:s7+s6], $0x10, s0, s6, $0xb8;
	[tilespmem:$0x1B800] =	vst v63  }
0x1cb: {  	_ =	swait.ge [sflag:s14], $0x2800  }
0x1cc: {  	[sflag:s14] =	ssyncset.done $0x0  }
0x1cd: {  	s0 =	rddreg [dreg:$0x1b];
	[sflag:s14] =	ssyncadd.s32 $0xFFFFD800  }
0x1ce: {  	[tilespmem:s12], [sflag:$0x8] =	stream.indirect.gather [hbm4b:s7+s6], $0x10, s0, s6, $0xb8;
	[tilespmem:$0x1B800] =	vst v63  }
0x1cf: {  	_ =	swait.ge [sflag:s1], $0x2800  }
0x1d0: {  	[sflag:s1] =	ssyncset.done $0x0  }
0x1d1: {  	s4 =	simm.s32 $0x5000;
	s7 =	rddreg [dreg:$0x1c];
	[sflag:s1] =	ssyncadd.s32 $0xFFFFD800  }
0x1d2: {  	[spmem:s2] =	stream.indirect.scatter.add.f32 [tilespmem:s4], [sflag:$0x9], $0x10, s7, s6, $0xb8;
	[tilespmem:$0x1B800] =	vst v63  }
0x1d3: {  	_ =	swait.ge [sflag:s31], $0x2800  }
0x1d4: {  	[sflag:s31] =	ssyncset.done $0x0  }
0x1d5: {  	s1 =	rddreg [dreg:$0x1d];
	[sflag:s31] =	ssyncadd.s32 $0xFFFFD800  }
0x1d6: {  	[spmem:s2] =	stream.indirect.scatter.add.f32 [tilespmem:s17], [sflag:$0xA], $0x10, s1, s6, $0xb8;
	[tilespmem:$0x1B800] =	vst v63  }
0x1d7: {  	_ =	swait.ge [sflag:s30], $0x2800  }
0x1d8: {  	[sflag:s30] =	ssyncset.done $0x0  }
0x1d9: {  	s4 =	rddreg [dreg:$0x1e];
	[sflag:s30] =	ssyncadd.s32 $0xFFFFD800  }
0x1da: {  	[spmem:s2] =	stream.indirect.scatter.add.f32 [tilespmem:s15], [sflag:$0xB], $0x10, s4, s6, $0xb8;
	[tilespmem:$0x1B800] =	vst v63  }
0x1db: {  	_ =	swait.ge [sflag:s29], $0x2800  }
0x1dc: {  	[sflag:s29] =	ssyncset.done $0x0  }
0x1dd: {  	s7 =	rddreg [dreg:$0x1f];
	[sflag:s29] =	ssyncadd.s32 $0xFFFFD800  }
0x1de: {  	[spmem:s2] =	stream.indirect.scatter.add.f32 [tilespmem:s9], [sflag:$0xC], $0x10, s7, s6, $0xb8;
	[tilespmem:$0x1B800] =	vst v63  }
0x1df: {  	_ =	swait.ge [sflag:s28], $0x2800  }
0x1e0: {  	s15 =	sld [smem:$0x7FA]  }
0x1e1: {  	[sflag:s28] =	ssyncset.done $0x0  }
0x1e2: {  	[sflag:s28] =	ssyncadd.s32 $0xFFFFD800  }
0x1e3: {  	[spmem:s2] =	stream.indirect.scatter.add.f32 [tilespmem:s5], [sflag:$0xD], $0x10, s15, s6, $0xb8;
	[tilespmem:$0x1B800] =	vst v63  }
0x1e4: {  	_ =	swait.ge [sflag:s26], $0x2800  }
0x1e5: {  	s17 =	sld [smem:$0x7FB]  }
0x1e6: {  	[sflag:s26] =	ssyncset.done $0x0  }
0x1e7: {  	[sflag:s26] =	ssyncadd.s32 $0xFFFFD800  }
0x1e8: {  	[spmem:s2] =	stream.indirect.scatter.add.f32 [tilespmem:s11], [sflag:$0xE], $0x10, s17, s6, $0xb8;
	[tilespmem:$0x1B800] =	vst v63  }
0x1e9: {  	_ =	swait.ge [sflag:s25], $0x2800  }
0x1ea: {  	s28 =	sld [smem:$0x7FC]  }
0x1eb: {  	[sflag:s25] =	ssyncset.done $0x0  }
0x1ec: {  	[sflag:s25] =	ssyncadd.s32 $0xFFFFD800  }
0x1ed: {  	[spmem:s2] =	stream.indirect.scatter.add.f32 [tilespmem:s10], [sflag:$0xF], $0x10, s28, s6, $0xb8;
	[tilespmem:$0x1B800] =	vst v63  }
0x1ee: {  	_ =	swait.ge [sflag:s24], $0x2800  }
0x1ef: {  	s29 =	sld [smem:$0x7FD]  }
0x1f0: {  	[sflag:s24] =	ssyncset.done $0x0  }
0x1f1: {  	[sflag:s24] =	ssyncadd.s32 $0xFFFFD800  }
0x1f2: {  	[spmem:s2] =	stream.indirect.scatter.add.f32 [tilespmem:s12], [sflag:$0x10], $0x10, s29, s6, $0xb8;
	[tilespmem:$0x1B800] =	vst v63  }
0x1f3: {  	_ =	swait.ge [sflag:s23], $0x2800  }
0x1f4: {  	[sflag:s23] =	ssyncset.done $0x0  }
0x1f5: {  	[sflag:s23] =	ssyncadd.s32 $0xFFFFD800  }
0x1f6: {  	_ =	swait.ge [sflag:s22], $0x2800  }
0x1f7: {  	[sflag:s22] =	ssyncset.done $0x0  }
0x1f8: {  	[sflag:s22] =	ssyncadd.s32 $0xFFFFD800  }
0x1f9: {  	_ =	swait.ge [sflag:s21], $0x2800  }
0x1fa: {  	[sflag:s21] =	ssyncset.done $0x0  }
0x1fb: {  	[sflag:s21] =	ssyncadd.s32 $0xFFFFD800  }
0x1fc: {  	_ =	swait.ge [sflag:s20], $0x2800  }
0x1fd: {  	[sflag:s20] =	ssyncset.done $0x0  }
0x1fe: {  	[sflag:s20] =	ssyncadd.s32 $0xFFFFD800  }
0x1ff: {  	_ =	swait.ge [sflag:s19], $0x2800  }
0x200: {  	[sflag:s19] =	ssyncset.done $0x0  }
0x201: {  	[sflag:s19] =	ssyncadd.s32 $0xFFFFD800  }
0x202: {  	_ =	swait.ge [sflag:s18], $0x2800  }
0x203: {  	[sflag:s18] =	ssyncset.done $0x0  }
0x204: {  	[sflag:s18] =	ssyncadd.s32 $0xFFFFD800  }
0x205: {  	_ =	swait.ge [sflag:s16], $0x2800  }
0x206: {  	[sflag:s16] =	ssyncset.done $0x0  }
0x207: {  	[sflag:s16] =	ssyncadd.s32 $0xFFFFD800  }
0x208: {  	_ =	swait.ge [sflag:s14], $0x2800  }
0x209: {  	[sflag:s14] =	ssyncset.done $0x0  }
0x20a: {  	[sflag:s14] =	ssyncadd.s32 $0xFFFFD800  }
0x20b: {  	[bflag:$0x0] =	sbarrier.arrive $0xFFFF  }
0x20c: {  	s30 =	rddreg [dreg:$0x6]  }
0x20d: {  	[hbm:s30], [sflag:s13] =	dma.local [spmem:s8], $0x500  }
0x20e: {  	_ =	swait.ge [sflag:s3], $0x500  }
0x20f: {  	[sflag:s3] =	ssyncset.done $0x0  }
0x210: {  	[sflag:s3] =	ssyncadd.s32 $0xFFFFFB00  }
0x211: {  	_ =	sfence.sel $0x180000  }
0x212: {  	[bflag:$0x0] =	sbarrier.arrive $0xFFFF  }
0x213: {  	_ =	strace $0x9000004A  }
0x214: {  	s31 =	stileid.u32;
	[bflag:$0x2] =	sbarrier.arrive $0xFFFF  }
0x215: {  	p0 =	sne.s32 s31, $0x0;
	s0 =	rddreg [dreg:$0x2]  }
0x216: {  	s0 =	sadd.s32 @!p0 $0x100000, s0  }
0x217: {  	[sflag:s0] =	ssyncadd.tile.s32 @!p0 $0x1;
	_ =	shalt  }
.Lfunc_end2:
_tile_overlayer_lowered:
.L_overlay_start_2:
0x218: {  	(tag) =	ssettag $0x2  }
0x219: {  	s0 =	rddreg [dreg:$0x0];
	s2 =	stileid.u32  }
0x21a: {  	s1 =	rddreg [dreg:$0x1];
	p0 =	sne.s32 s2, $0x0  }
0x21b: {  	s3 =	rddreg [dreg:$0x2];
	[bflag:$0x3] =	sbarrier.arrive $0xFFFF;
	s2 =	simm.s32 @!p0 $0x1C11  }
0x21c: {  	[timem:s3], [sflag:s2] =	dma.local @!p0 [hbm:s0], s1  }
0x21d: {  	s0 =	simm.s32 @!p0 $0x11  }
0x21e: {  	_ =	swait.ge @!p0 [sflag:s0], s1  }
0x21f: {  	s1 =	ssub.s32 @!p0 $0x0, s1;
	[sflag:s0] =	ssyncset.done @!p0 $0x0  }
0x220: {  	[sflag:s0] =	ssyncadd.s32 @!p0 s1  }
0x221: {  	[bflag:$0x3] =	sbarrier.arrive $0xFFFF  }
0x222: {  	_ =	shalt  }

// kernel: _run.14.cloned.1.call-start
scs
__scs_entry_jumppad:
0x0: {  	(pc) =	sbr.rel $0x88, $3  }
0x1: {  	(tag) =	ssettag $0x0;
	lr =	simm.s32 $0x1  }
0x2: {  	[smem:$0x3F9B] =	sst lr;
	_ =	strace $0xD0000000  }
0x3: {  	_ = 	snop  }
0x4: {  	_ = 	snop  }
0x5: {  	_ = 	snop  }
0x6: {  	_ = 	snop  }
0x7: {  	_ = 	snop  }
__scs_overlays_trampoline_lowered:
0x8: {  	[smem:$0x3FAA] =	sst s0  }
0x9: {  	[smem:$0x3FAB] =	sst s1  }
0xa: {  	[smem:$0x3FAC] =	sst s2  }
0xb: {  	[smem:$0x3FAD] =	sst s3  }
0xc: {  	[smem:$0x3FAE] =	sst s4  }
0xd: {  	[smem:$0x3FAF] =	sst s5  }
0xe: {  	[smem:$0x3FB0] =	sst s6  }
0xf: {  	[smem:$0x3FB1] =	sst s7  }
0x10: {  	[smem:$0x3FB2] =	sst s8  }
0x11: {  	[smem:$0x3FB3] =	sst s9;
	s0 =	simm.s32 @!p0 $0x0  }
0x12: {  	s1 =	sld [smem:$0x3F99];
	s0 =	simm.s32 @p0 $0x1  }
0x13: {  	[smem:$0x3FB4] =	sst s0;
	s0 =	simm.s32 @!p1 $0x0  }
0x14: {  	s2 =	sld [smem:$0x3F98];
	s0 =	simm.s32 @p1 $0x1  }
0x15: {  	[smem:$0x3FB5] =	sst s0;
	s0 =	simm.s32 @!p2 $0x0  }
0x16: {  	s3 =	sld [smem:$0x3FDB];
	s0 =	simm.s32 @p2 $0x1  }
0x17: {  	s4 =	simm.s32 $0x1BF5;
	[smem:$0x3FB7] =	sst s0  }
0x18: {  	s0 =	sld [smem:$0x3F9A];
	_ =	swait.ge [sflag:s4], $0x0  }
0x19: {  	s7 =	sld [smem:$0x3F9B]  }
0x1a: {  	s8 =	sadd.s32 $0xFFFFE003, lr  }
0x1b: {  	s9 =	sadd.s32 $0xFFFFFEF7, lr;
	s5 =	simm.s32 $0xFFFFFFFF;
	p2 =	slt.u32 s8, $0xFFFFF086  }
0x1c: {  	p1 =	slt.u32 s9, $0xF7A;
	s5 =	simm.s32 @!p2 $0x0  }
0x1d: {  	s5 =	simm.s32 @p1 $0x1;
	p0 =	seq.s32 s7, s2  }
0x1e: {  	s7 =	smul.u32 @!p0 $0xF7A, s2;
	p2 =	seq.s32 @!p0 s5, $0x0  }
0x1f: {  	s9 =	smul.u32 $0xF7A, s1;
	s8 =	simm.s32 @!p0 $0x1BF5;
	p2 =	por !p2, p0  }
0x20: {  	[sflag:s8] =	ssyncset.s32 @!p0 $0xFFFFF086;
	s6 =	sadd.s32 @!p0 s3, s7;
	s7 =	simm.s32 @!p0 $0x108  }
0x21: {  	s3 =	sadd.s32 s3, s9;
	s6 =	sadd.s32 @!p0 $0x88, s6;
	s7 =	simm.s32 @p2 $0x1082  }
0x22: {  	[simem:s7], [sflag:s8] =	dma.local @!p0 [hbm:s6], $0xF7A  }
0x23: {  	s9 =	sor.u32 $0xD0000000, s2;
	s6 =	simm.s32 $0x108;
	_ =	swait.ge @!p0 [sflag:s8], $0x0  }
0x24: {  	s3 =	sadd.s32 $0x88, s3;
	s6 =	simm.s32 @!p1 $0x1082;
	[sflag:s4] =	ssyncset.s32 $0xFFFFF086  }
0x25: {  	[simem:s6], [sflag:s4] =	dma.local [hbm:s3], $0xF7A  }
0x26: {  	[smem:$0x3F9B] =	sst s1;
	(tag) =	ssettag s2;
	_ =	strace s9  }
0x27: {  	s1 =	sld [smem:$0x3FAB]  }
0x28: {  	s2 =	sld [smem:$0x3FAC]  }
0x29: {  	s4 =	sld [smem:$0x3FAE]  }
0x2a: {  	p0 =	seq.s32 s5, $0x0;
	s5 =	sld [smem:$0x3FAF]  }
0x2b: {  	s6 =	sld [smem:$0x3FB0]  }
0x2c: {  	s7 =	sld [smem:$0x3FB1]  }
0x2d: {  	s3 =	simm.s32 $0x108;
	s8 =	sld [smem:$0x3FB2]  }
0x2e: {  	s3 =	simm.s32 @!p0 $0x1082;
	s9 =	sld [smem:$0x3FB3]  }
0x2f: {  	lr =	sadd.s32 s0, s3;
	s0 =	sld [smem:$0x3FAA]  }
0x30: {  	s3 =	sld [smem:$0x3FAD]  }
0x31: {  	[smem:$0x3FB6] =	sst s10  }
0x32: {  	s10 =	sld [smem:$0x3FB4];
	_ =	sdelay $0x3  }
0x33: {  	p0 =	seq.s32 s10, $0x1;
	s10 =	sld [smem:$0x3FB6];
	_ =	sdelay $0x3  }
0x34: {  	[smem:$0x3FB6] =	sst s10  }
0x35: {  	s10 =	sld [smem:$0x3FB5];
	_ =	sdelay $0x3  }
0x36: {  	p1 =	seq.s32 s10, $0x1;
	s10 =	sld [smem:$0x3FB6];
	_ =	sdelay $0x3  }
0x37: {  	[smem:$0x3FB6] =	sst s10  }
0x38: {  	s10 =	sld [smem:$0x3FB7]  }
0x39: {  	_ = 	snop;
	(pc) =	sbr.ind lr, $3  }
0x3a: {  	_ = 	snop  }
0x3b: {  	_ = 	snop  }
0x3c: {  	p2 =	seq.s32 s10, $0x1;
	s10 =	sld [smem:$0x3FB6]  }
0x3d: {  	_ =	shalt  }
0x3e: {  	_ =	shalt  }
0x3f: {  	_ =	shalt  }
0x40: {  	_ =	shalt  }
0x41: {  	_ =	shalt  }
0x42: {  	_ =	shalt  }
0x43: {  	_ =	shalt  }
0x44: {  	_ =	shalt  }
0x45: {  	_ =	shalt  }
0x46: {  	_ =	shalt  }
0x47: {  	_ =	shalt  }
0x48: {  	_ =	shalt  }
0x49: {  	_ =	shalt  }
0x4a: {  	_ =	shalt  }
0x4b: {  	_ =	shalt  }
0x4c: {  	_ =	shalt  }
0x4d: {  	_ =	shalt  }
0x4e: {  	_ =	shalt  }
0x4f: {  	_ =	shalt  }
0x50: {  	_ =	shalt  }
0x51: {  	_ =	shalt  }
0x52: {  	_ =	shalt  }
0x53: {  	_ =	shalt  }
0x54: {  	_ =	shalt  }
0x55: {  	_ =	shalt  }
0x56: {  	_ =	shalt  }
0x57: {  	_ =	shalt  }
0x58: {  	_ =	shalt  }
0x59: {  	_ =	shalt  }
0x5a: {  	_ =	shalt  }
0x5b: {  	_ =	shalt  }
0x5c: {  	_ =	shalt  }
0x5d: {  	_ =	shalt  }
0x5e: {  	_ =	shalt  }
0x5f: {  	_ =	shalt  }
0x60: {  	_ =	shalt  }
0x61: {  	_ =	shalt  }
0x62: {  	_ =	shalt  }
0x63: {  	_ =	shalt  }
0x64: {  	_ =	shalt  }
0x65: {  	_ =	shalt  }
0x66: {  	_ =	shalt  }
0x67: {  	_ =	shalt  }
0x68: {  	_ =	shalt  }
0x69: {  	_ =	shalt  }
0x6a: {  	_ =	shalt  }
0x6b: {  	_ =	shalt  }
0x6c: {  	_ =	shalt  }
0x6d: {  	_ =	shalt  }
0x6e: {  	_ =	shalt  }
0x6f: {  	_ =	shalt  }
0x70: {  	_ =	shalt  }
0x71: {  	_ =	shalt  }
0x72: {  	_ =	shalt  }
0x73: {  	_ =	shalt  }
0x74: {  	_ =	shalt  }
0x75: {  	_ =	shalt  }
0x76: {  	_ =	shalt  }
0x77: {  	_ =	shalt  }
0x78: {  	_ =	shalt  }
0x79: {  	_ =	shalt  }
0x7a: {  	_ =	shalt  }
0x7b: {  	_ =	shalt  }
0x7c: {  	_ =	shalt  }
0x7d: {  	_ =	shalt  }
0x7e: {  	_ =	shalt  }
0x7f: {  	_ =	shalt  }
0x80: {  	_ =	shalt  }
0x81: {  	_ =	shalt  }
0x82: {  	_ =	shalt  }
0x83: {  	_ =	shalt  }
0x84: {  	_ =	shalt  }
0x85: {  	_ =	shalt  }
0x86: {  	_ =	shalt  }
0x87: {  	_ =	shalt  }
.Lfunc_end0:
.L_simem_size_0:
called_computation.2_lowered:
.L_overlay_start_0:
0x88: {  	s2 =	sld [smem:$0x3FD9]  }
0x89: {  	s3 =	sld [smem:$0x3FFE];
	_ =	sdelay $0x1  }
0x8a: {  	s1 =	srdreg.scid  }
0x8b: {  	s0 =	sand.u32 $0x1, s1  }
0x8c: {  	s16 =	sshll.u32 s0, $0xA;
	s2 =	sadd.s32 s3, s2  }
0x8d: {  	s2 =	sadd.s32 s2, s16  }
0x8e: {  	[smem:$0x3FC2] =	sst s2  }
0x8f: {  	_ = 	snop  }
0x90: {  	(tm) =	ssettm $0x1  }
0x91: {  	s17 =	sld [smem:$0x3FFB];
	_ =	sdelay $0x3  }
0x92: {  	_ =	strace s17  }
0x93: {  	s2 =	sld [smem:$0x3FFC];
	_ =	sdelay $0x3  }
0x94: {  	_ =	strace s2  }
0x95: {  	s2 =	sld [smem:$0x3FFD];
	_ =	sdelay $0x3  }
0x96: {  	_ =	strace s2  }
0x97: {  	_ =	strace $0x8FFFFFFF  }
0x98: {  	s18 =	sld [smem:$0x3FDB];
	_ =	sdelay $0x1  }
0x99: {  	s19 =	simm.s32 $_scs_section_size  }
0x9a: {  	s4 =	simm.s32 $_size__tile_overlayer_lowered;
	s5 =	simm.s32 $_tile_overlayer_lowered  }
0x9b: {  	s22 =	simm.s32 $0x1BFF;
	s21 =	sshll.u32 s5, $0x1;
	s2 =	sadd.s32 s19, s18  }
0x9c: {  	s6 =	simm.s32 $0x0;
	s20 =	sshll.u32 s4, $0x1;
	s4 =	sadd.s32 s21, s2  }
0x9d: {  	[timem:s6], [sflag:s22] =	dma.local [hbm:s4], s20  }
0x9e: {  	_ =	swait.ge [sflag:s22], s20  }
0x9f: {  	s3 =	ssub.s32 $0x0, s20;
	[sflag:s22] =	ssyncset.done $0x0  }
0xa0: {  	[sflag:s22] =	ssyncadd.s32 s3;
	_ =	sdelay $0x1  }
0xa1: {  	s23 =	simm.s32 $0x1B8B  }
0xa2: {  	_ =	swait.ge [sflag:s23], $0x1  }
0xa3: {  	[sflag:s23] =	ssyncset.done $0x0  }
0xa4: {  	s25 =	simm.s32 $0x1B8E;
	s24 =	sld [smem:$0x3FFE];
	[sflag:s23] =	ssyncadd.s32 $0xFFFFFFFF  }
0xa5: {  	s26 =	simm.s32 $execute0_lowered;
	[smem:$0x3FD2] =	sst s25  }
0xa6: {  	s4 =	sshll.u32 s26, $0x1;
	_ =	strace $0x8000004C;
	[dreg:$0x1] =	wrdreg $0xFFFFFFFF  }
0xa7: {  	s28 =	simm.s32 $_size_execute0_lowered;
	s2 =	sadd.s32 s2, s4;
	[dreg:$0x0] =	wrdreg $0x0  }
0xa8: {  	s4 =	sshll.u32 s28, $0x1;
	[dreg:$0x2] =	wrdreg s2  }
0xa9: {  	[dreg:$0x3] =	wrdreg s4  }
0xaa: {  	[dreg:$0x4] =	wrdreg $0xC0  }
0xab: {  	_ =	task [dreg:s6], $0x5FFFF  }
0xac: {  	[dreg:$0x1] =	wrdreg $0xFFFFFFFF  }
0xad: {  	[dreg:$0x0] =	wrdreg $0x60  }
0xae: {  	[dreg:$0x2] =	wrdreg s24  }
0xaf: {  	[dreg:$0x3] =	wrdreg $0x190000  }
0xb0: {  	[dreg:$0x4] =	wrdreg $0x9  }
0xb1: {  	_ =	task.clear_ibuf [dreg:s6], $0x5FFFF;
	_ =	strace $0x9000004C  }
0xb2: {  	s29 =	simm.s32 $0x9;
	_ =	strace $0x8000004E  }
0xb3: {  	_ =	swait.ge [sflag:s29], $0x1  }
0xb4: {  	[sflag:s29] =	ssyncadd.s32 $0xFFFFFFFF  }
0xb5: {  	_ =	strace $0x9000004E  }
0xb6: {  	_ =	sfence  }
0xb7: {  	s30 =	sld [smem:$0x0];
	_ =	sdelay $0x2  }
0xb8: {  	s31 =	sshll.u32 s1, $0xD;
	s1 =	sshrl.u32 s1, $0x2  }
0xb9: {  	s3 =	sand.u32 $0x4000, s31;
	s1 =	sadd.s32 s1, s30  }
0xba: {  	s0 =	sor.u32 s3, s0;
	s1 =	sshll.u32 s1, $0x11  }
0xbb: {  	s0 =	sor.u32 s1, s0  }
0xbc: {  	s0 =	sadd.s32 $0x8F2B, s0  }
0xbd: {  	[sflag:s0] =	ssyncadd.remote.s32 $0x1  }
0xbe: {  	_ =	sfence.sel $0xFFFF  }
0xbf: {  	[dreg:$0x0] =	wrdreg $0xFFFFFFFF;
	(pc) =	sbr.abs _section_cstart, $3  }
0xc0: {  	[dreg:$0x1] =	wrdreg $0xFFFFFFFF  }
0xc1: {  	_ =	task.clear_ibuf [dreg:s6], $0x2FFFF;
	_ =	strace $0x9FFFFFFF  }
0xc2: {  	(tm) =	ssettm $0x7FFFFFFF  }
0xc3: {  	_ =	shalt  }
tec
execute0_lowered:
.L_overlay_start_1:
0x0: {  	(tag) =	ssettag $0x1  }
0x1: {  	s0 =	srdreg.scid;
	s8 =	stileid.u32  }
0x2: {  	s3 =	rddreg [dreg:$0x0];
	s5 =	simm.s32 $0x0;
	s0 =	sand.u32 $0x1, s0  }
0x3: {  	s2 =	sshll.u32 s8, $0x4;
	[smem:$0x7FF] =	sst s5;
	s1 =	sshll.u32 s0, $0x8  }
0x4: {  	s12 =	simm.s32 $0x500;
	s1 =	sor.u32 s2, s1;
	s2 =	rddreg [dreg:$0x1]  }
0x5: {  	s13 =	simm.s32 $0x780;
	_ =	strace $0x8000004D;
	[dreg:$0x7] =	wrdreg s12  }
0x6: {  	s14 =	simm.s32 $0xA00;
	[dreg:$0x8] =	wrdreg s13  }
0x7: {  	s15 =	simm.s32 $0xC80;
	[dreg:$0x9] =	wrdreg s14  }
0x8: {  	s16 =	simm.s32 $0xF00;
	[dreg:$0xa] =	wrdreg s15  }
0x9: {  	s18 =	simm.s32 $0x1180;
	s19 =	simm.s32 $0x2A80;
	[dreg:$0xb] =	wrdreg s16  }
0xa: {  	s20 =	simm.s32 $0x2D00;
	s21 =	simm.s32 $0x2F80;
	[dreg:$0xc] =	wrdreg s18  }
0xb: {  	s22 =	simm.s32 $0x3200;
	s23 =	simm.s32 $0x3480;
	[dreg:$0xd] =	wrdreg s19  }
0xc: {  	s25 =	simm.s32 $0x3700;
	s26 =	simm.s32 $0x3980;
	[dreg:$0xe] =	wrdreg s20  }
0xd: {  	s31 =	simm.s32 $0x2;
	s30 =	simm.s32 $0x3;
	[dreg:$0xf] =	wrdreg s21  }
0xe: {  	s29 =	simm.s32 $0x4;
	s28 =	simm.s32 $0x5;
	[dreg:$0x10] =	wrdreg s22  }
0xf: {  	p0 =	por $0x0, $0x0;
	s4 =	smul.u32 $0x2800, s8;
	[dreg:$0x11] =	wrdreg s23  }
0x10: {  	s24 =	sshll.u32 s8, $0x6;
	s9 =	smul.u32 $0x28000, s0;
	[dreg:$0x12] =	wrdreg s25  }
0x11: {  	s0 =	ssub.s32 $0x2, s0;
	[dreg:$0x13] =	wrdreg s26;
	s12 =	simm.s32 $0x1E00  }
0x12: {  	s6 =	sshrl.u32 s4, $0x3;
	s14 =	simm.s32 $0x2080;
	[dreg:$0x18] =	wrdreg s12  }
0x13: {  	s17 =	sshrl.u32 s0, $0x1;
	s15 =	simm.s32 $0x2300;
	[dreg:$0x19] =	wrdreg s14  }
0x14: {  	s13 =	sor.u32 $0x1C11, s24;
	s16 =	simm.s32 $0x2580;
	[dreg:$0x1a] =	wrdreg s15  }
0x15: {  	s18 =	simm.s32 $0x3C00;
	s19 =	simm.s32 $0x3E80;
	[dreg:$0x1b] =	wrdreg s16  }
0x16: {  	s20 =	simm.s32 $0x4100;
	s21 =	simm.s32 $0x4380;
	[dreg:$0x1c] =	wrdreg s18  }
0x17: {  	s22 =	simm.s32 $0x4600;
	s23 =	simm.s32 $0x4880;
	[dreg:$0x1d] =	wrdreg s19  }
0x18: {  	s24 =	simm.s32 $0x4B00;
	s26 =	simm.s32 $0x6;
	[dreg:$0x1e] =	wrdreg s20  }
0x19: {  	s25 =	simm.s32 $0x4D80;
	s1 =	smul.u32 $0x50, s1;
	[dreg:$0x1f] =	wrdreg s21  }
0x1a: {  	s6 =	sadd.s32 s6, s3;
	s5 =	sadd.s32 s4, s9;
	[smem:$0x7FA] =	sst s22  }
0x1b: {  	s0 =	ssub.s32 s0, s17;
	s4 =	sadd.s32 s4, s2;
	[smem:$0x7FB] =	sst s23  }
0x1c: {  	s9 =	simm.s32 $0x1680;
	s17 =	simm.s32 $0x7800;
	[smem:$0x7FC] =	sst s24  }
0x1d: {  	s12 =	simm.s32 $0x16800;
	[smem:$0x7FD] =	sst s25;
	s25 =	simm.s32 $0x7  }
0x1e: {  	s24 =	simm.s32 $0x8;
	s23 =	simm.s32 $0x9;
	s22 =	simm.s32 $0xA  }
0x1f: {  	s21 =	simm.s32 $0xB;
	s20 =	simm.s32 $0xC;
	s19 =	simm.s32 $0xD  }
0x20: {  	s18 =	simm.s32 $0xE;
	s16 =	simm.s32 $0xF;
	s14 =	simm.s32 $0x10  }
0x21: {  	s5 =	sshrl.u32 s5, $0x3;
	s10 =	sadd.s32 $0x1AE00, s6;
	s0 =	smax.u32 s0, $0x1  }
0x22: {  	s8 =	sshrl.u32 s4, $0x3;
	s6 =	simm.s32 $0x280;
	[dreg:$0x15] =	wrdreg s9  }
0x23: {  	s1 =	sadd.s32 s1, s3;
	[dreg:$0x5] =	wrdreg s10;
	s10 =	simm.s32 $0x1900  }
0x24: {  	s5 =	sadd.s32 s5, s3;
	s7 =	sadd.s32 $0xBE00, s1;
	[dreg:$0x16] =	wrdreg s10  }
0x25: {  	p1 =	sne.s32 s0, $0x1;
	s1 =	sadd.s32 $0x1200, s1;
	[dreg:$0x3] =	wrdreg s7  }
.Ltmp0:
0x26: {  	s11 =	sadd.s32 $0x1FE00, s5;
	[dreg:$0x4] =	wrdreg s1;
	(pc) =	sbr.rel @!p1 .LBB2_3-.Ltmp0, $4  }
0x27: {  	s0 =	sadd.s32 $0xFFFFFFFF, s0;
	s5 =	simm.s32 $0x1400;
	[dreg:$0x6] =	wrdreg s11  }
0x28: {  	s10 =	simm.s32 $0x14000;
	[dreg:$0x14] =	wrdreg s5;
	s11 =	simm.s32 $0x1B80  }
0x29: {  	s7 =	sadd.s32 $0x15E00, s3;
	s3 =	simm.s32 $0x11;
	[dreg:$0x17] =	wrdreg s11  }
0x2a: {  	s1 =	simm.s32 $0x1;
	s11 =	simm.s32 $0x11800;
	s4 =	rddreg [dreg:$0x3]  }
0x2b: {  	[smem:$0x7F9] =	sst s0;
	s15 =	simm.s32 $0x0  }
0x2c: {  	[tilespmem:s15], [sflag:$0x11] =	stream.linear.gather [hbm4b:s4+s15], $0x2800, $0x38;
	[tilespmem:$0x1B800] =	vst v63  }
0x2d: {  	_ =	swait.ge [sflag:s3], $0x2800  }
0x2e: {  	[sflag:s3] =	ssyncset.done $0x0  }
0x2f: {  	s1 =	simm.s32 $0x2800;
	s26 =	rddreg [dreg:$0x4];
	[sflag:s3] =	ssyncadd.s32 $0xFFFFD800  }
0x30: {  	[tilespmem:s1], [sflag:$0x11] =	stream.linear.gather [hbm4b:s26+s15], $0x2800, $0x38;
	[tilespmem:$0x1B800] =	vst v63  }
0x31: {  	_ =	swait.ge [sflag:s3], $0x2800  }
0x32: {  	s5 =	rddreg [dreg:$0x5]  }
0x33: {  	[sflag:s3] =	ssyncset.done $0x0;
	[smem:$0x7F8] =	sst s13  }
0x34: {  	[smem:$0x7F7] =	sst s8;
	[sflag:s3] =	ssyncadd.s32 $0xFFFFD800  }
0x35: {  	[spmem:s8], [sflag:s13] =	dma.local [hbm:s5], $0x500  }
0x36: {  	_ =	swait.ge [sflag:s3], $0x500  }
0x37: {  	[sflag:s3] =	ssyncset.done $0x0  }
0x38: {  	[sflag:s3] =	ssyncadd.s32 $0xFFFFFB00  }
0x39: {  	s16 =	simm.s32 $0x5000;
	[bflag:$0x0] =	sbarrier.arrive $0xFFFF  }
0x3a: {  	[tilespmem:s16], [sflag:$0x1] =	stream.indirect.gather [hbm4b:s7+s6], $0x10, s15, s6, $0xb8;
	[tilespmem:$0x1B800] =	vst v63  }
0x3b: {  	_ = 	snop  }
0x3c: {  	[tilespmem:s17], [sflag:$0x2] =	stream.indirect.gather [hbm4b:s7+s6], $0x10, s6, s6, $0xb8;
	[tilespmem:$0x1B800] =	vst v63  }
0x3d: {  	s5 =	simm.s32 $0xA000;
	s9 =	rddreg [dreg:$0x7]  }
0x3e: {  	[tilespmem:s5], [sflag:$0x3] =	stream.indirect.gather [hbm4b:s7+s6], $0x10, s9, s6, $0xb8;
	[tilespmem:$0x1B800] =	vst v63  }
0x3f: {  	s15 =	rddreg [dreg:$0x8];
	s9 =	simm.s32 $0xC800  }
0x40: {  	[tilespmem:s9], [sflag:$0x4] =	stream.indirect.gather [hbm4b:s7+s6], $0x10, s15, s6, $0xb8;
	[tilespmem:$0x1B800] =	vst v63  }
0x41: {  	s4 =	rddreg [dreg:$0x9];
	s15 =	simm.s32 $0xF000  }
0x42: {  	[tilespmem:s15], [sflag:$0x5] =	stream.indirect.gather [hbm4b:s7+s6], $0x10, s4, s6, $0xb8;
	[tilespmem:$0x1B800] =	vst v63  }
0x43: {  	s0 =	rddreg [dreg:$0xa]  }
0x44: {  	[tilespmem:s11], [sflag:$0x6] =	stream.indirect.gather [hbm4b:s7+s6], $0x10, s0, s6, $0xb8;
	[tilespmem:$0x1B800] =	vst v63  }
0x45: {  	s4 =	rddreg [dreg:$0xb]  }
0x46: {  	[tilespmem:s10], [sflag:$0x7] =	stream.indirect.gather [hbm4b:s7+s6], $0x10, s4, s6, $0xb8;
	[tilespmem:$0x1B800] =	vst v63  }
0x47: {  	s3 =	simm.s32 $0x1;
	s0 =	rddreg [dreg:$0xc]  }
0x48: {  	[tilespmem:s12], [sflag:$0x8] =	stream.indirect.gather [hbm4b:s7+s6], $0x10, s0, s6, $0xb8;
	[tilespmem:$0x1B800] =	vst v63  }
0x49: {  	_ =	swait.ge [sflag:s3], $0x2800  }
0x4a: {  	[sflag:s3] =	ssyncset.done $0x0  }
0x4b: {  	s18 =	simm.s32 $0x2800;
	s1 =	simm.s32 $0x2;
	[sflag:s3] =	ssyncadd.s32 $0xFFFFD800  }
0x4c: {  	[spmem:s2] =	stream.indirect.scatter.add.f32 [tilespmem:s16], [sflag:$0x9], $0x10, s18, s6, $0xb8;
	[tilespmem:$0x1B800] =	vst v63  }
0x4d: {  	_ =	swait.ge [sflag:s1], $0x2800  }
0x4e: {  	[sflag:s1] =	ssyncset.done $0x0  }
0x4f: {  	s31 =	simm.s32 $0x3;
	s18 =	rddreg [dreg:$0xd];
	[sflag:s1] =	ssyncadd.s32 $0xFFFFD800  }
0x50: {  	[spmem:s2] =	stream.indirect.scatter.add.f32 [tilespmem:s17], [sflag:$0xA], $0x10, s18, s6, $0xb8;
	[tilespmem:$0x1B800] =	vst v63  }
0x51: {  	_ =	swait.ge [sflag:s31], $0x2800  }
0x52: {  	[sflag:s31] =	ssyncset.done $0x0  }
0x53: {  	s30 =	simm.s32 $0x4;
	s4 =	rddreg [dreg:$0xe];
	[sflag:s31] =	ssyncadd.s32 $0xFFFFD800  }
0x54: {  	[spmem:s2] =	stream.indirect.scatter.add.f32 [tilespmem:s5], [sflag:$0xB], $0x10, s4, s6, $0xb8;
	[tilespmem:$0x1B800] =	vst v63  }
0x55: {  	_ =	swait.ge [sflag:s30], $0x2800  }
0x56: {  	[sflag:s30] =	ssyncset.done $0x0  }
0x57: {  	s29 =	simm.s32 $0x5;
	s18 =	rddreg [dreg:$0xf];
	[sflag:s30] =	ssyncadd.s32 $0xFFFFD800  }
0x58: {  	[spmem:s2] =	stream.indirect.scatter.add.f32 [tilespmem:s9], [sflag:$0xC], $0x10, s18, s6, $0xb8;
	[tilespmem:$0x1B800] =	vst v63  }
0x59: {  	_ =	swait.ge [sflag:s29], $0x2800  }
0x5a: {  	[sflag:s29] =	ssyncset.done $0x0  }
0x5b: {  	s28 =	simm.s32 $0x6;
	s4 =	rddreg [dreg:$0x10];
	[sflag:s29] =	ssyncadd.s32 $0xFFFFD800  }
0x5c: {  	[spmem:s2] =	stream.indirect.scatter.add.f32 [tilespmem:s15], [sflag:$0xD], $0x10, s4, s6, $0xb8;
	[tilespmem:$0x1B800] =	vst v63  }
0x5d: {  	_ =	swait.ge [sflag:s28], $0x2800  }
0x5e: {  	[sflag:s28] =	ssyncset.done $0x0  }
0x5f: {  	s26 =	simm.s32 $0x7;
	s18 =	rddreg [dreg:$0x11];
	[sflag:s28] =	ssyncadd.s32 $0xFFFFD800  }
0x60: {  	[spmem:s2] =	stream.indirect.scatter.add.f32 [tilespmem:s11], [sflag:$0xE], $0x10, s18, s6, $0xb8;
	[tilespmem:$0x1B800] =	vst v63  }
0x61: {  	_ =	swait.ge [sflag:s26], $0x2800  }
0x62: {  	[sflag:s26] =	ssyncset.done $0x0  }
0x63: {  	s25 =	simm.s32 $0x8;
	s4 =	rddreg [dreg:$0x12];
	[sflag:s26] =	ssyncadd.s32 $0xFFFFD800  }
0x64: {  	[spmem:s2] =	stream.indirect.scatter.add.f32 [tilespmem:s10], [sflag:$0xF], $0x10, s4, s6, $0xb8;
	[tilespmem:$0x1B800] =	vst v63  }
0x65: {  	_ =	swait.ge [sflag:s25], $0x2800  }
0x66: {  	[sflag:s25] =	ssyncset.done $0x0  }
0x67: {  	s24 =	simm.s32 $0x9;
	s18 =	rddreg [dreg:$0x13];
	[sflag:s25] =	ssyncadd.s32 $0xFFFFD800  }
0x68: {  	[spmem:s2] =	stream.indirect.scatter.add.f32 [tilespmem:s12], [sflag:$0x10], $0x10, s18, s6, $0xb8;
	[tilespmem:$0x1B800] =	vst v63  }
0x69: {  	_ =	swait.ge [sflag:s24], $0x2800  }
0x6a: {  	[sflag:s24] =	ssyncset.done $0x0  }
0x6b: {  	s23 =	simm.s32 $0xA;
	s4 =	rddreg [dreg:$0x14];
	[sflag:s24] =	ssyncadd.s32 $0xFFFFD800  }
0x6c: {  	[tilespmem:s16], [sflag:$0x1] =	stream.indirect.gather [hbm4b:s7+s6], $0x10, s4, s6, $0xb8;
	[tilespmem:$0x1B800] =	vst v63  }
0x6d: {  	_ =	swait.ge [sflag:s23], $0x2800  }
0x6e: {  	[sflag:s23] =	ssyncset.done $0x0  }
0x6f: {  	s22 =	simm.s32 $0xB;
	s18 =	rddreg [dreg:$0x15];
	[sflag:s23] =	ssyncadd.s32 $0xFFFFD800  }
0x70: {  	[tilespmem:s17], [sflag:$0x2] =	stream.indirect.gather [hbm4b:s7+s6], $0x10, s18, s6, $0xb8;
	[tilespmem:$0x1B800] =	vst v63  }
0x71: {  	_ =	swait.ge [sflag:s22], $0x2800  }
0x72: {  	[sflag:s22] =	ssyncset.done $0x0  }
0x73: {  	s21 =	simm.s32 $0xC;
	s4 =	rddreg [dreg:$0x16];
	[sflag:s22] =	ssyncadd.s32 $0xFFFFD800  }
0x74: {  	[tilespmem:s5], [sflag:$0x3] =	stream.indirect.gather [hbm4b:s7+s6], $0x10, s4, s6, $0xb8;
	[tilespmem:$0x1B800] =	vst v63  }
0x75: {  	_ =	swait.ge [sflag:s21], $0x2800  }
0x76: {  	[sflag:s21] =	ssyncset.done $0x0  }
0x77: {  	s20 =	simm.s32 $0xD;
	s18 =	rddreg [dreg:$0x17];
	[sflag:s21] =	ssyncadd.s32 $0xFFFFD800  }
0x78: {  	[tilespmem:s9], [sflag:$0x4] =	stream.indirect.gather [hbm4b:s7+s6], $0x10, s18, s6, $0xb8;
	[tilespmem:$0x1B800] =	vst v63  }
0x79: {  	_ =	swait.ge [sflag:s20], $0x2800  }
0x7a: {  	[sflag:s20] =	ssyncset.done $0x0  }
0x7b: {  	s19 =	simm.s32 $0xE;
	s4 =	rddreg [dreg:$0x18];
	[sflag:s20] =	ssyncadd.s32 $0xFFFFD800  }
0x7c: {  	[tilespmem:s15], [sflag:$0x5] =	stream.indirect.gather [hbm4b:s7+s6], $0x10, s4, s6, $0xb8;
	[tilespmem:$0x1B800] =	vst v63  }
0x7d: {  	_ =	swait.ge [sflag:s19], $0x2800  }
0x7e: {  	[sflag:s19] =	ssyncset.done $0x0  }
0x7f: {  	s4 =	simm.s32 $0xF;
	s18 =	rddreg [dreg:$0x19];
	[sflag:s19] =	ssyncadd.s32 $0xFFFFD800  }
0x80: {  	[tilespmem:s11], [sflag:$0x6] =	stream.indirect.gather [hbm4b:s7+s6], $0x10, s18, s6, $0xb8;
	[tilespmem:$0x1B800] =	vst v63  }
0x81: {  	s18 =	simm.s32 $0xF;
	_ =	swait.ge [sflag:s4], $0x2800  }
0x82: {  	[sflag:s18] =	ssyncset.done $0x0;
	s18 =	simm.s32 $0xF  }
0x83: {  	s0 =	rddreg [dreg:$0x1a];
	[sflag:s18] =	ssyncadd.s32 $0xFFFFD800  }
0x84: {  	[tilespmem:s10], [sflag:$0x7] =	stream.indirect.gather [hbm4b:s7+s6], $0x10, s0, s6, $0xb8;
	[tilespmem:$0x1B800] =	vst v63  }
0x85: {  	_ =	swait.ge [sflag:s14], $0x2800  }
0x86: {  	[sflag:s14] =	ssyncset.done $0x0  }
0x87: {  	s1 =	simm.s32 $0x1;
	s4 =	rddreg [dreg:$0x1b];
	[sflag:s14] =	ssyncadd.s32 $0xFFFFD800  }
0x88: {  	[tilespmem:s12], [sflag:$0x8] =	stream.indirect.gather [hbm4b:s7+s6], $0x10, s4, s6, $0xb8;
	[tilespmem:$0x1B800] =	vst v63  }
0x89: {  	_ =	swait.ge [sflag:s1], $0x2800  }
0x8a: {  	[sflag:s1] =	ssyncset.done $0x0  }
0x8b: {  	s31 =	simm.s32 $0x2;
	s4 =	rddreg [dreg:$0x1c];
	[sflag:s1] =	ssyncadd.s32 $0xFFFFD800  }
0x8c: {  	[spmem:s2] =	stream.indirect.scatter.add.f32 [tilespmem:s16], [sflag:$0x9], $0x10, s4, s6, $0xb8;
	[tilespmem:$0x1B800] =	vst v63  }
0x8d: {  	_ =	swait.ge [sflag:s31], $0x2800  }
0x8e: {  	[sflag:s31] =	ssyncset.done $0x0  }
0x8f: {  	s30 =	simm.s32 $0x3;
	s4 =	rddreg [dreg:$0x1d];
	[sflag:s31] =	ssyncadd.s32 $0xFFFFD800  }
0x90: {  	[spmem:s2] =	stream.indirect.scatter.add.f32 [tilespmem:s17], [sflag:$0xA], $0x10, s4, s6, $0xb8;
	[tilespmem:$0x1B800] =	vst v63  }
0x91: {  	_ =	swait.ge [sflag:s30], $0x2800  }
0x92: {  	[sflag:s30] =	ssyncset.done $0x0  }
0x93: {  	s29 =	simm.s32 $0x4;
	s4 =	rddreg [dreg:$0x1e];
	[sflag:s30] =	ssyncadd.s32 $0xFFFFD800  }
0x94: {  	[spmem:s2] =	stream.indirect.scatter.add.f32 [tilespmem:s5], [sflag:$0xB], $0x10, s4, s6, $0xb8;
	[tilespmem:$0x1B800] =	vst v63  }
0x95: {  	_ =	swait.ge [sflag:s29], $0x2800  }
0x96: {  	[sflag:s29] =	ssyncset.done $0x0  }
0x97: {  	s28 =	simm.s32 $0x5;
	s4 =	rddreg [dreg:$0x1f];
	[sflag:s29] =	ssyncadd.s32 $0xFFFFD800  }
0x98: {  	[spmem:s2] =	stream.indirect.scatter.add.f32 [tilespmem:s9], [sflag:$0xC], $0x10, s4, s6, $0xb8;
	[tilespmem:$0x1B800] =	vst v63  }
0x99: {  	_ =	swait.ge [sflag:s28], $0x2800  }
0x9a: {  	s5 =	sld [smem:$0x7FA]  }
0x9b: {  	[sflag:s28] =	ssyncset.done $0x0  }
0x9c: {  	s26 =	simm.s32 $0x6;
	[sflag:s28] =	ssyncadd.s32 $0xFFFFD800  }
0x9d: {  	[spmem:s2] =	stream.indirect.scatter.add.f32 [tilespmem:s15], [sflag:$0xD], $0x10, s5, s6, $0xb8;
	[tilespmem:$0x1B800] =	vst v63  }
0x9e: {  	_ =	swait.ge [sflag:s26], $0x2800  }
0x9f: {  	s9 =	sld [smem:$0x7FB]  }
0xa0: {  	[sflag:s26] =	ssyncset.done $0x0  }
0xa1: {  	s25 =	simm.s32 $0x7;
	[sflag:s26] =	ssyncadd.s32 $0xFFFFD800  }
0xa2: {  	[spmem:s2] =	stream.indirect.scatter.add.f32 [tilespmem:s11], [sflag:$0xE], $0x10, s9, s6, $0xb8;
	[tilespmem:$0x1B800] =	vst v63  }
0xa3: {  	_ =	swait.ge [sflag:s25], $0x2800  }
0xa4: {  	s15 =	sld [smem:$0x7FC]  }
0xa5: {  	[sflag:s25] =	ssyncset.done $0x0  }
0xa6: {  	s24 =	simm.s32 $0x8;
	[sflag:s25] =	ssyncadd.s32 $0xFFFFD800  }
0xa7: {  	[spmem:s2] =	stream.indirect.scatter.add.f32 [tilespmem:s10], [sflag:$0xF], $0x10, s15, s6, $0xb8;
	[tilespmem:$0x1B800] =	vst v63  }
0xa8: {  	_ =	swait.ge [sflag:s24], $0x2800  }
0xa9: {  	s4 =	sld [smem:$0x7FD]  }
0xaa: {  	[sflag:s24] =	ssyncset.done $0x0  }
0xab: {  	s23 =	simm.s32 $0x9;
	[sflag:s24] =	ssyncadd.s32 $0xFFFFD800  }
0xac: {  	[spmem:s2] =	stream.indirect.scatter.add.f32 [tilespmem:s12], [sflag:$0x10], $0x10, s4, s6, $0xb8;
	[tilespmem:$0x1B800] =	vst v63  }
0xad: {  	_ =	swait.ge [sflag:s23], $0x2800  }
0xae: {  	[sflag:s23] =	ssyncset.done $0x0  }
0xaf: {  	s22 =	simm.s32 $0xA;
	[sflag:s23] =	ssyncadd.s32 $0xFFFFD800  }
0xb0: {  	_ =	swait.ge [sflag:s22], $0x2800  }
0xb1: {  	[sflag:s22] =	ssyncset.done $0x0  }
0xb2: {  	s21 =	simm.s32 $0xB;
	[sflag:s22] =	ssyncadd.s32 $0xFFFFD800  }
0xb3: {  	_ =	swait.ge [sflag:s21], $0x2800  }
0xb4: {  	[sflag:s21] =	ssyncset.done $0x0  }
0xb5: {  	s20 =	simm.s32 $0xC;
	[sflag:s21] =	ssyncadd.s32 $0xFFFFD800  }
0xb6: {  	_ =	swait.ge [sflag:s20], $0x2800  }
0xb7: {  	[sflag:s20] =	ssyncset.done $0x0  }
0xb8: {  	s19 =	simm.s32 $0xD;
	[sflag:s20] =	ssyncadd.s32 $0xFFFFD800  }
0xb9: {  	_ =	swait.ge [sflag:s19], $0x2800  }
0xba: {  	[sflag:s19] =	ssyncset.done $0x0  }
0xbb: {  	s18 =	simm.s32 $0xE;
	[sflag:s19] =	ssyncadd.s32 $0xFFFFD800  }
0xbc: {  	_ =	swait.ge [sflag:s18], $0x2800  }
0xbd: {  	[sflag:s18] =	ssyncset.done $0x0  }
0xbe: {  	s16 =	simm.s32 $0xF;
	[sflag:s18] =	ssyncadd.s32 $0xFFFFD800  }
0xbf: {  	_ =	swait.ge [sflag:s16], $0x2800  }
0xc0: {  	[sflag:s16] =	ssyncset.done $0x0  }
0xc1: {  	[sflag:s16] =	ssyncadd.s32 $0xFFFFD800  }
0xc2: {  	_ =	swait.ge [sflag:s14], $0x2800  }
0xc3: {  	[sflag:s14] =	ssyncset.done $0x0  }
0xc4: {  	[sflag:s14] =	ssyncadd.s32 $0xFFFFD800  }
0xc5: {  	[bflag:$0x0] =	sbarrier.arrive $0xFFFF  }
0xc6: {  	s9 =	sld [smem:$0x7F7]  }
0xc7: {  	s15 =	sld [smem:$0x7F8];
	_ =	sdelay $0x1  }
0xc8: {  	s5 =	rddreg [dreg:$0x6]  }
0xc9: {  	[hbm:s5], [sflag:s15] =	dma.local [spmem:s9], $0x500  }
0xca: {  	s0 =	sld [smem:$0x7F9];
	_ =	sdelay $0x2  }
0xcb: {  	p1 =	sne.s32 s0, $0x1  }
.Ltmp1:
0xcc: {  	_ = 	snop;
	(pc) =	sbr.rel @!p1 .LBB2_3-.Ltmp1, $4  }
0xcd: {  	_ = 	snop  }
0xce: {  	s3 =	simm.s32 $0x11  }
0xcf: {  	p0 =	por $0x1, $0x1;
	_ =	swait.ge [sflag:s3], $0x500  }
0xd0: {  	s4 =	rddreg [dreg:$0x3];
	[sflag:s3] =	ssyncset.done $0x0;
	s0 =	sadd.s32 $0xFFFFFFFF, s0  }
.LBB2_2:
0xd1: {  	[sflag:s3] =	ssyncadd.s32 $0xFFFFFB00;
	s9 =	simm.s32 $0x0  }
0xd2: {  	[tilespmem:s9], [sflag:$0x11] =	stream.linear.gather [hbm4b:s4+s9], $0x2800, $0x38;
	[tilespmem:$0x1B800] =	vst v63  }
0xd3: {  	_ =	swait.ge [sflag:s3], $0x2800  }
0xd4: {  	[sflag:s3] =	ssyncset.done $0x0  }
0xd5: {  	s14 =	simm.s32 $0x2800;
	s10 =	rddreg [dreg:$0x4];
	[sflag:s3] =	ssyncadd.s32 $0xFFFFD800  }
0xd6: {  	[tilespmem:s14], [sflag:$0x11] =	stream.linear.gather [hbm4b:s10+s9], $0x2800, $0x38;
	[tilespmem:$0x1B800] =	vst v63  }
0xd7: {  	_ =	swait.ge [sflag:s3], $0x2800  }
0xd8: {  	[sflag:s3] =	ssyncset.done $0x0  }
0xd9: {  	s11 =	rddreg [dreg:$0x5];
	[sflag:s3] =	ssyncadd.s32 $0xFFFFD800  }
0xda: {  	[spmem:s8], [sflag:s13] =	dma.local [hbm:s11], $0x500  }
0xdb: {  	_ =	swait.ge [sflag:s3], $0x500  }
0xdc: {  	[sflag:s3] =	ssyncset.done $0x0  }
0xdd: {  	[sflag:s3] =	ssyncadd.s32 $0xFFFFFB00  }
0xde: {  	s16 =	simm.s32 $0x5000;
	[bflag:$0x0] =	sbarrier.arrive $0xFFFF  }
0xdf: {  	[tilespmem:s16], [sflag:$0x1] =	stream.indirect.gather [hbm4b:s7+s6], $0x10, s9, s6, $0xb8;
	[tilespmem:$0x1B800] =	vst v63  }
0xe0: {  	s5 =	smov.u32 s13  }
0xe1: {  	[tilespmem:s17], [sflag:$0x2] =	stream.indirect.gather [hbm4b:s7+s6], $0x10, s6, s6, $0xb8;
	[tilespmem:$0x1B800] =	vst v63  }
0xe2: {  	s15 =	simm.s32 $0xC800;
	s4 =	rddreg [dreg:$0x7];
	s17 =	simm.s32 $0xA000  }
0xe3: {  	[tilespmem:s17], [sflag:$0x3] =	stream.indirect.gather [hbm4b:s7+s6], $0x10, s4, s6, $0xb8;
	[tilespmem:$0x1B800] =	vst v63  }
0xe4: {  	s9 =	smov.u32 s8;
	s8 =	smov.u32 s5;
	s5 =	rddreg [dreg:$0x8]  }
0xe5: {  	[tilespmem:s15], [sflag:$0x4] =	stream.indirect.gather [hbm4b:s7+s6], $0x10, s5, s6, $0xb8;
	[tilespmem:$0x1B800] =	vst v63  }
0xe6: {  	s13 =	simm.s32 $0xF000;
	s4 =	rddreg [dreg:$0x9]  }
0xe7: {  	[tilespmem:s13], [sflag:$0x5] =	stream.indirect.gather [hbm4b:s7+s6], $0x10, s4, s6, $0xb8;
	[tilespmem:$0x1B800] =	vst v63  }
0xe8: {  	s12 =	simm.s32 $0x11800;
	s5 =	rddreg [dreg:$0xa]  }
0xe9: {  	[tilespmem:s12], [sflag:$0x6] =	stream.indirect.gather [hbm4b:s7+s6], $0x10, s5, s6, $0xb8;
	[tilespmem:$0x1B800] =	vst v63  }
0xea: {  	s11 =	simm.s32 $0x14000;
	s4 =	rddreg [dreg:$0xb]  }
0xeb: {  	[tilespmem:s11], [sflag:$0x7] =	stream.indirect.gather [hbm4b:s7+s6], $0x10, s4, s6, $0xb8;
	[tilespmem:$0x1B800] =	vst v63  }
0xec: {  	s10 =	simm.s32 $0x16800;
	s3 =	simm.s32 $0x1;
	s12 =	rddreg [dreg:$0xc]  }
0xed: {  	[tilespmem:s10], [sflag:$0x8] =	stream.indirect.gather [hbm4b:s7+s6], $0x10, s12, s6, $0xb8;
	[tilespmem:$0x1B800] =	vst v63  }
0xee: {  	_ =	swait.ge [sflag:s3], $0x2800  }
0xef: {  	[sflag:s3] =	ssyncset.done $0x0  }
0xf0: {  	s1 =	simm.s32 $0x2;
	[sflag:s3] =	ssyncadd.s32 $0xFFFFD800  }
0xf1: {  	[spmem:s2] =	stream.indirect.scatter.add.f32 [tilespmem:s16], [sflag:$0x9], $0x10, s14, s6, $0xb8;
	[tilespmem:$0x1B800] =	vst v63  }
0xf2: {  	_ =	swait.ge [sflag:s1], $0x2800  }
0xf3: {  	s31 =	simm.s32 $0x3;
	s17 =	simm.s32 $0x7800;
	[sflag:s1] =	ssyncset.done $0x0  }
0xf4: {  	s5 =	smov.u32 s8;
	s8 =	rddreg [dreg:$0xd];
	[sflag:s1] =	ssyncadd.s32 $0xFFFFD800  }
0xf5: {  	[spmem:s2] =	stream.indirect.scatter.add.f32 [tilespmem:s17], [sflag:$0xA], $0x10, s8, s6, $0xb8;
	[tilespmem:$0x1B800] =	vst v63  }
0xf6: {  	_ =	swait.ge [sflag:s31], $0x2800  }
0xf7: {  	s30 =	simm.s32 $0x4;
	[sflag:s31] =	ssyncset.done $0x0  }
0xf8: {  	s15 =	simm.s32 $0xA000;
	s8 =	rddreg [dreg:$0xe];
	[sflag:s31] =	ssyncadd.s32 $0xFFFFD800  }
0xf9: {  	[spmem:s2] =	stream.indirect.scatter.add.f32 [tilespmem:s15], [sflag:$0xB], $0x10, s8, s6, $0xb8;
	[tilespmem:$0x1B800] =	vst v63  }
0xfa: {  	_ =	swait.ge [sflag:s30], $0x2800  }
0xfb: {  	s29 =	simm.s32 $0x5;
	[sflag:s30] =	ssyncset.done $0x0  }
0xfc: {  	s13 =	simm.s32 $0xC800;
	s8 =	rddreg [dreg:$0xf];
	[sflag:s30] =	ssyncadd.s32 $0xFFFFD800  }
0xfd: {  	[spmem:s2] =	stream.indirect.scatter.add.f32 [tilespmem:s13], [sflag:$0xC], $0x10, s8, s6, $0xb8;
	[tilespmem:$0x1B800] =	vst v63  }
0xfe: {  	_ =	swait.ge [sflag:s29], $0x2800  }
0xff: {  	s28 =	simm.s32 $0x6;
	[sflag:s29] =	ssyncset.done $0x0  }
0x100: {  	s8 =	simm.s32 $0xF000;
	s4 =	rddreg [dreg:$0x10];
	[sflag:s29] =	ssyncadd.s32 $0xFFFFD800  }
0x101: {  	[spmem:s2] =	stream.indirect.scatter.add.f32 [tilespmem:s8], [sflag:$0xD], $0x10, s4, s6, $0xb8;
	[tilespmem:$0x1B800] =	vst v63  }
0x102: {  	_ =	swait.ge [sflag:s28], $0x2800  }
0x103: {  	s26 =	simm.s32 $0x7;
	[sflag:s28] =	ssyncset.done $0x0  }
0x104: {  	s11 =	simm.s32 $0x11800;
	s4 =	rddreg [dreg:$0x11];
	[sflag:s28] =	ssyncadd.s32 $0xFFFFD800  }
0x105: {  	[spmem:s2] =	stream.indirect.scatter.add.f32 [tilespmem:s11], [sflag:$0xE], $0x10, s4, s6, $0xb8;
	[tilespmem:$0x1B800] =	vst v63  }
0x106: {  	_ =	swait.ge [sflag:s26], $0x2800  }
0x107: {  	s25 =	simm.s32 $0x8;
	[sflag:s26] =	ssyncset.done $0x0  }
0x108: {  	s10 =	simm.s32 $0x14000;
	s4 =	rddreg [dreg:$0x12];
	[sflag:s26] =	ssyncadd.s32 $0xFFFFD800  }
0x109: {  	[spmem:s2] =	stream.indirect.scatter.add.f32 [tilespmem:s10], [sflag:$0xF], $0x10, s4, s6, $0xb8;
	[tilespmem:$0x1B800] =	vst v63  }
0x10a: {  	_ =	swait.ge [sflag:s25], $0x2800  }
0x10b: {  	s24 =	simm.s32 $0x9;
	[sflag:s25] =	ssyncset.done $0x0  }
0x10c: {  	s12 =	simm.s32 $0x16800;
	s4 =	rddreg [dreg:$0x13];
	[sflag:s25] =	ssyncadd.s32 $0xFFFFD800  }
0x10d: {  	[spmem:s2] =	stream.indirect.scatter.add.f32 [tilespmem:s12], [sflag:$0x10], $0x10, s4, s6, $0xb8;
	[tilespmem:$0x1B800] =	vst v63  }
0x10e: {  	_ =	swait.ge [sflag:s24], $0x2800  }
0x10f: {  	[sflag:s24] =	ssyncset.done $0x0  }
0x110: {  	s23 =	simm.s32 $0xA;
	s4 =	rddreg [dreg:$0x14];
	[sflag:s24] =	ssyncadd.s32 $0xFFFFD800  }
0x111: {  	[tilespmem:s16], [sflag:$0x1] =	stream.indirect.gather [hbm4b:s7+s6], $0x10, s4, s6, $0xb8;
	[tilespmem:$0x1B800] =	vst v63  }
0x112: {  	_ =	swait.ge [sflag:s23], $0x2800  }
0x113: {  	[sflag:s23] =	ssyncset.done $0x0  }
0x114: {  	s22 =	simm.s32 $0xB;
	s4 =	rddreg [dreg:$0x15];
	[sflag:s23] =	ssyncadd.s32 $0xFFFFD800  }
0x115: {  	[tilespmem:s17], [sflag:$0x2] =	stream.indirect.gather [hbm4b:s7+s6], $0x10, s4, s6, $0xb8;
	[tilespmem:$0x1B800] =	vst v63  }
0x116: {  	_ =	swait.ge [sflag:s22], $0x2800  }
0x117: {  	[sflag:s22] =	ssyncset.done $0x0  }
0x118: {  	s21 =	simm.s32 $0xC;
	s4 =	rddreg [dreg:$0x16];
	[sflag:s22] =	ssyncadd.s32 $0xFFFFD800  }
0x119: {  	[tilespmem:s15], [sflag:$0x3] =	stream.indirect.gather [hbm4b:s7+s6], $0x10, s4, s6, $0xb8;
	[tilespmem:$0x1B800] =	vst v63  }
0x11a: {  	_ =	swait.ge [sflag:s21], $0x2800  }
0x11b: {  	[sflag:s21] =	ssyncset.done $0x0  }
0x11c: {  	s20 =	simm.s32 $0xD;
	s4 =	rddreg [dreg:$0x17];
	[sflag:s21] =	ssyncadd.s32 $0xFFFFD800  }
0x11d: {  	[tilespmem:s13], [sflag:$0x4] =	stream.indirect.gather [hbm4b:s7+s6], $0x10, s4, s6, $0xb8;
	[tilespmem:$0x1B800] =	vst v63  }
0x11e: {  	_ =	swait.ge [sflag:s20], $0x2800  }
0x11f: {  	[sflag:s20] =	ssyncset.done $0x0  }
0x120: {  	s19 =	simm.s32 $0xE;
	s4 =	rddreg [dreg:$0x18];
	[sflag:s20] =	ssyncadd.s32 $0xFFFFD800  }
0x121: {  	[tilespmem:s8], [sflag:$0x5] =	stream.indirect.gather [hbm4b:s7+s6], $0x10, s4, s6, $0xb8;
	[tilespmem:$0x1B800] =	vst v63  }
0x122: {  	_ =	swait.ge [sflag:s19], $0x2800  }
0x123: {  	[sflag:s19] =	ssyncset.done $0x0  }
0x124: {  	s18 =	simm.s32 $0xF;
	s4 =	rddreg [dreg:$0x19];
	[sflag:s19] =	ssyncadd.s32 $0xFFFFD800  }
0x125: {  	[tilespmem:s11], [sflag:$0x6] =	stream.indirect.gather [hbm4b:s7+s6], $0x10, s4, s6, $0xb8;
	[tilespmem:$0x1B800] =	vst v63  }
0x126: {  	_ =	swait.ge [sflag:s18], $0x2800  }
0x127: {  	[sflag:s18] =	ssyncset.done $0x0  }
0x128: {  	s14 =	simm.s32 $0x10;
	s4 =	rddreg [dreg:$0x1a];
	[sflag:s18] =	ssyncadd.s32 $0xFFFFD800  }
0x129: {  	[tilespmem:s10], [sflag:$0x7] =	stream.indirect.gather [hbm4b:s7+s6], $0x10, s4, s6, $0xb8;
	[tilespmem:$0x1B800] =	vst v63  }
0x12a: {  	_ =	swait.ge [sflag:s14], $0x2800  }
0x12b: {  	[sflag:s14] =	ssyncset.done $0x0  }
0x12c: {  	s1 =	simm.s32 $0x1;
	s4 =	rddreg [dreg:$0x1b];
	[sflag:s14] =	ssyncadd.s32 $0xFFFFD800  }
0x12d: {  	[tilespmem:s12], [sflag:$0x8] =	stream.indirect.gather [hbm4b:s7+s6], $0x10, s4, s6, $0xb8;
	[tilespmem:$0x1B800] =	vst v63  }
0x12e: {  	_ =	swait.ge [sflag:s1], $0x2800  }
0x12f: {  	[sflag:s1] =	ssyncset.done $0x0  }
0x130: {  	s31 =	simm.s32 $0x2;
	s4 =	rddreg [dreg:$0x1c];
	[sflag:s1] =	ssyncadd.s32 $0xFFFFD800  }
0x131: {  	[spmem:s2] =	stream.indirect.scatter.add.f32 [tilespmem:s16], [sflag:$0x9], $0x10, s4, s6, $0xb8;
	[tilespmem:$0x1B800] =	vst v63  }
0x132: {  	_ =	swait.ge [sflag:s31], $0x2800  }
0x133: {  	[sflag:s31] =	ssyncset.done $0x0  }
0x134: {  	s30 =	simm.s32 $0x3;
	s4 =	rddreg [dreg:$0x1d];
	[sflag:s31] =	ssyncadd.s32 $0xFFFFD800  }
0x135: {  	[spmem:s2] =	stream.indirect.scatter.add.f32 [tilespmem:s17], [sflag:$0xA], $0x10, s4, s6, $0xb8;
	[tilespmem:$0x1B800] =	vst v63  }
0x136: {  	_ =	swait.ge [sflag:s30], $0x2800  }
0x137: {  	[sflag:s30] =	ssyncset.done $0x0  }
0x138: {  	s29 =	simm.s32 $0x4;
	s4 =	rddreg [dreg:$0x1e];
	[sflag:s30] =	ssyncadd.s32 $0xFFFFD800  }
0x139: {  	[spmem:s2] =	stream.indirect.scatter.add.f32 [tilespmem:s15], [sflag:$0xB], $0x10, s4, s6, $0xb8;
	[tilespmem:$0x1B800] =	vst v63  }
0x13a: {  	_ =	swait.ge [sflag:s29], $0x2800  }
0x13b: {  	[sflag:s29] =	ssyncset.done $0x0  }
0x13c: {  	s28 =	simm.s32 $0x5;
	s15 =	rddreg [dreg:$0x1f];
	[sflag:s29] =	ssyncadd.s32 $0xFFFFD800  }
0x13d: {  	[spmem:s2] =	stream.indirect.scatter.add.f32 [tilespmem:s13], [sflag:$0xC], $0x10, s15, s6, $0xb8;
	[tilespmem:$0x1B800] =	vst v63  }
0x13e: {  	_ =	swait.ge [sflag:s28], $0x2800  }
0x13f: {  	s13 =	sld [smem:$0x7FA]  }
0x140: {  	[sflag:s28] =	ssyncset.done $0x0  }
0x141: {  	s26 =	simm.s32 $0x6;
	s8 =	simm.s32 $0xF000;
	[sflag:s28] =	ssyncadd.s32 $0xFFFFD800  }
0x142: {  	[spmem:s2] =	stream.indirect.scatter.add.f32 [tilespmem:s8], [sflag:$0xD], $0x10, s13, s6, $0xb8;
	[tilespmem:$0x1B800] =	vst v63  }
0x143: {  	_ =	swait.ge [sflag:s26], $0x2800  }
0x144: {  	s15 =	sld [smem:$0x7FB]  }
0x145: {  	[sflag:s26] =	ssyncset.done $0x0  }
0x146: {  	s25 =	simm.s32 $0x7;
	[sflag:s26] =	ssyncadd.s32 $0xFFFFD800  }
0x147: {  	[spmem:s2] =	stream.indirect.scatter.add.f32 [tilespmem:s11], [sflag:$0xE], $0x10, s15, s6, $0xb8;
	[tilespmem:$0x1B800] =	vst v63  }
0x148: {  	_ =	swait.ge [sflag:s25], $0x2800  }
0x149: {  	s8 =	sld [smem:$0x7FC]  }
0x14a: {  	[sflag:s25] =	ssyncset.done $0x0  }
0x14b: {  	s24 =	simm.s32 $0x8;
	[sflag:s25] =	ssyncadd.s32 $0xFFFFD800  }
0x14c: {  	[spmem:s2] =	stream.indirect.scatter.add.f32 [tilespmem:s10], [sflag:$0xF], $0x10, s8, s6, $0xb8;
	[tilespmem:$0x1B800] =	vst v63  }
0x14d: {  	_ =	swait.ge [sflag:s24], $0x2800  }
0x14e: {  	s13 =	sld [smem:$0x7FD]  }
0x14f: {  	[sflag:s24] =	ssyncset.done $0x0  }
0x150: {  	s23 =	simm.s32 $0x9;
	[sflag:s24] =	ssyncadd.s32 $0xFFFFD800  }
0x151: {  	[spmem:s2] =	stream.indirect.scatter.add.f32 [tilespmem:s12], [sflag:$0x10], $0x10, s13, s6, $0xb8;
	[tilespmem:$0x1B800] =	vst v63  }
0x152: {  	_ =	swait.ge [sflag:s23], $0x2800  }
0x153: {  	[sflag:s23] =	ssyncset.done $0x0  }
0x154: {  	s22 =	simm.s32 $0xA;
	[sflag:s23] =	ssyncadd.s32 $0xFFFFD800  }
0x155: {  	_ =	swait.ge [sflag:s22], $0x2800  }
0x156: {  	[sflag:s22] =	ssyncset.done $0x0  }
0x157: {  	s21 =	simm.s32 $0xB;
	[sflag:s22] =	ssyncadd.s32 $0xFFFFD800  }
0x158: {  	_ =	swait.ge [sflag:s21], $0x2800  }
0x159: {  	[sflag:s21] =	ssyncset.done $0x0  }
0x15a: {  	s20 =	simm.s32 $0xC;
	[sflag:s21] =	ssyncadd.s32 $0xFFFFD800  }
0x15b: {  	_ =	swait.ge [sflag:s20], $0x2800  }
0x15c: {  	[sflag:s20] =	ssyncset.done $0x0  }
0x15d: {  	s19 =	simm.s32 $0xD;
	[sflag:s20] =	ssyncadd.s32 $0xFFFFD800  }
0x15e: {  	_ =	swait.ge [sflag:s19], $0x2800  }
0x15f: {  	[sflag:s19] =	ssyncset.done $0x0  }
0x160: {  	s18 =	simm.s32 $0xE;
	[sflag:s19] =	ssyncadd.s32 $0xFFFFD800  }
0x161: {  	_ =	swait.ge [sflag:s18], $0x2800  }
0x162: {  	[sflag:s18] =	ssyncset.done $0x0  }
0x163: {  	s16 =	simm.s32 $0xF;
	[sflag:s18] =	ssyncadd.s32 $0xFFFFD800  }
0x164: {  	_ =	swait.ge [sflag:s16], $0x2800  }
0x165: {  	[sflag:s16] =	ssyncset.done $0x0  }
0x166: {  	[sflag:s16] =	ssyncadd.s32 $0xFFFFD800  }
0x167: {  	_ =	swait.ge [sflag:s14], $0x2800  }
0x168: {  	[sflag:s14] =	ssyncset.done $0x0  }
0x169: {  	p1 =	sne.s32 s0, $0x1;
	[sflag:s14] =	ssyncadd.s32 $0xFFFFD800  }
.Ltmp2:
0x16a: {  	[bflag:$0x0] =	sbarrier.arrive $0xFFFF;
	(pc) =	sbr.rel @p1 .LBB2_2-.Ltmp2, $4  }
0x16b: {  	s3 =	simm.s32 $0x11;
	s15 =	rddreg [dreg:$0x6]  }
0x16c: {  	[hbm:s15], [sflag:s5] =	dma.local [spmem:s9], $0x500  }
0x16d: {  	s0 =	sadd.s32 $0xFFFFFFFF, s0;
	s8 =	smov.u32 s9;
	_ =	swait.ge [sflag:s3], $0x500  }
0x16e: {  	s13 =	smov.u32 s5;
	s4 =	rddreg [dreg:$0x3];
	[sflag:s3] =	ssyncset.done $0x0  }
.LBB2_3:
0x16f: {  	[sflag:s3] =	ssyncadd.s32 @p0 $0xFFFFFB00;
	s0 =	simm.s32 $0x0  }
0x170: {  	[tilespmem:s0], [sflag:$0x11] =	stream.linear.gather [hbm4b:s4+s0], $0x2800, $0x38;
	[tilespmem:$0x1B800] =	vst v63  }
0x171: {  	_ =	swait.ge [sflag:s3], $0x2800  }
0x172: {  	s5 =	rddreg [dreg:$0x4]  }
0x173: {  	[smem:$0x7F6] =	sst s5  }
0x174: {  	s5 =	sld [smem:$0x7F6]  }
0x175: {  	[sflag:s3] =	ssyncset.done $0x0  }
0x176: {  	s9 =	simm.s32 $0x2800;
	s15 =	simm.s32 $0x0;
	[sflag:s3] =	ssyncadd.s32 $0xFFFFD800  }
0x177: {  	[tilespmem:s9], [sflag:$0x11] =	stream.linear.gather [hbm4b:s5+s15], $0x2800, $0x38;
	[tilespmem:$0x1B800] =	vst v63  }
0x178: {  	_ =	swait.ge [sflag:s3], $0x2800  }
0x179: {  	[sflag:s3] =	ssyncset.done $0x0  }
0x17a: {  	s9 =	rddreg [dreg:$0x5];
	[sflag:s3] =	ssyncadd.s32 $0xFFFFD800  }
0x17b: {  	[spmem:s8], [sflag:s13] =	dma.local [hbm:s9], $0x500  }
0x17c: {  	_ =	swait.ge [sflag:s3], $0x500  }
0x17d: {  	[sflag:s3] =	ssyncset.done $0x0  }
0x17e: {  	[sflag:s3] =	ssyncadd.s32 $0xFFFFFB00  }
0x17f: {  	s5 =	simm.s32 $0x0;
	s15 =	simm.s32 $0x5000;
	[bflag:$0x0] =	sbarrier.arrive $0xFFFF  }
0x180: {  	[tilespmem:s15], [sflag:$0x1] =	stream.indirect.gather [hbm4b:s7+s6], $0x10, s5, s6, $0xb8;
	[tilespmem:$0x1B800] =	vst v63  }
0x181: {  	_ = 	snop  }
0x182: {  	[tilespmem:s17], [sflag:$0x2] =	stream.indirect.gather [hbm4b:s7+s6], $0x10, s6, s6, $0xb8;
	[tilespmem:$0x1B800] =	vst v63  }
0x183: {  	s4 =	rddreg [dreg:$0x7];
	s15 =	simm.s32 $0xA000  }
0x184: {  	[tilespmem:s15], [sflag:$0x3] =	stream.indirect.gather [hbm4b:s7+s6], $0x10, s4, s6, $0xb8;
	[tilespmem:$0x1B800] =	vst v63  }
0x185: {  	s9 =	simm.s32 $0xC800;
	s5 =	rddreg [dreg:$0x8]  }
0x186: {  	[tilespmem:s9], [sflag:$0x4] =	stream.indirect.gather [hbm4b:s7+s6], $0x10, s5, s6, $0xb8;
	[tilespmem:$0x1B800] =	vst v63  }
0x187: {  	s0 =	rddreg [dreg:$0x9];
	s5 =	simm.s32 $0xF000  }
0x188: {  	[tilespmem:s5], [sflag:$0x5] =	stream.indirect.gather [hbm4b:s7+s6], $0x10, s0, s6, $0xb8;
	[tilespmem:$0x1B800] =	vst v63  }
0x189: {  	s4 =	rddreg [dreg:$0xa]  }
0x18a: {  	[tilespmem:s11], [sflag:$0x6] =	stream.indirect.gather [hbm4b:s7+s6], $0x10, s4, s6, $0xb8;
	[tilespmem:$0x1B800] =	vst v63  }
0x18b: {  	s0 =	rddreg [dreg:$0xb]  }
0x18c: {  	[tilespmem:s10], [sflag:$0x7] =	stream.indirect.gather [hbm4b:s7+s6], $0x10, s0, s6, $0xb8;
	[tilespmem:$0x1B800] =	vst v63  }
0x18d: {  	s4 =	rddreg [dreg:$0xc]  }
0x18e: {  	[tilespmem:s12], [sflag:$0x8] =	stream.indirect.gather [hbm4b:s7+s6], $0x10, s4, s6, $0xb8;
	[tilespmem:$0x1B800] =	vst v63  }
0x18f: {  	_ =	swait.ge [sflag:s1], $0x2800  }
0x190: {  	[sflag:s1] =	ssyncset.done $0x0  }
0x191: {  	s0 =	simm.s32 $0x2800;
	s4 =	simm.s32 $0x5000;
	[sflag:s1] =	ssyncadd.s32 $0xFFFFD800  }
0x192: {  	[spmem:s2] =	stream.indirect.scatter.add.f32 [tilespmem:s4], [sflag:$0x9], $0x10, s0, s6, $0xb8;
	[tilespmem:$0x1B800] =	vst v63  }
0x193: {  	_ =	swait.ge [sflag:s31], $0x2800  }
0x194: {  	[sflag:s31] =	ssyncset.done $0x0  }
0x195: {  	s0 =	rddreg [dreg:$0xd];
	[sflag:s31] =	ssyncadd.s32 $0xFFFFD800  }
0x196: {  	[spmem:s2] =	stream.indirect.scatter.add.f32 [tilespmem:s17], [sflag:$0xA], $0x10, s0, s6, $0xb8;
	[tilespmem:$0x1B800] =	vst v63  }
0x197: {  	_ =	swait.ge [sflag:s30], $0x2800  }
0x198: {  	[sflag:s30] =	ssyncset.done $0x0  }
0x199: {  	s0 =	rddreg [dreg:$0xe];
	[sflag:s30] =	ssyncadd.s32 $0xFFFFD800  }
0x19a: {  	[spmem:s2] =	stream.indirect.scatter.add.f32 [tilespmem:s15], [sflag:$0xB], $0x10, s0, s6, $0xb8;
	[tilespmem:$0x1B800] =	vst v63  }
0x19b: {  	_ =	swait.ge [sflag:s29], $0x2800  }
0x19c: {  	[sflag:s29] =	ssyncset.done $0x0  }
0x19d: {  	s0 =	rddreg [dreg:$0xf];
	[sflag:s29] =	ssyncadd.s32 $0xFFFFD800  }
0x19e: {  	[spmem:s2] =	stream.indirect.scatter.add.f32 [tilespmem:s9], [sflag:$0xC], $0x10, s0, s6, $0xb8;
	[tilespmem:$0x1B800] =	vst v63  }
0x19f: {  	_ =	swait.ge [sflag:s28], $0x2800  }
0x1a0: {  	[sflag:s28] =	ssyncset.done $0x0  }
0x1a1: {  	s0 =	rddreg [dreg:$0x10];
	[sflag:s28] =	ssyncadd.s32 $0xFFFFD800  }
0x1a2: {  	[spmem:s2] =	stream.indirect.scatter.add.f32 [tilespmem:s5], [sflag:$0xD], $0x10, s0, s6, $0xb8;
	[tilespmem:$0x1B800] =	vst v63  }
0x1a3: {  	_ =	swait.ge [sflag:s26], $0x2800  }
0x1a4: {  	[sflag:s26] =	ssyncset.done $0x0  }
0x1a5: {  	s0 =	rddreg [dreg:$0x11];
	[sflag:s26] =	ssyncadd.s32 $0xFFFFD800  }
0x1a6: {  	[spmem:s2] =	stream.indirect.scatter.add.f32 [tilespmem:s11], [sflag:$0xE], $0x10, s0, s6, $0xb8;
	[tilespmem:$0x1B800] =	vst v63  }
0x1a7: {  	_ =	swait.ge [sflag:s25], $0x2800  }
0x1a8: {  	[sflag:s25] =	ssyncset.done $0x0  }
0x1a9: {  	s0 =	rddreg [dreg:$0x12];
	[sflag:s25] =	ssyncadd.s32 $0xFFFFD800  }
0x1aa: {  	[spmem:s2] =	stream.indirect.scatter.add.f32 [tilespmem:s10], [sflag:$0xF], $0x10, s0, s6, $0xb8;
	[tilespmem:$0x1B800] =	vst v63  }
0x1ab: {  	_ =	swait.ge [sflag:s24], $0x2800  }
0x1ac: {  	[sflag:s24] =	ssyncset.done $0x0  }
0x1ad: {  	s0 =	rddreg [dreg:$0x13];
	[sflag:s24] =	ssyncadd.s32 $0xFFFFD800  }
0x1ae: {  	[spmem:s2] =	stream.indirect.scatter.add.f32 [tilespmem:s12], [sflag:$0x10], $0x10, s0, s6, $0xb8;
	[tilespmem:$0x1B800] =	vst v63  }
0x1af: {  	_ =	swait.ge [sflag:s23], $0x2800  }
0x1b0: {  	[sflag:s23] =	ssyncset.done $0x0  }
0x1b1: {  	s0 =	rddreg [dreg:$0x14];
	[sflag:s23] =	ssyncadd.s32 $0xFFFFD800  }
0x1b2: {  	[tilespmem:s4], [sflag:$0x1] =	stream.indirect.gather [hbm4b:s7+s6], $0x10, s0, s6, $0xb8;
	[tilespmem:$0x1B800] =	vst v63  }
0x1b3: {  	_ =	swait.ge [sflag:s22], $0x2800  }
0x1b4: {  	[sflag:s22] =	ssyncset.done $0x0  }
0x1b5: {  	s0 =	rddreg [dreg:$0x15];
	[sflag:s22] =	ssyncadd.s32 $0xFFFFD800  }
0x1b6: {  	[tilespmem:s17], [sflag:$0x2] =	stream.indirect.gather [hbm4b:s7+s6], $0x10, s0, s6, $0xb8;
	[tilespmem:$0x1B800] =	vst v63  }
0x1b7: {  	_ =	swait.ge [sflag:s21], $0x2800  }
0x1b8: {  	[sflag:s21] =	ssyncset.done $0x0  }
0x1b9: {  	s0 =	rddreg [dreg:$0x16];
	[sflag:s21] =	ssyncadd.s32 $0xFFFFD800  }
0x1ba: {  	[tilespmem:s15], [sflag:$0x3] =	stream.indirect.gather [hbm4b:s7+s6], $0x10, s0, s6, $0xb8;
	[tilespmem:$0x1B800] =	vst v63  }
0x1bb: {  	_ =	swait.ge [sflag:s20], $0x2800  }
0x1bc: {  	[sflag:s20] =	ssyncset.done $0x0  }
0x1bd: {  	s0 =	rddreg [dreg:$0x17];
	[sflag:s20] =	ssyncadd.s32 $0xFFFFD800  }
0x1be: {  	[tilespmem:s9], [sflag:$0x4] =	stream.indirect.gather [hbm4b:s7+s6], $0x10, s0, s6, $0xb8;
	[tilespmem:$0x1B800] =	vst v63  }
0x1bf: {  	_ =	swait.ge [sflag:s19], $0x2800  }
0x1c0: {  	[sflag:s19] =	ssyncset.done $0x0  }
0x1c1: {  	s0 =	rddreg [dreg:$0x18];
	[sflag:s19] =	ssyncadd.s32 $0xFFFFD800  }
0x1c2: {  	[tilespmem:s5], [sflag:$0x5] =	stream.indirect.gather [hbm4b:s7+s6], $0x10, s0, s6, $0xb8;
	[tilespmem:$0x1B800] =	vst v63  }
0x1c3: {  	_ =	swait.ge [sflag:s18], $0x2800  }
0x1c4: {  	[sflag:s18] =	ssyncset.done $0x0  }
0x1c5: {  	s0 =	rddreg [dreg:$0x19];
	[sflag:s18] =	ssyncadd.s32 $0xFFFFD800  }
0x1c6: {  	[tilespmem:s11], [sflag:$0x6] =	stream.indirect.gather [hbm4b:s7+s6], $0x10, s0, s6, $0xb8;
	[tilespmem:$0x1B800] =	vst v63  }
0x1c7: {  	_ =	swait.ge [sflag:s16], $0x2800  }
0x1c8: {  	[sflag:s16] =	ssyncset.done $0x0  }
0x1c9: {  	s0 =	rddreg [dreg:$0x1a];
	[sflag:s16] =	ssyncadd.s32 $0xFFFFD800  }
0x1ca: {  	[tilespmem:s10], [sflag:$0x7] =	stream.indirect.gather [hbm4b:s7+s6], $0x10, s0, s6, $0xb8;
	[tilespmem:$0x1B800] =	vst v63  }
0x1cb: {  	_ =	swait.ge [sflag:s14], $0x2800  }
0x1cc: {  	[sflag:s14] =	ssyncset.done $0x0  }
0x1cd: {  	s0 =	rddreg [dreg:$0x1b];
	[sflag:s14] =	ssyncadd.s32 $0xFFFFD800  }
0x1ce: {  	[tilespmem:s12], [sflag:$0x8] =	stream.indirect.gather [hbm4b:s7+s6], $0x10, s0, s6, $0xb8;
	[tilespmem:$0x1B800] =	vst v63  }
0x1cf: {  	_ =	swait.ge [sflag:s1], $0x2800  }
0x1d0: {  	[sflag:s1] =	ssyncset.done $0x0  }
0x1d1: {  	s4 =	simm.s32 $0x5000;
	s7 =	rddreg [dreg:$0x1c];
	[sflag:s1] =	ssyncadd.s32 $0xFFFFD800  }
0x1d2: {  	[spmem:s2] =	stream.indirect.scatter.add.f32 [tilespmem:s4], [sflag:$0x9], $0x10, s7, s6, $0xb8;
	[tilespmem:$0x1B800] =	vst v63  }
0x1d3: {  	_ =	swait.ge [sflag:s31], $0x2800  }
0x1d4: {  	[sflag:s31] =	ssyncset.done $0x0  }
0x1d5: {  	s1 =	rddreg [dreg:$0x1d];
	[sflag:s31] =	ssyncadd.s32 $0xFFFFD800  }
0x1d6: {  	[spmem:s2] =	stream.indirect.scatter.add.f32 [tilespmem:s17], [sflag:$0xA], $0x10, s1, s6, $0xb8;
	[tilespmem:$0x1B800] =	vst v63  }
0x1d7: {  	_ =	swait.ge [sflag:s30], $0x2800  }
0x1d8: {  	[sflag:s30] =	ssyncset.done $0x0  }
0x1d9: {  	s4 =	rddreg [dreg:$0x1e];
	[sflag:s30] =	ssyncadd.s32 $0xFFFFD800  }
0x1da: {  	[spmem:s2] =	stream.indirect.scatter.add.f32 [tilespmem:s15], [sflag:$0xB], $0x10, s4, s6, $0xb8;
	[tilespmem:$0x1B800] =	vst v63  }
0x1db: {  	_ =	swait.ge [sflag:s29], $0x2800  }
0x1dc: {  	[sflag:s29] =	ssyncset.done $0x0  }
0x1dd: {  	s7 =	rddreg [dreg:$0x1f];
	[sflag:s29] =	ssyncadd.s32 $0xFFFFD800  }
0x1de: {  	[spmem:s2] =	stream.indirect.scatter.add.f32 [tilespmem:s9], [sflag:$0xC], $0x10, s7, s6, $0xb8;
	[tilespmem:$0x1B800] =	vst v63  }
0x1df: {  	_ =	swait.ge [sflag:s28], $0x2800  }
0x1e0: {  	s15 =	sld [smem:$0x7FA]  }
0x1e1: {  	[sflag:s28] =	ssyncset.done $0x0  }
0x1e2: {  	[sflag:s28] =	ssyncadd.s32 $0xFFFFD800  }
0x1e3: {  	[spmem:s2] =	stream.indirect.scatter.add.f32 [tilespmem:s5], [sflag:$0xD], $0x10, s15, s6, $0xb8;
	[tilespmem:$0x1B800] =	vst v63  }
0x1e4: {  	_ =	swait.ge [sflag:s26], $0x2800  }
0x1e5: {  	s17 =	sld [smem:$0x7FB]  }
0x1e6: {  	[sflag:s26] =	ssyncset.done $0x0  }
0x1e7: {  	[sflag:s26] =	ssyncadd.s32 $0xFFFFD800  }
0x1e8: {  	[spmem:s2] =	stream.indirect.scatter.add.f32 [tilespmem:s11], [sflag:$0xE], $0x10, s17, s6, $0xb8;
	[tilespmem:$0x1B800] =	vst v63  }
0x1e9: {  	_ =	swait.ge [sflag:s25], $0x2800  }
0x1ea: {  	s28 =	sld [smem:$0x7FC]  }
0x1eb: {  	[sflag:s25] =	ssyncset.done $0x0  }
0x1ec: {  	[sflag:s25] =	ssyncadd.s32 $0xFFFFD800  }
0x1ed: {  	[spmem:s2] =	stream.indirect.scatter.add.f32 [tilespmem:s10], [sflag:$0xF], $0x10, s28, s6, $0xb8;
	[tilespmem:$0x1B800] =	vst v63  }
0x1ee: {  	_ =	swait.ge [sflag:s24], $0x2800  }
0x1ef: {  	s29 =	sld [smem:$0x7FD]  }
0x1f0: {  	[sflag:s24] =	ssyncset.done $0x0  }
0x1f1: {  	[sflag:s24] =	ssyncadd.s32 $0xFFFFD800  }
0x1f2: {  	[spmem:s2] =	stream.indirect.scatter.add.f32 [tilespmem:s12], [sflag:$0x10], $0x10, s29, s6, $0xb8;
	[tilespmem:$0x1B800] =	vst v63  }
0x1f3: {  	_ =	swait.ge [sflag:s23], $0x2800  }
0x1f4: {  	[sflag:s23] =	ssyncset.done $0x0  }
0x1f5: {  	[sflag:s23] =	ssyncadd.s32 $0xFFFFD800  }
0x1f6: {  	_ =	swait.ge [sflag:s22], $0x2800  }
0x1f7: {  	[sflag:s22] =	ssyncset.done $0x0  }
0x1f8: {  	[sflag:s22] =	ssyncadd.s32 $0xFFFFD800  }
0x1f9: {  	_ =	swait.ge [sflag:s21], $0x2800  }
0x1fa: {  	[sflag:s21] =	ssyncset.done $0x0  }
0x1fb: {  	[sflag:s21] =	ssyncadd.s32 $0xFFFFD800  }
0x1fc: {  	_ =	swait.ge [sflag:s20], $0x2800  }
0x1fd: {  	[sflag:s20] =	ssyncset.done $0x0  }
0x1fe: {  	[sflag:s20] =	ssyncadd.s32 $0xFFFFD800  }
0x1ff: {  	_ =	swait.ge [sflag:s19], $0x2800  }
0x200: {  	[sflag:s19] =	ssyncset.done $0x0  }
0x201: {  	[sflag:s19] =	ssyncadd.s32 $0xFFFFD800  }
0x202: {  	_ =	swait.ge [sflag:s18], $0x2800  }
0x203: {  	[sflag:s18] =	ssyncset.done $0x0  }
0x204: {  	[sflag:s18] =	ssyncadd.s32 $0xFFFFD800  }
0x205: {  	_ =	swait.ge [sflag:s16], $0x2800  }
0x206: {  	[sflag:s16] =	ssyncset.done $0x0  }
0x207: {  	[sflag:s16] =	ssyncadd.s32 $0xFFFFD800  }
0x208: {  	_ =	swait.ge [sflag:s14], $0x2800  }
0x209: {  	[sflag:s14] =	ssyncset.done $0x0  }
0x20a: {  	[sflag:s14] =	ssyncadd.s32 $0xFFFFD800  }
0x20b: {  	[bflag:$0x0] =	sbarrier.arrive $0xFFFF  }
0x20c: {  	s30 =	rddreg [dreg:$0x6]  }
0x20d: {  	[hbm:s30], [sflag:s13] =	dma.local [spmem:s8], $0x500  }
0x20e: {  	_ =	swait.ge [sflag:s3], $0x500  }
0x20f: {  	[sflag:s3] =	ssyncset.done $0x0  }
0x210: {  	[sflag:s3] =	ssyncadd.s32 $0xFFFFFB00  }
0x211: {  	_ =	sfence.sel $0x180000  }
0x212: {  	[bflag:$0x0] =	sbarrier.arrive $0xFFFF  }
0x213: {  	_ =	strace $0x9000004D  }
0x214: {  	s31 =	stileid.u32;
	[bflag:$0x2] =	sbarrier.arrive $0xFFFF  }
0x215: {  	p0 =	sne.s32 s31, $0x0;
	s0 =	rddreg [dreg:$0x2]  }
0x216: {  	s0 =	sadd.s32 @!p0 $0x100000, s0  }
0x217: {  	[sflag:s0] =	ssyncadd.tile.s32 @!p0 $0x1;
	_ =	shalt  }
.Lfunc_end2:
_tile_overlayer_lowered:
.L_overlay_start_2:
0x218: {  	(tag) =	ssettag $0x2  }
0x219: {  	s0 =	rddreg [dreg:$0x0];
	s2 =	stileid.u32  }
0x21a: {  	s1 =	rddreg [dreg:$0x1];
	p0 =	sne.s32 s2, $0x0  }
0x21b: {  	s3 =	rddreg [dreg:$0x2];
	[bflag:$0x3] =	sbarrier.arrive $0xFFFF;
	s2 =	simm.s32 @!p0 $0x1C11  }
0x21c: {  	[timem:s3], [sflag:s2] =	dma.local @!p0 [hbm:s0], s1  }
0x21d: {  	s0 =	simm.s32 @!p0 $0x11  }
0x21e: {  	_ =	swait.ge @!p0 [sflag:s0], s1  }
0x21f: {  	s1 =	ssub.s32 @!p0 $0x0, s1;
	[sflag:s0] =	ssyncset.done @!p0 $0x0  }
0x220: {  	[sflag:s0] =	ssyncadd.s32 @!p0 s1  }
0x221: {  	[bflag:$0x3] =	sbarrier.arrive $0xFFFF  }
0x222: {  	_ =	shalt  }

// kernel: _run.8.cloned.1.call-start
scs
__scs_entry_jumppad:
0x0: {  	(pc) =	sbr.rel $0x88, $3  }
0x1: {  	(tag) =	ssettag $0x0;
	lr =	simm.s32 $0x1  }
0x2: {  	[smem:$0x3F9B] =	sst lr;
	_ =	strace $0xD0000000  }
0x3: {  	_ = 	snop  }
0x4: {  	_ = 	snop  }
0x5: {  	_ = 	snop  }
0x6: {  	_ = 	snop  }
0x7: {  	_ = 	snop  }
__scs_overlays_trampoline_lowered:
0x8: {  	[smem:$0x3FAA] =	sst s0  }
0x9: {  	[smem:$0x3FAB] =	sst s1  }
0xa: {  	[smem:$0x3FAC] =	sst s2  }
0xb: {  	[smem:$0x3FAD] =	sst s3  }
0xc: {  	[smem:$0x3FAE] =	sst s4  }
0xd: {  	[smem:$0x3FAF] =	sst s5  }
0xe: {  	[smem:$0x3FB0] =	sst s6  }
0xf: {  	[smem:$0x3FB1] =	sst s7  }
0x10: {  	[smem:$0x3FB2] =	sst s8  }
0x11: {  	[smem:$0x3FB3] =	sst s9;
	s0 =	simm.s32 @!p0 $0x0  }
0x12: {  	s1 =	sld [smem:$0x3F99];
	s0 =	simm.s32 @p0 $0x1  }
0x13: {  	[smem:$0x3FB4] =	sst s0;
	s0 =	simm.s32 @!p1 $0x0  }
0x14: {  	s2 =	sld [smem:$0x3F98];
	s0 =	simm.s32 @p1 $0x1  }
0x15: {  	[smem:$0x3FB5] =	sst s0;
	s0 =	simm.s32 @!p2 $0x0  }
0x16: {  	s3 =	sld [smem:$0x3FDB];
	s0 =	simm.s32 @p2 $0x1  }
0x17: {  	s4 =	simm.s32 $0x1BF5;
	[smem:$0x3FB7] =	sst s0  }
0x18: {  	s0 =	sld [smem:$0x3F9A];
	_ =	swait.ge [sflag:s4], $0x0  }
0x19: {  	s7 =	sld [smem:$0x3F9B]  }
0x1a: {  	s8 =	sadd.s32 $0xFFFFE003, lr  }
0x1b: {  	s9 =	sadd.s32 $0xFFFFFEF7, lr;
	s5 =	simm.s32 $0xFFFFFFFF;
	p2 =	slt.u32 s8, $0xFFFFF086  }
0x1c: {  	p1 =	slt.u32 s9, $0xF7A;
	s5 =	simm.s32 @!p2 $0x0  }
0x1d: {  	s5 =	simm.s32 @p1 $0x1;
	p0 =	seq.s32 s7, s2  }
0x1e: {  	s7 =	smul.u32 @!p0 $0xF7A, s2;
	p2 =	seq.s32 @!p0 s5, $0x0  }
0x1f: {  	s9 =	smul.u32 $0xF7A, s1;
	s8 =	simm.s32 @!p0 $0x1BF5;
	p2 =	por !p2, p0  }
0x20: {  	[sflag:s8] =	ssyncset.s32 @!p0 $0xFFFFF086;
	s6 =	sadd.s32 @!p0 s3, s7;
	s7 =	simm.s32 @!p0 $0x108  }
0x21: {  	s3 =	sadd.s32 s3, s9;
	s6 =	sadd.s32 @!p0 $0x88, s6;
	s7 =	simm.s32 @p2 $0x1082  }
0x22: {  	[simem:s7], [sflag:s8] =	dma.local @!p0 [hbm:s6], $0xF7A  }
0x23: {  	s9 =	sor.u32 $0xD0000000, s2;
	s6 =	simm.s32 $0x108;
	_ =	swait.ge @!p0 [sflag:s8], $0x0  }
0x24: {  	s3 =	sadd.s32 $0x88, s3;
	s6 =	simm.s32 @!p1 $0x1082;
	[sflag:s4] =	ssyncset.s32 $0xFFFFF086  }
0x25: {  	[simem:s6], [sflag:s4] =	dma.local [hbm:s3], $0xF7A  }
0x26: {  	[smem:$0x3F9B] =	sst s1;
	(tag) =	ssettag s2;
	_ =	strace s9  }
0x27: {  	s1 =	sld [smem:$0x3FAB]  }
0x28: {  	s2 =	sld [smem:$0x3FAC]  }
0x29: {  	s4 =	sld [smem:$0x3FAE]  }
0x2a: {  	p0 =	seq.s32 s5, $0x0;
	s5 =	sld [smem:$0x3FAF]  }
0x2b: {  	s6 =	sld [smem:$0x3FB0]  }
0x2c: {  	s7 =	sld [smem:$0x3FB1]  }
0x2d: {  	s3 =	simm.s32 $0x108;
	s8 =	sld [smem:$0x3FB2]  }
0x2e: {  	s3 =	simm.s32 @!p0 $0x1082;
	s9 =	sld [smem:$0x3FB3]  }
0x2f: {  	lr =	sadd.s32 s0, s3;
	s0 =	sld [smem:$0x3FAA]  }
0x30: {  	s3 =	sld [smem:$0x3FAD]  }
0x31: {  	[smem:$0x3FB6] =	sst s10  }
0x32: {  	s10 =	sld [smem:$0x3FB4];
	_ =	sdelay $0x3  }
0x33: {  	p0 =	seq.s32 s10, $0x1;
	s10 =	sld [smem:$0x3FB6];
	_ =	sdelay $0x3  }
0x34: {  	[smem:$0x3FB6] =	sst s10  }
0x35: {  	s10 =	sld [smem:$0x3FB5];
	_ =	sdelay $0x3  }
0x36: {  	p1 =	seq.s32 s10, $0x1;
	s10 =	sld [smem:$0x3FB6];
	_ =	sdelay $0x3  }
0x37: {  	[smem:$0x3FB6] =	sst s10  }
0x38: {  	s10 =	sld [smem:$0x3FB7]  }
0x39: {  	_ = 	snop;
	(pc) =	sbr.ind lr, $3  }
0x3a: {  	_ = 	snop  }
0x3b: {  	_ = 	snop  }
0x3c: {  	p2 =	seq.s32 s10, $0x1;
	s10 =	sld [smem:$0x3FB6]  }
0x3d: {  	_ =	shalt  }
0x3e: {  	_ =	shalt  }
0x3f: {  	_ =	shalt  }
0x40: {  	_ =	shalt  }
0x41: {  	_ =	shalt  }
0x42: {  	_ =	shalt  }
0x43: {  	_ =	shalt  }
0x44: {  	_ =	shalt  }
0x45: {  	_ =	shalt  }
0x46: {  	_ =	shalt  }
0x47: {  	_ =	shalt  }
0x48: {  	_ =	shalt  }
0x49: {  	_ =	shalt  }
0x4a: {  	_ =	shalt  }
0x4b: {  	_ =	shalt  }
0x4c: {  	_ =	shalt  }
0x4d: {  	_ =	shalt  }
0x4e: {  	_ =	shalt  }
0x4f: {  	_ =	shalt  }
0x50: {  	_ =	shalt  }
0x51: {  	_ =	shalt  }
0x52: {  	_ =	shalt  }
0x53: {  	_ =	shalt  }
0x54: {  	_ =	shalt  }
0x55: {  	_ =	shalt  }
0x56: {  	_ =	shalt  }
0x57: {  	_ =	shalt  }
0x58: {  	_ =	shalt  }
0x59: {  	_ =	shalt  }
0x5a: {  	_ =	shalt  }
0x5b: {  	_ =	shalt  }
0x5c: {  	_ =	shalt  }
0x5d: {  	_ =	shalt  }
0x5e: {  	_ =	shalt  }
0x5f: {  	_ =	shalt  }
0x60: {  	_ =	shalt  }
0x61: {  	_ =	shalt  }
0x62: {  	_ =	shalt  }
0x63: {  	_ =	shalt  }
0x64: {  	_ =	shalt  }
0x65: {  	_ =	shalt  }
0x66: {  	_ =	shalt  }
0x67: {  	_ =	shalt  }
0x68: {  	_ =	shalt  }
0x69: {  	_ =	shalt  }
0x6a: {  	_ =	shalt  }
0x6b: {  	_ =	shalt  }
0x6c: {  	_ =	shalt  }
0x6d: {  	_ =	shalt  }
0x6e: {  	_ =	shalt  }
0x6f: {  	_ =	shalt  }
0x70: {  	_ =	shalt  }
0x71: {  	_ =	shalt  }
0x72: {  	_ =	shalt  }
0x73: {  	_ =	shalt  }
0x74: {  	_ =	shalt  }
0x75: {  	_ =	shalt  }
0x76: {  	_ =	shalt  }
0x77: {  	_ =	shalt  }
0x78: {  	_ =	shalt  }
0x79: {  	_ =	shalt  }
0x7a: {  	_ =	shalt  }
0x7b: {  	_ =	shalt  }
0x7c: {  	_ =	shalt  }
0x7d: {  	_ =	shalt  }
0x7e: {  	_ =	shalt  }
0x7f: {  	_ =	shalt  }
0x80: {  	_ =	shalt  }
0x81: {  	_ =	shalt  }
0x82: {  	_ =	shalt  }
0x83: {  	_ =	shalt  }
0x84: {  	_ =	shalt  }
0x85: {  	_ =	shalt  }
0x86: {  	_ =	shalt  }
0x87: {  	_ =	shalt  }
.Lfunc_end0:
.L_simem_size_0:
called_computation_lowered:
.L_overlay_start_0:
0x88: {  	s2 =	sld [smem:$0x3FD9]  }
0x89: {  	s3 =	sld [smem:$0x3FFE];
	_ =	sdelay $0x1  }
0x8a: {  	s1 =	srdreg.scid  }
0x8b: {  	s0 =	sand.u32 $0x1, s1  }
0x8c: {  	s17 =	sshll.u32 s0, $0xA;
	s2 =	sadd.s32 s3, s2  }
0x8d: {  	s2 =	sadd.s32 s2, s17  }
0x8e: {  	[smem:$0x3FC2] =	sst s2  }
0x8f: {  	_ = 	snop  }
0x90: {  	s2 =	sld [smem:$0x3FD0];
	(tm) =	ssettm $0x1  }
0x91: {  	s18 =	sld [smem:$0x3FFB];
	_ =	sdelay $0x3  }
0x92: {  	_ =	strace s18  }
0x93: {  	s3 =	sld [smem:$0x3FFC];
	_ =	sdelay $0x3  }
0x94: {  	_ =	strace s3  }
0x95: {  	s3 =	sld [smem:$0x3FFD];
	_ =	sdelay $0x3  }
0x96: {  	_ =	strace s3  }
0x97: {  	_ =	strace $0x8FFFFFFF  }
0x98: {  	s19 =	sld [smem:$0x3FDB];
	_ =	sdelay $0x1  }
0x99: {  	s4 =	simm.s32 $_scs_section_size  }
0x9a: {  	s5 =	simm.s32 $_size__tile_overlayer_lowered;
	s6 =	simm.s32 $_tile_overlayer_lowered  }
0x9b: {  	s22 =	simm.s32 $0x1BFF;
	s21 =	sshll.u32 s6, $0x1;
	s3 =	sadd.s32 s4, s19  }
0x9c: {  	s7 =	simm.s32 $0x0;
	s20 =	sshll.u32 s5, $0x1;
	s5 =	sadd.s32 s21, s3  }
0x9d: {  	[timem:s7], [sflag:s22] =	dma.local [hbm:s5], s20  }
0x9e: {  	_ =	swait.ge [sflag:s22], s20  }
0x9f: {  	s4 =	ssub.s32 $0x0, s20;
	[sflag:s22] =	ssyncset.done $0x0  }
0xa0: {  	[sflag:s22] =	ssyncadd.s32 s4;
	_ =	sdelay $0x1  }
0xa1: {  	s23 =	simm.s32 $0x1B8B  }
0xa2: {  	_ =	swait.ge [sflag:s23], $0x1  }
0xa3: {  	[sflag:s23] =	ssyncset.done $0x0  }
0xa4: {  	s25 =	simm.s32 $0x1B8E;
	s24 =	sld [smem:$0x3FFE];
	[sflag:s23] =	ssyncadd.s32 $0xFFFFFFFF  }
0xa5: {  	s26 =	simm.s32 $execute0_lowered;
	[smem:$0x3FD2] =	sst s25  }
0xa6: {  	s5 =	sshll.u32 s26, $0x1;
	_ =	strace $0x80000046;
	[dreg:$0x1] =	wrdreg $0xFFFFFFFF  }
0xa7: {  	s28 =	simm.s32 $_size_execute0_lowered;
	s3 =	sadd.s32 s3, s5;
	[dreg:$0x0] =	wrdreg $0x0  }
0xa8: {  	s5 =	sshll.u32 s28, $0x1;
	[dreg:$0x2] =	wrdreg s3  }
0xa9: {  	[dreg:$0x3] =	wrdreg s5  }
0xaa: {  	[dreg:$0x4] =	wrdreg $0xC0  }
0xab: {  	_ =	task [dreg:s7], $0x5FFFF  }
0xac: {  	[dreg:$0x1] =	wrdreg $0xFFFFFFFF  }
0xad: {  	[dreg:$0x0] =	wrdreg $0x60  }
0xae: {  	[dreg:$0x2] =	wrdreg s24  }
0xaf: {  	[dreg:$0x3] =	wrdreg s2  }
0xb0: {  	[dreg:$0x4] =	wrdreg $0x2A800  }
0xb1: {  	[dreg:$0x5] =	wrdreg $0x9  }
0xb2: {  	_ =	task.clear_ibuf [dreg:s7], $0x6FFFF;
	_ =	strace $0x90000046  }
0xb3: {  	s29 =	simm.s32 $0x9;
	_ =	strace $0x80000048  }
0xb4: {  	_ =	swait.ge [sflag:s29], $0x1  }
0xb5: {  	[sflag:s29] =	ssyncadd.s32 $0xFFFFFFFF  }
0xb6: {  	_ =	strace $0x90000048  }
0xb7: {  	_ =	sfence  }
0xb8: {  	s30 =	sld [smem:$0x0];
	_ =	sdelay $0x2  }
0xb9: {  	s31 =	sshll.u32 s1, $0xD;
	s1 =	sshrl.u32 s1, $0x2  }
0xba: {  	s3 =	sand.u32 $0x4000, s31;
	s1 =	sadd.s32 s1, s30  }
0xbb: {  	s0 =	sor.u32 s3, s0;
	s1 =	sshll.u32 s1, $0x11  }
0xbc: {  	s0 =	sor.u32 s1, s0  }
0xbd: {  	s0 =	sadd.s32 $0x8F2B, s0  }
0xbe: {  	[sflag:s0] =	ssyncadd.remote.s32 $0x1  }
0xbf: {  	_ =	sfence.sel $0xFFFF  }
0xc0: {  	[dreg:$0x0] =	wrdreg $0xFFFFFFFF;
	(pc) =	sbr.abs _section_cstart, $3  }
0xc1: {  	[dreg:$0x1] =	wrdreg $0xFFFFFFFF  }
0xc2: {  	_ =	task.clear_ibuf [dreg:s7], $0x2FFFF;
	_ =	strace $0x9FFFFFFF  }
0xc3: {  	(tm) =	ssettm $0x7FFFFFFF  }
tec
execute0_lowered:
.L_overlay_start_1:
0x0: {  	(tag) =	ssettag $0x1  }
0x1: {  	s1 =	srdreg.scid  }
0x2: {  	s0 =	stileid.u32;
	s29 =	sand.u32 $0x1, s1  }
0x3: {  	s28 =	rddreg [dreg:$0x0];
	s2 =	sshll.u32 s0, $0x4;
	s1 =	sshll.u32 s29, $0x8  }
0x4: {  	s8 =	rddreg [dreg:$0x1];
	s3 =	simm.s32 $0x0;
	s1 =	sor.u32 s2, s1  }
0x5: {  	[smem:$0x7FF] =	sst s3;
	s4 =	smul.u32 $0x50, s1  }
0x6: {  	s2 =	rddreg [dreg:$0x2]  }
0x7: {  	s1 =	rddreg [dreg:$0x3];
	s4 =	sadd.s32 s4, s28  }
0x8: {  	_ =	strace $0x80000047;
	s5 =	sadd.s32 $0x1200, s4;
	s4 =	simm.s32 $0x2  }
0x9: {  	[tilespmem:s3], [sflag:$0x2] =	stream.linear.gather [hbm4b:s5+s3], $0x2800, $0x38;
	[tilespmem:$0x2D00] =	vst v63  }
0xa: {  	_ =	swait.ge [sflag:s4], $0x2800  }
0xb: {  	s7 =	simm.s32 $0x2800;
	[sflag:s4] =	ssyncset.done $0x0  }
0xc: {  	s6 =	sadd.s32 $0xB200, s28;
	s30 =	smul.u32 $0x280, s0;
	[sflag:s4] =	ssyncadd.s32 $0xFFFFD800  }
0xd: {  	[tilespmem:s7], [sflag:$0x2] =	stream.linear.gather [hbm4b:s6+s3], $0x280, $0x38;
	[tilespmem:$0x2D00] =	vst v63  }
0xe: {  	s31 =	sshll.u32 s0, $0x6;
	s9 =	sshrl.u32 s30, $0x3;
	_ =	swait.ge [sflag:s4], $0x280  }
0xf: {  	s10 =	sadd.s32 s30, s2;
	s8 =	sadd.s32 s8, s9;
	[sflag:s4] =	ssyncset.done $0x0  }
0x10: {  	s9 =	sor.u32 $0x1C02, s31;
	s10 =	sshrl.u32 s10, $0x3;
	[sflag:s4] =	ssyncadd.s32 $0xFFFFFD80  }
0x11: {  	[spmem:s10], [sflag:s9] =	dma.local [hbm:s8], $0x50  }
0x12: {  	_ =	swait.ge [sflag:s4], $0x50  }
0x13: {  	[sflag:s4] =	ssyncset.done $0x0  }
0x14: {  	[sflag:s4] =	ssyncadd.s32 $0xFFFFFFB0  }
0x15: {  	s11 =	simm.s32 $0x280;
	[bflag:$0x0] =	sbarrier.arrive $0xFFFF  }
0x16: {  	[spmem:s2] =	stream.indirect.scatter.add.f32 [tilespmem:s7], [sflag:$0x1], $0x1, s3, s11, $0xb8;
	[tilespmem:$0x2D00] =	vst v63  }
0x17: {  	_ = 	snop  }
0x18: {  	[spmem:s2] =	stream.indirect.scatter.add.f32 [tilespmem:s7], [sflag:$0x1], $0x1, s11, s11, $0xb8;
	[tilespmem:$0x2D00] =	vst v63  }
0x19: {  	s12 =	simm.s32 $0x500  }
0x1a: {  	[spmem:s2] =	stream.indirect.scatter.add.f32 [tilespmem:s7], [sflag:$0x1], $0x1, s12, s11, $0xb8;
	[tilespmem:$0x2D00] =	vst v63  }
0x1b: {  	s13 =	simm.s32 $0x780  }
0x1c: {  	[spmem:s2] =	stream.indirect.scatter.add.f32 [tilespmem:s7], [sflag:$0x1], $0x1, s13, s11, $0xb8;
	[tilespmem:$0x2D00] =	vst v63  }
0x1d: {  	s14 =	simm.s32 $0xA00  }
0x1e: {  	[spmem:s2] =	stream.indirect.scatter.add.f32 [tilespmem:s7], [sflag:$0x1], $0x1, s14, s11, $0xb8;
	[tilespmem:$0x2D00] =	vst v63  }
0x1f: {  	s15 =	simm.s32 $0xC80  }
0x20: {  	[spmem:s2] =	stream.indirect.scatter.add.f32 [tilespmem:s7], [sflag:$0x1], $0x1, s15, s11, $0xb8;
	[tilespmem:$0x2D00] =	vst v63  }
0x21: {  	s16 =	simm.s32 $0xF00  }
0x22: {  	[spmem:s2] =	stream.indirect.scatter.add.f32 [tilespmem:s7], [sflag:$0x1], $0x1, s16, s11, $0xb8;
	[tilespmem:$0x2D00] =	vst v63  }
0x23: {  	s17 =	simm.s32 $0x1180  }
0x24: {  	[spmem:s2] =	stream.indirect.scatter.add.f32 [tilespmem:s7], [sflag:$0x1], $0x1, s17, s11, $0xb8;
	[tilespmem:$0x2D00] =	vst v63  }
0x25: {  	s18 =	simm.s32 $0x1400  }
0x26: {  	[spmem:s2] =	stream.indirect.scatter.add.f32 [tilespmem:s7], [sflag:$0x1], $0x1, s18, s11, $0xb8;
	[tilespmem:$0x2D00] =	vst v63  }
0x27: {  	s19 =	simm.s32 $0x1680  }
0x28: {  	[spmem:s2] =	stream.indirect.scatter.add.f32 [tilespmem:s7], [sflag:$0x1], $0x1, s19, s11, $0xb8;
	[tilespmem:$0x2D00] =	vst v63  }
0x29: {  	s20 =	simm.s32 $0x1900  }
0x2a: {  	[spmem:s2] =	stream.indirect.scatter.add.f32 [tilespmem:s7], [sflag:$0x1], $0x1, s20, s11, $0xb8;
	[tilespmem:$0x2D00] =	vst v63  }
0x2b: {  	s21 =	simm.s32 $0x1B80  }
0x2c: {  	[spmem:s2] =	stream.indirect.scatter.add.f32 [tilespmem:s7], [sflag:$0x1], $0x1, s21, s11, $0xb8;
	[tilespmem:$0x2D00] =	vst v63  }
0x2d: {  	s22 =	simm.s32 $0x1E00  }
0x2e: {  	[spmem:s2] =	stream.indirect.scatter.add.f32 [tilespmem:s7], [sflag:$0x1], $0x1, s22, s11, $0xb8;
	[tilespmem:$0x2D00] =	vst v63  }
0x2f: {  	s23 =	simm.s32 $0x2080  }
0x30: {  	[spmem:s2] =	stream.indirect.scatter.add.f32 [tilespmem:s7], [sflag:$0x1], $0x1, s23, s11, $0xb8;
	[tilespmem:$0x2D00] =	vst v63  }
0x31: {  	s24 =	simm.s32 $0x2300  }
0x32: {  	[spmem:s2] =	stream.indirect.scatter.add.f32 [tilespmem:s7], [sflag:$0x1], $0x1, s24, s11, $0xb8;
	[tilespmem:$0x2D00] =	vst v63  }
0x33: {  	s25 =	simm.s32 $0x2580;
	s26 =	simm.s32 $0x1  }
0x34: {  	[spmem:s2] =	stream.indirect.scatter.add.f32 [tilespmem:s7], [sflag:$0x1], $0x1, s25, s11, $0xb8;
	[tilespmem:$0x2D00] =	vst v63  }
0x35: {  	_ =	swait.ge [sflag:s26], $0x280  }
0x36: {  	[sflag:s26] =	ssyncset.done $0x0  }
0x37: {  	[sflag:s26] =	ssyncadd.s32 $0xFFFFFD80  }
0x38: {  	_ =	swait.ge [sflag:s26], $0x280  }
0x39: {  	[sflag:s26] =	ssyncset.done $0x0  }
0x3a: {  	[sflag:s26] =	ssyncadd.s32 $0xFFFFFD80  }
0x3b: {  	_ =	swait.ge [sflag:s26], $0x280  }
0x3c: {  	[sflag:s26] =	ssyncset.done $0x0  }
0x3d: {  	[sflag:s26] =	ssyncadd.s32 $0xFFFFFD80  }
0x3e: {  	_ =	swait.ge [sflag:s26], $0x280  }
0x3f: {  	[sflag:s26] =	ssyncset.done $0x0  }
0x40: {  	[sflag:s26] =	ssyncadd.s32 $0xFFFFFD80  }
0x41: {  	_ =	swait.ge [sflag:s26], $0x280  }
0x42: {  	[sflag:s26] =	ssyncset.done $0x0  }
0x43: {  	[sflag:s26] =	ssyncadd.s32 $0xFFFFFD80  }
0x44: {  	_ =	swait.ge [sflag:s26], $0x280  }
0x45: {  	[sflag:s26] =	ssyncset.done $0x0  }
0x46: {  	[sflag:s26] =	ssyncadd.s32 $0xFFFFFD80  }
0x47: {  	_ =	swait.ge [sflag:s26], $0x280  }
0x48: {  	[sflag:s26] =	ssyncset.done $0x0  }
0x49: {  	[sflag:s26] =	ssyncadd.s32 $0xFFFFFD80  }
0x4a: {  	_ =	swait.ge [sflag:s26], $0x280  }
0x4b: {  	[sflag:s26] =	ssyncset.done $0x0  }
0x4c: {  	[sflag:s26] =	ssyncadd.s32 $0xFFFFFD80  }
0x4d: {  	_ =	swait.ge [sflag:s26], $0x280  }
0x4e: {  	[sflag:s26] =	ssyncset.done $0x0  }
0x4f: {  	[sflag:s26] =	ssyncadd.s32 $0xFFFFFD80  }
0x50: {  	_ =	swait.ge [sflag:s26], $0x280  }
0x51: {  	[sflag:s26] =	ssyncset.done $0x0  }
0x52: {  	[sflag:s26] =	ssyncadd.s32 $0xFFFFFD80  }
0x53: {  	_ =	swait.ge [sflag:s26], $0x280  }
0x54: {  	[sflag:s26] =	ssyncset.done $0x0  }
0x55: {  	[sflag:s26] =	ssyncadd.s32 $0xFFFFFD80  }
0x56: {  	_ =	swait.ge [sflag:s26], $0x280  }
0x57: {  	[sflag:s26] =	ssyncset.done $0x0  }
0x58: {  	[sflag:s26] =	ssyncadd.s32 $0xFFFFFD80  }
0x59: {  	_ =	swait.ge [sflag:s26], $0x280  }
0x5a: {  	[sflag:s26] =	ssyncset.done $0x0  }
0x5b: {  	[sflag:s26] =	ssyncadd.s32 $0xFFFFFD80  }
0x5c: {  	_ =	swait.ge [sflag:s26], $0x280  }
0x5d: {  	[sflag:s26] =	ssyncset.done $0x0  }
0x5e: {  	s31 =	smul.u32 $0x2800, s29;
	[sflag:s26] =	ssyncadd.s32 $0xFFFFFD80  }
0x5f: {  	s29 =	ssub.s32 $0x2, s29;
	_ =	swait.ge [sflag:s26], $0x280  }
0x60: {  	s30 =	sadd.s32 s30, s31;
	s31 =	sshrl.u32 s29, $0x1;
	[sflag:s26] =	ssyncset.done $0x0  }
0x61: {  	s29 =	ssub.s32 s29, s31;
	[sflag:s26] =	ssyncadd.s32 $0xFFFFFD80  }
0x62: {  	s29 =	smax.u32 s29, $0x1;
	_ =	swait.ge [sflag:s26], $0x280  }
0x63: {  	s30 =	sshrl.u32 s30, $0x3;
	p0 =	sne.s32 s29, $0x1;
	[sflag:s26] =	ssyncset.done $0x0  }
.Ltmp0:
0x64: {  	s28 =	sadd.s32 s30, s28;
	[sflag:s26] =	ssyncadd.s32 $0xFFFFFD80;
	(pc) =	sbr.rel @!p0 .LBB2_2-.Ltmp0, $4  }
0x65: {  	s28 =	sadd.s32 $0xB400, s28;
	[bflag:$0x0] =	sbarrier.arrive $0xFFFF  }
0x66: {  	[hbm:s28], [sflag:s9] =	dma.local [spmem:s10], $0x50  }
0x67: {  	_ =	swait.ge [sflag:s4], $0x50  }
0x68: {  	s29 =	sadd.s32 $0xFFFFFFFF, s29;
	[sflag:s4] =	ssyncset.done $0x0  }
.LBB2_1:
0x69: {  	p0 =	sne.s32 s29, $0x1;
	s29 =	sadd.s32 $0xFFFFFFFF, s29;
	[sflag:s4] =	ssyncadd.s32 $0xFFFFFFB0  }
0x6a: {  	[tilespmem:s3], [sflag:$0x2] =	stream.linear.gather [hbm4b:s5+s3], $0x2800, $0x38;
	[tilespmem:$0x2D00] =	vst v63  }
0x6b: {  	_ =	swait.ge [sflag:s4], $0x2800  }
0x6c: {  	[sflag:s4] =	ssyncset.done $0x0  }
0x6d: {  	[sflag:s4] =	ssyncadd.s32 $0xFFFFD800  }
0x6e: {  	[tilespmem:s7], [sflag:$0x2] =	stream.linear.gather [hbm4b:s6+s3], $0x280, $0x38;
	[tilespmem:$0x2D00] =	vst v63  }
0x6f: {  	_ =	swait.ge [sflag:s4], $0x280  }
0x70: {  	[sflag:s4] =	ssyncset.done $0x0  }
0x71: {  	[sflag:s4] =	ssyncadd.s32 $0xFFFFFD80  }
0x72: {  	[spmem:s10], [sflag:s9] =	dma.local [hbm:s8], $0x50  }
0x73: {  	_ =	swait.ge [sflag:s4], $0x50  }
0x74: {  	[sflag:s4] =	ssyncset.done $0x0  }
0x75: {  	[sflag:s4] =	ssyncadd.s32 $0xFFFFFFB0  }
0x76: {  	[bflag:$0x0] =	sbarrier.arrive $0xFFFF  }
0x77: {  	[spmem:s2] =	stream.indirect.scatter.add.f32 [tilespmem:s7], [sflag:$0x1], $0x1, s3, s11, $0xb8;
	[tilespmem:$0x2D00] =	vst v63  }
0x78: {  	_ = 	snop  }
0x79: {  	[spmem:s2] =	stream.indirect.scatter.add.f32 [tilespmem:s7], [sflag:$0x1], $0x1, s11, s11, $0xb8;
	[tilespmem:$0x2D00] =	vst v63  }
0x7a: {  	_ = 	snop  }
0x7b: {  	[spmem:s2] =	stream.indirect.scatter.add.f32 [tilespmem:s7], [sflag:$0x1], $0x1, s12, s11, $0xb8;
	[tilespmem:$0x2D00] =	vst v63  }
0x7c: {  	_ = 	snop  }
0x7d: {  	[spmem:s2] =	stream.indirect.scatter.add.f32 [tilespmem:s7], [sflag:$0x1], $0x1, s13, s11, $0xb8;
	[tilespmem:$0x2D00] =	vst v63  }
0x7e: {  	_ = 	snop  }
0x7f: {  	[spmem:s2] =	stream.indirect.scatter.add.f32 [tilespmem:s7], [sflag:$0x1], $0x1, s14, s11, $0xb8;
	[tilespmem:$0x2D00] =	vst v63  }
0x80: {  	_ = 	snop  }
0x81: {  	[spmem:s2] =	stream.indirect.scatter.add.f32 [tilespmem:s7], [sflag:$0x1], $0x1, s15, s11, $0xb8;
	[tilespmem:$0x2D00] =	vst v63  }
0x82: {  	_ = 	snop  }
0x83: {  	[spmem:s2] =	stream.indirect.scatter.add.f32 [tilespmem:s7], [sflag:$0x1], $0x1, s16, s11, $0xb8;
	[tilespmem:$0x2D00] =	vst v63  }
0x84: {  	_ = 	snop  }
0x85: {  	[spmem:s2] =	stream.indirect.scatter.add.f32 [tilespmem:s7], [sflag:$0x1], $0x1, s17, s11, $0xb8;
	[tilespmem:$0x2D00] =	vst v63  }
0x86: {  	_ = 	snop  }
0x87: {  	[spmem:s2] =	stream.indirect.scatter.add.f32 [tilespmem:s7], [sflag:$0x1], $0x1, s18, s11, $0xb8;
	[tilespmem:$0x2D00] =	vst v63  }
0x88: {  	_ = 	snop  }
0x89: {  	[spmem:s2] =	stream.indirect.scatter.add.f32 [tilespmem:s7], [sflag:$0x1], $0x1, s19, s11, $0xb8;
	[tilespmem:$0x2D00] =	vst v63  }
0x8a: {  	_ = 	snop  }
0x8b: {  	[spmem:s2] =	stream.indirect.scatter.add.f32 [tilespmem:s7], [sflag:$0x1], $0x1, s20, s11, $0xb8;
	[tilespmem:$0x2D00] =	vst v63  }
0x8c: {  	_ = 	snop  }
0x8d: {  	[spmem:s2] =	stream.indirect.scatter.add.f32 [tilespmem:s7], [sflag:$0x1], $0x1, s21, s11, $0xb8;
	[tilespmem:$0x2D00] =	vst v63  }
0x8e: {  	_ = 	snop  }
0x8f: {  	[spmem:s2] =	stream.indirect.scatter.add.f32 [tilespmem:s7], [sflag:$0x1], $0x1, s22, s11, $0xb8;
	[tilespmem:$0x2D00] =	vst v63  }
0x90: {  	_ = 	snop  }
0x91: {  	[spmem:s2] =	stream.indirect.scatter.add.f32 [tilespmem:s7], [sflag:$0x1], $0x1, s23, s11, $0xb8;
	[tilespmem:$0x2D00] =	vst v63  }
0x92: {  	_ = 	snop  }
0x93: {  	[spmem:s2] =	stream.indirect.scatter.add.f32 [tilespmem:s7], [sflag:$0x1], $0x1, s24, s11, $0xb8;
	[tilespmem:$0x2D00] =	vst v63  }
0x94: {  	_ = 	snop  }
0x95: {  	[spmem:s2] =	stream.indirect.scatter.add.f32 [tilespmem:s7], [sflag:$0x1], $0x1, s25, s11, $0xb8;
	[tilespmem:$0x2D00] =	vst v63  }
0x96: {  	_ =	swait.ge [sflag:s26], $0x280  }
0x97: {  	[sflag:s26] =	ssyncset.done $0x0  }
0x98: {  	[sflag:s26] =	ssyncadd.s32 $0xFFFFFD80  }
0x99: {  	_ =	swait.ge [sflag:s26], $0x280  }
0x9a: {  	[sflag:s26] =	ssyncset.done $0x0  }
0x9b: {  	[sflag:s26] =	ssyncadd.s32 $0xFFFFFD80  }
0x9c: {  	_ =	swait.ge [sflag:s26], $0x280  }
0x9d: {  	[sflag:s26] =	ssyncset.done $0x0  }
0x9e: {  	[sflag:s26] =	ssyncadd.s32 $0xFFFFFD80  }
0x9f: {  	_ =	swait.ge [sflag:s26], $0x280  }
0xa0: {  	[sflag:s26] =	ssyncset.done $0x0  }
0xa1: {  	[sflag:s26] =	ssyncadd.s32 $0xFFFFFD80  }
0xa2: {  	_ =	swait.ge [sflag:s26], $0x280  }
0xa3: {  	[sflag:s26] =	ssyncset.done $0x0  }
0xa4: {  	[sflag:s26] =	ssyncadd.s32 $0xFFFFFD80  }
0xa5: {  	_ =	swait.ge [sflag:s26], $0x280  }
0xa6: {  	[sflag:s26] =	ssyncset.done $0x0  }
0xa7: {  	[sflag:s26] =	ssyncadd.s32 $0xFFFFFD80  }
0xa8: {  	_ =	swait.ge [sflag:s26], $0x280  }
0xa9: {  	[sflag:s26] =	ssyncset.done $0x0  }
0xaa: {  	[sflag:s26] =	ssyncadd.s32 $0xFFFFFD80  }
0xab: {  	_ =	swait.ge [sflag:s26], $0x280  }
0xac: {  	[sflag:s26] =	ssyncset.done $0x0  }
0xad: {  	[sflag:s26] =	ssyncadd.s32 $0xFFFFFD80  }
0xae: {  	_ =	swait.ge [sflag:s26], $0x280  }
0xaf: {  	[sflag:s26] =	ssyncset.done $0x0  }
0xb0: {  	[sflag:s26] =	ssyncadd.s32 $0xFFFFFD80  }
0xb1: {  	_ =	swait.ge [sflag:s26], $0x280  }
0xb2: {  	[sflag:s26] =	ssyncset.done $0x0  }
0xb3: {  	[sflag:s26] =	ssyncadd.s32 $0xFFFFFD80  }
0xb4: {  	_ =	swait.ge [sflag:s26], $0x280  }
0xb5: {  	[sflag:s26] =	ssyncset.done $0x0  }
0xb6: {  	[sflag:s26] =	ssyncadd.s32 $0xFFFFFD80  }
0xb7: {  	_ =	swait.ge [sflag:s26], $0x280  }
0xb8: {  	[sflag:s26] =	ssyncset.done $0x0  }
0xb9: {  	[sflag:s26] =	ssyncadd.s32 $0xFFFFFD80  }
0xba: {  	_ =	swait.ge [sflag:s26], $0x280  }
0xbb: {  	[sflag:s26] =	ssyncset.done $0x0  }
0xbc: {  	[sflag:s26] =	ssyncadd.s32 $0xFFFFFD80  }
0xbd: {  	_ =	swait.ge [sflag:s26], $0x280  }
0xbe: {  	[sflag:s26] =	ssyncset.done $0x0  }
0xbf: {  	[sflag:s26] =	ssyncadd.s32 $0xFFFFFD80  }
0xc0: {  	_ =	swait.ge [sflag:s26], $0x280  }
0xc1: {  	[sflag:s26] =	ssyncset.done $0x0  }
0xc2: {  	[sflag:s26] =	ssyncadd.s32 $0xFFFFFD80  }
0xc3: {  	_ =	swait.ge [sflag:s26], $0x280  }
0xc4: {  	[sflag:s26] =	ssyncset.done $0x0  }
.Ltmp1:
0xc5: {  	[sflag:s26] =	ssyncadd.s32 $0xFFFFFD80;
	(pc) =	sbr.rel @p0 .LBB2_1-.Ltmp1, $4  }
0xc6: {  	[bflag:$0x0] =	sbarrier.arrive $0xFFFF  }
0xc7: {  	[hbm:s28], [sflag:s9] =	dma.local [spmem:s10], $0x50  }
0xc8: {  	_ =	swait.ge [sflag:s4], $0x50  }
0xc9: {  	[sflag:s4] =	ssyncset.done $0x0  }
.LBB2_2:
0xca: {  	[sflag:s4] =	ssyncadd.s32 $0xFFFFFFB0  }
0xcb: {  	_ =	sfence.sel $0x180000  }
0xcc: {  	[bflag:$0x0] =	sbarrier.arrive $0xFFFF  }
0xcd: {  	p0 =	sne.s32 s0, $0x0;
	_ =	strace $0x90000047  }
0xce: {  	s0 =	sadd.s32 @!p0 $0x100000, s1;
	[bflag:$0x2] =	sbarrier.arrive $0xFFFF  }
0xcf: {  	[sflag:s0] =	ssyncadd.tile.s32 @!p0 $0x1;
	_ =	shalt  }
.Lfunc_end2:
_tile_overlayer_lowered:
.L_overlay_start_2:
0xd0: {  	(tag) =	ssettag $0x2  }
0xd1: {  	s0 =	rddreg [dreg:$0x0];
	s2 =	stileid.u32  }
0xd2: {  	s1 =	rddreg [dreg:$0x1];
	p0 =	sne.s32 s2, $0x0  }
0xd3: {  	s3 =	rddreg [dreg:$0x2];
	[bflag:$0x3] =	sbarrier.arrive $0xFFFF;
	s2 =	simm.s32 @!p0 $0x1C02  }
0xd4: {  	[timem:s3], [sflag:s2] =	dma.local @!p0 [hbm:s0], s1  }
0xd5: {  	s0 =	simm.s32 @!p0 $0x2  }
0xd6: {  	_ =	swait.ge @!p0 [sflag:s0], s1  }
0xd7: {  	s1 =	ssub.s32 @!p0 $0x0, s1;
	[sflag:s0] =	ssyncset.done @!p0 $0x0  }
0xd8: {  	[sflag:s0] =	ssyncadd.s32 @!p0 s1  }
0xd9: {  	[bflag:$0x3] =	sbarrier.arrive $0xFFFF  }
0xda: {  	_ =	shalt  }

</sc_bundles>
